<compile_context>
chip_gen: v7x
topology: tpu7x:2x2x1
jax: 0.10.2.dev20260603
libtpu: 0.0.44.dev20260713+nightly
codegen_flags: <defaults>
</compile_context>

<pallas_src>
import math

import jax
import jax.numpy as jnp
from jax import lax
from jax.experimental import pallas as pl
from jax.experimental.pallas import tpu as pltpu
from jax.experimental.pallas import tpu_sc as plsc

_NP = 10240
_R = 1024
_D = 128
_NW = 32
_CHUNK = 128
_EPW = 5000
_SLOT = 5120
_SPS = _NP // 16
_THR = float(math.log(0.4 / 0.6))


def _tc1_body(pos_ref, s2_ref, h_ref, We1_ref, be1_ref, We2_ref, be2_ref,
              Wm_ref, bm_ref, A_ref, B_ref, z_ref):
    D = h_ref.shape[1]
    x1 = pos_ref[...]
    x2 = s2_ref[...]
    z1 = jnp.maximum(x1 * We1_ref[0:1, :] + x2 * We1_ref[1:2, :] + be1_ref[...], 0.0)
    z = jnp.dot(z1, We2_ref[...], preferred_element_type=jnp.float32) + be2_ref[...]
    h = h_ref[...]
    A_ref[...] = (jnp.dot(z, Wm_ref[0:D, :], preferred_element_type=jnp.float32)
                  + jnp.dot(h, Wm_ref[D:2 * D, :], preferred_element_type=jnp.float32))
    B_ref[...] = (jnp.dot(z, Wm_ref[2 * D:3 * D, :], preferred_element_type=jnp.float32)
                  + jnp.dot(h, Wm_ref[3 * D:4 * D, :], preferred_element_type=jnp.float32)
                  + bm_ref[...])
    z_ref[...] = z


def _tc1(pos_c, s2_c, h, We1, be1r, We2, be2r, Wm, bmr):
    N, D = h.shape
    grid = N // _R
    row = lambda i: (i, 0)
    full = lambda i: (0, 0)
    return pl.pallas_call(
        _tc1_body,
        grid=(grid,),
        in_specs=[
            pl.BlockSpec((_R, 1), row),
            pl.BlockSpec((_R, 1), row),
            pl.BlockSpec((_R, D), row),
            pl.BlockSpec((2, D), full),
            pl.BlockSpec((1, D), full),
            pl.BlockSpec((D, D), full),
            pl.BlockSpec((1, D), full),
            pl.BlockSpec((4 * D, D), full),
            pl.BlockSpec((1, D), full),
        ],
        out_specs=[pl.BlockSpec((_R, D), row)] * 3,
        out_shape=[jax.ShapeDtypeStruct((N, D), jnp.float32)] * 3,
    )(pos_c, s2_c, h, We1, be1r, We2, be2r, Wm, bmr)


def _sc1_body(A_hbm, B_hbm, srcp, dstp, zeros_hbm, out_hbm,
              src_v, dst_v, a_rows, b_rows, agg_sh, sem, sem2):
    c = lax.axis_index("c")
    s_ = lax.axis_index("s")
    w = c * 16 + s_
    rows_per_tile = agg_sh.shape[0] // 16

    pltpu.sync_copy(srcp.at[w], src_v)
    pltpu.sync_copy(dstp.at[w], dst_v)

    base = s_ * rows_per_tile
    pltpu.sync_copy(zeros_hbm.at[pl.ds(base, rows_per_tile)],
                    agg_sh.at[pl.ds(base, rows_per_tile)])
    plsc.subcore_barrier()

    n_chunks = src_v.shape[0]

    def edge_body(e, carry):
        for r in range(8):
            sl = pl.ds(r * 16, 16)
            a_rows[e, sl] = jnp.maximum(a_rows[e, sl] + b_rows[e, sl], 0.0)
        return carry

    def chunk_body(g, carry):
        cp_a = pltpu.async_copy(A_hbm.at[src_v.at[g]], a_rows, sem)
        cp_b = pltpu.async_copy(B_hbm.at[dst_v.at[g]], b_rows, sem2)
        cp_a.wait()
        cp_b.wait()
        lax.fori_loop(0, _CHUNK, edge_body, 0, unroll=False)
        pltpu.sync_copy(a_rows, agg_sh.at[dst_v.at[g]], add=True)
        return carry

    lax.fori_loop(0, n_chunks, chunk_body, 0, unroll=False)
    plsc.subcore_barrier()

    pltpu.sync_copy(agg_sh.at[pl.ds(base, rows_per_tile)],
                    out_hbm.at[c, pl.ds(base, rows_per_tile)])


def _sc1(A, B, srcp, dstp, zeros_hbm):
    n_chunks = srcp.shape[1]
    f = pl.kernel(
        _sc1_body,
        mesh=plsc.VectorSubcoreMesh(core_axis_name="c", subcore_axis_name="s"),
        out_type=jax.ShapeDtypeStruct((2, _NP, _D), jnp.float32),
        scratch_types=[
            pltpu.VMEM((n_chunks, _CHUNK), jnp.int32),
            pltpu.VMEM((n_chunks, _CHUNK), jnp.int32),
            pltpu.VMEM((_CHUNK, _D), jnp.float32),
            pltpu.VMEM((_CHUNK, _D), jnp.float32),
            pltpu.VMEM_SHARED((_NP, _D), jnp.float32),
            pltpu.SemaphoreType.DMA,
            pltpu.SemaphoreType.DMA,
        ],
    )
    return f(A, B, srcp, dstp, zeros_hbm)


def _sc2_body(u128_hbm, v128_hbm, srcp, dstp, zeros_hbm, t_out, cnt2,
              src_v, dst_v, u_rows, v_rows, cnt_sh, sem, sem2, sem3):
    c = lax.axis_index("c")
    s_ = lax.axis_index("s")
    w = c * 16 + s_

    pltpu.sync_copy(srcp.at[w], src_v)
    pltpu.sync_copy(dstp.at[w], dst_v)

    base = s_ * _SPS
    pltpu.sync_copy(zeros_hbm.at[pl.ds(base, _SPS)], cnt_sh.at[pl.ds(base, _SPS)])
    plsc.subcore_barrier()

    n_chunks = src_v.shape[0]

    def edge_body(e, carry):
        for r in range(8):
            sl = pl.ds(r * 16, 16)
            t16 = u_rows[e, sl] + v_rows[e, sl]
            u_rows[e, sl] = t16
            v_rows[e, sl] = jnp.where(t16 >= _THR, 1.0, 0.0).astype(jnp.float32)
        return carry

    def chunk_body(g, carry):
        cp_u = pltpu.async_copy(u128_hbm.at[src_v.at[g]], u_rows, sem)
        cp_v = pltpu.async_copy(v128_hbm.at[dst_v.at[g]], v_rows, sem2)
        cp_u.wait()
        cp_v.wait()
        lax.fori_loop(0, _CHUNK, edge_body, 0, unroll=False)
        cp_t = pltpu.async_copy(u_rows, t_out.at[w, pl.ds(g * _CHUNK, _CHUNK)], sem3)
        pltpu.sync_copy(v_rows, cnt_sh.at[src_v.at[g]], add=True)
        pltpu.sync_copy(v_rows, cnt_sh.at[dst_v.at[g]], add=True)
        cp_t.wait()
        return carry

    lax.fori_loop(0, n_chunks, chunk_body, 0, unroll=False)
    plsc.subcore_barrier()

    pltpu.sync_copy(cnt_sh.at[pl.ds(base, _SPS)], cnt2.at[c, pl.ds(base, _SPS)])


def _sc2(u128, v128, srcp, dstp, zeros_hbm):
    n_chunks = srcp.shape[1]
    f = pl.kernel(
        _sc2_body,
        mesh=plsc.VectorSubcoreMesh(core_axis_name="c", subcore_axis_name="s"),
        out_type=[jax.ShapeDtypeStruct((_NW, _SLOT, _D), jnp.float32),
                  jax.ShapeDtypeStruct((2, _NP, _D), jnp.float32)],
        scratch_types=[
            pltpu.VMEM((n_chunks, _CHUNK), jnp.int32),
            pltpu.VMEM((n_chunks, _CHUNK), jnp.int32),
            pltpu.VMEM((_CHUNK, _D), jnp.float32),
            pltpu.VMEM((_CHUNK, _D), jnp.float32),
            pltpu.VMEM_SHARED((_NP, _D), jnp.float32),
            pltpu.SemaphoreType.DMA,
            pltpu.SemaphoreType.DMA,
            pltpu.SemaphoreType.DMA,
        ],
    )
    return f(u128, v128, srcp, dstp, zeros_hbm)


def _sc3_body(m128_hbm, dstp, m_out, dst_v, m_rows, sem):
    c = lax.axis_index("c")
    s_ = lax.axis_index("s")
    w = c * 16 + s_
    pltpu.sync_copy(dstp.at[w], dst_v)
    n_chunks = dst_v.shape[0]

    def chunk_body(g, carry):
        pltpu.async_copy(m128_hbm.at[dst_v.at[g]], m_rows, sem).wait()
        pltpu.sync_copy(m_rows, m_out.at[w, pl.ds(g * _CHUNK, _CHUNK)])
        return carry

    lax.fori_loop(0, n_chunks, chunk_body, 0, unroll=False)


def _sc3(m128, dstp):
    n_chunks = dstp.shape[1]
    f = pl.kernel(
        _sc3_body,
        mesh=plsc.VectorSubcoreMesh(core_axis_name="c", subcore_axis_name="s"),
        out_type=jax.ShapeDtypeStruct((_NW, _SLOT, _D), jnp.float32),
        scratch_types=[
            pltpu.VMEM((n_chunks, _CHUNK), jnp.int32),
            pltpu.VMEM((_CHUNK, _D), jnp.float32),
            pltpu.SemaphoreType.DMA,
        ],
    )
    return f(m128, dstp)


def _tc2_body(z_ref, h_ref, agg0_ref, agg1_ref, Wu_ref, Wa_ref, bu_ref,
              Wd2_ref, bd2_ref, hn_ref, uv_ref):
    D = h_ref.shape[1]
    z = z_ref[...]
    h = h_ref[...]
    agg = agg0_ref[...] + agg1_ref[...]
    hn = jnp.maximum(
        jnp.dot(z, Wu_ref[0:D, :], preferred_element_type=jnp.float32)
        + jnp.dot(h, Wu_ref[D:2 * D, :], preferred_element_type=jnp.float32)
        + jnp.dot(agg, Wa_ref[...], preferred_element_type=jnp.float32)
        + bu_ref[...], 0.0)
    hn_ref[...] = hn
    uv_ref[...] = jnp.dot(hn, Wd2_ref[...], preferred_element_type=jnp.float32) + bd2_ref[...]


def _tc2(z, h, agg0, agg1, Wu, Wa, bur, Wd2, bd2):
    N, D = h.shape
    grid = N // _R
    row = lambda i: (i, 0)
    full = lambda i: (0, 0)
    return pl.pallas_call(
        _tc2_body,
        grid=(grid,),
        in_specs=[
            pl.BlockSpec((_R, D), row),
            pl.BlockSpec((_R, D), row),
            pl.BlockSpec((_R, D), row),
            pl.BlockSpec((_R, D), row),
            pl.BlockSpec((2 * D, D), full),
            pl.BlockSpec((D, D), full),
            pl.BlockSpec((1, D), full),
            pl.BlockSpec((D, 2), full),
            pl.BlockSpec((1, 2), full),
        ],
        out_specs=[pl.BlockSpec((_R, D), row), pl.BlockSpec((_R, 2), row)],
        out_shape=[jax.ShapeDtypeStruct((N, D), jnp.float32),
                   jax.ShapeDtypeStruct((N, 2), jnp.float32)],
    )(z, h, agg0, agg1, Wu, Wa, bur, Wd2, bd2)


def _loss_body(t0_ref, t1_ref, ef_ref, h0_ref, h1_ref, reach_ref, rt_ref,
               nmask_ref, par_ref, pi_ref, lx_ref, lh_ref, lr_ref, lp_ref):
    E = t0_ref.shape[0] * t0_ref.shape[1]
    Nn = 10000.0

    def bce_sum(t, tgt):
        p = 1.0 / (1.0 + jnp.exp(-t))
        p = jnp.clip(p, 1e-7, 1.0 - 1e-7)
        return -jnp.sum(tgt * jnp.log(p) + (1.0 - tgt) * jnp.log(1.0 - p))

    t0 = t0_ref[...]
    t1 = t1_ref[...]
    lx_ref[...] = (bce_sum(t1, ef_ref[...]) / E).reshape(1, 1)
    lh_ref[...] = ((bce_sum(t0, h0_ref[...]) + bce_sum(t1, h1_ref[...])) / E).reshape(1, 1)
    pr = jnp.clip(reach_ref[...], 1e-7, 1.0 - 1e-7)
    rt = rt_ref[...]
    m = nmask_ref[...]
    lr_ref[...] = (-jnp.sum(m * (rt * jnp.log(pr) + (1.0 - rt) * jnp.log(1.0 - pr))) / Nn).reshape(1, 1)
    lp_ref[...] = (1.0 - jnp.sum((par_ref[...] == pi_ref[...]).astype(jnp.float32)) / Nn).reshape(1, 1)


def _tc3(t0, t1, ef, h0, h1, reach_p, rt_p, nmask, par_p, pi_p):
    scal = jax.ShapeDtypeStruct((1, 1), jnp.float32)
    outs = pl.pallas_call(
        _loss_body,
        out_shape=[scal] * 4,
    )(t0, t1, ef, h0, h1, reach_p, rt_p, nmask, par_p, pi_p)
    return tuple(o.reshape(()) for o in outs)


def kernel(pos, s, edge_index, edges, edges_h, reach_h, pi,
           We1, be1, We2, be2, Wm, bm, Wu, Wa, bu, Wd, bd):
    N = pos.shape[0]
    E = edge_index.shape[1]
    D = We1.shape[1]
    T = edges_h.shape[0]
    max_iter = T - 1
    src = edge_index[0]
    dst = edge_index[1]

    npad = _NP - N
    pos_c = jnp.pad(pos, (0, npad)).reshape(_NP, 1)
    be1r = be1.reshape(1, D)
    be2r = be2.reshape(1, D)
    bmr = bm.reshape(1, D)
    bur = bu.reshape(1, D)
    Wd2 = jnp.concatenate([Wd[:D], Wd[D:]], axis=1)
    bd2 = jnp.stack([jnp.zeros((), jnp.float32), bd[0]]).reshape(1, 2)

    eperw = E // _NW
    n_chunks = _SLOT // _CHUNK
    epad = _SLOT - eperw
    dummy = jnp.full((_NW, epad), _NP - 1, jnp.int32)
    srcf = jnp.concatenate([src.reshape(_NW, eperw), dummy], axis=1)
    dstf = jnp.concatenate([dst.reshape(_NW, eperw), dummy], axis=1)
    srcp = srcf.reshape(_NW, n_chunks, _CHUNK)
    dstp = dstf.reshape(_NW, n_chunks, _CHUNK)
    zeros_hbm = jnp.zeros((_NP, D), jnp.float32)
    srcx = jnp.concatenate([src.astype(jnp.int32),
                            jnp.arange(_NP, dtype=jnp.int32)])

    h = jnp.zeros((_NP, D), jnp.float32)
    s2 = jnp.pad(s, (0, npad)).reshape(_NP, 1)
    ts = []
    reach = None
    for i in range(max_iter):
        A, B, z = _tc1(pos_c, s2, h, We1, be1r, We2, be2r, Wm, bmr)
        agg2 = _sc1(A, B, srcp, dstp, zeros_hbm)
        h, uv = _tc2(z, h, agg2[0], agg2[1], Wu, Wa, bur, Wd2, bd2)
        u128 = jnp.broadcast_to(uv[:, 0:1], (_NP, _D))
        v128 = jnp.broadcast_to(uv[:, 1:2], (_NP, _D))
        t_out, cnt2 = _sc2(u128, v128, srcp, dstp, zeros_hbm)
        ts.append(t_out[:, :eperw, 0].reshape(E))
        reach = jnp.where(cnt2[0, :, 0] + cnt2[1, :, 0] > 0.0, 1.0, 0.0)
        s2 = reach.reshape(_NP, 1)

    alpha = jax.nn.sigmoid(ts[-1])
    seg_max = jax.ops.segment_max(alpha, dst, num_segments=_NP)
    m128 = jnp.broadcast_to(seg_max.reshape(_NP, 1), (_NP, _D))
    m_e = _sc3(m128, dstp)[:, :eperw, 0].reshape(E)
    match = alpha == m_e
    eidx = jnp.where(match, jnp.arange(E, dtype=jnp.int32), jnp.int32(E + _NP))
    first = jax.ops.segment_min(eidx, dst, num_segments=_NP)
    own = jnp.arange(_NP, dtype=jnp.int32)
    ext_idx = jnp.where(first < E, first, E + own)
    parents = jnp.take(srcx, ext_idx)[:N]

    Eb = E // D
    t0r = ts[0].reshape(Eb, D)
    t1r = ts[1].reshape(Eb, D)
    ef = edges.astype(jnp.float32).reshape(Eb, D)
    h0 = edges_h[1].astype(jnp.float32).reshape(Eb, D)
    h1 = edges_h[2].astype(jnp.float32).reshape(Eb, D)

    def padf(x, val):
        return jnp.concatenate([x, jnp.full((npad,), val, x.dtype)]).reshape(_NP // D, D)

    reach_p = reach.reshape(_NP // D, D)
    rt_p = padf(reach_h[-1].astype(jnp.float32), 0.5)
    nmask = padf(jnp.ones((N,), jnp.float32), 0.0)
    par_p = padf(parents.astype(jnp.int32), -2)
    pi_p = padf(pi.astype(jnp.int32), -1)
    return _tc3(t0r, t1r, ef, h0, h1, reach_p, rt_p, nmask, par_p, pi_p)

# --- scband reference (transcript-rebuilt; emitter-appended) ---
"""Pipeline reference for scband-network-1571958030343 (READ-ONLY COPY).

The authoritative reference and input builder live on the scoring server;
editing this copy changes nothing except your own understanding.
"""

import jax, jax.numpy as jnp
import numpy as np

N = 10000
E = 160000
T = 3
D = 128


def _bce(p, t):
    p = jnp.clip(p, 1e-7, 1.0 - 1e-7)
    return -jnp.mean(t * jnp.log(p) + (1.0 - t) * jnp.log(1.0 - p))


def setup_inputs(seed: int = 0):
    key = jax.random.key(seed)
    ks = jax.random.split(key, 20)
    inp = {}
    inp["pos"] = jax.random.normal(ks[0], (N,), jnp.float32)
    inp["s"] = jax.random.uniform(ks[1], (N,), jnp.float32)
    inp["edge_index"] = jax.random.randint(ks[2], (2, E), 0, N, dtype=jnp.int32)
    inp["edges"] = jax.random.randint(ks[3], (E,), 0, 2, dtype=jnp.int32)
    inp["edges_h"] = jax.random.randint(ks[4], (T, E), 0, 2, dtype=jnp.int32)
    inp["reach_h"] = jax.random.randint(ks[5], (T, N), 0, 2, dtype=jnp.int32)
    inp["pi"] = jax.random.randint(ks[6], (N,), 0, N, dtype=jnp.int32)
    # learned parameters
    inp["We1"] = jax.random.normal(ks[7], (2, D), jnp.float32) * 0.5
    inp["be1"] = jnp.zeros((D,), jnp.float32)
    inp["We2"] = jax.random.normal(ks[8], (D, D), jnp.float32) * 0.05
    inp["be2"] = jnp.zeros((D,), jnp.float32)
    inp["Wm"] = jax.random.normal(ks[9], (4 * D, D), jnp.float32) * 0.05
    inp["bm"] = jnp.zeros((D,), jnp.float32)
    inp["Wu"] = jax.random.normal(ks[10], (2 * D, D), jnp.float32) * 0.05
    inp["Wa"] = jax.random.normal(ks[11], (D, D), jnp.float32) * 0.05
    inp["bu"] = jnp.zeros((D,), jnp.float32)
    inp["Wd"] = jax.random.normal(ks[12], (2 * D, 1), jnp.float32) * 0.05
    inp["bd"] = jnp.zeros((1,), jnp.float32)
    return inp


def reference(pos, s, edge_index, edges, edges_h, reach_h, pi, We1, be1, We2, be2, Wm, bm, Wu, Wa, bu, Wd, bd):
    src = edge_index[0]
    dst = edge_index[1]
    hints_edges = edges_h[1:].astype(jnp.float32)
    max_iter = hints_edges.shape[0]
    x_in = jnp.stack((pos, s), axis=1).astype(jnp.float32)
    h = jnp.zeros((N, D), jnp.float32)
    preds = []
    alpha = jnp.zeros((E,), jnp.float32)
    predictions_reach = jnp.zeros((N,), jnp.float32)
    for i in range(max_iter):
        # encoder: 2-layer MLP 2 -> D -> D
        z = jnp.dot(jax.nn.relu(jnp.dot(x_in, We1) + be1), We2) + be2
        pin = jnp.concatenate([z, h], axis=1)  # [N, 2D]
        # MPNN processor: per-edge message + scatter-add aggregation
        msg = jax.nn.relu(jnp.dot(jnp.concatenate([pin[src], pin[dst]], axis=1), Wm) + bm)
        agg = jax.ops.segment_sum(msg, dst, num_segments=N)
        h = jax.nn.relu(jnp.dot(pin, Wu) + jnp.dot(agg, Wa) + bu)
        # edge decoder
        dec_in = jnp.concatenate([h[src], h[dst]], axis=1)
        alpha = jax.nn.sigmoid(jnp.dot(dec_in, Wd) + bd).reshape(E)
        preds.append(alpha)
        # calculate_reach (threshold=0.4), vectorized via segment_max over both endpoints
        m = jnp.maximum(jax.ops.segment_max(alpha, src, num_segments=N),
                        jax.ops.segment_max(alpha, dst, num_segments=N))
        predictions_reach = (m >= 0.4).astype(jnp.float32)
        x_in = jnp.stack((pos, predictions_reach), axis=1).astype(jnp.float32)
    predictions_edges = jnp.stack(preds, axis=0)
    # get_parent_nodes (threshold=0.0): per-dst argmax over incoming alpha, first-match tiebreak
    masked = jnp.where(alpha >= 0.0, alpha, -jnp.inf)
    seg_max = jax.ops.segment_max(masked, dst, num_segments=N)
    match = jnp.isfinite(seg_max)[dst] & (masked == seg_max[dst])
    eidx = jnp.where(match, jnp.arange(E, dtype=jnp.int32), jnp.int32(E))
    first = jax.ops.segment_min(eidx, dst, num_segments=N)
    first = jnp.minimum(first, jnp.int32(E))
    parents = jnp.where(first < E, src[jnp.clip(first, 0, E - 1)], jnp.arange(N, dtype=src.dtype))
    # losses
    loss_x = _bce(predictions_edges[-1], edges.astype(jnp.float32))
    loss_h = jnp.float32(0.0)
    for i in range(max_iter):
        loss_h = loss_h + _bce(predictions_edges[i], hints_edges[i])
    loss_reach = _bce(predictions_reach, reach_h[-1].astype(jnp.float32))
    loss_parents = 1.0 - jnp.mean((parents == pi).astype(jnp.float32))
    return (loss_x, loss_h, loss_reach, loss_parents)

if __name__ == "__main__":
    import jax
    _d = setup_inputs()
    print(jax.jit(kernel)(*tuple(_d.values())))

</pallas_src>

<mosaic_0001>
#map = affine_map<(d0, d1) -> (0, 0)>
#map1 = affine_map<(d0, d1) -> (0, 0, 0)>
module attributes {stable_mosaic.version = 14 : i64} {
  func.func @_sc1_body(%arg0: i32, %arg1: i32, %arg2: memref<10240x128xf32, #tpu.memory_space<hbm>>, %arg3: memref<10240x128xf32, #tpu.memory_space<hbm>>, %arg4: memref<32x40x128xi32, #tpu.memory_space<hbm>>, %arg5: memref<32x40x128xi32, #tpu.memory_space<hbm>>, %arg6: memref<10240x128xf32, #tpu.memory_space<hbm>>, %arg7: memref<2x10240x128xf32, #tpu.memory_space<hbm>>, %arg8: memref<40x128xi32, #tpu.memory_space<vmem>>, %arg9: memref<40x128xi32, #tpu.memory_space<vmem>>, %arg10: memref<128x128xf32, #tpu.memory_space<vmem>>, %arg11: memref<128x128xf32, #tpu.memory_space<vmem>>, %arg12: memref<10240x128xf32, #tpu.memory_space<vmem_shared>>, %arg13: memref<!tpu.dma_semaphore, #tpu.memory_space<semaphore_mem>>, %arg14: memref<!tpu.dma_semaphore, #tpu.memory_space<semaphore_mem>>) attributes {dimension_semantics = [#tpu.dimension_semantics<core_parallel>, #tpu.dimension_semantics<subcore_parallel>], iteration_bounds = array<i64: 2, 16>, scalar_prefetch = 0 : i64, scratch_operands = 7 : i64, tpu.core_type = #tpu.core_type<sc_vector_subcore>, window_params = [{transform_indices = #map}, {transform_indices = #map}, {transform_indices = #map1}, {transform_indices = #map1}, {transform_indices = #map}, {transform_indices = #map1}]} {
    %mul3A = arith.constant 16 : i32
    %mul3A_0 = arith.muli %arg0, %mul3A : i32
    %add3A = arith.addi %mul3A_0, %arg1 : i32
    "tpu.region"() ({
      %run_scoped3A = tpu.sem_alloc : memref<!tpu.dma_semaphore, #tpu.memory_space<semaphore_mem>>
      %dma_start3A = arith.constant 0 : i32
      %dma_start3A_9 = arith.constant 0 : i32
      %dma_start3A_10 = tpu.memref_slice %arg4[%add3A, %dma_start3A, %dma_start3A_9] : memref<32x40x128xi32, #tpu.memory_space<hbm>> -> memref<1x40x128xi32, #tpu.memory_space<hbm>>
      %dma_start3A_11 = tpu.memref_squeeze %dma_start3A_10 : memref<1x40x128xi32, #tpu.memory_space<hbm>> -> memref<40x128xi32, #tpu.memory_space<hbm>>
      %dma_start3A_12 = arith.constant 0 : i32
      %dma_start3A_13 = arith.constant 0 : i32
      %dma_start3A_14 = tpu.memref_slice %arg4[%add3A, %dma_start3A_12, %dma_start3A_13] : memref<32x40x128xi32, #tpu.memory_space<hbm>> -> memref<1x40x128xi32, #tpu.memory_space<hbm>>
      %dma_start3A_15 = tpu.memref_squeeze %dma_start3A_14 : memref<1x40x128xi32, #tpu.memory_space<hbm>> -> memref<40x128xi32, #tpu.memory_space<hbm>>
      tpu.enqueue_dma source(%dma_start3A_15 : memref<40x128xi32, #tpu.memory_space<hbm>>) target(%arg8 : memref<40x128xi32, #tpu.memory_space<vmem>>) target_semaphore(%run_scoped3A : memref<!tpu.dma_semaphore, #tpu.memory_space<semaphore_mem>>)
      %dma_wait3A = arith.constant 0 : i32
      %dma_wait3A_16 = arith.constant 0 : i32
      %dma_wait3A_17 = tpu.memref_slice %arg4[%add3A, %dma_wait3A, %dma_wait3A_16] : memref<32x40x128xi32, #tpu.memory_space<hbm>> -> memref<1x40x128xi32, #tpu.memory_space<hbm>>
      %dma_wait3A_18 = tpu.memref_squeeze %dma_wait3A_17 : memref<1x40x128xi32, #tpu.memory_space<hbm>> -> memref<40x128xi32, #tpu.memory_space<hbm>>
      %dma_wait3A_19 = arith.constant 0 : i32
      %dma_wait3A_20 = arith.constant 0 : i32
      %dma_wait3A_21 = tpu.memref_slice %arg4[%add3A, %dma_wait3A_19, %dma_wait3A_20] : memref<32x40x128xi32, #tpu.memory_space<hbm>> -> memref<1x40x128xi32, #tpu.memory_space<hbm>>
      %dma_wait3A_22 = tpu.memref_squeeze %dma_wait3A_21 : memref<1x40x128xi32, #tpu.memory_space<hbm>> -> memref<40x128xi32, #tpu.memory_space<hbm>>
      tpu.wait_dma2 semaphore(%run_scoped3A : memref<!tpu.dma_semaphore, #tpu.memory_space<semaphore_mem>>) src(%dma_wait3A_22 : memref<40x128xi32, #tpu.memory_space<hbm>>) dst(%arg8 : memref<40x128xi32, #tpu.memory_space<vmem>>)
      tpu.yield
    }) : () -> ()
    "tpu.region"() ({
      %run_scoped3A = tpu.sem_alloc : memref<!tpu.dma_semaphore, #tpu.memory_space<semaphore_mem>>
      %dma_start3A = arith.constant 0 : i32
      %dma_start3A_9 = arith.constant 0 : i32
      %dma_start3A_10 = tpu.memref_slice %arg5[%add3A, %dma_start3A, %dma_start3A_9] : memref<32x40x128xi32, #tpu.memory_space<hbm>> -> memref<1x40x128xi32, #tpu.memory_space<hbm>>
      %dma_start3A_11 = tpu.memref_squeeze %dma_start3A_10 : memref<1x40x128xi32, #tpu.memory_space<hbm>> -> memref<40x128xi32, #tpu.memory_space<hbm>>
      %dma_start3A_12 = arith.constant 0 : i32
      %dma_start3A_13 = arith.constant 0 : i32
      %dma_start3A_14 = tpu.memref_slice %arg5[%add3A, %dma_start3A_12, %dma_start3A_13] : memref<32x40x128xi32, #tpu.memory_space<hbm>> -> memref<1x40x128xi32, #tpu.memory_space<hbm>>
      %dma_start3A_15 = tpu.memref_squeeze %dma_start3A_14 : memref<1x40x128xi32, #tpu.memory_space<hbm>> -> memref<40x128xi32, #tpu.memory_space<hbm>>
      tpu.enqueue_dma source(%dma_start3A_15 : memref<40x128xi32, #tpu.memory_space<hbm>>) target(%arg9 : memref<40x128xi32, #tpu.memory_space<vmem>>) target_semaphore(%run_scoped3A : memref<!tpu.dma_semaphore, #tpu.memory_space<semaphore_mem>>)
      %dma_wait3A = arith.constant 0 : i32
      %dma_wait3A_16 = arith.constant 0 : i32
      %dma_wait3A_17 = tpu.memref_slice %arg5[%add3A, %dma_wait3A, %dma_wait3A_16] : memref<32x40x128xi32, #tpu.memory_space<hbm>> -> memref<1x40x128xi32, #tpu.memory_space<hbm>>
      %dma_wait3A_18 = tpu.memref_squeeze %dma_wait3A_17 : memref<1x40x128xi32, #tpu.memory_space<hbm>> -> memref<40x128xi32, #tpu.memory_space<hbm>>
      %dma_wait3A_19 = arith.constant 0 : i32
      %dma_wait3A_20 = arith.constant 0 : i32
      %dma_wait3A_21 = tpu.memref_slice %arg5[%add3A, %dma_wait3A_19, %dma_wait3A_20] : memref<32x40x128xi32, #tpu.memory_space<hbm>> -> memref<1x40x128xi32, #tpu.memory_space<hbm>>
      %dma_wait3A_22 = tpu.memref_squeeze %dma_wait3A_21 : memref<1x40x128xi32, #tpu.memory_space<hbm>> -> memref<40x128xi32, #tpu.memory_space<hbm>>
      tpu.wait_dma2 semaphore(%run_scoped3A : memref<!tpu.dma_semaphore, #tpu.memory_space<semaphore_mem>>) src(%dma_wait3A_22 : memref<40x128xi32, #tpu.memory_space<hbm>>) dst(%arg9 : memref<40x128xi32, #tpu.memory_space<vmem>>)
      tpu.yield
    }) : () -> ()
    %mul3A_1 = arith.constant 640 : i32
    %mul3A_2 = arith.muli %arg1, %mul3A_1 : i32
    "tpu.region"() ({
      %run_scoped3A = tpu.sem_alloc : memref<!tpu.dma_semaphore, #tpu.memory_space<semaphore_mem>>
      %dma_start3A = arith.constant 0 : i32
      %dma_start3A_9 = tpu.memref_slice %arg12[%mul3A_2, %dma_start3A] : memref<10240x128xf32, #tpu.memory_space<vmem_shared>> -> memref<640x128xf32, #tpu.memory_space<vmem_shared>>
      %dma_start3A_10 = arith.constant 0 : i32
      %dma_start3A_11 = tpu.memref_slice %arg6[%mul3A_2, %dma_start3A_10] : memref<10240x128xf32, #tpu.memory_space<hbm>> -> memref<640x128xf32, #tpu.memory_space<hbm>>
      tpu.enqueue_dma source(%dma_start3A_11 : memref<640x128xf32, #tpu.memory_space<hbm>>) target(%dma_start3A_9 : memref<640x128xf32, #tpu.memory_space<vmem_shared>>) target_semaphore(%run_scoped3A : memref<!tpu.dma_semaphore, #tpu.memory_space<semaphore_mem>>)
      %dma_wait3A = arith.constant 0 : i32
      %dma_wait3A_12 = tpu.memref_slice %arg12[%mul3A_2, %dma_wait3A] : memref<10240x128xf32, #tpu.memory_space<vmem_shared>> -> memref<640x128xf32, #tpu.memory_space<vmem_shared>>
      %dma_wait3A_13 = arith.constant 0 : i32
      %dma_wait3A_14 = tpu.memref_slice %arg6[%mul3A_2, %dma_wait3A_13] : memref<10240x128xf32, #tpu.memory_space<hbm>> -> memref<640x128xf32, #tpu.memory_space<hbm>>
      tpu.wait_dma2 semaphore(%run_scoped3A : memref<!tpu.dma_semaphore, #tpu.memory_space<semaphore_mem>>) src(%dma_wait3A_14 : memref<640x128xf32, #tpu.memory_space<hbm>>) dst(%dma_wait3A_12 : memref<640x128xf32, #tpu.memory_space<vmem_shared>>)
      tpu.yield
    }) : () -> ()
    %barrier3A = arith.constant 0 : index
    tpu.barrier barrier_id(%barrier3A)
    %scan3A = arith.constant 0 : i32
    %scan3A_3 = arith.constant 0 : i32
    %scan3A_4 = arith.constant 40 : i32
    %scan3A_5 = arith.addi %scan3A_3, %scan3A_4 : i32
    %scan3A_6 = arith.constant 1 : i32
    scf.for %scan3A_9 = %scan3A_3 to %scan3A_5 step %scan3A_6  : i32 {
      %dma_start3A = arith.constant 0 : i32
      %dma_start3A_10 = tpu.memref_slice %arg8[%scan3A_9, %dma_start3A] : memref<40x128xi32, #tpu.memory_space<vmem>> -> memref<1x128xi32, #tpu.memory_space<vmem>>
      %dma_start3A_11 = tpu.memref_squeeze %dma_start3A_10 : memref<1x128xi32, #tpu.memory_space<vmem>> -> memref<128xi32, #tpu.memory_space<vmem>>
      %dma_start3A_12 = arith.constant 0 : i32
      %dma_start3A_13 = arith.constant 0 : i32
      %dma_start3A_14 = tpu.memref_slice %arg2[%dma_start3A_12, %dma_start3A_13] : memref<10240x128xf32, #tpu.memory_space<hbm>> -> memref<10240x128xf32, #tpu.memory_space<hbm>>
      tpu.enqueue_indirect_dma source(%dma_start3A_14 : memref<10240x128xf32, #tpu.memory_space<hbm>>) target(%arg10 : memref<128x128xf32, #tpu.memory_space<vmem>>) offsets(%dma_start3A_11 : memref<128xi32, #tpu.memory_space<vmem>>) semaphore(%arg13 : memref<!tpu.dma_semaphore, #tpu.memory_space<semaphore_mem>>)
      %dma_start3A_15 = arith.constant 0 : i32
      %dma_start3A_16 = tpu.memref_slice %arg9[%scan3A_9, %dma_start3A_15] : memref<40x128xi32, #tpu.memory_space<vmem>> -> memref<1x128xi32, #tpu.memory_space<vmem>>
      %dma_start3A_17 = tpu.memref_squeeze %dma_start3A_16 : memref<1x128xi32, #tpu.memory_space<vmem>> -> memref<128xi32, #tpu.memory_space<vmem>>
      %dma_start3A_18 = arith.constant 0 : i32
      %dma_start3A_19 = arith.constant 0 : i32
      %dma_start3A_20 = tpu.memref_slice %arg3[%dma_start3A_18, %dma_start3A_19] : memref<10240x128xf32, #tpu.memory_space<hbm>> -> memref<10240x128xf32, #tpu.memory_space<hbm>>
      tpu.enqueue_indirect_dma source(%dma_start3A_20 : memref<10240x128xf32, #tpu.memory_space<hbm>>) target(%arg11 : memref<128x128xf32, #tpu.memory_space<vmem>>) offsets(%dma_start3A_17 : memref<128xi32, #tpu.memory_space<vmem>>) semaphore(%arg14 : memref<!tpu.dma_semaphore, #tpu.memory_space<semaphore_mem>>)
      %dma_wait3A = arith.constant 0 : i32
      %dma_wait3A_21 = tpu.memref_slice %arg8[%scan3A_9, %dma_wait3A] : memref<40x128xi32, #tpu.memory_space<vmem>> -> memref<1x128xi32, #tpu.memory_space<vmem>>
      %dma_wait3A_22 = tpu.memref_squeeze %dma_wait3A_21 : memref<1x128xi32, #tpu.memory_space<vmem>> -> memref<128xi32, #tpu.memory_space<vmem>>
      %dma_wait3A_23 = arith.constant 0 : i32
      %dma_wait3A_24 = arith.constant 0 : i32
      %dma_wait3A_25 = tpu.memref_slice %arg2[%dma_wait3A_23, %dma_wait3A_24] : memref<10240x128xf32, #tpu.memory_space<hbm>> -> memref<10240x128xf32, #tpu.memory_space<hbm>>
      tpu.wait_indirect_dma semaphore(%arg13 : memref<!tpu.dma_semaphore, #tpu.memory_space<semaphore_mem>>) src(%dma_wait3A_25 : memref<10240x128xf32, #tpu.memory_space<hbm>>) dst(%arg10 : memref<128x128xf32, #tpu.memory_space<vmem>>)
      %dma_wait3A_26 = arith.constant 0 : i32
      %dma_wait3A_27 = tpu.memref_slice %arg9[%scan3A_9, %dma_wait3A_26] : memref<40x128xi32, #tpu.memory_space<vmem>> -> memref<1x128xi32, #tpu.memory_space<vmem>>
      %dma_wait3A_28 = tpu.memref_squeeze %dma_wait3A_27 : memref<1x128xi32, #tpu.memory_space<vmem>> -> memref<128xi32, #tpu.memory_space<vmem>>
      %dma_wait3A_29 = arith.constant 0 : i32
      %dma_wait3A_30 = arith.constant 0 : i32
      %dma_wait3A_31 = tpu.memref_slice %arg3[%dma_wait3A_29, %dma_wait3A_30] : memref<10240x128xf32, #tpu.memory_space<hbm>> -> memref<10240x128xf32, #tpu.memory_space<hbm>>
      tpu.wait_indirect_dma semaphore(%arg14 : memref<!tpu.dma_semaphore, #tpu.memory_space<semaphore_mem>>) src(%dma_wait3A_31 : memref<10240x128xf32, #tpu.memory_space<hbm>>) dst(%arg11 : memref<128x128xf32, #tpu.memory_space<vmem>>)
      %scan3A_32 = arith.constant 0 : i32
      %scan3A_33 = arith.constant 0 : i32
      %scan3A_34 = arith.constant 128 : i32
      %scan3A_35 = arith.addi %scan3A_33, %scan3A_34 : i32
      %scan3A_36 = arith.constant 1 : i32
      scf.for %scan3A_38 = %scan3A_33 to %scan3A_35 step %scan3A_36  : i32 {
        %get3A = arith.index_cast %scan3A_38 : i32 to index
        %get3A_39 = arith.constant 0 : index
        %get3A_40 = tpu.vector_load %arg10[%get3A, %get3A_39] {strides = array<i32>} : memref<128x128xf32, #tpu.memory_space<vmem>>, vector<1x16xf32>,
        %get3A_41 = vector.shape_cast %get3A_40 : vector<1x16xf32> to vector<16xf32>
        %get3A_42 = arith.index_cast %scan3A_38 : i32 to index
        %get3A_43 = arith.constant 0 : index
        %get3A_44 = tpu.vector_load %arg11[%get3A_42, %get3A_43] {strides = array<i32>} : memref<128x128xf32, #tpu.memory_space<vmem>>, vector<1x16xf32>,
        %get3A_45 = vector.shape_cast %get3A_44 : vector<1x16xf32> to vector<16xf32>
        %add3A_46 = arith.addf %get3A_41, %get3A_45 : vector<16xf32>
        %max3A = arith.constant 0.000000e+00 : f32
        %max3A_47 = vector.broadcast %max3A : f32 to vector<16xf32>
        %max3A_48 = arith.maximumf %add3A_46, %max3A_47 : vector<16xf32>
        %swap3A = arith.index_cast %scan3A_38 : i32 to index
        %swap3A_49 = arith.constant 0 : index
        %swap3A_50 = tpu.vector_load %arg10[%swap3A, %swap3A_49] {strides = array<i32>} : memref<128x128xf32, #tpu.memory_space<vmem>>, vector<1x16xf32>,
        %swap3A_51 = vector.shape_cast %swap3A_50 : vector<1x16xf32> to vector<16xf32>
        %swap3A_52 = vector.shape_cast %max3A_48 : vector<16xf32> to vector<1x16xf32>
        tpu.vector_store %arg10[%swap3A, %swap3A_49], %swap3A_52 {strides = array<i32>} : memref<128x128xf32, #tpu.memory_space<vmem>>, vector<1x16xf32>,
        %get3A_53 = arith.index_cast %scan3A_38 : i32 to index
        %get3A_54 = arith.constant 16 : index
        %get3A_55 = tpu.vector_load %arg10[%get3A_53, %get3A_54] {strides = array<i32>} : memref<128x128xf32, #tpu.memory_space<vmem>>, vector<1x16xf32>,
        %get3A_56 = vector.shape_cast %get3A_55 : vector<1x16xf32> to vector<16xf32>
        %get3A_57 = arith.index_cast %scan3A_38 : i32 to index
        %get3A_58 = arith.constant 16 : index
        %get3A_59 = tpu.vector_load %arg11[%get3A_57, %get3A_58] {strides = array<i32>} : memref<128x128xf32, #tpu.memory_space<vmem>>, vector<1x16xf32>,
        %get3A_60 = vector.shape_cast %get3A_59 : vector<1x16xf32> to vector<16xf32>
        %add3A_61 = arith.addf %get3A_56, %get3A_60 : vector<16xf32>
        %max3A_62 = arith.constant 0.000000e+00 : f32
        %max3A_63 = vector.broadcast %max3A_62 : f32 to vector<16xf32>
        %max3A_64 = arith.maximumf %add3A_61, %max3A_63 : vector<16xf32>
        %swap3A_65 = arith.index_cast %scan3A_38 : i32 to index
        %swap3A_66 = arith.constant 16 : index
        %swap3A_67 = tpu.vector_load %arg10[%swap3A_65, %swap3A_66] {strides = array<i32>} : memref<128x128xf32, #tpu.memory_space<vmem>>, vector<1x16xf32>,
        %swap3A_68 = vector.shape_cast %swap3A_67 : vector<1x16xf32> to vector<16xf32>
        %swap3A_69 = vector.shape_cast %max3A_64 : vector<16xf32> to vector<1x16xf32>
        tpu.vector_store %arg10[%swap3A_65, %swap3A_66], %swap3A_69 {strides = array<i32>} : memref<128x128xf32, #tpu.memory_space<vmem>>, vector<1x16xf32>,
        %get3A_70 = arith.index_cast %scan3A_38 : i32 to index
        %get3A_71 = arith.constant 32 : index
        %get3A_72 = tpu.vector_load %arg10[%get3A_70, %get3A_71] {strides = array<i32>} : memref<128x128xf32, #tpu.memory_space<vmem>>, vector<1x16xf32>,
        %get3A_73 = vector.shape_cast %get3A_72 : vector<1x16xf32> to vector<16xf32>
        %get3A_74 = arith.index_cast %scan3A_38 : i32 to index
        %get3A_75 = arith.constant 32 : index
        %get3A_76 = tpu.vector_load %arg11[%get3A_74, %get3A_75] {strides = array<i32>} : memref<128x128xf32, #tpu.memory_space<vmem>>, vector<1x16xf32>,
        %get3A_77 = vector.shape_cast %get3A_76 : vector<1x16xf32> to vector<16xf32>
        %add3A_78 = arith.addf %get3A_73, %get3A_77 : vector<16xf32>
        %max3A_79 = arith.constant 0.000000e+00 : f32
        %max3A_80 = vector.broadcast %max3A_79 : f32 to vector<16xf32>
        %max3A_81 = arith.maximumf %add3A_78, %max3A_80 : vector<16xf32>
        %swap3A_82 = arith.index_cast %scan3A_38 : i32 to index
        %swap3A_83 = arith.constant 32 : index
        %swap3A_84 = tpu.vector_load %arg10[%swap3A_82, %swap3A_83] {strides = array<i32>} : memref<128x128xf32, #tpu.memory_space<vmem>>, vector<1x16xf32>,
        %swap3A_85 = vector.shape_cast %swap3A_84 : vector<1x16xf32> to vector<16xf32>
        %swap3A_86 = vector.shape_cast %max3A_81 : vector<16xf32> to vector<1x16xf32>
        tpu.vector_store %arg10[%swap3A_82, %swap3A_83], %swap3A_86 {strides = array<i32>} : memref<128x128xf32, #tpu.memory_space<vmem>>, vector<1x16xf32>,
        %get3A_87 = arith.index_cast %scan3A_38 : i32 to index
        %get3A_88 = arith.constant 48 : index
        %get3A_89 = tpu.vector_load %arg10[%get3A_87, %get3A_88] {strides = array<i32>} : memref<128x128xf32, #tpu.memory_space<vmem>>, vector<1x16xf32>,
        %get3A_90 = vector.shape_cast %get3A_89 : vector<1x16xf32> to vector<16xf32>
        %get3A_91 = arith.index_cast %scan3A_38 : i32 to index
        %get3A_92 = arith.constant 48 : index
        %get3A_93 = tpu.vector_load %arg11[%get3A_91, %get3A_92] {strides = array<i32>} : memref<128x128xf32, #tpu.memory_space<vmem>>, vector<1x16xf32>,
        %get3A_94 = vector.shape_cast %get3A_93 : vector<1x16xf32> to vector<16xf32>
        %add3A_95 = arith.addf %get3A_90, %get3A_94 : vector<16xf32>
        %max3A_96 = arith.constant 0.000000e+00 : f32
        %max3A_97 = vector.broadcast %max3A_96 : f32 to vector<16xf32>
        %max3A_98 = arith.maximumf %add3A_95, %max3A_97 : vector<16xf32>
        %swap3A_99 = arith.index_cast %scan3A_38 : i32 to index
        %swap3A_100 = arith.constant 48 : index
        %swap3A_101 = tpu.vector_load %arg10[%swap3A_99, %swap3A_100] {strides = array<i32>} : memref<128x128xf32, #tpu.memory_space<vmem>>, vector<1x16xf32>,
        %swap3A_102 = vector.shape_cast %swap3A_101 : vector<1x16xf32> to vector<16xf32>
        %swap3A_103 = vector.shape_cast %max3A_98 : vector<16xf32> to vector<1x16xf32>
        tpu.vector_store %arg10[%swap3A_99, %swap3A_100], %swap3A_103 {strides = array<i32>} : memref<128x128xf32, #tpu.memory_space<vmem>>, vector<1x16xf32>,
        %get3A_104 = arith.index_cast %scan3A_38 : i32 to index
        %get3A_105 = arith.constant 64 : index
        %get3A_106 = tpu.vector_load %arg10[%get3A_104, %get3A_105] {strides = array<i32>} : memref<128x128xf32, #tpu.memory_space<vmem>>, vector<1x16xf32>,
        %get3A_107 = vector.shape_cast %get3A_106 : vector<1x16xf32> to vector<16xf32>
        %get3A_108 = arith.index_cast %scan3A_38 : i32 to index
        %get3A_109 = arith.constant 64 : index
        %get3A_110 = tpu.vector_load %arg11[%get3A_108, %get3A_109] {strides = array<i32>} : memref<128x128xf32, #tpu.memory_space<vmem>>, vector<1x16xf32>,
        %get3A_111 = vector.shape_cast %get3A_110 : vector<1x16xf32> to vector<16xf32>
        %add3A_112 = arith.addf %get3A_107, %get3A_111 : vector<16xf32>
        %max3A_113 = arith.constant 0.000000e+00 : f32
        %max3A_114 = vector.broadcast %max3A_113 : f32 to vector<16xf32>
        %max3A_115 = arith.maximumf %add3A_112, %max3A_114 : vector<16xf32>
        %swap3A_116 = arith.index_cast %scan3A_38 : i32 to index
        %swap3A_117 = arith.constant 64 : index
        %swap3A_118 = tpu.vector_load %arg10[%swap3A_116, %swap3A_117] {strides = array<i32>} : memref<128x128xf32, #tpu.memory_space<vmem>>, vector<1x16xf32>,
        %swap3A_119 = vector.shape_cast %swap3A_118 : vector<1x16xf32> to vector<16xf32>
        %swap3A_120 = vector.shape_cast %max3A_115 : vector<16xf32> to vector<1x16xf32>
        tpu.vector_store %arg10[%swap3A_116, %swap3A_117], %swap3A_120 {strides = array<i32>} : memref<128x128xf32, #tpu.memory_space<vmem>>, vector<1x16xf32>,
        %get3A_121 = arith.index_cast %scan3A_38 : i32 to index
        %get3A_122 = arith.constant 80 : index
        %get3A_123 = tpu.vector_load %arg10[%get3A_121, %get3A_122] {strides = array<i32>} : memref<128x128xf32, #tpu.memory_space<vmem>>, vector<1x16xf32>,
        %get3A_124 = vector.shape_cast %get3A_123 : vector<1x16xf32> to vector<16xf32>
        %get3A_125 = arith.index_cast %scan3A_38 : i32 to index
        %get3A_126 = arith.constant 80 : index
        %get3A_127 = tpu.vector_load %arg11[%get3A_125, %get3A_126] {strides = array<i32>} : memref<128x128xf32, #tpu.memory_space<vmem>>, vector<1x16xf32>,
        %get3A_128 = vector.shape_cast %get3A_127 : vector<1x16xf32> to vector<16xf32>
        %add3A_129 = arith.addf %get3A_124, %get3A_128 : vector<16xf32>
        %max3A_130 = arith.constant 0.000000e+00 : f32
        %max3A_131 = vector.broadcast %max3A_130 : f32 to vector<16xf32>
        %max3A_132 = arith.maximumf %add3A_129, %max3A_131 : vector<16xf32>
        %swap3A_133 = arith.index_cast %scan3A_38 : i32 to index
        %swap3A_134 = arith.constant 80 : index
        %swap3A_135 = tpu.vector_load %arg10[%swap3A_133, %swap3A_134] {strides = array<i32>} : memref<128x128xf32, #tpu.memory_space<vmem>>, vector<1x16xf32>,
        %swap3A_136 = vector.shape_cast %swap3A_135 : vector<1x16xf32> to vector<16xf32>
        %swap3A_137 = vector.shape_cast %max3A_132 : vector<16xf32> to vector<1x16xf32>
        tpu.vector_store %arg10[%swap3A_133, %swap3A_134], %swap3A_137 {strides = array<i32>} : memref<128x128xf32, #tpu.memory_space<vmem>>, vector<1x16xf32>,
        %get3A_138 = arith.index_cast %scan3A_38 : i32 to index
        %get3A_139 = arith.constant 96 : index
        %get3A_140 = tpu.vector_load %arg10[%get3A_138, %get3A_139] {strides = array<i32>} : memref<128x128xf32, #tpu.memory_space<vmem>>, vector<1x16xf32>,
        %get3A_141 = vector.shape_cast %get3A_140 : vector<1x16xf32> to vector<16xf32>
        %get3A_142 = arith.index_cast %scan3A_38 : i32 to index
        %get3A_143 = arith.constant 96 : index
        %get3A_144 = tpu.vector_load %arg11[%get3A_142, %get3A_143] {strides = array<i32>} : memref<128x128xf32, #tpu.memory_space<vmem>>, vector<1x16xf32>,
        %get3A_145 = vector.shape_cast %get3A_144 : vector<1x16xf32> to vector<16xf32>
        %add3A_146 = arith.addf %get3A_141, %get3A_145 : vector<16xf32>
        %max3A_147 = arith.constant 0.000000e+00 : f32
        %max3A_148 = vector.broadcast %max3A_147 : f32 to vector<16xf32>
        %max3A_149 = arith.maximumf %add3A_146, %max3A_148 : vector<16xf32>
        %swap3A_150 = arith.index_cast %scan3A_38 : i32 to index
        %swap3A_151 = arith.constant 96 : index
        %swap3A_152 = tpu.vector_load %arg10[%swap3A_150, %swap3A_151] {strides = array<i32>} : memref<128x128xf32, #tpu.memory_space<vmem>>, vector<1x16xf32>,
        %swap3A_153 = vector.shape_cast %swap3A_152 : vector<1x16xf32> to vector<16xf32>
        %swap3A_154 = vector.shape_cast %max3A_149 : vector<16xf32> to vector<1x16xf32>
        tpu.vector_store %arg10[%swap3A_150, %swap3A_151], %swap3A_154 {strides = array<i32>} : memref<128x128xf32, #tpu.memory_space<vmem>>, vector<1x16xf32>,
        %get3A_155 = arith.index_cast %scan3A_38 : i32 to index
        %get3A_156 = arith.constant 112 : index
        %get3A_157 = tpu.vector_load %arg10[%get3A_155, %get3A_156] {strides = array<i32>} : memref<128x128xf32, #tpu.memory_space<vmem>>, vector<1x16xf32>,
        %get3A_158 = vector.shape_cast %get3A_157 : vector<1x16xf32> to vector<16xf32>
        %get3A_159 = arith.index_cast %scan3A_38 : i32 to index
        %get3A_160 = arith.constant 112 : index
        %get3A_161 = tpu.vector_load %arg11[%get3A_159, %get3A_160] {strides = array<i32>} : memref<128x128xf32, #tpu.memory_space<vmem>>, vector<1x16xf32>,
        %get3A_162 = vector.shape_cast %get3A_161 : vector<1x16xf32> to vector<16xf32>
        %add3A_163 = arith.addf %get3A_158, %get3A_162 : vector<16xf32>
        %max3A_164 = arith.constant 0.000000e+00 : f32
        %max3A_165 = vector.broadcast %max3A_164 : f32 to vector<16xf32>
        %max3A_166 = arith.maximumf %add3A_163, %max3A_165 : vector<16xf32>
        %swap3A_167 = arith.index_cast %scan3A_38 : i32 to index
        %swap3A_168 = arith.constant 112 : index
        %swap3A_169 = tpu.vector_load %arg10[%swap3A_167, %swap3A_168] {strides = array<i32>} : memref<128x128xf32, #tpu.memory_space<vmem>>, vector<1x16xf32>,
        %swap3A_170 = vector.shape_cast %swap3A_169 : vector<1x16xf32> to vector<16xf32>
        %swap3A_171 = vector.shape_cast %max3A_166 : vector<16xf32> to vector<1x16xf32>
        tpu.vector_store %arg10[%swap3A_167, %swap3A_168], %swap3A_171 {strides = array<i32>} : memref<128x128xf32, #tpu.memory_space<vmem>>, vector<1x16xf32>,
      }
      %scan3A_37 = arith.constant 128 : i32
      "tpu.region"() ({
        %run_scoped3A = tpu.sem_alloc : memref<!tpu.dma_semaphore, #tpu.memory_space<semaphore_mem>>
        %dma_start3A_38 = arith.constant 0 : i32
        %dma_start3A_39 = tpu.memref_slice %arg9[%scan3A_9, %dma_start3A_38] : memref<40x128xi32, #tpu.memory_space<vmem>> -> memref<1x128xi32, #tpu.memory_space<vmem>>
        %dma_start3A_40 = tpu.memref_squeeze %dma_start3A_39 : memref<1x128xi32, #tpu.memory_space<vmem>> -> memref<128xi32, #tpu.memory_space<vmem>>
        %dma_start3A_41 = arith.constant 0 : i32
        %dma_start3A_42 = arith.constant 0 : i32
        %dma_start3A_43 = tpu.memref_slice %arg12[%dma_start3A_41, %dma_start3A_42] : memref<10240x128xf32, #tpu.memory_space<vmem_shared>> -> memref<10240x128xf32, #tpu.memory_space<vmem_shared>>
        tpu.enqueue_indirect_dma source(%arg10 : memref<128x128xf32, #tpu.memory_space<vmem>>) target(%dma_start3A_43 : memref<10240x128xf32, #tpu.memory_space<vmem_shared>>) offsets(%dma_start3A_40 : memref<128xi32, #tpu.memory_space<vmem>>) semaphore(%run_scoped3A : memref<!tpu.dma_semaphore, #tpu.memory_space<semaphore_mem>>) {add = true}
        %dma_wait3A_44 = arith.constant 0 : i32
        %dma_wait3A_45 = tpu.memref_slice %arg9[%scan3A_9, %dma_wait3A_44] : memref<40x128xi32, #tpu.memory_space<vmem>> -> memref<1x128xi32, #tpu.memory_space<vmem>>
        %dma_wait3A_46 = tpu.memref_squeeze %dma_wait3A_45 : memref<1x128xi32, #tpu.memory_space<vmem>> -> memref<128xi32, #tpu.memory_space<vmem>>
        %dma_wait3A_47 = arith.constant 0 : i32
        %dma_wait3A_48 = arith.constant 0 : i32
        %dma_wait3A_49 = tpu.memref_slice %arg12[%dma_wait3A_47, %dma_wait3A_48] : memref<10240x128xf32, #tpu.memory_space<vmem_shared>> -> memref<10240x128xf32, #tpu.memory_space<vmem_shared>>
        tpu.wait_indirect_dma semaphore(%run_scoped3A : memref<!tpu.dma_semaphore, #tpu.memory_space<semaphore_mem>>) src(%arg10 : memref<128x128xf32, #tpu.memory_space<vmem>>) dst(%dma_wait3A_49 : memref<10240x128xf32, #tpu.memory_space<vmem_shared>>)
        tpu.yield
      }) : () -> ()
    }
    %scan3A_7 = arith.constant 40 : i32
    %barrier3A_8 = arith.constant 0 : index
    tpu.barrier barrier_id(%barrier3A_8)
    "tpu.region"() ({
      %run_scoped3A = tpu.sem_alloc : memref<!tpu.dma_semaphore, #tpu.memory_space<semaphore_mem>>
      %dma_start3A = arith.constant 0 : i32
      %dma_start3A_9 = tpu.memref_slice %arg7[%arg0, %mul3A_2, %dma_start3A] : memref<2x10240x128xf32, #tpu.memory_space<hbm>> -> memref<1x640x128xf32, #tpu.memory_space<hbm>>
      %dma_start3A_10 = tpu.memref_squeeze %dma_start3A_9 : memref<1x640x128xf32, #tpu.memory_space<hbm>> -> memref<640x128xf32, #tpu.memory_space<hbm>>
      %dma_start3A_11 = arith.constant 0 : i32
      %dma_start3A_12 = tpu.memref_slice %arg12[%mul3A_2, %dma_start3A_11] : memref<10240x128xf32, #tpu.memory_space<vmem_shared>> -> memref<640x128xf32, #tpu.memory_space<vmem_shared>>
      tpu.enqueue_dma source(%dma_start3A_12 : memref<640x128xf32, #tpu.memory_space<vmem_shared>>) target(%dma_start3A_10 : memref<640x128xf32, #tpu.memory_space<hbm>>) target_semaphore(%run_scoped3A : memref<!tpu.dma_semaphore, #tpu.memory_space<semaphore_mem>>)
      %dma_wait3A = arith.constant 0 : i32
      %dma_wait3A_13 = tpu.memref_slice %arg7[%arg0, %mul3A_2, %dma_wait3A] : memref<2x10240x128xf32, #tpu.memory_space<hbm>> -> memref<1x640x128xf32, #tpu.memory_space<hbm>>
      %dma_wait3A_14 = tpu.memref_squeeze %dma_wait3A_13 : memref<1x640x128xf32, #tpu.memory_space<hbm>> -> memref<640x128xf32, #tpu.memory_space<hbm>>
      %dma_wait3A_15 = arith.constant 0 : i32
      %dma_wait3A_16 = tpu.memref_slice %arg12[%mul3A_2, %dma_wait3A_15] : memref<10240x128xf32, #tpu.memory_space<vmem_shared>> -> memref<640x128xf32, #tpu.memory_space<vmem_shared>>
      tpu.wait_dma2 semaphore(%run_scoped3A : memref<!tpu.dma_semaphore, #tpu.memory_space<semaphore_mem>>) src(%dma_wait3A_16 : memref<640x128xf32, #tpu.memory_space<vmem_shared>>) dst(%dma_wait3A_14 : memref<640x128xf32, #tpu.memory_space<hbm>>)
      tpu.yield
    }) : () -> ()
    return
  }
}

#map = affine_map<(d0, d1) -> (0, 0)>
#map1 = affine_map<(d0, d1) -> (0, 0, 0)>
module attributes {stable_mosaic.version = 14 : i64} {
  func.func @_sc1_body(%arg0: i32, %arg1: i32, %arg2: memref<10240x128xf32, #tpu.memory_space<hbm>>, %arg3: memref<10240x128xf32, #tpu.memory_space<hbm>>, %arg4: memref<32x40x128xi32, #tpu.memory_space<hbm>>, %arg5: memref<32x40x128xi32, #tpu.memory_space<hbm>>, %arg6: memref<10240x128xf32, #tpu.memory_space<hbm>>, %arg7: memref<2x10240x128xf32, #tpu.memory_space<hbm>>, %arg8: memref<40x128xi32, #tpu.memory_space<vmem>>, %arg9: memref<40x128xi32, #tpu.memory_space<vmem>>, %arg10: memref<128x128xf32, #tpu.memory_space<vmem>>, %arg11: memref<128x128xf32, #tpu.memory_space<vmem>>, %arg12: memref<10240x128xf32, #tpu.memory_space<vmem_shared>>, %arg13: memref<!tpu.dma_semaphore, #tpu.memory_space<semaphore_mem>>, %arg14: memref<!tpu.dma_semaphore, #tpu.memory_space<semaphore_mem>>) attributes {dimension_semantics = [#tpu.dimension_semantics<core_parallel>, #tpu.dimension_semantics<subcore_parallel>], iteration_bounds = array<i64: 2, 16>, scalar_prefetch = 0 : i64, scratch_operands = 7 : i64, tpu.core_type = #tpu.core_type<sc_vector_subcore>, window_params = [{transform_indices = #map}, {transform_indices = #map}, {transform_indices = #map1}, {transform_indices = #map1}, {transform_indices = #map}, {transform_indices = #map1}]} {
    %mul3A = arith.constant 16 : i32
    %mul3A_0 = arith.muli %arg0, %mul3A : i32
    %add3A = arith.addi %mul3A_0, %arg1 : i32
    "tpu.region"() ({
      %run_scoped3A = tpu.sem_alloc : memref<!tpu.dma_semaphore, #tpu.memory_space<semaphore_mem>>
      %dma_start3A = arith.constant 0 : i32
      %dma_start3A_9 = arith.constant 0 : i32
      %dma_start3A_10 = tpu.memref_slice %arg4[%add3A, %dma_start3A, %dma_start3A_9] : memref<32x40x128xi32, #tpu.memory_space<hbm>> -> memref<1x40x128xi32, #tpu.memory_space<hbm>>
      %dma_start3A_11 = tpu.memref_squeeze %dma_start3A_10 : memref<1x40x128xi32, #tpu.memory_space<hbm>> -> memref<40x128xi32, #tpu.memory_space<hbm>>
      %dma_start3A_12 = arith.constant 0 : i32
      %dma_start3A_13 = arith.constant 0 : i32
      %dma_start3A_14 = tpu.memref_slice %arg4[%add3A, %dma_start3A_12, %dma_start3A_13] : memref<32x40x128xi32, #tpu.memory_space<hbm>> -> memref<1x40x128xi32, #tpu.memory_space<hbm>>
      %dma_start3A_15 = tpu.memref_squeeze %dma_start3A_14 : memref<1x40x128xi32, #tpu.memory_space<hbm>> -> memref<40x128xi32, #tpu.memory_space<hbm>>
      tpu.enqueue_dma source(%dma_start3A_15 : memref<40x128xi32, #tpu.memory_space<hbm>>) target(%arg8 : memref<40x128xi32, #tpu.memory_space<vmem>>) target_semaphore(%run_scoped3A : memref<!tpu.dma_semaphore, #tpu.memory_space<semaphore_mem>>)
      %dma_wait3A = arith.constant 0 : i32
      %dma_wait3A_16 = arith.constant 0 : i32
      %dma_wait3A_17 = tpu.memref_slice %arg4[%add3A, %dma_wait3A, %dma_wait3A_16] : memref<32x40x128xi32, #tpu.memory_space<hbm>> -> memref<1x40x128xi32, #tpu.memory_space<hbm>>
      %dma_wait3A_18 = tpu.memref_squeeze %dma_wait3A_17 : memref<1x40x128xi32, #tpu.memory_space<hbm>> -> memref<40x128xi32, #tpu.memory_space<hbm>>
      %dma_wait3A_19 = arith.constant 0 : i32
      %dma_wait3A_20 = arith.constant 0 : i32
      %dma_wait3A_21 = tpu.memref_slice %arg4[%add3A, %dma_wait3A_19, %dma_wait3A_20] : memref<32x40x128xi32, #tpu.memory_space<hbm>> -> memref<1x40x128xi32, #tpu.memory_space<hbm>>
      %dma_wait3A_22 = tpu.memref_squeeze %dma_wait3A_21 : memref<1x40x128xi32, #tpu.memory_space<hbm>> -> memref<40x128xi32, #tpu.memory_space<hbm>>
      tpu.wait_dma2 semaphore(%run_scoped3A : memref<!tpu.dma_semaphore, #tpu.memory_space<semaphore_mem>>) src(%dma_wait3A_22 : memref<40x128xi32, #tpu.memory_space<hbm>>) dst(%arg8 : memref<40x128xi32, #tpu.memory_space<vmem>>)
      tpu.yield
    }) : () -> ()
    "tpu.region"() ({
      %run_scoped3A = tpu.sem_alloc : memref<!tpu.dma_semaphore, #tpu.memory_space<semaphore_mem>>
      %dma_start3A = arith.constant 0 : i32
      %dma_start3A_9 = arith.constant 0 : i32
      %dma_start3A_10 = tpu.memref_slice %arg5[%add3A, %dma_start3A, %dma_start3A_9] : memref<32x40x128xi32, #tpu.memory_space<hbm>> -> memref<1x40x128xi32, #tpu.memory_space<hbm>>
      %dma_start3A_11 = tpu.memref_squeeze %dma_start3A_10 : memref<1x40x128xi32, #tpu.memory_space<hbm>> -> memref<40x128xi32, #tpu.memory_space<hbm>>
      %dma_start3A_12 = arith.constant 0 : i32
      %dma_start3A_13 = arith.constant 0 : i32
      %dma_start3A_14 = tpu.memref_slice %arg5[%add3A, %dma_start3A_12, %dma_start3A_13] : memref<32x40x128xi32, #tpu.memory_space<hbm>> -> memref<1x40x128xi32, #tpu.memory_space<hbm>>
      %dma_start3A_15 = tpu.memref_squeeze %dma_start3A_14 : memref<1x40x128xi32, #tpu.memory_space<hbm>> -> memref<40x128xi32, #tpu.memory_space<hbm>>
      tpu.enqueue_dma source(%dma_start3A_15 : memref<40x128xi32, #tpu.memory_space<hbm>>) target(%arg9 : memref<40x128xi32, #tpu.memory_space<vmem>>) target_semaphore(%run_scoped3A : memref<!tpu.dma_semaphore, #tpu.memory_space<semaphore_mem>>)
      %dma_wait3A = arith.constant 0 : i32
      %dma_wait3A_16 = arith.constant 0 : i32
      %dma_wait3A_17 = tpu.memref_slice %arg5[%add3A, %dma_wait3A, %dma_wait3A_16] : memref<32x40x128xi32, #tpu.memory_space<hbm>> -> memref<1x40x128xi32, #tpu.memory_space<hbm>>
      %dma_wait3A_18 = tpu.memref_squeeze %dma_wait3A_17 : memref<1x40x128xi32, #tpu.memory_space<hbm>> -> memref<40x128xi32, #tpu.memory_space<hbm>>
      %dma_wait3A_19 = arith.constant 0 : i32
      %dma_wait3A_20 = arith.constant 0 : i32
      %dma_wait3A_21 = tpu.memref_slice %arg5[%add3A, %dma_wait3A_19, %dma_wait3A_20] : memref<32x40x128xi32, #tpu.memory_space<hbm>> -> memref<1x40x128xi32, #tpu.memory_space<hbm>>
      %dma_wait3A_22 = tpu.memref_squeeze %dma_wait3A_21 : memref<1x40x128xi32, #tpu.memory_space<hbm>> -> memref<40x128xi32, #tpu.memory_space<hbm>>
      tpu.wait_dma2 semaphore(%run_scoped3A : memref<!tpu.dma_semaphore, #tpu.memory_space<semaphore_mem>>) src(%dma_wait3A_22 : memref<40x128xi32, #tpu.memory_space<hbm>>) dst(%arg9 : memref<40x128xi32, #tpu.memory_space<vmem>>)
      tpu.yield
    }) : () -> ()
    %mul3A_1 = arith.constant 640 : i32
    %mul3A_2 = arith.muli %arg1, %mul3A_1 : i32
    "tpu.region"() ({
      %run_scoped3A = tpu.sem_alloc : memref<!tpu.dma_semaphore, #tpu.memory_space<semaphore_mem>>
      %dma_start3A = arith.constant 0 : i32
      %dma_start3A_9 = tpu.memref_slice %arg12[%mul3A_2, %dma_start3A] : memref<10240x128xf32, #tpu.memory_space<vmem_shared>> -> memref<640x128xf32, #tpu.memory_space<vmem_shared>>
      %dma_start3A_10 = arith.constant 0 : i32
      %dma_start3A_11 = tpu.memref_slice %arg6[%mul3A_2, %dma_start3A_10] : memref<10240x128xf32, #tpu.memory_space<hbm>> -> memref<640x128xf32, #tpu.memory_space<hbm>>
      tpu.enqueue_dma source(%dma_start3A_11 : memref<640x128xf32, #tpu.memory_space<hbm>>) target(%dma_start3A_9 : memref<640x128xf32, #tpu.memory_space<vmem_shared>>) target_semaphore(%run_scoped3A : memref<!tpu.dma_semaphore, #tpu.memory_space<semaphore_mem>>)
      %dma_wait3A = arith.constant 0 : i32
      %dma_wait3A_12 = tpu.memref_slice %arg12[%mul3A_2, %dma_wait3A] : memref<10240x128xf32, #tpu.memory_space<vmem_shared>> -> memref<640x128xf32, #tpu.memory_space<vmem_shared>>
      %dma_wait3A_13 = arith.constant 0 : i32
      %dma_wait3A_14 = tpu.memref_slice %arg6[%mul3A_2, %dma_wait3A_13] : memref<10240x128xf32, #tpu.memory_space<hbm>> -> memref<640x128xf32, #tpu.memory_space<hbm>>
      tpu.wait_dma2 semaphore(%run_scoped3A : memref<!tpu.dma_semaphore, #tpu.memory_space<semaphore_mem>>) src(%dma_wait3A_14 : memref<640x128xf32, #tpu.memory_space<hbm>>) dst(%dma_wait3A_12 : memref<640x128xf32, #tpu.memory_space<vmem_shared>>)
      tpu.yield
    }) : () -> ()
    %barrier3A = arith.constant 0 : index
    tpu.barrier barrier_id(%barrier3A)
    %scan3A = arith.constant 0 : i32
    %scan3A_3 = arith.constant 0 : i32
    %scan3A_4 = arith.constant 40 : i32
    %scan3A_5 = arith.addi %scan3A_3, %scan3A_4 : i32
    %scan3A_6 = arith.constant 1 : i32
    scf.for %scan3A_9 = %scan3A_3 to %scan3A_5 step %scan3A_6  : i32 {
      %dma_start3A = arith.constant 0 : i32
      %dma_start3A_10 = tpu.memref_slice %arg8[%scan3A_9, %dma_start3A] : memref<40x128xi32, #tpu.memory_space<vmem>> -> memref<1x128xi32, #tpu.memory_space<vmem>>
      %dma_start3A_11 = tpu.memref_squeeze %dma_start3A_10 : memref<1x128xi32, #tpu.memory_space<vmem>> -> memref<128xi32, #tpu.memory_space<vmem>>
      %dma_start3A_12 = arith.constant 0 : i32
      %dma_start3A_13 = arith.constant 0 : i32
      %dma_start3A_14 = tpu.memref_slice %arg2[%dma_start3A_12, %dma_start3A_13] : memref<10240x128xf32, #tpu.memory_space<hbm>> -> memref<10240x128xf32, #tpu.memory_space<hbm>>
      tpu.enqueue_indirect_dma source(%dma_start3A_14 : memref<10240x128xf32, #tpu.memory_space<hbm>>) target(%arg10 : memref<128x128xf32, #tpu.memory_space<vmem>>) offsets(%dma_start3A_11 : memref<128xi32, #tpu.memory_space<vmem>>) semaphore(%arg13 : memref<!tpu.dma_semaphore, #tpu.memory_space<semaphore_mem>>)
      %dma_start3A_15 = arith.constant 0 : i32
      %dma_start3A_16 = tpu.memref_slice %arg9[%scan3A_9, %dma_start3A_15] : memref<40x128xi32, #tpu.memory_space<vmem>> -> memref<1x128xi32, #tpu.memory_space<vmem>>
      %dma_start3A_17 = tpu.memref_squeeze %dma_start3A_16 : memref<1x128xi32, #tpu.memory_space<vmem>> -> memref<128xi32, #tpu.memory_space<vmem>>
      %dma_start3A_18 = arith.constant 0 : i32
      %dma_start3A_19 = arith.constant 0 : i32
      %dma_start3A_20 = tpu.memref_slice %arg3[%dma_start3A_18, %dma_start3A_19] : memref<10240x128xf32, #tpu.memory_space<hbm>> -> memref<10240x128xf32, #tpu.memory_space<hbm>>
      tpu.enqueue_indirect_dma source(%dma_start3A_20 : memref<10240x128xf32, #tpu.memory_space<hbm>>) target(%arg11 : memref<128x128xf32, #tpu.memory_space<vmem>>) offsets(%dma_start3A_17 : memref<128xi32, #tpu.memory_space<vmem>>) semaphore(%arg14 : memref<!tpu.dma_semaphore, #tpu.memory_space<semaphore_mem>>)
      %dma_wait3A = arith.constant 0 : i32
      %dma_wait3A_21 = tpu.memref_slice %arg8[%scan3A_9, %dma_wait3A] : memref<40x128xi32, #tpu.memory_space<vmem>> -> memref<1x128xi32, #tpu.memory_space<vmem>>
      %dma_wait3A_22 = tpu.memref_squeeze %dma_wait3A_21 : memref<1x128xi32, #tpu.memory_space<vmem>> -> memref<128xi32, #tpu.memory_space<vmem>>
      %dma_wait3A_23 = arith.constant 0 : i32
      %dma_wait3A_24 = arith.constant 0 : i32
      %dma_wait3A_25 = tpu.memref_slice %arg2[%dma_wait3A_23, %dma_wait3A_24] : memref<10240x128xf32, #tpu.memory_space<hbm>> -> memref<10240x128xf32, #tpu.memory_space<hbm>>
      tpu.wait_indirect_dma semaphore(%arg13 : memref<!tpu.dma_semaphore, #tpu.memory_space<semaphore_mem>>) src(%dma_wait3A_25 : memref<10240x128xf32, #tpu.memory_space<hbm>>) dst(%arg10 : memref<128x128xf32, #tpu.memory_space<vmem>>)
      %dma_wait3A_26 = arith.constant 0 : i32
      %dma_wait3A_27 = tpu.memref_slice %arg9[%scan3A_9, %dma_wait3A_26] : memref<40x128xi32, #tpu.memory_space<vmem>> -> memref<1x128xi32, #tpu.memory_space<vmem>>
      %dma_wait3A_28 = tpu.memref_squeeze %dma_wait3A_27 : memref<1x128xi32, #tpu.memory_space<vmem>> -> memref<128xi32, #tpu.memory_space<vmem>>
      %dma_wait3A_29 = arith.constant 0 : i32
      %dma_wait3A_30 = arith.constant 0 : i32
      %dma_wait3A_31 = tpu.memref_slice %arg3[%dma_wait3A_29, %dma_wait3A_30] : memref<10240x128xf32, #tpu.memory_space<hbm>> -> memref<10240x128xf32, #tpu.memory_space<hbm>>
      tpu.wait_indirect_dma semaphore(%arg14 : memref<!tpu.dma_semaphore, #tpu.memory_space<semaphore_mem>>) src(%dma_wait3A_31 : memref<10240x128xf32, #tpu.memory_space<hbm>>) dst(%arg11 : memref<128x128xf32, #tpu.memory_space<vmem>>)
      %scan3A_32 = arith.constant 0 : i32
      %scan3A_33 = arith.constant 0 : i32
      %scan3A_34 = arith.constant 128 : i32
      %scan3A_35 = arith.addi %scan3A_33, %scan3A_34 : i32
      %scan3A_36 = arith.constant 1 : i32
      scf.for %scan3A_38 = %scan3A_33 to %scan3A_35 step %scan3A_36  : i32 {
        %get3A = arith.index_cast %scan3A_38 : i32 to index
        %get3A_39 = arith.constant 0 : index
        %get3A_40 = tpu.vector_load %arg10[%get3A, %get3A_39] {strides = array<i32>} : memref<128x128xf32, #tpu.memory_space<vmem>>, vector<1x16xf32>,
        %get3A_41 = vector.shape_cast %get3A_40 : vector<1x16xf32> to vector<16xf32>
        %get3A_42 = arith.index_cast %scan3A_38 : i32 to index
        %get3A_43 = arith.constant 0 : index
        %get3A_44 = tpu.vector_load %arg11[%get3A_42, %get3A_43] {strides = array<i32>} : memref<128x128xf32, #tpu.memory_space<vmem>>, vector<1x16xf32>,
        %get3A_45 = vector.shape_cast %get3A_44 : vector<1x16xf32> to vector<16xf32>
        %add3A_46 = arith.addf %get3A_41, %get3A_45 : vector<16xf32>
        %max3A = arith.constant 0.000000e+00 : f32
        %max3A_47 = vector.broadcast %max3A : f32 to vector<16xf32>
        %max3A_48 = arith.maximumf %add3A_46, %max3A_47 : vector<16xf32>
        %swap3A = arith.index_cast %scan3A_38 : i32 to index
        %swap3A_49 = arith.constant 0 : index
        %swap3A_50 = tpu.vector_load %arg10[%swap3A, %swap3A_49] {strides = array<i32>} : memref<128x128xf32, #tpu.memory_space<vmem>>, vector<1x16xf32>,
        %swap3A_51 = vector.shape_cast %swap3A_50 : vector<1x16xf32> to vector<16xf32>
        %swap3A_52 = vector.shape_cast %max3A_48 : vector<16xf32> to vector<1x16xf32>
        tpu.vector_store %arg10[%swap3A, %swap3A_49], %swap3A_52 {strides = array<i32>} : memref<128x128xf32, #tpu.memory_space<vmem>>, vector<1x16xf32>,
        %get3A_53 = arith.index_cast %scan3A_38 : i32 to index
        %get3A_54 = arith.constant 16 : index
        %get3A_55 = tpu.vector_load %arg10[%get3A_53, %get3A_54] {strides = array<i32>} : memref<128x128xf32, #tpu.memory_space<vmem>>, vector<1x16xf32>,
        %get3A_56 = vector.shape_cast %get3A_55 : vector<1x16xf32> to vector<16xf32>
        %get3A_57 = arith.index_cast %scan3A_38 : i32 to index
        %get3A_58 = arith.constant 16 : index
        %get3A_59 = tpu.vector_load %arg11[%get3A_57, %get3A_58] {strides = array<i32>} : memref<128x128xf32, #tpu.memory_space<vmem>>, vector<1x16xf32>,
        %get3A_60 = vector.shape_cast %get3A_59 : vector<1x16xf32> to vector<16xf32>
        %add3A_61 = arith.addf %get3A_56, %get3A_60 : vector<16xf32>
        %max3A_62 = arith.constant 0.000000e+00 : f32
        %max3A_63 = vector.broadcast %max3A_62 : f32 to vector<16xf32>
        %max3A_64 = arith.maximumf %add3A_61, %max3A_63 : vector<16xf32>
        %swap3A_65 = arith.index_cast %scan3A_38 : i32 to index
        %swap3A_66 = arith.constant 16 : index
        %swap3A_67 = tpu.vector_load %arg10[%swap3A_65, %swap3A_66] {strides = array<i32>} : memref<128x128xf32, #tpu.memory_space<vmem>>, vector<1x16xf32>,
        %swap3A_68 = vector.shape_cast %swap3A_67 : vector<1x16xf32> to vector<16xf32>
        %swap3A_69 = vector.shape_cast %max3A_64 : vector<16xf32> to vector<1x16xf32>
        tpu.vector_store %arg10[%swap3A_65, %swap3A_66], %swap3A_69 {strides = array<i32>} : memref<128x128xf32, #tpu.memory_space<vmem>>, vector<1x16xf32>,
        %get3A_70 = arith.index_cast %scan3A_38 : i32 to index
        %get3A_71 = arith.constant 32 : index
        %get3A_72 = tpu.vector_load %arg10[%get3A_70, %get3A_71] {strides = array<i32>} : memref<128x128xf32, #tpu.memory_space<vmem>>, vector<1x16xf32>,
        %get3A_73 = vector.shape_cast %get3A_72 : vector<1x16xf32> to vector<16xf32>
        %get3A_74 = arith.index_cast %scan3A_38 : i32 to index
        %get3A_75 = arith.constant 32 : index
        %get3A_76 = tpu.vector_load %arg11[%get3A_74, %get3A_75] {strides = array<i32>} : memref<128x128xf32, #tpu.memory_space<vmem>>, vector<1x16xf32>,
        %get3A_77 = vector.shape_cast %get3A_76 : vector<1x16xf32> to vector<16xf32>
        %add3A_78 = arith.addf %get3A_73, %get3A_77 : vector<16xf32>
        %max3A_79 = arith.constant 0.000000e+00 : f32
        %max3A_80 = vector.broadcast %max3A_79 : f32 to vector<16xf32>
        %max3A_81 = arith.maximumf %add3A_78, %max3A_80 : vector<16xf32>
        %swap3A_82 = arith.index_cast %scan3A_38 : i32 to index
        %swap3A_83 = arith.constant 32 : index
        %swap3A_84 = tpu.vector_load %arg10[%swap3A_82, %swap3A_83] {strides = array<i32>} : memref<128x128xf32, #tpu.memory_space<vmem>>, vector<1x16xf32>,
        %swap3A_85 = vector.shape_cast %swap3A_84 : vector<1x16xf32> to vector<16xf32>
        %swap3A_86 = vector.shape_cast %max3A_81 : vector<16xf32> to vector<1x16xf32>
        tpu.vector_store %arg10[%swap3A_82, %swap3A_83], %swap3A_86 {strides = array<i32>} : memref<128x128xf32, #tpu.memory_space<vmem>>, vector<1x16xf32>,
        %get3A_87 = arith.index_cast %scan3A_38 : i32 to index
        %get3A_88 = arith.constant 48 : index
        %get3A_89 = tpu.vector_load %arg10[%get3A_87, %get3A_88] {strides = array<i32>} : memref<128x128xf32, #tpu.memory_space<vmem>>, vector<1x16xf32>,
        %get3A_90 = vector.shape_cast %get3A_89 : vector<1x16xf32> to vector<16xf32>
        %get3A_91 = arith.index_cast %scan3A_38 : i32 to index
        %get3A_92 = arith.constant 48 : index
        %get3A_93 = tpu.vector_load %arg11[%get3A_91, %get3A_92] {strides = array<i32>} : memref<128x128xf32, #tpu.memory_space<vmem>>, vector<1x16xf32>,
        %get3A_94 = vector.shape_cast %get3A_93 : vector<1x16xf32> to vector<16xf32>
        %add3A_95 = arith.addf %get3A_90, %get3A_94 : vector<16xf32>
        %max3A_96 = arith.constant 0.000000e+00 : f32
        %max3A_97 = vector.broadcast %max3A_96 : f32 to vector<16xf32>
        %max3A_98 = arith.maximumf %add3A_95, %max3A_97 : vector<16xf32>
        %swap3A_99 = arith.index_cast %scan3A_38 : i32 to index
        %swap3A_100 = arith.constant 48 : index
        %swap3A_101 = tpu.vector_load %arg10[%swap3A_99, %swap3A_100] {strides = array<i32>} : memref<128x128xf32, #tpu.memory_space<vmem>>, vector<1x16xf32>,
        %swap3A_102 = vector.shape_cast %swap3A_101 : vector<1x16xf32> to vector<16xf32>
        %swap3A_103 = vector.shape_cast %max3A_98 : vector<16xf32> to vector<1x16xf32>
        tpu.vector_store %arg10[%swap3A_99, %swap3A_100], %swap3A_103 {strides = array<i32>} : memref<128x128xf32, #tpu.memory_space<vmem>>, vector<1x16xf32>,
        %get3A_104 = arith.index_cast %scan3A_38 : i32 to index
        %get3A_105 = arith.constant 64 : index
        %get3A_106 = tpu.vector_load %arg10[%get3A_104, %get3A_105] {strides = array<i32>} : memref<128x128xf32, #tpu.memory_space<vmem>>, vector<1x16xf32>,
        %get3A_107 = vector.shape_cast %get3A_106 : vector<1x16xf32> to vector<16xf32>
        %get3A_108 = arith.index_cast %scan3A_38 : i32 to index
        %get3A_109 = arith.constant 64 : index
        %get3A_110 = tpu.vector_load %arg11[%get3A_108, %get3A_109] {strides = array<i32>} : memref<128x128xf32, #tpu.memory_space<vmem>>, vector<1x16xf32>,
        %get3A_111 = vector.shape_cast %get3A_110 : vector<1x16xf32> to vector<16xf32>
        %add3A_112 = arith.addf %get3A_107, %get3A_111 : vector<16xf32>
        %max3A_113 = arith.constant 0.000000e+00 : f32
        %max3A_114 = vector.broadcast %max3A_113 : f32 to vector<16xf32>
        %max3A_115 = arith.maximumf %add3A_112, %max3A_114 : vector<16xf32>
        %swap3A_116 = arith.index_cast %scan3A_38 : i32 to index
        %swap3A_117 = arith.constant 64 : index
        %swap3A_118 = tpu.vector_load %arg10[%swap3A_116, %swap3A_117] {strides = array<i32>} : memref<128x128xf32, #tpu.memory_space<vmem>>, vector<1x16xf32>,
        %swap3A_119 = vector.shape_cast %swap3A_118 : vector<1x16xf32> to vector<16xf32>
        %swap3A_120 = vector.shape_cast %max3A_115 : vector<16xf32> to vector<1x16xf32>
        tpu.vector_store %arg10[%swap3A_116, %swap3A_117], %swap3A_120 {strides = array<i32>} : memref<128x128xf32, #tpu.memory_space<vmem>>, vector<1x16xf32>,
        %get3A_121 = arith.index_cast %scan3A_38 : i32 to index
        %get3A_122 = arith.constant 80 : index
        %get3A_123 = tpu.vector_load %arg10[%get3A_121, %get3A_122] {strides = array<i32>} : memref<128x128xf32, #tpu.memory_space<vmem>>, vector<1x16xf32>,
        %get3A_124 = vector.shape_cast %get3A_123 : vector<1x16xf32> to vector<16xf32>
        %get3A_125 = arith.index_cast %scan3A_38 : i32 to index
        %get3A_126 = arith.constant 80 : index
        %get3A_127 = tpu.vector_load %arg11[%get3A_125, %get3A_126] {strides = array<i32>} : memref<128x128xf32, #tpu.memory_space<vmem>>, vector<1x16xf32>,
        %get3A_128 = vector.shape_cast %get3A_127 : vector<1x16xf32> to vector<16xf32>
        %add3A_129 = arith.addf %get3A_124, %get3A_128 : vector<16xf32>
        %max3A_130 = arith.constant 0.000000e+00 : f32
        %max3A_131 = vector.broadcast %max3A_130 : f32 to vector<16xf32>
        %max3A_132 = arith.maximumf %add3A_129, %max3A_131 : vector<16xf32>
        %swap3A_133 = arith.index_cast %scan3A_38 : i32 to index
        %swap3A_134 = arith.constant 80 : index
        %swap3A_135 = tpu.vector_load %arg10[%swap3A_133, %swap3A_134] {strides = array<i32>} : memref<128x128xf32, #tpu.memory_space<vmem>>, vector<1x16xf32>,
        %swap3A_136 = vector.shape_cast %swap3A_135 : vector<1x16xf32> to vector<16xf32>
        %swap3A_137 = vector.shape_cast %max3A_132 : vector<16xf32> to vector<1x16xf32>
        tpu.vector_store %arg10[%swap3A_133, %swap3A_134], %swap3A_137 {strides = array<i32>} : memref<128x128xf32, #tpu.memory_space<vmem>>, vector<1x16xf32>,
        %get3A_138 = arith.index_cast %scan3A_38 : i32 to index
        %get3A_139 = arith.constant 96 : index
        %get3A_140 = tpu.vector_load %arg10[%get3A_138, %get3A_139] {strides = array<i32>} : memref<128x128xf32, #tpu.memory_space<vmem>>, vector<1x16xf32>,
        %get3A_141 = vector.shape_cast %get3A_140 : vector<1x16xf32> to vector<16xf32>
        %get3A_142 = arith.index_cast %scan3A_38 : i32 to index
        %get3A_143 = arith.constant 96 : index
        %get3A_144 = tpu.vector_load %arg11[%get3A_142, %get3A_143] {strides = array<i32>} : memref<128x128xf32, #tpu.memory_space<vmem>>, vector<1x16xf32>,
        %get3A_145 = vector.shape_cast %get3A_144 : vector<1x16xf32> to vector<16xf32>
        %add3A_146 = arith.addf %get3A_141, %get3A_145 : vector<16xf32>
        %max3A_147 = arith.constant 0.000000e+00 : f32
        %max3A_148 = vector.broadcast %max3A_147 : f32 to vector<16xf32>
        %max3A_149 = arith.maximumf %add3A_146, %max3A_148 : vector<16xf32>
        %swap3A_150 = arith.index_cast %scan3A_38 : i32 to index
        %swap3A_151 = arith.constant 96 : index
        %swap3A_152 = tpu.vector_load %arg10[%swap3A_150, %swap3A_151] {strides = array<i32>} : memref<128x128xf32, #tpu.memory_space<vmem>>, vector<1x16xf32>,
        %swap3A_153 = vector.shape_cast %swap3A_152 : vector<1x16xf32> to vector<16xf32>
        %swap3A_154 = vector.shape_cast %max3A_149 : vector<16xf32> to vector<1x16xf32>
        tpu.vector_store %arg10[%swap3A_150, %swap3A_151], %swap3A_154 {strides = array<i32>} : memref<128x128xf32, #tpu.memory_space<vmem>>, vector<1x16xf32>,
        %get3A_155 = arith.index_cast %scan3A_38 : i32 to index
        %get3A_156 = arith.constant 112 : index
        %get3A_157 = tpu.vector_load %arg10[%get3A_155, %get3A_156] {strides = array<i32>} : memref<128x128xf32, #tpu.memory_space<vmem>>, vector<1x16xf32>,
        %get3A_158 = vector.shape_cast %get3A_157 : vector<1x16xf32> to vector<16xf32>
        %get3A_159 = arith.index_cast %scan3A_38 : i32 to index
        %get3A_160 = arith.constant 112 : index
        %get3A_161 = tpu.vector_load %arg11[%get3A_159, %get3A_160] {strides = array<i32>} : memref<128x128xf32, #tpu.memory_space<vmem>>, vector<1x16xf32>,
        %get3A_162 = vector.shape_cast %get3A_161 : vector<1x16xf32> to vector<16xf32>
        %add3A_163 = arith.addf %get3A_158, %get3A_162 : vector<16xf32>
        %max3A_164 = arith.constant 0.000000e+00 : f32
        %max3A_165 = vector.broadcast %max3A_164 : f32 to vector<16xf32>
        %max3A_166 = arith.maximumf %add3A_163, %max3A_165 : vector<16xf32>
        %swap3A_167 = arith.index_cast %scan3A_38 : i32 to index
        %swap3A_168 = arith.constant 112 : index
        %swap3A_169 = tpu.vector_load %arg10[%swap3A_167, %swap3A_168] {strides = array<i32>} : memref<128x128xf32, #tpu.memory_space<vmem>>, vector<1x16xf32>,
        %swap3A_170 = vector.shape_cast %swap3A_169 : vector<1x16xf32> to vector<16xf32>
        %swap3A_171 = vector.shape_cast %max3A_166 : vector<16xf32> to vector<1x16xf32>
        tpu.vector_store %arg10[%swap3A_167, %swap3A_168], %swap3A_171 {strides = array<i32>} : memref<128x128xf32, #tpu.memory_space<vmem>>, vector<1x16xf32>,
      }
      %scan3A_37 = arith.constant 128 : i32
      "tpu.region"() ({
        %run_scoped3A = tpu.sem_alloc : memref<!tpu.dma_semaphore, #tpu.memory_space<semaphore_mem>>
        %dma_start3A_38 = arith.constant 0 : i32
        %dma_start3A_39 = tpu.memref_slice %arg9[%scan3A_9, %dma_start3A_38] : memref<40x128xi32, #tpu.memory_space<vmem>> -> memref<1x128xi32, #tpu.memory_space<vmem>>
        %dma_start3A_40 = tpu.memref_squeeze %dma_start3A_39 : memref<1x128xi32, #tpu.memory_space<vmem>> -> memref<128xi32, #tpu.memory_space<vmem>>
        %dma_start3A_41 = arith.constant 0 : i32
        %dma_start3A_42 = arith.constant 0 : i32
        %dma_start3A_43 = tpu.memref_slice %arg12[%dma_start3A_41, %dma_start3A_42] : memref<10240x128xf32, #tpu.memory_space<vmem_shared>> -> memref<10240x128xf32, #tpu.memory_space<vmem_shared>>
        tpu.enqueue_indirect_dma source(%arg10 : memref<128x128xf32, #tpu.memory_space<vmem>>) target(%dma_start3A_43 : memref<10240x128xf32, #tpu.memory_space<vmem_shared>>) offsets(%dma_start3A_40 : memref<128xi32, #tpu.memory_space<vmem>>) semaphore(%run_scoped3A : memref<!tpu.dma_semaphore, #tpu.memory_space<semaphore_mem>>) {add = true}
        %dma_wait3A_44 = arith.constant 0 : i32
        %dma_wait3A_45 = tpu.memref_slice %arg9[%scan3A_9, %dma_wait3A_44] : memref<40x128xi32, #tpu.memory_space<vmem>> -> memref<1x128xi32, #tpu.memory_space<vmem>>
        %dma_wait3A_46 = tpu.memref_squeeze %dma_wait3A_45 : memref<1x128xi32, #tpu.memory_space<vmem>> -> memref<128xi32, #tpu.memory_space<vmem>>
        %dma_wait3A_47 = arith.constant 0 : i32
        %dma_wait3A_48 = arith.constant 0 : i32
        %dma_wait3A_49 = tpu.memref_slice %arg12[%dma_wait3A_47, %dma_wait3A_48] : memref<10240x128xf32, #tpu.memory_space<vmem_shared>> -> memref<10240x128xf32, #tpu.memory_space<vmem_shared>>
        tpu.wait_indirect_dma semaphore(%run_scoped3A : memref<!tpu.dma_semaphore, #tpu.memory_space<semaphore_mem>>) src(%arg10 : memref<128x128xf32, #tpu.memory_space<vmem>>) dst(%dma_wait3A_49 : memref<10240x128xf32, #tpu.memory_space<vmem_shared>>)
        tpu.yield
      }) : () -> ()
    }
    %scan3A_7 = arith.constant 40 : i32
    %barrier3A_8 = arith.constant 0 : index
    tpu.barrier barrier_id(%barrier3A_8)
    "tpu.region"() ({
      %run_scoped3A = tpu.sem_alloc : memref<!tpu.dma_semaphore, #tpu.memory_space<semaphore_mem>>
      %dma_start3A = arith.constant 0 : i32
      %dma_start3A_9 = tpu.memref_slice %arg7[%arg0, %mul3A_2, %dma_start3A] : memref<2x10240x128xf32, #tpu.memory_space<hbm>> -> memref<1x640x128xf32, #tpu.memory_space<hbm>>
      %dma_start3A_10 = tpu.memref_squeeze %dma_start3A_9 : memref<1x640x128xf32, #tpu.memory_space<hbm>> -> memref<640x128xf32, #tpu.memory_space<hbm>>
      %dma_start3A_11 = arith.constant 0 : i32
      %dma_start3A_12 = tpu.memref_slice %arg12[%mul3A_2, %dma_start3A_11] : memref<10240x128xf32, #tpu.memory_space<vmem_shared>> -> memref<640x128xf32, #tpu.memory_space<vmem_shared>>
      tpu.enqueue_dma source(%dma_start3A_12 : memref<640x128xf32, #tpu.memory_space<vmem_shared>>) target(%dma_start3A_10 : memref<640x128xf32, #tpu.memory_space<hbm>>) target_semaphore(%run_scoped3A : memref<!tpu.dma_semaphore, #tpu.memory_space<semaphore_mem>>)
      %dma_wait3A = arith.constant 0 : i32
      %dma_wait3A_13 = tpu.memref_slice %arg7[%arg0, %mul3A_2, %dma_wait3A] : memref<2x10240x128xf32, #tpu.memory_space<hbm>> -> memref<1x640x128xf32, #tpu.memory_space<hbm>>
      %dma_wait3A_14 = tpu.memref_squeeze %dma_wait3A_13 : memref<1x640x128xf32, #tpu.memory_space<hbm>> -> memref<640x128xf32, #tpu.memory_space<hbm>>
      %dma_wait3A_15 = arith.constant 0 : i32
      %dma_wait3A_16 = tpu.memref_slice %arg12[%mul3A_2, %dma_wait3A_15] : memref<10240x128xf32, #tpu.memory_space<vmem_shared>> -> memref<640x128xf32, #tpu.memory_space<vmem_shared>>
      tpu.wait_dma2 semaphore(%run_scoped3A : memref<!tpu.dma_semaphore, #tpu.memory_space<semaphore_mem>>) src(%dma_wait3A_16 : memref<640x128xf32, #tpu.memory_space<vmem_shared>>) dst(%dma_wait3A_14 : memref<640x128xf32, #tpu.memory_space<hbm>>)
      tpu.yield
    }) : () -> ()
    return
  }
}

#map = affine_map<(d0, d1) -> (0, 0)>
#map1 = affine_map<(d0, d1) -> (0, 0, 0)>
module attributes {stable_mosaic.version = 14 : i64} {
  func.func @_sc2_body(%arg0: i32, %arg1: i32, %arg2: memref<10240x128xf32, #tpu.memory_space<hbm>>, %arg3: memref<10240x128xf32, #tpu.memory_space<hbm>>, %arg4: memref<32x40x128xi32, #tpu.memory_space<hbm>>, %arg5: memref<32x40x128xi32, #tpu.memory_space<hbm>>, %arg6: memref<10240x128xf32, #tpu.memory_space<hbm>>, %arg7: memref<32x5120x128xf32, #tpu.memory_space<hbm>>, %arg8: memref<2x10240x128xf32, #tpu.memory_space<hbm>>, %arg9: memref<40x128xi32, #tpu.memory_space<vmem>>, %arg10: memref<40x128xi32, #tpu.memory_space<vmem>>, %arg11: memref<128x128xf32, #tpu.memory_space<vmem>>, %arg12: memref<128x128xf32, #tpu.memory_space<vmem>>, %arg13: memref<10240x128xf32, #tpu.memory_space<vmem_shared>>, %arg14: memref<!tpu.dma_semaphore, #tpu.memory_space<semaphore_mem>>, %arg15: memref<!tpu.dma_semaphore, #tpu.memory_space<semaphore_mem>>, %arg16: memref<!tpu.dma_semaphore, #tpu.memory_space<semaphore_mem>>) attributes {dimension_semantics = [#tpu.dimension_semantics<core_parallel>, #tpu.dimension_semantics<subcore_parallel>], iteration_bounds = array<i64: 2, 16>, scalar_prefetch = 0 : i64, scratch_operands = 8 : i64, tpu.core_type = #tpu.core_type<sc_vector_subcore>, window_params = [{transform_indices = #map}, {transform_indices = #map}, {transform_indices = #map1}, {transform_indices = #map1}, {transform_indices = #map}, {transform_indices = #map1}, {transform_indices = #map1}]} {
    %mul3A = arith.constant 16 : i32
    %mul3A_0 = arith.muli %arg0, %mul3A : i32
    %add3A = arith.addi %mul3A_0, %arg1 : i32
    "tpu.region"() ({
      %run_scoped3A = tpu.sem_alloc : memref<!tpu.dma_semaphore, #tpu.memory_space<semaphore_mem>>
      %dma_start3A = arith.constant 0 : i32
      %dma_start3A_9 = arith.constant 0 : i32
      %dma_start3A_10 = tpu.memref_slice %arg4[%add3A, %dma_start3A, %dma_start3A_9] : memref<32x40x128xi32, #tpu.memory_space<hbm>> -> memref<1x40x128xi32, #tpu.memory_space<hbm>>
      %dma_start3A_11 = tpu.memref_squeeze %dma_start3A_10 : memref<1x40x128xi32, #tpu.memory_space<hbm>> -> memref<40x128xi32, #tpu.memory_space<hbm>>
      %dma_start3A_12 = arith.constant 0 : i32
      %dma_start3A_13 = arith.constant 0 : i32
      %dma_start3A_14 = tpu.memref_slice %arg4[%add3A, %dma_start3A_12, %dma_start3A_13] : memref<32x40x128xi32, #tpu.memory_space<hbm>> -> memref<1x40x128xi32, #tpu.memory_space<hbm>>
      %dma_start3A_15 = tpu.memref_squeeze %dma_start3A_14 : memref<1x40x128xi32, #tpu.memory_space<hbm>> -> memref<40x128xi32, #tpu.memory_space<hbm>>
      tpu.enqueue_dma source(%dma_start3A_15 : memref<40x128xi32, #tpu.memory_space<hbm>>) target(%arg9 : memref<40x128xi32, #tpu.memory_space<vmem>>) target_semaphore(%run_scoped3A : memref<!tpu.dma_semaphore, #tpu.memory_space<semaphore_mem>>)
      %dma_wait3A = arith.constant 0 : i32
      %dma_wait3A_16 = arith.constant 0 : i32
      %dma_wait3A_17 = tpu.memref_slice %arg4[%add3A, %dma_wait3A, %dma_wait3A_16] : memref<32x40x128xi32, #tpu.memory_space<hbm>> -> memref<1x40x128xi32, #tpu.memory_space<hbm>>
      %dma_wait3A_18 = tpu.memref_squeeze %dma_wait3A_17 : memref<1x40x128xi32, #tpu.memory_space<hbm>> -> memref<40x128xi32, #tpu.memory_space<hbm>>
      %dma_wait3A_19 = arith.constant 0 : i32
      %dma_wait3A_20 = arith.constant 0 : i32
      %dma_wait3A_21 = tpu.memref_slice %arg4[%add3A, %dma_wait3A_19, %dma_wait3A_20] : memref<32x40x128xi32, #tpu.memory_space<hbm>> -> memref<1x40x128xi32, #tpu.memory_space<hbm>>
      %dma_wait3A_22 = tpu.memref_squeeze %dma_wait3A_21 : memref<1x40x128xi32, #tpu.memory_space<hbm>> -> memref<40x128xi32, #tpu.memory_space<hbm>>
      tpu.wait_dma2 semaphore(%run_scoped3A : memref<!tpu.dma_semaphore, #tpu.memory_space<semaphore_mem>>) src(%dma_wait3A_22 : memref<40x128xi32, #tpu.memory_space<hbm>>) dst(%arg9 : memref<40x128xi32, #tpu.memory_space<vmem>>)
      tpu.yield
    }) : () -> ()
    "tpu.region"() ({
      %run_scoped3A = tpu.sem_alloc : memref<!tpu.dma_semaphore, #tpu.memory_space<semaphore_mem>>
      %dma_start3A = arith.constant 0 : i32
      %dma_start3A_9 = arith.constant 0 : i32
      %dma_start3A_10 = tpu.memref_slice %arg5[%add3A, %dma_start3A, %dma_start3A_9] : memref<32x40x128xi32, #tpu.memory_space<hbm>> -> memref<1x40x128xi32, #tpu.memory_space<hbm>>
      %dma_start3A_11 = tpu.memref_squeeze %dma_start3A_10 : memref<1x40x128xi32, #tpu.memory_space<hbm>> -> memref<40x128xi32, #tpu.memory_space<hbm>>
      %dma_start3A_12 = arith.constant 0 : i32
      %dma_start3A_13 = arith.constant 0 : i32
      %dma_start3A_14 = tpu.memref_slice %arg5[%add3A, %dma_start3A_12, %dma_start3A_13] : memref<32x40x128xi32, #tpu.memory_space<hbm>> -> memref<1x40x128xi32, #tpu.memory_space<hbm>>
      %dma_start3A_15 = tpu.memref_squeeze %dma_start3A_14 : memref<1x40x128xi32, #tpu.memory_space<hbm>> -> memref<40x128xi32, #tpu.memory_space<hbm>>
      tpu.enqueue_dma source(%dma_start3A_15 : memref<40x128xi32, #tpu.memory_space<hbm>>) target(%arg10 : memref<40x128xi32, #tpu.memory_space<vmem>>) target_semaphore(%run_scoped3A : memref<!tpu.dma_semaphore, #tpu.memory_space<semaphore_mem>>)
      %dma_wait3A = arith.constant 0 : i32
      %dma_wait3A_16 = arith.constant 0 : i32
      %dma_wait3A_17 = tpu.memref_slice %arg5[%add3A, %dma_wait3A, %dma_wait3A_16] : memref<32x40x128xi32, #tpu.memory_space<hbm>> -> memref<1x40x128xi32, #tpu.memory_space<hbm>>
      %dma_wait3A_18 = tpu.memref_squeeze %dma_wait3A_17 : memref<1x40x128xi32, #tpu.memory_space<hbm>> -> memref<40x128xi32, #tpu.memory_space<hbm>>
      %dma_wait3A_19 = arith.constant 0 : i32
      %dma_wait3A_20 = arith.constant 0 : i32
      %dma_wait3A_21 = tpu.memref_slice %arg5[%add3A, %dma_wait3A_19, %dma_wait3A_20] : memref<32x40x128xi32, #tpu.memory_space<hbm>> -> memref<1x40x128xi32, #tpu.memory_space<hbm>>
      %dma_wait3A_22 = tpu.memref_squeeze %dma_wait3A_21 : memref<1x40x128xi32, #tpu.memory_space<hbm>> -> memref<40x128xi32, #tpu.memory_space<hbm>>
      tpu.wait_dma2 semaphore(%run_scoped3A : memref<!tpu.dma_semaphore, #tpu.memory_space<semaphore_mem>>) src(%dma_wait3A_22 : memref<40x128xi32, #tpu.memory_space<hbm>>) dst(%arg10 : memref<40x128xi32, #tpu.memory_space<vmem>>)
      tpu.yield
    }) : () -> ()
    %mul3A_1 = arith.constant 640 : i32
    %mul3A_2 = arith.muli %arg1, %mul3A_1 : i32
    "tpu.region"() ({
      %run_scoped3A = tpu.sem_alloc : memref<!tpu.dma_semaphore, #tpu.memory_space<semaphore_mem>>
      %dma_start3A = arith.constant 0 : i32
      %dma_start3A_9 = tpu.memref_slice %arg13[%mul3A_2, %dma_start3A] : memref<10240x128xf32, #tpu.memory_space<vmem_shared>> -> memref<640x128xf32, #tpu.memory_space<vmem_shared>>
      %dma_start3A_10 = arith.constant 0 : i32
      %dma_start3A_11 = tpu.memref_slice %arg6[%mul3A_2, %dma_start3A_10] : memref<10240x128xf32, #tpu.memory_space<hbm>> -> memref<640x128xf32, #tpu.memory_space<hbm>>
      tpu.enqueue_dma source(%dma_start3A_11 : memref<640x128xf32, #tpu.memory_space<hbm>>) target(%dma_start3A_9 : memref<640x128xf32, #tpu.memory_space<vmem_shared>>) target_semaphore(%run_scoped3A : memref<!tpu.dma_semaphore, #tpu.memory_space<semaphore_mem>>)
      %dma_wait3A = arith.constant 0 : i32
      %dma_wait3A_12 = tpu.memref_slice %arg13[%mul3A_2, %dma_wait3A] : memref<10240x128xf32, #tpu.memory_space<vmem_shared>> -> memref<640x128xf32, #tpu.memory_space<vmem_shared>>
      %dma_wait3A_13 = arith.constant 0 : i32
      %dma_wait3A_14 = tpu.memref_slice %arg6[%mul3A_2, %dma_wait3A_13] : memref<10240x128xf32, #tpu.memory_space<hbm>> -> memref<640x128xf32, #tpu.memory_space<hbm>>
      tpu.wait_dma2 semaphore(%run_scoped3A : memref<!tpu.dma_semaphore, #tpu.memory_space<semaphore_mem>>) src(%dma_wait3A_14 : memref<640x128xf32, #tpu.memory_space<hbm>>) dst(%dma_wait3A_12 : memref<640x128xf32, #tpu.memory_space<vmem_shared>>)
      tpu.yield
    }) : () -> ()
    %barrier3A = arith.constant 0 : index
    tpu.barrier barrier_id(%barrier3A)
    %scan3A = arith.constant 0 : i32
    %scan3A_3 = arith.constant 0 : i32
    %scan3A_4 = arith.constant 40 : i32
    %scan3A_5 = arith.addi %scan3A_3, %scan3A_4 : i32
    %scan3A_6 = arith.constant 1 : i32
    scf.for %scan3A_9 = %scan3A_3 to %scan3A_5 step %scan3A_6  : i32 {
      %dma_start3A = arith.constant 0 : i32
      %dma_start3A_10 = tpu.memref_slice %arg9[%scan3A_9, %dma_start3A] : memref<40x128xi32, #tpu.memory_space<vmem>> -> memref<1x128xi32, #tpu.memory_space<vmem>>
      %dma_start3A_11 = tpu.memref_squeeze %dma_start3A_10 : memref<1x128xi32, #tpu.memory_space<vmem>> -> memref<128xi32, #tpu.memory_space<vmem>>
      %dma_start3A_12 = arith.constant 0 : i32
      %dma_start3A_13 = arith.constant 0 : i32
      %dma_start3A_14 = tpu.memref_slice %arg2[%dma_start3A_12, %dma_start3A_13] : memref<10240x128xf32, #tpu.memory_space<hbm>> -> memref<10240x128xf32, #tpu.memory_space<hbm>>
      tpu.enqueue_indirect_dma source(%dma_start3A_14 : memref<10240x128xf32, #tpu.memory_space<hbm>>) target(%arg11 : memref<128x128xf32, #tpu.memory_space<vmem>>) offsets(%dma_start3A_11 : memref<128xi32, #tpu.memory_space<vmem>>) semaphore(%arg14 : memref<!tpu.dma_semaphore, #tpu.memory_space<semaphore_mem>>)
      %dma_start3A_15 = arith.constant 0 : i32
      %dma_start3A_16 = tpu.memref_slice %arg10[%scan3A_9, %dma_start3A_15] : memref<40x128xi32, #tpu.memory_space<vmem>> -> memref<1x128xi32, #tpu.memory_space<vmem>>
      %dma_start3A_17 = tpu.memref_squeeze %dma_start3A_16 : memref<1x128xi32, #tpu.memory_space<vmem>> -> memref<128xi32, #tpu.memory_space<vmem>>
      %dma_start3A_18 = arith.constant 0 : i32
      %dma_start3A_19 = arith.constant 0 : i32
      %dma_start3A_20 = tpu.memref_slice %arg3[%dma_start3A_18, %dma_start3A_19] : memref<10240x128xf32, #tpu.memory_space<hbm>> -> memref<10240x128xf32, #tpu.memory_space<hbm>>
      tpu.enqueue_indirect_dma source(%dma_start3A_20 : memref<10240x128xf32, #tpu.memory_space<hbm>>) target(%arg12 : memref<128x128xf32, #tpu.memory_space<vmem>>) offsets(%dma_start3A_17 : memref<128xi32, #tpu.memory_space<vmem>>) semaphore(%arg15 : memref<!tpu.dma_semaphore, #tpu.memory_space<semaphore_mem>>)
      %dma_wait3A = arith.constant 0 : i32
      %dma_wait3A_21 = tpu.memref_slice %arg9[%scan3A_9, %dma_wait3A] : memref<40x128xi32, #tpu.memory_space<vmem>> -> memref<1x128xi32, #tpu.memory_space<vmem>>
      %dma_wait3A_22 = tpu.memref_squeeze %dma_wait3A_21 : memref<1x128xi32, #tpu.memory_space<vmem>> -> memref<128xi32, #tpu.memory_space<vmem>>
      %dma_wait3A_23 = arith.constant 0 : i32
      %dma_wait3A_24 = arith.constant 0 : i32
      %dma_wait3A_25 = tpu.memref_slice %arg2[%dma_wait3A_23, %dma_wait3A_24] : memref<10240x128xf32, #tpu.memory_space<hbm>> -> memref<10240x128xf32, #tpu.memory_space<hbm>>
      tpu.wait_indirect_dma semaphore(%arg14 : memref<!tpu.dma_semaphore, #tpu.memory_space<semaphore_mem>>) src(%dma_wait3A_25 : memref<10240x128xf32, #tpu.memory_space<hbm>>) dst(%arg11 : memref<128x128xf32, #tpu.memory_space<vmem>>)
      %dma_wait3A_26 = arith.constant 0 : i32
      %dma_wait3A_27 = tpu.memref_slice %arg10[%scan3A_9, %dma_wait3A_26] : memref<40x128xi32, #tpu.memory_space<vmem>> -> memref<1x128xi32, #tpu.memory_space<vmem>>
      %dma_wait3A_28 = tpu.memref_squeeze %dma_wait3A_27 : memref<1x128xi32, #tpu.memory_space<vmem>> -> memref<128xi32, #tpu.memory_space<vmem>>
      %dma_wait3A_29 = arith.constant 0 : i32
      %dma_wait3A_30 = arith.constant 0 : i32
      %dma_wait3A_31 = tpu.memref_slice %arg3[%dma_wait3A_29, %dma_wait3A_30] : memref<10240x128xf32, #tpu.memory_space<hbm>> -> memref<10240x128xf32, #tpu.memory_space<hbm>>
      tpu.wait_indirect_dma semaphore(%arg15 : memref<!tpu.dma_semaphore, #tpu.memory_space<semaphore_mem>>) src(%dma_wait3A_31 : memref<10240x128xf32, #tpu.memory_space<hbm>>) dst(%arg12 : memref<128x128xf32, #tpu.memory_space<vmem>>)
      %scan3A_32 = arith.constant 0 : i32
      %scan3A_33 = arith.constant 0 : i32
      %scan3A_34 = arith.constant 128 : i32
      %scan3A_35 = arith.addi %scan3A_33, %scan3A_34 : i32
      %scan3A_36 = arith.constant 1 : i32
      scf.for %scan3A_52 = %scan3A_33 to %scan3A_35 step %scan3A_36  : i32 {
        %get3A = arith.index_cast %scan3A_52 : i32 to index
        %get3A_53 = arith.constant 0 : index
        %get3A_54 = tpu.vector_load %arg11[%get3A, %get3A_53] {strides = array<i32>} : memref<128x128xf32, #tpu.memory_space<vmem>>, vector<1x16xf32>,
        %get3A_55 = vector.shape_cast %get3A_54 : vector<1x16xf32> to vector<16xf32>
        %get3A_56 = arith.index_cast %scan3A_52 : i32 to index
        %get3A_57 = arith.constant 0 : index
        %get3A_58 = tpu.vector_load %arg12[%get3A_56, %get3A_57] {strides = array<i32>} : memref<128x128xf32, #tpu.memory_space<vmem>>, vector<1x16xf32>,
        %get3A_59 = vector.shape_cast %get3A_58 : vector<1x16xf32> to vector<16xf32>
        %add3A_60 = arith.addf %get3A_55, %get3A_59 : vector<16xf32>
        %swap3A = arith.index_cast %scan3A_52 : i32 to index
        %swap3A_61 = arith.constant 0 : index
        %swap3A_62 = tpu.vector_load %arg11[%swap3A, %swap3A_61] {strides = array<i32>} : memref<128x128xf32, #tpu.memory_space<vmem>>, vector<1x16xf32>,
        %swap3A_63 = vector.shape_cast %swap3A_62 : vector<1x16xf32> to vector<16xf32>
        %swap3A_64 = vector.shape_cast %add3A_60 : vector<16xf32> to vector<1x16xf32>
        tpu.vector_store %arg11[%swap3A, %swap3A_61], %swap3A_64 {strides = array<i32>} : memref<128x128xf32, #tpu.memory_space<vmem>>, vector<1x16xf32>,
        %ge3A = arith.constant -0.405465096 : f32
        %ge3A_65 = vector.broadcast %ge3A : f32 to vector<16xf32>
        %ge3A_66 = arith.cmpf oge, %add3A_60, %ge3A_65 : vector<16xf32>
        %jit3A = arith.constant 1.000000e+00 : f32
        %jit3A_67 = arith.constant 0.000000e+00 : f32
        %broadcast_in_dim3A = vector.broadcast %jit3A : f32 to vector<16xf32>
        %broadcast_in_dim3A_68 = vector.broadcast %jit3A_67 : f32 to vector<16xf32>
        %select_n3A = arith.select %ge3A_66, %broadcast_in_dim3A, %broadcast_in_dim3A_68 : vector<16xi1>, vector<16xf32>
        %swap3A_69 = arith.index_cast %scan3A_52 : i32 to index
        %swap3A_70 = arith.constant 0 : index
        %swap3A_71 = tpu.vector_load %arg12[%swap3A_69, %swap3A_70] {strides = array<i32>} : memref<128x128xf32, #tpu.memory_space<vmem>>, vector<1x16xf32>,
        %swap3A_72 = vector.shape_cast %swap3A_71 : vector<1x16xf32> to vector<16xf32>
        %swap3A_73 = vector.shape_cast %select_n3A : vector<16xf32> to vector<1x16xf32>
        tpu.vector_store %arg12[%swap3A_69, %swap3A_70], %swap3A_73 {strides = array<i32>} : memref<128x128xf32, #tpu.memory_space<vmem>>, vector<1x16xf32>,
        %get3A_74 = arith.index_cast %scan3A_52 : i32 to index
        %get3A_75 = arith.constant 16 : index
        %get3A_76 = tpu.vector_load %arg11[%get3A_74, %get3A_75] {strides = array<i32>} : memref<128x128xf32, #tpu.memory_space<vmem>>, vector<1x16xf32>,
        %get3A_77 = vector.shape_cast %get3A_76 : vector<1x16xf32> to vector<16xf32>
        %get3A_78 = arith.index_cast %scan3A_52 : i32 to index
        %get3A_79 = arith.constant 16 : index
        %get3A_80 = tpu.vector_load %arg12[%get3A_78, %get3A_79] {strides = array<i32>} : memref<128x128xf32, #tpu.memory_space<vmem>>, vector<1x16xf32>,
        %get3A_81 = vector.shape_cast %get3A_80 : vector<1x16xf32> to vector<16xf32>
        %add3A_82 = arith.addf %get3A_77, %get3A_81 : vector<16xf32>
        %swap3A_83 = arith.index_cast %scan3A_52 : i32 to index
        %swap3A_84 = arith.constant 16 : index
        %swap3A_85 = tpu.vector_load %arg11[%swap3A_83, %swap3A_84] {strides = array<i32>} : memref<128x128xf32, #tpu.memory_space<vmem>>, vector<1x16xf32>,
        %swap3A_86 = vector.shape_cast %swap3A_85 : vector<1x16xf32> to vector<16xf32>
        %swap3A_87 = vector.shape_cast %add3A_82 : vector<16xf32> to vector<1x16xf32>
        tpu.vector_store %arg11[%swap3A_83, %swap3A_84], %swap3A_87 {strides = array<i32>} : memref<128x128xf32, #tpu.memory_space<vmem>>, vector<1x16xf32>,
        %ge3A_88 = arith.constant -0.405465096 : f32
        %ge3A_89 = vector.broadcast %ge3A_88 : f32 to vector<16xf32>
        %ge3A_90 = arith.cmpf oge, %add3A_82, %ge3A_89 : vector<16xf32>
        %jit3A_91 = arith.constant 1.000000e+00 : f32
        %jit3A_92 = arith.constant 0.000000e+00 : f32
        %broadcast_in_dim3A_93 = vector.broadcast %jit3A_91 : f32 to vector<16xf32>
        %broadcast_in_dim3A_94 = vector.broadcast %jit3A_92 : f32 to vector<16xf32>
        %select_n3A_95 = arith.select %ge3A_90, %broadcast_in_dim3A_93, %broadcast_in_dim3A_94 : vector<16xi1>, vector<16xf32>
        %swap3A_96 = arith.index_cast %scan3A_52 : i32 to index
        %swap3A_97 = arith.constant 16 : index
        %swap3A_98 = tpu.vector_load %arg12[%swap3A_96, %swap3A_97] {strides = array<i32>} : memref<128x128xf32, #tpu.memory_space<vmem>>, vector<1x16xf32>,
        %swap3A_99 = vector.shape_cast %swap3A_98 : vector<1x16xf32> to vector<16xf32>
        %swap3A_100 = vector.shape_cast %select_n3A_95 : vector<16xf32> to vector<1x16xf32>
        tpu.vector_store %arg12[%swap3A_96, %swap3A_97], %swap3A_100 {strides = array<i32>} : memref<128x128xf32, #tpu.memory_space<vmem>>, vector<1x16xf32>,
        %get3A_101 = arith.index_cast %scan3A_52 : i32 to index
        %get3A_102 = arith.constant 32 : index
        %get3A_103 = tpu.vector_load %arg11[%get3A_101, %get3A_102] {strides = array<i32>} : memref<128x128xf32, #tpu.memory_space<vmem>>, vector<1x16xf32>,
        %get3A_104 = vector.shape_cast %get3A_103 : vector<1x16xf32> to vector<16xf32>
        %get3A_105 = arith.index_cast %scan3A_52 : i32 to index
        %get3A_106 = arith.constant 32 : index
        %get3A_107 = tpu.vector_load %arg12[%get3A_105, %get3A_106] {strides = array<i32>} : memref<128x128xf32, #tpu.memory_space<vmem>>, vector<1x16xf32>,
        %get3A_108 = vector.shape_cast %get3A_107 : vector<1x16xf32> to vector<16xf32>
        %add3A_109 = arith.addf %get3A_104, %get3A_108 : vector<16xf32>
        %swap3A_110 = arith.index_cast %scan3A_52 : i32 to index
        %swap3A_111 = arith.constant 32 : index
        %swap3A_112 = tpu.vector_load %arg11[%swap3A_110, %swap3A_111] {strides = array<i32>} : memref<128x128xf32, #tpu.memory_space<vmem>>, vector<1x16xf32>,
        %swap3A_113 = vector.shape_cast %swap3A_112 : vector<1x16xf32> to vector<16xf32>
        %swap3A_114 = vector.shape_cast %add3A_109 : vector<16xf32> to vector<1x16xf32>
        tpu.vector_store %arg11[%swap3A_110, %swap3A_111], %swap3A_114 {strides = array<i32>} : memref<128x128xf32, #tpu.memory_space<vmem>>, vector<1x16xf32>,
        %ge3A_115 = arith.constant -0.405465096 : f32
        %ge3A_116 = vector.broadcast %ge3A_115 : f32 to vector<16xf32>
        %ge3A_117 = arith.cmpf oge, %add3A_109, %ge3A_116 : vector<16xf32>
        %jit3A_118 = arith.constant 1.000000e+00 : f32
        %jit3A_119 = arith.constant 0.000000e+00 : f32
        %broadcast_in_dim3A_120 = vector.broadcast %jit3A_118 : f32 to vector<16xf32>
        %broadcast_in_dim3A_121 = vector.broadcast %jit3A_119 : f32 to vector<16xf32>
        %select_n3A_122 = arith.select %ge3A_117, %broadcast_in_dim3A_120, %broadcast_in_dim3A_121 : vector<16xi1>, vector<16xf32>
        %swap3A_123 = arith.index_cast %scan3A_52 : i32 to index
        %swap3A_124 = arith.constant 32 : index
        %swap3A_125 = tpu.vector_load %arg12[%swap3A_123, %swap3A_124] {strides = array<i32>} : memref<128x128xf32, #tpu.memory_space<vmem>>, vector<1x16xf32>,
        %swap3A_126 = vector.shape_cast %swap3A_125 : vector<1x16xf32> to vector<16xf32>
        %swap3A_127 = vector.shape_cast %select_n3A_122 : vector<16xf32> to vector<1x16xf32>
        tpu.vector_store %arg12[%swap3A_123, %swap3A_124], %swap3A_127 {strides = array<i32>} : memref<128x128xf32, #tpu.memory_space<vmem>>, vector<1x16xf32>,
        %get3A_128 = arith.index_cast %scan3A_52 : i32 to index
        %get3A_129 = arith.constant 48 : index
        %get3A_130 = tpu.vector_load %arg11[%get3A_128, %get3A_129] {strides = array<i32>} : memref<128x128xf32, #tpu.memory_space<vmem>>, vector<1x16xf32>,
        %get3A_131 = vector.shape_cast %get3A_130 : vector<1x16xf32> to vector<16xf32>
        %get3A_132 = arith.index_cast %scan3A_52 : i32 to index
        %get3A_133 = arith.constant 48 : index
        %get3A_134 = tpu.vector_load %arg12[%get3A_132, %get3A_133] {strides = array<i32>} : memref<128x128xf32, #tpu.memory_space<vmem>>, vector<1x16xf32>,
        %get3A_135 = vector.shape_cast %get3A_134 : vector<1x16xf32> to vector<16xf32>
        %add3A_136 = arith.addf %get3A_131, %get3A_135 : vector<16xf32>
        %swap3A_137 = arith.index_cast %scan3A_52 : i32 to index
        %swap3A_138 = arith.constant 48 : index
        %swap3A_139 = tpu.vector_load %arg11[%swap3A_137, %swap3A_138] {strides = array<i32>} : memref<128x128xf32, #tpu.memory_space<vmem>>, vector<1x16xf32>,
        %swap3A_140 = vector.shape_cast %swap3A_139 : vector<1x16xf32> to vector<16xf32>
        %swap3A_141 = vector.shape_cast %add3A_136 : vector<16xf32> to vector<1x16xf32>
        tpu.vector_store %arg11[%swap3A_137, %swap3A_138], %swap3A_141 {strides = array<i32>} : memref<128x128xf32, #tpu.memory_space<vmem>>, vector<1x16xf32>,
        %ge3A_142 = arith.constant -0.405465096 : f32
        %ge3A_143 = vector.broadcast %ge3A_142 : f32 to vector<16xf32>
        %ge3A_144 = arith.cmpf oge, %add3A_136, %ge3A_143 : vector<16xf32>
        %jit3A_145 = arith.constant 1.000000e+00 : f32
        %jit3A_146 = arith.constant 0.000000e+00 : f32
        %broadcast_in_dim3A_147 = vector.broadcast %jit3A_145 : f32 to vector<16xf32>
        %broadcast_in_dim3A_148 = vector.broadcast %jit3A_146 : f32 to vector<16xf32>
        %select_n3A_149 = arith.select %ge3A_144, %broadcast_in_dim3A_147, %broadcast_in_dim3A_148 : vector<16xi1>, vector<16xf32>
        %swap3A_150 = arith.index_cast %scan3A_52 : i32 to index
        %swap3A_151 = arith.constant 48 : index
        %swap3A_152 = tpu.vector_load %arg12[%swap3A_150, %swap3A_151] {strides = array<i32>} : memref<128x128xf32, #tpu.memory_space<vmem>>, vector<1x16xf32>,
        %swap3A_153 = vector.shape_cast %swap3A_152 : vector<1x16xf32> to vector<16xf32>
        %swap3A_154 = vector.shape_cast %select_n3A_149 : vector<16xf32> to vector<1x16xf32>
        tpu.vector_store %arg12[%swap3A_150, %swap3A_151], %swap3A_154 {strides = array<i32>} : memref<128x128xf32, #tpu.memory_space<vmem>>, vector<1x16xf32>,
        %get3A_155 = arith.index_cast %scan3A_52 : i32 to index
        %get3A_156 = arith.constant 64 : index
        %get3A_157 = tpu.vector_load %arg11[%get3A_155, %get3A_156] {strides = array<i32>} : memref<128x128xf32, #tpu.memory_space<vmem>>, vector<1x16xf32>,
        %get3A_158 = vector.shape_cast %get3A_157 : vector<1x16xf32> to vector<16xf32>
        %get3A_159 = arith.index_cast %scan3A_52 : i32 to index
        %get3A_160 = arith.constant 64 : index
        %get3A_161 = tpu.vector_load %arg12[%get3A_159, %get3A_160] {strides = array<i32>} : memref<128x128xf32, #tpu.memory_space<vmem>>, vector<1x16xf32>,
        %get3A_162 = vector.shape_cast %get3A_161 : vector<1x16xf32> to vector<16xf32>
        %add3A_163 = arith.addf %get3A_158, %get3A_162 : vector<16xf32>
        %swap3A_164 = arith.index_cast %scan3A_52 : i32 to index
        %swap3A_165 = arith.constant 64 : index
        %swap3A_166 = tpu.vector_load %arg11[%swap3A_164, %swap3A_165] {strides = array<i32>} : memref<128x128xf32, #tpu.memory_space<vmem>>, vector<1x16xf32>,
        %swap3A_167 = vector.shape_cast %swap3A_166 : vector<1x16xf32> to vector<16xf32>
        %swap3A_168 = vector.shape_cast %add3A_163 : vector<16xf32> to vector<1x16xf32>
        tpu.vector_store %arg11[%swap3A_164, %swap3A_165], %swap3A_168 {strides = array<i32>} : memref<128x128xf32, #tpu.memory_space<vmem>>, vector<1x16xf32>,
        %ge3A_169 = arith.constant -0.405465096 : f32
        %ge3A_170 = vector.broadcast %ge3A_169 : f32 to vector<16xf32>
        %ge3A_171 = arith.cmpf oge, %add3A_163, %ge3A_170 : vector<16xf32>
        %jit3A_172 = arith.constant 1.000000e+00 : f32
        %jit3A_173 = arith.constant 0.000000e+00 : f32
        %broadcast_in_dim3A_174 = vector.broadcast %jit3A_172 : f32 to vector<16xf32>
        %broadcast_in_dim3A_175 = vector.broadcast %jit3A_173 : f32 to vector<16xf32>
        %select_n3A_176 = arith.select %ge3A_171, %broadcast_in_dim3A_174, %broadcast_in_dim3A_175 : vector<16xi1>, vector<16xf32>
        %swap3A_177 = arith.index_cast %scan3A_52 : i32 to index
        %swap3A_178 = arith.constant 64 : index
        %swap3A_179 = tpu.vector_load %arg12[%swap3A_177, %swap3A_178] {strides = array<i32>} : memref<128x128xf32, #tpu.memory_space<vmem>>, vector<1x16xf32>,
        %swap3A_180 = vector.shape_cast %swap3A_179 : vector<1x16xf32> to vector<16xf32>
        %swap3A_181 = vector.shape_cast %select_n3A_176 : vector<16xf32> to vector<1x16xf32>
        tpu.vector_store %arg12[%swap3A_177, %swap3A_178], %swap3A_181 {strides = array<i32>} : memref<128x128xf32, #tpu.memory_space<vmem>>, vector<1x16xf32>,
        %get3A_182 = arith.index_cast %scan3A_52 : i32 to index
        %get3A_183 = arith.constant 80 : index
        %get3A_184 = tpu.vector_load %arg11[%get3A_182, %get3A_183] {strides = array<i32>} : memref<128x128xf32, #tpu.memory_space<vmem>>, vector<1x16xf32>,
        %get3A_185 = vector.shape_cast %get3A_184 : vector<1x16xf32> to vector<16xf32>
        %get3A_186 = arith.index_cast %scan3A_52 : i32 to index
        %get3A_187 = arith.constant 80 : index
        %get3A_188 = tpu.vector_load %arg12[%get3A_186, %get3A_187] {strides = array<i32>} : memref<128x128xf32, #tpu.memory_space<vmem>>, vector<1x16xf32>,
        %get3A_189 = vector.shape_cast %get3A_188 : vector<1x16xf32> to vector<16xf32>
        %add3A_190 = arith.addf %get3A_185, %get3A_189 : vector<16xf32>
        %swap3A_191 = arith.index_cast %scan3A_52 : i32 to index
        %swap3A_192 = arith.constant 80 : index
        %swap3A_193 = tpu.vector_load %arg11[%swap3A_191, %swap3A_192] {strides = array<i32>} : memref<128x128xf32, #tpu.memory_space<vmem>>, vector<1x16xf32>,
        %swap3A_194 = vector.shape_cast %swap3A_193 : vector<1x16xf32> to vector<16xf32>
        %swap3A_195 = vector.shape_cast %add3A_190 : vector<16xf32> to vector<1x16xf32>
        tpu.vector_store %arg11[%swap3A_191, %swap3A_192], %swap3A_195 {strides = array<i32>} : memref<128x128xf32, #tpu.memory_space<vmem>>, vector<1x16xf32>,
        %ge3A_196 = arith.constant -0.405465096 : f32
        %ge3A_197 = vector.broadcast %ge3A_196 : f32 to vector<16xf32>
        %ge3A_198 = arith.cmpf oge, %add3A_190, %ge3A_197 : vector<16xf32>
        %jit3A_199 = arith.constant 1.000000e+00 : f32
        %jit3A_200 = arith.constant 0.000000e+00 : f32
        %broadcast_in_dim3A_201 = vector.broadcast %jit3A_199 : f32 to vector<16xf32>
        %broadcast_in_dim3A_202 = vector.broadcast %jit3A_200 : f32 to vector<16xf32>
        %select_n3A_203 = arith.select %ge3A_198, %broadcast_in_dim3A_201, %broadcast_in_dim3A_202 : vector<16xi1>, vector<16xf32>
        %swap3A_204 = arith.index_cast %scan3A_52 : i32 to index
        %swap3A_205 = arith.constant 80 : index
        %swap3A_206 = tpu.vector_load %arg12[%swap3A_204, %swap3A_205] {strides = array<i32>} : memref<128x128xf32, #tpu.memory_space<vmem>>, vector<1x16xf32>,
        %swap3A_207 = vector.shape_cast %swap3A_206 : vector<1x16xf32> to vector<16xf32>
        %swap3A_208 = vector.shape_cast %select_n3A_203 : vector<16xf32> to vector<1x16xf32>
        tpu.vector_store %arg12[%swap3A_204, %swap3A_205], %swap3A_208 {strides = array<i32>} : memref<128x128xf32, #tpu.memory_space<vmem>>, vector<1x16xf32>,
        %get3A_209 = arith.index_cast %scan3A_52 : i32 to index
        %get3A_210 = arith.constant 96 : index
        %get3A_211 = tpu.vector_load %arg11[%get3A_209, %get3A_210] {strides = array<i32>} : memref<128x128xf32, #tpu.memory_space<vmem>>, vector<1x16xf32>,
        %get3A_212 = vector.shape_cast %get3A_211 : vector<1x16xf32> to vector<16xf32>
        %get3A_213 = arith.index_cast %scan3A_52 : i32 to index
        %get3A_214 = arith.constant 96 : index
        %get3A_215 = tpu.vector_load %arg12[%get3A_213, %get3A_214] {strides = array<i32>} : memref<128x128xf32, #tpu.memory_space<vmem>>, vector<1x16xf32>,
        %get3A_216 = vector.shape_cast %get3A_215 : vector<1x16xf32> to vector<16xf32>
        %add3A_217 = arith.addf %get3A_212, %get3A_216 : vector<16xf32>
        %swap3A_218 = arith.index_cast %scan3A_52 : i32 to index
        %swap3A_219 = arith.constant 96 : index
        %swap3A_220 = tpu.vector_load %arg11[%swap3A_218, %swap3A_219] {strides = array<i32>} : memref<128x128xf32, #tpu.memory_space<vmem>>, vector<1x16xf32>,
        %swap3A_221 = vector.shape_cast %swap3A_220 : vector<1x16xf32> to vector<16xf32>
        %swap3A_222 = vector.shape_cast %add3A_217 : vector<16xf32> to vector<1x16xf32>
        tpu.vector_store %arg11[%swap3A_218, %swap3A_219], %swap3A_222 {strides = array<i32>} : memref<128x128xf32, #tpu.memory_space<vmem>>, vector<1x16xf32>,
        %ge3A_223 = arith.constant -0.405465096 : f32
        %ge3A_224 = vector.broadcast %ge3A_223 : f32 to vector<16xf32>
        %ge3A_225 = arith.cmpf oge, %add3A_217, %ge3A_224 : vector<16xf32>
        %jit3A_226 = arith.constant 1.000000e+00 : f32
        %jit3A_227 = arith.constant 0.000000e+00 : f32
        %broadcast_in_dim3A_228 = vector.broadcast %jit3A_226 : f32 to vector<16xf32>
        %broadcast_in_dim3A_229 = vector.broadcast %jit3A_227 : f32 to vector<16xf32>
        %select_n3A_230 = arith.select %ge3A_225, %broadcast_in_dim3A_228, %broadcast_in_dim3A_229 : vector<16xi1>, vector<16xf32>
        %swap3A_231 = arith.index_cast %scan3A_52 : i32 to index
        %swap3A_232 = arith.constant 96 : index
        %swap3A_233 = tpu.vector_load %arg12[%swap3A_231, %swap3A_232] {strides = array<i32>} : memref<128x128xf32, #tpu.memory_space<vmem>>, vector<1x16xf32>,
        %swap3A_234 = vector.shape_cast %swap3A_233 : vector<1x16xf32> to vector<16xf32>
        %swap3A_235 = vector.shape_cast %select_n3A_230 : vector<16xf32> to vector<1x16xf32>
        tpu.vector_store %arg12[%swap3A_231, %swap3A_232], %swap3A_235 {strides = array<i32>} : memref<128x128xf32, #tpu.memory_space<vmem>>, vector<1x16xf32>,
        %get3A_236 = arith.index_cast %scan3A_52 : i32 to index
        %get3A_237 = arith.constant 112 : index
        %get3A_238 = tpu.vector_load %arg11[%get3A_236, %get3A_237] {strides = array<i32>} : memref<128x128xf32, #tpu.memory_space<vmem>>, vector<1x16xf32>,
        %get3A_239 = vector.shape_cast %get3A_238 : vector<1x16xf32> to vector<16xf32>
        %get3A_240 = arith.index_cast %scan3A_52 : i32 to index
        %get3A_241 = arith.constant 112 : index
        %get3A_242 = tpu.vector_load %arg12[%get3A_240, %get3A_241] {strides = array<i32>} : memref<128x128xf32, #tpu.memory_space<vmem>>, vector<1x16xf32>,
        %get3A_243 = vector.shape_cast %get3A_242 : vector<1x16xf32> to vector<16xf32>
        %add3A_244 = arith.addf %get3A_239, %get3A_243 : vector<16xf32>
        %swap3A_245 = arith.index_cast %scan3A_52 : i32 to index
        %swap3A_246 = arith.constant 112 : index
        %swap3A_247 = tpu.vector_load %arg11[%swap3A_245, %swap3A_246] {strides = array<i32>} : memref<128x128xf32, #tpu.memory_space<vmem>>, vector<1x16xf32>,
        %swap3A_248 = vector.shape_cast %swap3A_247 : vector<1x16xf32> to vector<16xf32>
        %swap3A_249 = vector.shape_cast %add3A_244 : vector<16xf32> to vector<1x16xf32>
        tpu.vector_store %arg11[%swap3A_245, %swap3A_246], %swap3A_249 {strides = array<i32>} : memref<128x128xf32, #tpu.memory_space<vmem>>, vector<1x16xf32>,
        %ge3A_250 = arith.constant -0.405465096 : f32
        %ge3A_251 = vector.broadcast %ge3A_250 : f32 to vector<16xf32>
        %ge3A_252 = arith.cmpf oge, %add3A_244, %ge3A_251 : vector<16xf32>
        %jit3A_253 = arith.constant 1.000000e+00 : f32
        %jit3A_254 = arith.constant 0.000000e+00 : f32
        %broadcast_in_dim3A_255 = vector.broadcast %jit3A_253 : f32 to vector<16xf32>
        %broadcast_in_dim3A_256 = vector.broadcast %jit3A_254 : f32 to vector<16xf32>
        %select_n3A_257 = arith.select %ge3A_252, %broadcast_in_dim3A_255, %broadcast_in_dim3A_256 : vector<16xi1>, vector<16xf32>
        %swap3A_258 = arith.index_cast %scan3A_52 : i32 to index
        %swap3A_259 = arith.constant 112 : index
        %swap3A_260 = tpu.vector_load %arg12[%swap3A_258, %swap3A_259] {strides = array<i32>} : memref<128x128xf32, #tpu.memory_space<vmem>>, vector<1x16xf32>,
        %swap3A_261 = vector.shape_cast %swap3A_260 : vector<1x16xf32> to vector<16xf32>
        %swap3A_262 = vector.shape_cast %select_n3A_257 : vector<16xf32> to vector<1x16xf32>
        tpu.vector_store %arg12[%swap3A_258, %swap3A_259], %swap3A_262 {strides = array<i32>} : memref<128x128xf32, #tpu.memory_space<vmem>>, vector<1x16xf32>,
      }
      %scan3A_37 = arith.constant 128 : i32
      %mul3A_38 = arith.constant 128 : i32
      %mul3A_39 = arith.muli %scan3A_9, %mul3A_38 : i32
      %dma_start3A_40 = arith.constant 0 : i32
      %dma_start3A_41 = tpu.memref_slice %arg7[%add3A, %mul3A_39, %dma_start3A_40] : memref<32x5120x128xf32, #tpu.memory_space<hbm>> -> memref<1x128x128xf32, #tpu.memory_space<hbm>>
      %dma_start3A_42 = tpu.memref_squeeze %dma_start3A_41 : memref<1x128x128xf32, #tpu.memory_space<hbm>> -> memref<128x128xf32, #tpu.memory_space<hbm>>
      %dma_start3A_43 = arith.constant 0 : i32
      %dma_start3A_44 = tpu.memref_slice %arg7[%add3A, %mul3A_39, %dma_start3A_43] : memref<32x5120x128xf32, #tpu.memory_space<hbm>> -> memref<1x128x128xf32, #tpu.memory_space<hbm>>
      %dma_start3A_45 = tpu.memref_squeeze %dma_start3A_44 : memref<1x128x128xf32, #tpu.memory_space<hbm>> -> memref<128x128xf32, #tpu.memory_space<hbm>>
      tpu.enqueue_dma source(%arg11 : memref<128x128xf32, #tpu.memory_space<vmem>>) target(%dma_start3A_45 : memref<128x128xf32, #tpu.memory_space<hbm>>) target_semaphore(%arg16 : memref<!tpu.dma_semaphore, #tpu.memory_space<semaphore_mem>>)
      "tpu.region"() ({
        %run_scoped3A = tpu.sem_alloc : memref<!tpu.dma_semaphore, #tpu.memory_space<semaphore_mem>>
        %dma_start3A_52 = arith.constant 0 : i32
        %dma_start3A_53 = tpu.memref_slice %arg9[%scan3A_9, %dma_start3A_52] : memref<40x128xi32, #tpu.memory_space<vmem>> -> memref<1x128xi32, #tpu.memory_space<vmem>>
        %dma_start3A_54 = tpu.memref_squeeze %dma_start3A_53 : memref<1x128xi32, #tpu.memory_space<vmem>> -> memref<128xi32, #tpu.memory_space<vmem>>
        %dma_start3A_55 = arith.constant 0 : i32
        %dma_start3A_56 = arith.constant 0 : i32
        %dma_start3A_57 = tpu.memref_slice %arg13[%dma_start3A_55, %dma_start3A_56] : memref<10240x128xf32, #tpu.memory_space<vmem_shared>> -> memref<10240x128xf32, #tpu.memory_space<vmem_shared>>
        tpu.enqueue_indirect_dma source(%arg12 : memref<128x128xf32, #tpu.memory_space<vmem>>) target(%dma_start3A_57 : memref<10240x128xf32, #tpu.memory_space<vmem_shared>>) offsets(%dma_start3A_54 : memref<128xi32, #tpu.memory_space<vmem>>) semaphore(%run_scoped3A : memref<!tpu.dma_semaphore, #tpu.memory_space<semaphore_mem>>) {add = true}
        %dma_wait3A_58 = arith.constant 0 : i32
        %dma_wait3A_59 = tpu.memref_slice %arg9[%scan3A_9, %dma_wait3A_58] : memref<40x128xi32, #tpu.memory_space<vmem>> -> memref<1x128xi32, #tpu.memory_space<vmem>>
        %dma_wait3A_60 = tpu.memref_squeeze %dma_wait3A_59 : memref<1x128xi32, #tpu.memory_space<vmem>> -> memref<128xi32, #tpu.memory_space<vmem>>
        %dma_wait3A_61 = arith.constant 0 : i32
        %dma_wait3A_62 = arith.constant 0 : i32
        %dma_wait3A_63 = tpu.memref_slice %arg13[%dma_wait3A_61, %dma_wait3A_62] : memref<10240x128xf32, #tpu.memory_space<vmem_shared>> -> memref<10240x128xf32, #tpu.memory_space<vmem_shared>>
        tpu.wait_indirect_dma semaphore(%run_scoped3A : memref<!tpu.dma_semaphore, #tpu.memory_space<semaphore_mem>>) src(%arg12 : memref<128x128xf32, #tpu.memory_space<vmem>>) dst(%dma_wait3A_63 : memref<10240x128xf32, #tpu.memory_space<vmem_shared>>)
        tpu.yield
      }) : () -> ()
      "tpu.region"() ({
        %run_scoped3A = tpu.sem_alloc : memref<!tpu.dma_semaphore, #tpu.memory_space<semaphore_mem>>
        %dma_start3A_52 = arith.constant 0 : i32
        %dma_start3A_53 = tpu.memref_slice %arg10[%scan3A_9, %dma_start3A_52] : memref<40x128xi32, #tpu.memory_space<vmem>> -> memref<1x128xi32, #tpu.memory_space<vmem>>
        %dma_start3A_54 = tpu.memref_squeeze %dma_start3A_53 : memref<1x128xi32, #tpu.memory_space<vmem>> -> memref<128xi32, #tpu.memory_space<vmem>>
        %dma_start3A_55 = arith.constant 0 : i32
        %dma_start3A_56 = arith.constant 0 : i32
        %dma_start3A_57 = tpu.memref_slice %arg13[%dma_start3A_55, %dma_start3A_56] : memref<10240x128xf32, #tpu.memory_space<vmem_shared>> -> memref<10240x128xf32, #tpu.memory_space<vmem_shared>>
        tpu.enqueue_indirect_dma source(%arg12 : memref<128x128xf32, #tpu.memory_space<vmem>>) target(%dma_start3A_57 : memref<10240x128xf32, #tpu.memory_space<vmem_shared>>) offsets(%dma_start3A_54 : memref<128xi32, #tpu.memory_space<vmem>>) semaphore(%run_scoped3A : memref<!tpu.dma_semaphore, #tpu.memory_space<semaphore_mem>>) {add = true}
        %dma_wait3A_58 = arith.constant 0 : i32
        %dma_wait3A_59 = tpu.memref_slice %arg10[%scan3A_9, %dma_wait3A_58] : memref<40x128xi32, #tpu.memory_space<vmem>> -> memref<1x128xi32, #tpu.memory_space<vmem>>
        %dma_wait3A_60 = tpu.memref_squeeze %dma_wait3A_59 : memref<1x128xi32, #tpu.memory_space<vmem>> -> memref<128xi32, #tpu.memory_space<vmem>>
        %dma_wait3A_61 = arith.constant 0 : i32
        %dma_wait3A_62 = arith.constant 0 : i32
        %dma_wait3A_63 = tpu.memref_slice %arg13[%dma_wait3A_61, %dma_wait3A_62] : memref<10240x128xf32, #tpu.memory_space<vmem_shared>> -> memref<10240x128xf32, #tpu.memory_space<vmem_shared>>
        tpu.wait_indirect_dma semaphore(%run_scoped3A : memref<!tpu.dma_semaphore, #tpu.memory_space<semaphore_mem>>) src(%arg12 : memref<128x128xf32, #tpu.memory_space<vmem>>) dst(%dma_wait3A_63 : memref<10240x128xf32, #tpu.memory_space<vmem_shared>>)
        tpu.yield
      }) : () -> ()
      %dma_wait3A_46 = arith.constant 0 : i32
      %dma_wait3A_47 = tpu.memref_slice %arg7[%add3A, %mul3A_39, %dma_wait3A_46] : memref<32x5120x128xf32, #tpu.memory_space<hbm>> -> memref<1x128x128xf32, #tpu.memory_space<hbm>>
      %dma_wait3A_48 = tpu.memref_squeeze %dma_wait3A_47 : memref<1x128x128xf32, #tpu.memory_space<hbm>> -> memref<128x128xf32, #tpu.memory_space<hbm>>
      %dma_wait3A_49 = arith.constant 0 : i32
      %dma_wait3A_50 = tpu.memref_slice %arg7[%add3A, %mul3A_39, %dma_wait3A_49] : memref<32x5120x128xf32, #tpu.memory_space<hbm>> -> memref<1x128x128xf32, #tpu.memory_space<hbm>>
      %dma_wait3A_51 = tpu.memref_squeeze %dma_wait3A_50 : memref<1x128x128xf32, #tpu.memory_space<hbm>> -> memref<128x128xf32, #tpu.memory_space<hbm>>
      tpu.wait_dma2 semaphore(%arg16 : memref<!tpu.dma_semaphore, #tpu.memory_space<semaphore_mem>>) src(%arg11 : memref<128x128xf32, #tpu.memory_space<vmem>>) dst(%dma_wait3A_51 : memref<128x128xf32, #tpu.memory_space<hbm>>)
    }
    %scan3A_7 = arith.constant 40 : i32
    %barrier3A_8 = arith.constant 0 : index
    tpu.barrier barrier_id(%barrier3A_8)
    "tpu.region"() ({
      %run_scoped3A = tpu.sem_alloc : memref<!tpu.dma_semaphore, #tpu.memory_space<semaphore_mem>>
      %dma_start3A = arith.constant 0 : i32
      %dma_start3A_9 = tpu.memref_slice %arg8[%arg0, %mul3A_2, %dma_start3A] : memref<2x10240x128xf32, #tpu.memory_space<hbm>> -> memref<1x640x128xf32, #tpu.memory_space<hbm>>
      %dma_start3A_10 = tpu.memref_squeeze %dma_start3A_9 : memref<1x640x128xf32, #tpu.memory_space<hbm>> -> memref<640x128xf32, #tpu.memory_space<hbm>>
      %dma_start3A_11 = arith.constant 0 : i32
      %dma_start3A_12 = tpu.memref_slice %arg13[%mul3A_2, %dma_start3A_11] : memref<10240x128xf32, #tpu.memory_space<vmem_shared>> -> memref<640x128xf32, #tpu.memory_space<vmem_shared>>
      tpu.enqueue_dma source(%dma_start3A_12 : memref<640x128xf32, #tpu.memory_space<vmem_shared>>) target(%dma_start3A_10 : memref<640x128xf32, #tpu.memory_space<hbm>>) target_semaphore(%run_scoped3A : memref<!tpu.dma_semaphore, #tpu.memory_space<semaphore_mem>>)
      %dma_wait3A = arith.constant 0 : i32
      %dma_wait3A_13 = tpu.memref_slice %arg8[%arg0, %mul3A_2, %dma_wait3A] : memref<2x10240x128xf32, #tpu.memory_space<hbm>> -> memref<1x640x128xf32, #tpu.memory_space<hbm>>
      %dma_wait3A_14 = tpu.memref_squeeze %dma_wait3A_13 : memref<1x640x128xf32, #tpu.memory_space<hbm>> -> memref<640x128xf32, #tpu.memory_space<hbm>>
      %dma_wait3A_15 = arith.constant 0 : i32
      %dma_wait3A_16 = tpu.memref_slice %arg13[%mul3A_2, %dma_wait3A_15] : memref<10240x128xf32, #tpu.memory_space<vmem_shared>> -> memref<640x128xf32, #tpu.memory_space<vmem_shared>>
      tpu.wait_dma2 semaphore(%run_scoped3A : memref<!tpu.dma_semaphore, #tpu.memory_space<semaphore_mem>>) src(%dma_wait3A_16 : memref<640x128xf32, #tpu.memory_space<vmem_shared>>) dst(%dma_wait3A_14 : memref<640x128xf32, #tpu.memory_space<hbm>>)
      tpu.yield
    }) : () -> ()
    return
  }
}

#map = affine_map<(d0, d1) -> (0, 0)>
#map1 = affine_map<(d0, d1) -> (0, 0, 0)>
module attributes {stable_mosaic.version = 14 : i64} {
  func.func @_sc2_body(%arg0: i32, %arg1: i32, %arg2: memref<10240x128xf32, #tpu.memory_space<hbm>>, %arg3: memref<10240x128xf32, #tpu.memory_space<hbm>>, %arg4: memref<32x40x128xi32, #tpu.memory_space<hbm>>, %arg5: memref<32x40x128xi32, #tpu.memory_space<hbm>>, %arg6: memref<10240x128xf32, #tpu.memory_space<hbm>>, %arg7: memref<32x5120x128xf32, #tpu.memory_space<hbm>>, %arg8: memref<2x10240x128xf32, #tpu.memory_space<hbm>>, %arg9: memref<40x128xi32, #tpu.memory_space<vmem>>, %arg10: memref<40x128xi32, #tpu.memory_space<vmem>>, %arg11: memref<128x128xf32, #tpu.memory_space<vmem>>, %arg12: memref<128x128xf32, #tpu.memory_space<vmem>>, %arg13: memref<10240x128xf32, #tpu.memory_space<vmem_shared>>, %arg14: memref<!tpu.dma_semaphore, #tpu.memory_space<semaphore_mem>>, %arg15: memref<!tpu.dma_semaphore, #tpu.memory_space<semaphore_mem>>, %arg16: memref<!tpu.dma_semaphore, #tpu.memory_space<semaphore_mem>>) attributes {dimension_semantics = [#tpu.dimension_semantics<core_parallel>, #tpu.dimension_semantics<subcore_parallel>], iteration_bounds = array<i64: 2, 16>, scalar_prefetch = 0 : i64, scratch_operands = 8 : i64, tpu.core_type = #tpu.core_type<sc_vector_subcore>, window_params = [{transform_indices = #map}, {transform_indices = #map}, {transform_indices = #map1}, {transform_indices = #map1}, {transform_indices = #map}, {transform_indices = #map1}, {transform_indices = #map1}]} {
    %mul3A = arith.constant 16 : i32
    %mul3A_0 = arith.muli %arg0, %mul3A : i32
    %add3A = arith.addi %mul3A_0, %arg1 : i32
    "tpu.region"() ({
      %run_scoped3A = tpu.sem_alloc : memref<!tpu.dma_semaphore, #tpu.memory_space<semaphore_mem>>
      %dma_start3A = arith.constant 0 : i32
      %dma_start3A_9 = arith.constant 0 : i32
      %dma_start3A_10 = tpu.memref_slice %arg4[%add3A, %dma_start3A, %dma_start3A_9] : memref<32x40x128xi32, #tpu.memory_space<hbm>> -> memref<1x40x128xi32, #tpu.memory_space<hbm>>
      %dma_start3A_11 = tpu.memref_squeeze %dma_start3A_10 : memref<1x40x128xi32, #tpu.memory_space<hbm>> -> memref<40x128xi32, #tpu.memory_space<hbm>>
      %dma_start3A_12 = arith.constant 0 : i32
      %dma_start3A_13 = arith.constant 0 : i32
      %dma_start3A_14 = tpu.memref_slice %arg4[%add3A, %dma_start3A_12, %dma_start3A_13] : memref<32x40x128xi32, #tpu.memory_space<hbm>> -> memref<1x40x128xi32, #tpu.memory_space<hbm>>
      %dma_start3A_15 = tpu.memref_squeeze %dma_start3A_14 : memref<1x40x128xi32, #tpu.memory_space<hbm>> -> memref<40x128xi32, #tpu.memory_space<hbm>>
      tpu.enqueue_dma source(%dma_start3A_15 : memref<40x128xi32, #tpu.memory_space<hbm>>) target(%arg9 : memref<40x128xi32, #tpu.memory_space<vmem>>) target_semaphore(%run_scoped3A : memref<!tpu.dma_semaphore, #tpu.memory_space<semaphore_mem>>)
      %dma_wait3A = arith.constant 0 : i32
      %dma_wait3A_16 = arith.constant 0 : i32
      %dma_wait3A_17 = tpu.memref_slice %arg4[%add3A, %dma_wait3A, %dma_wait3A_16] : memref<32x40x128xi32, #tpu.memory_space<hbm>> -> memref<1x40x128xi32, #tpu.memory_space<hbm>>
      %dma_wait3A_18 = tpu.memref_squeeze %dma_wait3A_17 : memref<1x40x128xi32, #tpu.memory_space<hbm>> -> memref<40x128xi32, #tpu.memory_space<hbm>>
      %dma_wait3A_19 = arith.constant 0 : i32
      %dma_wait3A_20 = arith.constant 0 : i32
      %dma_wait3A_21 = tpu.memref_slice %arg4[%add3A, %dma_wait3A_19, %dma_wait3A_20] : memref<32x40x128xi32, #tpu.memory_space<hbm>> -> memref<1x40x128xi32, #tpu.memory_space<hbm>>
      %dma_wait3A_22 = tpu.memref_squeeze %dma_wait3A_21 : memref<1x40x128xi32, #tpu.memory_space<hbm>> -> memref<40x128xi32, #tpu.memory_space<hbm>>
      tpu.wait_dma2 semaphore(%run_scoped3A : memref<!tpu.dma_semaphore, #tpu.memory_space<semaphore_mem>>) src(%dma_wait3A_22 : memref<40x128xi32, #tpu.memory_space<hbm>>) dst(%arg9 : memref<40x128xi32, #tpu.memory_space<vmem>>)
      tpu.yield
    }) : () -> ()
    "tpu.region"() ({
      %run_scoped3A = tpu.sem_alloc : memref<!tpu.dma_semaphore, #tpu.memory_space<semaphore_mem>>
      %dma_start3A = arith.constant 0 : i32
      %dma_start3A_9 = arith.constant 0 : i32
      %dma_start3A_10 = tpu.memref_slice %arg5[%add3A, %dma_start3A, %dma_start3A_9] : memref<32x40x128xi32, #tpu.memory_space<hbm>> -> memref<1x40x128xi32, #tpu.memory_space<hbm>>
      %dma_start3A_11 = tpu.memref_squeeze %dma_start3A_10 : memref<1x40x128xi32, #tpu.memory_space<hbm>> -> memref<40x128xi32, #tpu.memory_space<hbm>>
      %dma_start3A_12 = arith.constant 0 : i32
      %dma_start3A_13 = arith.constant 0 : i32
      %dma_start3A_14 = tpu.memref_slice %arg5[%add3A, %dma_start3A_12, %dma_start3A_13] : memref<32x40x128xi32, #tpu.memory_space<hbm>> -> memref<1x40x128xi32, #tpu.memory_space<hbm>>
      %dma_start3A_15 = tpu.memref_squeeze %dma_start3A_14 : memref<1x40x128xi32, #tpu.memory_space<hbm>> -> memref<40x128xi32, #tpu.memory_space<hbm>>
      tpu.enqueue_dma source(%dma_start3A_15 : memref<40x128xi32, #tpu.memory_space<hbm>>) target(%arg10 : memref<40x128xi32, #tpu.memory_space<vmem>>) target_semaphore(%run_scoped3A : memref<!tpu.dma_semaphore, #tpu.memory_space<semaphore_mem>>)
      %dma_wait3A = arith.constant 0 : i32
      %dma_wait3A_16 = arith.constant 0 : i32
      %dma_wait3A_17 = tpu.memref_slice %arg5[%add3A, %dma_wait3A, %dma_wait3A_16] : memref<32x40x128xi32, #tpu.memory_space<hbm>> -> memref<1x40x128xi32, #tpu.memory_space<hbm>>
      %dma_wait3A_18 = tpu.memref_squeeze %dma_wait3A_17 : memref<1x40x128xi32, #tpu.memory_space<hbm>> -> memref<40x128xi32, #tpu.memory_space<hbm>>
      %dma_wait3A_19 = arith.constant 0 : i32
      %dma_wait3A_20 = arith.constant 0 : i32
      %dma_wait3A_21 = tpu.memref_slice %arg5[%add3A, %dma_wait3A_19, %dma_wait3A_20] : memref<32x40x128xi32, #tpu.memory_space<hbm>> -> memref<1x40x128xi32, #tpu.memory_space<hbm>>
      %dma_wait3A_22 = tpu.memref_squeeze %dma_wait3A_21 : memref<1x40x128xi32, #tpu.memory_space<hbm>> -> memref<40x128xi32, #tpu.memory_space<hbm>>
      tpu.wait_dma2 semaphore(%run_scoped3A : memref<!tpu.dma_semaphore, #tpu.memory_space<semaphore_mem>>) src(%dma_wait3A_22 : memref<40x128xi32, #tpu.memory_space<hbm>>) dst(%arg10 : memref<40x128xi32, #tpu.memory_space<vmem>>)
      tpu.yield
    }) : () -> ()
    %mul3A_1 = arith.constant 640 : i32
    %mul3A_2 = arith.muli %arg1, %mul3A_1 : i32
    "tpu.region"() ({
      %run_scoped3A = tpu.sem_alloc : memref<!tpu.dma_semaphore, #tpu.memory_space<semaphore_mem>>
      %dma_start3A = arith.constant 0 : i32
      %dma_start3A_9 = tpu.memref_slice %arg13[%mul3A_2, %dma_start3A] : memref<10240x128xf32, #tpu.memory_space<vmem_shared>> -> memref<640x128xf32, #tpu.memory_space<vmem_shared>>
      %dma_start3A_10 = arith.constant 0 : i32
      %dma_start3A_11 = tpu.memref_slice %arg6[%mul3A_2, %dma_start3A_10] : memref<10240x128xf32, #tpu.memory_space<hbm>> -> memref<640x128xf32, #tpu.memory_space<hbm>>
      tpu.enqueue_dma source(%dma_start3A_11 : memref<640x128xf32, #tpu.memory_space<hbm>>) target(%dma_start3A_9 : memref<640x128xf32, #tpu.memory_space<vmem_shared>>) target_semaphore(%run_scoped3A : memref<!tpu.dma_semaphore, #tpu.memory_space<semaphore_mem>>)
      %dma_wait3A = arith.constant 0 : i32
      %dma_wait3A_12 = tpu.memref_slice %arg13[%mul3A_2, %dma_wait3A] : memref<10240x128xf32, #tpu.memory_space<vmem_shared>> -> memref<640x128xf32, #tpu.memory_space<vmem_shared>>
      %dma_wait3A_13 = arith.constant 0 : i32
      %dma_wait3A_14 = tpu.memref_slice %arg6[%mul3A_2, %dma_wait3A_13] : memref<10240x128xf32, #tpu.memory_space<hbm>> -> memref<640x128xf32, #tpu.memory_space<hbm>>
      tpu.wait_dma2 semaphore(%run_scoped3A : memref<!tpu.dma_semaphore, #tpu.memory_space<semaphore_mem>>) src(%dma_wait3A_14 : memref<640x128xf32, #tpu.memory_space<hbm>>) dst(%dma_wait3A_12 : memref<640x128xf32, #tpu.memory_space<vmem_shared>>)
      tpu.yield
    }) : () -> ()
    %barrier3A = arith.constant 0 : index
    tpu.barrier barrier_id(%barrier3A)
    %scan3A = arith.constant 0 : i32
    %scan3A_3 = arith.constant 0 : i32
    %scan3A_4 = arith.constant 40 : i32
    %scan3A_5 = arith.addi %scan3A_3, %scan3A_4 : i32
    %scan3A_6 = arith.constant 1 : i32
    scf.for %scan3A_9 = %scan3A_3 to %scan3A_5 step %scan3A_6  : i32 {
      %dma_start3A = arith.constant 0 : i32
      %dma_start3A_10 = tpu.memref_slice %arg9[%scan3A_9, %dma_start3A] : memref<40x128xi32, #tpu.memory_space<vmem>> -> memref<1x128xi32, #tpu.memory_space<vmem>>
      %dma_start3A_11 = tpu.memref_squeeze %dma_start3A_10 : memref<1x128xi32, #tpu.memory_space<vmem>> -> memref<128xi32, #tpu.memory_space<vmem>>
      %dma_start3A_12 = arith.constant 0 : i32
      %dma_start3A_13 = arith.constant 0 : i32
      %dma_start3A_14 = tpu.memref_slice %arg2[%dma_start3A_12, %dma_start3A_13] : memref<10240x128xf32, #tpu.memory_space<hbm>> -> memref<10240x128xf32, #tpu.memory_space<hbm>>
      tpu.enqueue_indirect_dma source(%dma_start3A_14 : memref<10240x128xf32, #tpu.memory_space<hbm>>) target(%arg11 : memref<128x128xf32, #tpu.memory_space<vmem>>) offsets(%dma_start3A_11 : memref<128xi32, #tpu.memory_space<vmem>>) semaphore(%arg14 : memref<!tpu.dma_semaphore, #tpu.memory_space<semaphore_mem>>)
      %dma_start3A_15 = arith.constant 0 : i32
      %dma_start3A_16 = tpu.memref_slice %arg10[%scan3A_9, %dma_start3A_15] : memref<40x128xi32, #tpu.memory_space<vmem>> -> memref<1x128xi32, #tpu.memory_space<vmem>>
      %dma_start3A_17 = tpu.memref_squeeze %dma_start3A_16 : memref<1x128xi32, #tpu.memory_space<vmem>> -> memref<128xi32, #tpu.memory_space<vmem>>
      %dma_start3A_18 = arith.constant 0 : i32
      %dma_start3A_19 = arith.constant 0 : i32
      %dma_start3A_20 = tpu.memref_slice %arg3[%dma_start3A_18, %dma_start3A_19] : memref<10240x128xf32, #tpu.memory_space<hbm>> -> memref<10240x128xf32, #tpu.memory_space<hbm>>
      tpu.enqueue_indirect_dma source(%dma_start3A_20 : memref<10240x128xf32, #tpu.memory_space<hbm>>) target(%arg12 : memref<128x128xf32, #tpu.memory_space<vmem>>) offsets(%dma_start3A_17 : memref<128xi32, #tpu.memory_space<vmem>>) semaphore(%arg15 : memref<!tpu.dma_semaphore, #tpu.memory_space<semaphore_mem>>)
      %dma_wait3A = arith.constant 0 : i32
      %dma_wait3A_21 = tpu.memref_slice %arg9[%scan3A_9, %dma_wait3A] : memref<40x128xi32, #tpu.memory_space<vmem>> -> memref<1x128xi32, #tpu.memory_space<vmem>>
      %dma_wait3A_22 = tpu.memref_squeeze %dma_wait3A_21 : memref<1x128xi32, #tpu.memory_space<vmem>> -> memref<128xi32, #tpu.memory_space<vmem>>
      %dma_wait3A_23 = arith.constant 0 : i32
      %dma_wait3A_24 = arith.constant 0 : i32
      %dma_wait3A_25 = tpu.memref_slice %arg2[%dma_wait3A_23, %dma_wait3A_24] : memref<10240x128xf32, #tpu.memory_space<hbm>> -> memref<10240x128xf32, #tpu.memory_space<hbm>>
      tpu.wait_indirect_dma semaphore(%arg14 : memref<!tpu.dma_semaphore, #tpu.memory_space<semaphore_mem>>) src(%dma_wait3A_25 : memref<10240x128xf32, #tpu.memory_space<hbm>>) dst(%arg11 : memref<128x128xf32, #tpu.memory_space<vmem>>)
      %dma_wait3A_26 = arith.constant 0 : i32
      %dma_wait3A_27 = tpu.memref_slice %arg10[%scan3A_9, %dma_wait3A_26] : memref<40x128xi32, #tpu.memory_space<vmem>> -> memref<1x128xi32, #tpu.memory_space<vmem>>
      %dma_wait3A_28 = tpu.memref_squeeze %dma_wait3A_27 : memref<1x128xi32, #tpu.memory_space<vmem>> -> memref<128xi32, #tpu.memory_space<vmem>>
      %dma_wait3A_29 = arith.constant 0 : i32
      %dma_wait3A_30 = arith.constant 0 : i32
      %dma_wait3A_31 = tpu.memref_slice %arg3[%dma_wait3A_29, %dma_wait3A_30] : memref<10240x128xf32, #tpu.memory_space<hbm>> -> memref<10240x128xf32, #tpu.memory_space<hbm>>
      tpu.wait_indirect_dma semaphore(%arg15 : memref<!tpu.dma_semaphore, #tpu.memory_space<semaphore_mem>>) src(%dma_wait3A_31 : memref<10240x128xf32, #tpu.memory_space<hbm>>) dst(%arg12 : memref<128x128xf32, #tpu.memory_space<vmem>>)
      %scan3A_32 = arith.constant 0 : i32
      %scan3A_33 = arith.constant 0 : i32
      %scan3A_34 = arith.constant 128 : i32
      %scan3A_35 = arith.addi %scan3A_33, %scan3A_34 : i32
      %scan3A_36 = arith.constant 1 : i32
      scf.for %scan3A_52 = %scan3A_33 to %scan3A_35 step %scan3A_36  : i32 {
        %get3A = arith.index_cast %scan3A_52 : i32 to index
        %get3A_53 = arith.constant 0 : index
        %get3A_54 = tpu.vector_load %arg11[%get3A, %get3A_53] {strides = array<i32>} : memref<128x128xf32, #tpu.memory_space<vmem>>, vector<1x16xf32>,
        %get3A_55 = vector.shape_cast %get3A_54 : vector<1x16xf32> to vector<16xf32>
        %get3A_56 = arith.index_cast %scan3A_52 : i32 to index
        %get3A_57 = arith.constant 0 : index
        %get3A_58 = tpu.vector_load %arg12[%get3A_56, %get3A_57] {strides = array<i32>} : memref<128x128xf32, #tpu.memory_space<vmem>>, vector<1x16xf32>,
        %get3A_59 = vector.shape_cast %get3A_58 : vector<1x16xf32> to vector<16xf32>
        %add3A_60 = arith.addf %get3A_55, %get3A_59 : vector<16xf32>
        %swap3A = arith.index_cast %scan3A_52 : i32 to index
        %swap3A_61 = arith.constant 0 : index
        %swap3A_62 = tpu.vector_load %arg11[%swap3A, %swap3A_61] {strides = array<i32>} : memref<128x128xf32, #tpu.memory_space<vmem>>, vector<1x16xf32>,
        %swap3A_63 = vector.shape_cast %swap3A_62 : vector<1x16xf32> to vector<16xf32>
        %swap3A_64 = vector.shape_cast %add3A_60 : vector<16xf32> to vector<1x16xf32>
        tpu.vector_store %arg11[%swap3A, %swap3A_61], %swap3A_64 {strides = array<i32>} : memref<128x128xf32, #tpu.memory_space<vmem>>, vector<1x16xf32>,
        %ge3A = arith.constant -0.405465096 : f32
        %ge3A_65 = vector.broadcast %ge3A : f32 to vector<16xf32>
        %ge3A_66 = arith.cmpf oge, %add3A_60, %ge3A_65 : vector<16xf32>
        %jit3A = arith.constant 1.000000e+00 : f32
        %jit3A_67 = arith.constant 0.000000e+00 : f32
        %broadcast_in_dim3A = vector.broadcast %jit3A : f32 to vector<16xf32>
        %broadcast_in_dim3A_68 = vector.broadcast %jit3A_67 : f32 to vector<16xf32>
        %select_n3A = arith.select %ge3A_66, %broadcast_in_dim3A, %broadcast_in_dim3A_68 : vector<16xi1>, vector<16xf32>
        %swap3A_69 = arith.index_cast %scan3A_52 : i32 to index
        %swap3A_70 = arith.constant 0 : index
        %swap3A_71 = tpu.vector_load %arg12[%swap3A_69, %swap3A_70] {strides = array<i32>} : memref<128x128xf32, #tpu.memory_space<vmem>>, vector<1x16xf32>,
        %swap3A_72 = vector.shape_cast %swap3A_71 : vector<1x16xf32> to vector<16xf32>
        %swap3A_73 = vector.shape_cast %select_n3A : vector<16xf32> to vector<1x16xf32>
        tpu.vector_store %arg12[%swap3A_69, %swap3A_70], %swap3A_73 {strides = array<i32>} : memref<128x128xf32, #tpu.memory_space<vmem>>, vector<1x16xf32>,
        %get3A_74 = arith.index_cast %scan3A_52 : i32 to index
        %get3A_75 = arith.constant 16 : index
        %get3A_76 = tpu.vector_load %arg11[%get3A_74, %get3A_75] {strides = array<i32>} : memref<128x128xf32, #tpu.memory_space<vmem>>, vector<1x16xf32>,
        %get3A_77 = vector.shape_cast %get3A_76 : vector<1x16xf32> to vector<16xf32>
        %get3A_78 = arith.index_cast %scan3A_52 : i32 to index
        %get3A_79 = arith.constant 16 : index
        %get3A_80 = tpu.vector_load %arg12[%get3A_78, %get3A_79] {strides = array<i32>} : memref<128x128xf32, #tpu.memory_space<vmem>>, vector<1x16xf32>,
        %get3A_81 = vector.shape_cast %get3A_80 : vector<1x16xf32> to vector<16xf32>
        %add3A_82 = arith.addf %get3A_77, %get3A_81 : vector<16xf32>
        %swap3A_83 = arith.index_cast %scan3A_52 : i32 to index
        %swap3A_84 = arith.constant 16 : index
        %swap3A_85 = tpu.vector_load %arg11[%swap3A_83, %swap3A_84] {strides = array<i32>} : memref<128x128xf32, #tpu.memory_space<vmem>>, vector<1x16xf32>,
        %swap3A_86 = vector.shape_cast %swap3A_85 : vector<1x16xf32> to vector<16xf32>
        %swap3A_87 = vector.shape_cast %add3A_82 : vector<16xf32> to vector<1x16xf32>
        tpu.vector_store %arg11[%swap3A_83, %swap3A_84], %swap3A_87 {strides = array<i32>} : memref<128x128xf32, #tpu.memory_space<vmem>>, vector<1x16xf32>,
        %ge3A_88 = arith.constant -0.405465096 : f32
        %ge3A_89 = vector.broadcast %ge3A_88 : f32 to vector<16xf32>
        %ge3A_90 = arith.cmpf oge, %add3A_82, %ge3A_89 : vector<16xf32>
        %jit3A_91 = arith.constant 1.000000e+00 : f32
        %jit3A_92 = arith.constant 0.000000e+00 : f32
        %broadcast_in_dim3A_93 = vector.broadcast %jit3A_91 : f32 to vector<16xf32>
        %broadcast_in_dim3A_94 = vector.broadcast %jit3A_92 : f32 to vector<16xf32>
        %select_n3A_95 = arith.select %ge3A_90, %broadcast_in_dim3A_93, %broadcast_in_dim3A_94 : vector<16xi1>, vector<16xf32>
        %swap3A_96 = arith.index_cast %scan3A_52 : i32 to index
        %swap3A_97 = arith.constant 16 : index
        %swap3A_98 = tpu.vector_load %arg12[%swap3A_96, %swap3A_97] {strides = array<i32>} : memref<128x128xf32, #tpu.memory_space<vmem>>, vector<1x16xf32>,
        %swap3A_99 = vector.shape_cast %swap3A_98 : vector<1x16xf32> to vector<16xf32>
        %swap3A_100 = vector.shape_cast %select_n3A_95 : vector<16xf32> to vector<1x16xf32>
        tpu.vector_store %arg12[%swap3A_96, %swap3A_97], %swap3A_100 {strides = array<i32>} : memref<128x128xf32, #tpu.memory_space<vmem>>, vector<1x16xf32>,
        %get3A_101 = arith.index_cast %scan3A_52 : i32 to index
        %get3A_102 = arith.constant 32 : index
        %get3A_103 = tpu.vector_load %arg11[%get3A_101, %get3A_102] {strides = array<i32>} : memref<128x128xf32, #tpu.memory_space<vmem>>, vector<1x16xf32>,
        %get3A_104 = vector.shape_cast %get3A_103 : vector<1x16xf32> to vector<16xf32>
        %get3A_105 = arith.index_cast %scan3A_52 : i32 to index
        %get3A_106 = arith.constant 32 : index
        %get3A_107 = tpu.vector_load %arg12[%get3A_105, %get3A_106] {strides = array<i32>} : memref<128x128xf32, #tpu.memory_space<vmem>>, vector<1x16xf32>,
        %get3A_108 = vector.shape_cast %get3A_107 : vector<1x16xf32> to vector<16xf32>
        %add3A_109 = arith.addf %get3A_104, %get3A_108 : vector<16xf32>
        %swap3A_110 = arith.index_cast %scan3A_52 : i32 to index
        %swap3A_111 = arith.constant 32 : index
        %swap3A_112 = tpu.vector_load %arg11[%swap3A_110, %swap3A_111] {strides = array<i32>} : memref<128x128xf32, #tpu.memory_space<vmem>>, vector<1x16xf32>,
        %swap3A_113 = vector.shape_cast %swap3A_112 : vector<1x16xf32> to vector<16xf32>
        %swap3A_114 = vector.shape_cast %add3A_109 : vector<16xf32> to vector<1x16xf32>
        tpu.vector_store %arg11[%swap3A_110, %swap3A_111], %swap3A_114 {strides = array<i32>} : memref<128x128xf32, #tpu.memory_space<vmem>>, vector<1x16xf32>,
        %ge3A_115 = arith.constant -0.405465096 : f32
        %ge3A_116 = vector.broadcast %ge3A_115 : f32 to vector<16xf32>
        %ge3A_117 = arith.cmpf oge, %add3A_109, %ge3A_116 : vector<16xf32>
        %jit3A_118 = arith.constant 1.000000e+00 : f32
        %jit3A_119 = arith.constant 0.000000e+00 : f32
        %broadcast_in_dim3A_120 = vector.broadcast %jit3A_118 : f32 to vector<16xf32>
        %broadcast_in_dim3A_121 = vector.broadcast %jit3A_119 : f32 to vector<16xf32>
        %select_n3A_122 = arith.select %ge3A_117, %broadcast_in_dim3A_120, %broadcast_in_dim3A_121 : vector<16xi1>, vector<16xf32>
        %swap3A_123 = arith.index_cast %scan3A_52 : i32 to index
        %swap3A_124 = arith.constant 32 : index
        %swap3A_125 = tpu.vector_load %arg12[%swap3A_123, %swap3A_124] {strides = array<i32>} : memref<128x128xf32, #tpu.memory_space<vmem>>, vector<1x16xf32>,
        %swap3A_126 = vector.shape_cast %swap3A_125 : vector<1x16xf32> to vector<16xf32>
        %swap3A_127 = vector.shape_cast %select_n3A_122 : vector<16xf32> to vector<1x16xf32>
        tpu.vector_store %arg12[%swap3A_123, %swap3A_124], %swap3A_127 {strides = array<i32>} : memref<128x128xf32, #tpu.memory_space<vmem>>, vector<1x16xf32>,
        %get3A_128 = arith.index_cast %scan3A_52 : i32 to index
        %get3A_129 = arith.constant 48 : index
        %get3A_130 = tpu.vector_load %arg11[%get3A_128, %get3A_129] {strides = array<i32>} : memref<128x128xf32, #tpu.memory_space<vmem>>, vector<1x16xf32>,
        %get3A_131 = vector.shape_cast %get3A_130 : vector<1x16xf32> to vector<16xf32>
        %get3A_132 = arith.index_cast %scan3A_52 : i32 to index
        %get3A_133 = arith.constant 48 : index
        %get3A_134 = tpu.vector_load %arg12[%get3A_132, %get3A_133] {strides = array<i32>} : memref<128x128xf32, #tpu.memory_space<vmem>>, vector<1x16xf32>,
        %get3A_135 = vector.shape_cast %get3A_134 : vector<1x16xf32> to vector<16xf32>
        %add3A_136 = arith.addf %get3A_131, %get3A_135 : vector<16xf32>
        %swap3A_137 = arith.index_cast %scan3A_52 : i32 to index
        %swap3A_138 = arith.constant 48 : index
        %swap3A_139 = tpu.vector_load %arg11[%swap3A_137, %swap3A_138] {strides = array<i32>} : memref<128x128xf32, #tpu.memory_space<vmem>>, vector<1x16xf32>,
        %swap3A_140 = vector.shape_cast %swap3A_139 : vector<1x16xf32> to vector<16xf32>
        %swap3A_141 = vector.shape_cast %add3A_136 : vector<16xf32> to vector<1x16xf32>
        tpu.vector_store %arg11[%swap3A_137, %swap3A_138], %swap3A_141 {strides = array<i32>} : memref<128x128xf32, #tpu.memory_space<vmem>>, vector<1x16xf32>,
        %ge3A_142 = arith.constant -0.405465096 : f32
        %ge3A_143 = vector.broadcast %ge3A_142 : f32 to vector<16xf32>
        %ge3A_144 = arith.cmpf oge, %add3A_136, %ge3A_143 : vector<16xf32>
        %jit3A_145 = arith.constant 1.000000e+00 : f32
        %jit3A_146 = arith.constant 0.000000e+00 : f32
        %broadcast_in_dim3A_147 = vector.broadcast %jit3A_145 : f32 to vector<16xf32>
        %broadcast_in_dim3A_148 = vector.broadcast %jit3A_146 : f32 to vector<16xf32>
        %select_n3A_149 = arith.select %ge3A_144, %broadcast_in_dim3A_147, %broadcast_in_dim3A_148 : vector<16xi1>, vector<16xf32>
        %swap3A_150 = arith.index_cast %scan3A_52 : i32 to index
        %swap3A_151 = arith.constant 48 : index
        %swap3A_152 = tpu.vector_load %arg12[%swap3A_150, %swap3A_151] {strides = array<i32>} : memref<128x128xf32, #tpu.memory_space<vmem>>, vector<1x16xf32>,
        %swap3A_153 = vector.shape_cast %swap3A_152 : vector<1x16xf32> to vector<16xf32>
        %swap3A_154 = vector.shape_cast %select_n3A_149 : vector<16xf32> to vector<1x16xf32>
        tpu.vector_store %arg12[%swap3A_150, %swap3A_151], %swap3A_154 {strides = array<i32>} : memref<128x128xf32, #tpu.memory_space<vmem>>, vector<1x16xf32>,
        %get3A_155 = arith.index_cast %scan3A_52 : i32 to index
        %get3A_156 = arith.constant 64 : index
        %get3A_157 = tpu.vector_load %arg11[%get3A_155, %get3A_156] {strides = array<i32>} : memref<128x128xf32, #tpu.memory_space<vmem>>, vector<1x16xf32>,
        %get3A_158 = vector.shape_cast %get3A_157 : vector<1x16xf32> to vector<16xf32>
        %get3A_159 = arith.index_cast %scan3A_52 : i32 to index
        %get3A_160 = arith.constant 64 : index
        %get3A_161 = tpu.vector_load %arg12[%get3A_159, %get3A_160] {strides = array<i32>} : memref<128x128xf32, #tpu.memory_space<vmem>>, vector<1x16xf32>,
        %get3A_162 = vector.shape_cast %get3A_161 : vector<1x16xf32> to vector<16xf32>
        %add3A_163 = arith.addf %get3A_158, %get3A_162 : vector<16xf32>
        %swap3A_164 = arith.index_cast %scan3A_52 : i32 to index
        %swap3A_165 = arith.constant 64 : index
        %swap3A_166 = tpu.vector_load %arg11[%swap3A_164, %swap3A_165] {strides = array<i32>} : memref<128x128xf32, #tpu.memory_space<vmem>>, vector<1x16xf32>,
        %swap3A_167 = vector.shape_cast %swap3A_166 : vector<1x16xf32> to vector<16xf32>
        %swap3A_168 = vector.shape_cast %add3A_163 : vector<16xf32> to vector<1x16xf32>
        tpu.vector_store %arg11[%swap3A_164, %swap3A_165], %swap3A_168 {strides = array<i32>} : memref<128x128xf32, #tpu.memory_space<vmem>>, vector<1x16xf32>,
        %ge3A_169 = arith.constant -0.405465096 : f32
        %ge3A_170 = vector.broadcast %ge3A_169 : f32 to vector<16xf32>
        %ge3A_171 = arith.cmpf oge, %add3A_163, %ge3A_170 : vector<16xf32>
        %jit3A_172 = arith.constant 1.000000e+00 : f32
        %jit3A_173 = arith.constant 0.000000e+00 : f32
        %broadcast_in_dim3A_174 = vector.broadcast %jit3A_172 : f32 to vector<16xf32>
        %broadcast_in_dim3A_175 = vector.broadcast %jit3A_173 : f32 to vector<16xf32>
        %select_n3A_176 = arith.select %ge3A_171, %broadcast_in_dim3A_174, %broadcast_in_dim3A_175 : vector<16xi1>, vector<16xf32>
        %swap3A_177 = arith.index_cast %scan3A_52 : i32 to index
        %swap3A_178 = arith.constant 64 : index
        %swap3A_179 = tpu.vector_load %arg12[%swap3A_177, %swap3A_178] {strides = array<i32>} : memref<128x128xf32, #tpu.memory_space<vmem>>, vector<1x16xf32>,
        %swap3A_180 = vector.shape_cast %swap3A_179 : vector<1x16xf32> to vector<16xf32>
        %swap3A_181 = vector.shape_cast %select_n3A_176 : vector<16xf32> to vector<1x16xf32>
        tpu.vector_store %arg12[%swap3A_177, %swap3A_178], %swap3A_181 {strides = array<i32>} : memref<128x128xf32, #tpu.memory_space<vmem>>, vector<1x16xf32>,
        %get3A_182 = arith.index_cast %scan3A_52 : i32 to index
        %get3A_183 = arith.constant 80 : index
        %get3A_184 = tpu.vector_load %arg11[%get3A_182, %get3A_183] {strides = array<i32>} : memref<128x128xf32, #tpu.memory_space<vmem>>, vector<1x16xf32>,
        %get3A_185 = vector.shape_cast %get3A_184 : vector<1x16xf32> to vector<16xf32>
        %get3A_186 = arith.index_cast %scan3A_52 : i32 to index
        %get3A_187 = arith.constant 80 : index
        %get3A_188 = tpu.vector_load %arg12[%get3A_186, %get3A_187] {strides = array<i32>} : memref<128x128xf32, #tpu.memory_space<vmem>>, vector<1x16xf32>,
        %get3A_189 = vector.shape_cast %get3A_188 : vector<1x16xf32> to vector<16xf32>
        %add3A_190 = arith.addf %get3A_185, %get3A_189 : vector<16xf32>
        %swap3A_191 = arith.index_cast %scan3A_52 : i32 to index
        %swap3A_192 = arith.constant 80 : index
        %swap3A_193 = tpu.vector_load %arg11[%swap3A_191, %swap3A_192] {strides = array<i32>} : memref<128x128xf32, #tpu.memory_space<vmem>>, vector<1x16xf32>,
        %swap3A_194 = vector.shape_cast %swap3A_193 : vector<1x16xf32> to vector<16xf32>
        %swap3A_195 = vector.shape_cast %add3A_190 : vector<16xf32> to vector<1x16xf32>
        tpu.vector_store %arg11[%swap3A_191, %swap3A_192], %swap3A_195 {strides = array<i32>} : memref<128x128xf32, #tpu.memory_space<vmem>>, vector<1x16xf32>,
        %ge3A_196 = arith.constant -0.405465096 : f32
        %ge3A_197 = vector.broadcast %ge3A_196 : f32 to vector<16xf32>
        %ge3A_198 = arith.cmpf oge, %add3A_190, %ge3A_197 : vector<16xf32>
        %jit3A_199 = arith.constant 1.000000e+00 : f32
        %jit3A_200 = arith.constant 0.000000e+00 : f32
        %broadcast_in_dim3A_201 = vector.broadcast %jit3A_199 : f32 to vector<16xf32>
        %broadcast_in_dim3A_202 = vector.broadcast %jit3A_200 : f32 to vector<16xf32>
        %select_n3A_203 = arith.select %ge3A_198, %broadcast_in_dim3A_201, %broadcast_in_dim3A_202 : vector<16xi1>, vector<16xf32>
        %swap3A_204 = arith.index_cast %scan3A_52 : i32 to index
        %swap3A_205 = arith.constant 80 : index
        %swap3A_206 = tpu.vector_load %arg12[%swap3A_204, %swap3A_205] {strides = array<i32>} : memref<128x128xf32, #tpu.memory_space<vmem>>, vector<1x16xf32>,
        %swap3A_207 = vector.shape_cast %swap3A_206 : vector<1x16xf32> to vector<16xf32>
        %swap3A_208 = vector.shape_cast %select_n3A_203 : vector<16xf32> to vector<1x16xf32>
        tpu.vector_store %arg12[%swap3A_204, %swap3A_205], %swap3A_208 {strides = array<i32>} : memref<128x128xf32, #tpu.memory_space<vmem>>, vector<1x16xf32>,
        %get3A_209 = arith.index_cast %scan3A_52 : i32 to index
        %get3A_210 = arith.constant 96 : index
        %get3A_211 = tpu.vector_load %arg11[%get3A_209, %get3A_210] {strides = array<i32>} : memref<128x128xf32, #tpu.memory_space<vmem>>, vector<1x16xf32>,
        %get3A_212 = vector.shape_cast %get3A_211 : vector<1x16xf32> to vector<16xf32>
        %get3A_213 = arith.index_cast %scan3A_52 : i32 to index
        %get3A_214 = arith.constant 96 : index
        %get3A_215 = tpu.vector_load %arg12[%get3A_213, %get3A_214] {strides = array<i32>} : memref<128x128xf32, #tpu.memory_space<vmem>>, vector<1x16xf32>,
        %get3A_216 = vector.shape_cast %get3A_215 : vector<1x16xf32> to vector<16xf32>
        %add3A_217 = arith.addf %get3A_212, %get3A_216 : vector<16xf32>
        %swap3A_218 = arith.index_cast %scan3A_52 : i32 to index
        %swap3A_219 = arith.constant 96 : index
        %swap3A_220 = tpu.vector_load %arg11[%swap3A_218, %swap3A_219] {strides = array<i32>} : memref<128x128xf32, #tpu.memory_space<vmem>>, vector<1x16xf32>,
        %swap3A_221 = vector.shape_cast %swap3A_220 : vector<1x16xf32> to vector<16xf32>
        %swap3A_222 = vector.shape_cast %add3A_217 : vector<16xf32> to vector<1x16xf32>
        tpu.vector_store %arg11[%swap3A_218, %swap3A_219], %swap3A_222 {strides = array<i32>} : memref<128x128xf32, #tpu.memory_space<vmem>>, vector<1x16xf32>,
        %ge3A_223 = arith.constant -0.405465096 : f32
        %ge3A_224 = vector.broadcast %ge3A_223 : f32 to vector<16xf32>
        %ge3A_225 = arith.cmpf oge, %add3A_217, %ge3A_224 : vector<16xf32>
        %jit3A_226 = arith.constant 1.000000e+00 : f32
        %jit3A_227 = arith.constant 0.000000e+00 : f32
        %broadcast_in_dim3A_228 = vector.broadcast %jit3A_226 : f32 to vector<16xf32>
        %broadcast_in_dim3A_229 = vector.broadcast %jit3A_227 : f32 to vector<16xf32>
        %select_n3A_230 = arith.select %ge3A_225, %broadcast_in_dim3A_228, %broadcast_in_dim3A_229 : vector<16xi1>, vector<16xf32>
        %swap3A_231 = arith.index_cast %scan3A_52 : i32 to index
        %swap3A_232 = arith.constant 96 : index
        %swap3A_233 = tpu.vector_load %arg12[%swap3A_231, %swap3A_232] {strides = array<i32>} : memref<128x128xf32, #tpu.memory_space<vmem>>, vector<1x16xf32>,
        %swap3A_234 = vector.shape_cast %swap3A_233 : vector<1x16xf32> to vector<16xf32>
        %swap3A_235 = vector.shape_cast %select_n3A_230 : vector<16xf32> to vector<1x16xf32>
        tpu.vector_store %arg12[%swap3A_231, %swap3A_232], %swap3A_235 {strides = array<i32>} : memref<128x128xf32, #tpu.memory_space<vmem>>, vector<1x16xf32>,
        %get3A_236 = arith.index_cast %scan3A_52 : i32 to index
        %get3A_237 = arith.constant 112 : index
        %get3A_238 = tpu.vector_load %arg11[%get3A_236, %get3A_237] {strides = array<i32>} : memref<128x128xf32, #tpu.memory_space<vmem>>, vector<1x16xf32>,
        %get3A_239 = vector.shape_cast %get3A_238 : vector<1x16xf32> to vector<16xf32>
        %get3A_240 = arith.index_cast %scan3A_52 : i32 to index
        %get3A_241 = arith.constant 112 : index
        %get3A_242 = tpu.vector_load %arg12[%get3A_240, %get3A_241] {strides = array<i32>} : memref<128x128xf32, #tpu.memory_space<vmem>>, vector<1x16xf32>,
        %get3A_243 = vector.shape_cast %get3A_242 : vector<1x16xf32> to vector<16xf32>
        %add3A_244 = arith.addf %get3A_239, %get3A_243 : vector<16xf32>
        %swap3A_245 = arith.index_cast %scan3A_52 : i32 to index
        %swap3A_246 = arith.constant 112 : index
        %swap3A_247 = tpu.vector_load %arg11[%swap3A_245, %swap3A_246] {strides = array<i32>} : memref<128x128xf32, #tpu.memory_space<vmem>>, vector<1x16xf32>,
        %swap3A_248 = vector.shape_cast %swap3A_247 : vector<1x16xf32> to vector<16xf32>
        %swap3A_249 = vector.shape_cast %add3A_244 : vector<16xf32> to vector<1x16xf32>
        tpu.vector_store %arg11[%swap3A_245, %swap3A_246], %swap3A_249 {strides = array<i32>} : memref<128x128xf32, #tpu.memory_space<vmem>>, vector<1x16xf32>,
        %ge3A_250 = arith.constant -0.405465096 : f32
        %ge3A_251 = vector.broadcast %ge3A_250 : f32 to vector<16xf32>
        %ge3A_252 = arith.cmpf oge, %add3A_244, %ge3A_251 : vector<16xf32>
        %jit3A_253 = arith.constant 1.000000e+00 : f32
        %jit3A_254 = arith.constant 0.000000e+00 : f32
        %broadcast_in_dim3A_255 = vector.broadcast %jit3A_253 : f32 to vector<16xf32>
        %broadcast_in_dim3A_256 = vector.broadcast %jit3A_254 : f32 to vector<16xf32>
        %select_n3A_257 = arith.select %ge3A_252, %broadcast_in_dim3A_255, %broadcast_in_dim3A_256 : vector<16xi1>, vector<16xf32>
        %swap3A_258 = arith.index_cast %scan3A_52 : i32 to index
        %swap3A_259 = arith.constant 112 : index
        %swap3A_260 = tpu.vector_load %arg12[%swap3A_258, %swap3A_259] {strides = array<i32>} : memref<128x128xf32, #tpu.memory_space<vmem>>, vector<1x16xf32>,
        %swap3A_261 = vector.shape_cast %swap3A_260 : vector<1x16xf32> to vector<16xf32>
        %swap3A_262 = vector.shape_cast %select_n3A_257 : vector<16xf32> to vector<1x16xf32>
        tpu.vector_store %arg12[%swap3A_258, %swap3A_259], %swap3A_262 {strides = array<i32>} : memref<128x128xf32, #tpu.memory_space<vmem>>, vector<1x16xf32>,
      }
      %scan3A_37 = arith.constant 128 : i32
      %mul3A_38 = arith.constant 128 : i32
      %mul3A_39 = arith.muli %scan3A_9, %mul3A_38 : i32
      %dma_start3A_40 = arith.constant 0 : i32
      %dma_start3A_41 = tpu.memref_slice %arg7[%add3A, %mul3A_39, %dma_start3A_40] : memref<32x5120x128xf32, #tpu.memory_space<hbm>> -> memref<1x128x128xf32, #tpu.memory_space<hbm>>
      %dma_start3A_42 = tpu.memref_squeeze %dma_start3A_41 : memref<1x128x128xf32, #tpu.memory_space<hbm>> -> memref<128x128xf32, #tpu.memory_space<hbm>>
      %dma_start3A_43 = arith.constant 0 : i32
      %dma_start3A_44 = tpu.memref_slice %arg7[%add3A, %mul3A_39, %dma_start3A_43] : memref<32x5120x128xf32, #tpu.memory_space<hbm>> -> memref<1x128x128xf32, #tpu.memory_space<hbm>>
      %dma_start3A_45 = tpu.memref_squeeze %dma_start3A_44 : memref<1x128x128xf32, #tpu.memory_space<hbm>> -> memref<128x128xf32, #tpu.memory_space<hbm>>
      tpu.enqueue_dma source(%arg11 : memref<128x128xf32, #tpu.memory_space<vmem>>) target(%dma_start3A_45 : memref<128x128xf32, #tpu.memory_space<hbm>>) target_semaphore(%arg16 : memref<!tpu.dma_semaphore, #tpu.memory_space<semaphore_mem>>)
      "tpu.region"() ({
        %run_scoped3A = tpu.sem_alloc : memref<!tpu.dma_semaphore, #tpu.memory_space<semaphore_mem>>
        %dma_start3A_52 = arith.constant 0 : i32
        %dma_start3A_53 = tpu.memref_slice %arg9[%scan3A_9, %dma_start3A_52] : memref<40x128xi32, #tpu.memory_space<vmem>> -> memref<1x128xi32, #tpu.memory_space<vmem>>
        %dma_start3A_54 = tpu.memref_squeeze %dma_start3A_53 : memref<1x128xi32, #tpu.memory_space<vmem>> -> memref<128xi32, #tpu.memory_space<vmem>>
        %dma_start3A_55 = arith.constant 0 : i32
        %dma_start3A_56 = arith.constant 0 : i32
        %dma_start3A_57 = tpu.memref_slice %arg13[%dma_start3A_55, %dma_start3A_56] : memref<10240x128xf32, #tpu.memory_space<vmem_shared>> -> memref<10240x128xf32, #tpu.memory_space<vmem_shared>>
        tpu.enqueue_indirect_dma source(%arg12 : memref<128x128xf32, #tpu.memory_space<vmem>>) target(%dma_start3A_57 : memref<10240x128xf32, #tpu.memory_space<vmem_shared>>) offsets(%dma_start3A_54 : memref<128xi32, #tpu.memory_space<vmem>>) semaphore(%run_scoped3A : memref<!tpu.dma_semaphore, #tpu.memory_space<semaphore_mem>>) {add = true}
        %dma_wait3A_58 = arith.constant 0 : i32
        %dma_wait3A_59 = tpu.memref_slice %arg9[%scan3A_9, %dma_wait3A_58] : memref<40x128xi32, #tpu.memory_space<vmem>> -> memref<1x128xi32, #tpu.memory_space<vmem>>
        %dma_wait3A_60 = tpu.memref_squeeze %dma_wait3A_59 : memref<1x128xi32, #tpu.memory_space<vmem>> -> memref<128xi32, #tpu.memory_space<vmem>>
        %dma_wait3A_61 = arith.constant 0 : i32
        %dma_wait3A_62 = arith.constant 0 : i32
        %dma_wait3A_63 = tpu.memref_slice %arg13[%dma_wait3A_61, %dma_wait3A_62] : memref<10240x128xf32, #tpu.memory_space<vmem_shared>> -> memref<10240x128xf32, #tpu.memory_space<vmem_shared>>
        tpu.wait_indirect_dma semaphore(%run_scoped3A : memref<!tpu.dma_semaphore, #tpu.memory_space<semaphore_mem>>) src(%arg12 : memref<128x128xf32, #tpu.memory_space<vmem>>) dst(%dma_wait3A_63 : memref<10240x128xf32, #tpu.memory_space<vmem_shared>>)
        tpu.yield
      }) : () -> ()
      "tpu.region"() ({
        %run_scoped3A = tpu.sem_alloc : memref<!tpu.dma_semaphore, #tpu.memory_space<semaphore_mem>>
        %dma_start3A_52 = arith.constant 0 : i32
        %dma_start3A_53 = tpu.memref_slice %arg10[%scan3A_9, %dma_start3A_52] : memref<40x128xi32, #tpu.memory_space<vmem>> -> memref<1x128xi32, #tpu.memory_space<vmem>>
        %dma_start3A_54 = tpu.memref_squeeze %dma_start3A_53 : memref<1x128xi32, #tpu.memory_space<vmem>> -> memref<128xi32, #tpu.memory_space<vmem>>
        %dma_start3A_55 = arith.constant 0 : i32
        %dma_start3A_56 = arith.constant 0 : i32
        %dma_start3A_57 = tpu.memref_slice %arg13[%dma_start3A_55, %dma_start3A_56] : memref<10240x128xf32, #tpu.memory_space<vmem_shared>> -> memref<10240x128xf32, #tpu.memory_space<vmem_shared>>
        tpu.enqueue_indirect_dma source(%arg12 : memref<128x128xf32, #tpu.memory_space<vmem>>) target(%dma_start3A_57 : memref<10240x128xf32, #tpu.memory_space<vmem_shared>>) offsets(%dma_start3A_54 : memref<128xi32, #tpu.memory_space<vmem>>) semaphore(%run_scoped3A : memref<!tpu.dma_semaphore, #tpu.memory_space<semaphore_mem>>) {add = true}
        %dma_wait3A_58 = arith.constant 0 : i32
        %dma_wait3A_59 = tpu.memref_slice %arg10[%scan3A_9, %dma_wait3A_58] : memref<40x128xi32, #tpu.memory_space<vmem>> -> memref<1x128xi32, #tpu.memory_space<vmem>>
        %dma_wait3A_60 = tpu.memref_squeeze %dma_wait3A_59 : memref<1x128xi32, #tpu.memory_space<vmem>> -> memref<128xi32, #tpu.memory_space<vmem>>
        %dma_wait3A_61 = arith.constant 0 : i32
        %dma_wait3A_62 = arith.constant 0 : i32
        %dma_wait3A_63 = tpu.memref_slice %arg13[%dma_wait3A_61, %dma_wait3A_62] : memref<10240x128xf32, #tpu.memory_space<vmem_shared>> -> memref<10240x128xf32, #tpu.memory_space<vmem_shared>>
        tpu.wait_indirect_dma semaphore(%run_scoped3A : memref<!tpu.dma_semaphore, #tpu.memory_space<semaphore_mem>>) src(%arg12 : memref<128x128xf32, #tpu.memory_space<vmem>>) dst(%dma_wait3A_63 : memref<10240x128xf32, #tpu.memory_space<vmem_shared>>)
        tpu.yield
      }) : () -> ()
      %dma_wait3A_46 = arith.constant 0 : i32
      %dma_wait3A_47 = tpu.memref_slice %arg7[%add3A, %mul3A_39, %dma_wait3A_46] : memref<32x5120x128xf32, #tpu.memory_space<hbm>> -> memref<1x128x128xf32, #tpu.memory_space<hbm>>
      %dma_wait3A_48 = tpu.memref_squeeze %dma_wait3A_47 : memref<1x128x128xf32, #tpu.memory_space<hbm>> -> memref<128x128xf32, #tpu.memory_space<hbm>>
      %dma_wait3A_49 = arith.constant 0 : i32
      %dma_wait3A_50 = tpu.memref_slice %arg7[%add3A, %mul3A_39, %dma_wait3A_49] : memref<32x5120x128xf32, #tpu.memory_space<hbm>> -> memref<1x128x128xf32, #tpu.memory_space<hbm>>
      %dma_wait3A_51 = tpu.memref_squeeze %dma_wait3A_50 : memref<1x128x128xf32, #tpu.memory_space<hbm>> -> memref<128x128xf32, #tpu.memory_space<hbm>>
      tpu.wait_dma2 semaphore(%arg16 : memref<!tpu.dma_semaphore, #tpu.memory_space<semaphore_mem>>) src(%arg11 : memref<128x128xf32, #tpu.memory_space<vmem>>) dst(%dma_wait3A_51 : memref<128x128xf32, #tpu.memory_space<hbm>>)
    }
    %scan3A_7 = arith.constant 40 : i32
    %barrier3A_8 = arith.constant 0 : index
    tpu.barrier barrier_id(%barrier3A_8)
    "tpu.region"() ({
      %run_scoped3A = tpu.sem_alloc : memref<!tpu.dma_semaphore, #tpu.memory_space<semaphore_mem>>
      %dma_start3A = arith.constant 0 : i32
      %dma_start3A_9 = tpu.memref_slice %arg8[%arg0, %mul3A_2, %dma_start3A] : memref<2x10240x128xf32, #tpu.memory_space<hbm>> -> memref<1x640x128xf32, #tpu.memory_space<hbm>>
      %dma_start3A_10 = tpu.memref_squeeze %dma_start3A_9 : memref<1x640x128xf32, #tpu.memory_space<hbm>> -> memref<640x128xf32, #tpu.memory_space<hbm>>
      %dma_start3A_11 = arith.constant 0 : i32
      %dma_start3A_12 = tpu.memref_slice %arg13[%mul3A_2, %dma_start3A_11] : memref<10240x128xf32, #tpu.memory_space<vmem_shared>> -> memref<640x128xf32, #tpu.memory_space<vmem_shared>>
      tpu.enqueue_dma source(%dma_start3A_12 : memref<640x128xf32, #tpu.memory_space<vmem_shared>>) target(%dma_start3A_10 : memref<640x128xf32, #tpu.memory_space<hbm>>) target_semaphore(%run_scoped3A : memref<!tpu.dma_semaphore, #tpu.memory_space<semaphore_mem>>)
      %dma_wait3A = arith.constant 0 : i32
      %dma_wait3A_13 = tpu.memref_slice %arg8[%arg0, %mul3A_2, %dma_wait3A] : memref<2x10240x128xf32, #tpu.memory_space<hbm>> -> memref<1x640x128xf32, #tpu.memory_space<hbm>>
      %dma_wait3A_14 = tpu.memref_squeeze %dma_wait3A_13 : memref<1x640x128xf32, #tpu.memory_space<hbm>> -> memref<640x128xf32, #tpu.memory_space<hbm>>
      %dma_wait3A_15 = arith.constant 0 : i32
      %dma_wait3A_16 = tpu.memref_slice %arg13[%mul3A_2, %dma_wait3A_15] : memref<10240x128xf32, #tpu.memory_space<vmem_shared>> -> memref<640x128xf32, #tpu.memory_space<vmem_shared>>
      tpu.wait_dma2 semaphore(%run_scoped3A : memref<!tpu.dma_semaphore, #tpu.memory_space<semaphore_mem>>) src(%dma_wait3A_16 : memref<640x128xf32, #tpu.memory_space<vmem_shared>>) dst(%dma_wait3A_14 : memref<640x128xf32, #tpu.memory_space<hbm>>)
      tpu.yield
    }) : () -> ()
    return
  }
}

#map = affine_map<(d0, d1) -> (0, 0)>
#map1 = affine_map<(d0, d1) -> (0, 0, 0)>
module attributes {stable_mosaic.version = 14 : i64} {
  func.func @_sc3_body(%arg0: i32, %arg1: i32, %arg2: memref<10240x128xf32, #tpu.memory_space<hbm>>, %arg3: memref<32x40x128xi32, #tpu.memory_space<hbm>>, %arg4: memref<32x5120x128xf32, #tpu.memory_space<hbm>>, %arg5: memref<40x128xi32, #tpu.memory_space<vmem>>, %arg6: memref<128x128xf32, #tpu.memory_space<vmem>>, %arg7: memref<!tpu.dma_semaphore, #tpu.memory_space<semaphore_mem>>) attributes {dimension_semantics = [#tpu.dimension_semantics<core_parallel>, #tpu.dimension_semantics<subcore_parallel>], iteration_bounds = array<i64: 2, 16>, scalar_prefetch = 0 : i64, scratch_operands = 3 : i64, tpu.core_type = #tpu.core_type<sc_vector_subcore>, window_params = [{transform_indices = #map}, {transform_indices = #map1}, {transform_indices = #map1}]} {
    %mul3A = arith.constant 16 : i32
    %mul3A_0 = arith.muli %arg0, %mul3A : i32
    %add3A = arith.addi %mul3A_0, %arg1 : i32
    "tpu.region"() ({
      %run_scoped3A = tpu.sem_alloc : memref<!tpu.dma_semaphore, #tpu.memory_space<semaphore_mem>>
      %dma_start3A = arith.constant 0 : i32
      %dma_start3A_6 = arith.constant 0 : i32
      %dma_start3A_7 = tpu.memref_slice %arg3[%add3A, %dma_start3A, %dma_start3A_6] : memref<32x40x128xi32, #tpu.memory_space<hbm>> -> memref<1x40x128xi32, #tpu.memory_space<hbm>>
      %dma_start3A_8 = tpu.memref_squeeze %dma_start3A_7 : memref<1x40x128xi32, #tpu.memory_space<hbm>> -> memref<40x128xi32, #tpu.memory_space<hbm>>
      %dma_start3A_9 = arith.constant 0 : i32
      %dma_start3A_10 = arith.constant 0 : i32
      %dma_start3A_11 = tpu.memref_slice %arg3[%add3A, %dma_start3A_9, %dma_start3A_10] : memref<32x40x128xi32, #tpu.memory_space<hbm>> -> memref<1x40x128xi32, #tpu.memory_space<hbm>>
      %dma_start3A_12 = tpu.memref_squeeze %dma_start3A_11 : memref<1x40x128xi32, #tpu.memory_space<hbm>> -> memref<40x128xi32, #tpu.memory_space<hbm>>
      tpu.enqueue_dma source(%dma_start3A_12 : memref<40x128xi32, #tpu.memory_space<hbm>>) target(%arg5 : memref<40x128xi32, #tpu.memory_space<vmem>>) target_semaphore(%run_scoped3A : memref<!tpu.dma_semaphore, #tpu.memory_space<semaphore_mem>>)
      %dma_wait3A = arith.constant 0 : i32
      %dma_wait3A_13 = arith.constant 0 : i32
      %dma_wait3A_14 = tpu.memref_slice %arg3[%add3A, %dma_wait3A, %dma_wait3A_13] : memref<32x40x128xi32, #tpu.memory_space<hbm>> -> memref<1x40x128xi32, #tpu.memory_space<hbm>>
      %dma_wait3A_15 = tpu.memref_squeeze %dma_wait3A_14 : memref<1x40x128xi32, #tpu.memory_space<hbm>> -> memref<40x128xi32, #tpu.memory_space<hbm>>
      %dma_wait3A_16 = arith.constant 0 : i32
      %dma_wait3A_17 = arith.constant 0 : i32
      %dma_wait3A_18 = tpu.memref_slice %arg3[%add3A, %dma_wait3A_16, %dma_wait3A_17] : memref<32x40x128xi32, #tpu.memory_space<hbm>> -> memref<1x40x128xi32, #tpu.memory_space<hbm>>
      %dma_wait3A_19 = tpu.memref_squeeze %dma_wait3A_18 : memref<1x40x128xi32, #tpu.memory_space<hbm>> -> memref<40x128xi32, #tpu.memory_space<hbm>>
      tpu.wait_dma2 semaphore(%run_scoped3A : memref<!tpu.dma_semaphore, #tpu.memory_space<semaphore_mem>>) src(%dma_wait3A_19 : memref<40x128xi32, #tpu.memory_space<hbm>>) dst(%arg5 : memref<40x128xi32, #tpu.memory_space<vmem>>)
      tpu.yield
    }) : () -> ()
    %scan3A = arith.constant 0 : i32
    %scan3A_1 = arith.constant 0 : i32
    %scan3A_2 = arith.constant 40 : i32
    %scan3A_3 = arith.addi %scan3A_1, %scan3A_2 : i32
    %scan3A_4 = arith.constant 1 : i32
    scf.for %scan3A_6 = %scan3A_1 to %scan3A_3 step %scan3A_4  : i32 {
      %dma_start3A = arith.constant 0 : i32
      %dma_start3A_7 = tpu.memref_slice %arg5[%scan3A_6, %dma_start3A] : memref<40x128xi32, #tpu.memory_space<vmem>> -> memref<1x128xi32, #tpu.memory_space<vmem>>
      %dma_start3A_8 = tpu.memref_squeeze %dma_start3A_7 : memref<1x128xi32, #tpu.memory_space<vmem>> -> memref<128xi32, #tpu.memory_space<vmem>>
      %dma_start3A_9 = arith.constant 0 : i32
      %dma_start3A_10 = arith.constant 0 : i32
      %dma_start3A_11 = tpu.memref_slice %arg2[%dma_start3A_9, %dma_start3A_10] : memref<10240x128xf32, #tpu.memory_space<hbm>> -> memref<10240x128xf32, #tpu.memory_space<hbm>>
      tpu.enqueue_indirect_dma source(%dma_start3A_11 : memref<10240x128xf32, #tpu.memory_space<hbm>>) target(%arg6 : memref<128x128xf32, #tpu.memory_space<vmem>>) offsets(%dma_start3A_8 : memref<128xi32, #tpu.memory_space<vmem>>) semaphore(%arg7 : memref<!tpu.dma_semaphore, #tpu.memory_space<semaphore_mem>>)
      %dma_wait3A = arith.constant 0 : i32
      %dma_wait3A_12 = tpu.memref_slice %arg5[%scan3A_6, %dma_wait3A] : memref<40x128xi32, #tpu.memory_space<vmem>> -> memref<1x128xi32, #tpu.memory_space<vmem>>
      %dma_wait3A_13 = tpu.memref_squeeze %dma_wait3A_12 : memref<1x128xi32, #tpu.memory_space<vmem>> -> memref<128xi32, #tpu.memory_space<vmem>>
      %dma_wait3A_14 = arith.constant 0 : i32
      %dma_wait3A_15 = arith.constant 0 : i32
      %dma_wait3A_16 = tpu.memref_slice %arg2[%dma_wait3A_14, %dma_wait3A_15] : memref<10240x128xf32, #tpu.memory_space<hbm>> -> memref<10240x128xf32, #tpu.memory_space<hbm>>
      tpu.wait_indirect_dma semaphore(%arg7 : memref<!tpu.dma_semaphore, #tpu.memory_space<semaphore_mem>>) src(%dma_wait3A_16 : memref<10240x128xf32, #tpu.memory_space<hbm>>) dst(%arg6 : memref<128x128xf32, #tpu.memory_space<vmem>>)
      %mul3A_17 = arith.constant 128 : i32
      %mul3A_18 = arith.muli %scan3A_6, %mul3A_17 : i32
      "tpu.region"() ({
        %run_scoped3A = tpu.sem_alloc : memref<!tpu.dma_semaphore, #tpu.memory_space<semaphore_mem>>
        %dma_start3A_19 = arith.constant 0 : i32
        %dma_start3A_20 = tpu.memref_slice %arg4[%add3A, %mul3A_18, %dma_start3A_19] : memref<32x5120x128xf32, #tpu.memory_space<hbm>> -> memref<1x128x128xf32, #tpu.memory_space<hbm>>
        %dma_start3A_21 = tpu.memref_squeeze %dma_start3A_20 : memref<1x128x128xf32, #tpu.memory_space<hbm>> -> memref<128x128xf32, #tpu.memory_space<hbm>>
        %dma_start3A_22 = arith.constant 0 : i32
        %dma_start3A_23 = tpu.memref_slice %arg4[%add3A, %mul3A_18, %dma_start3A_22] : memref<32x5120x128xf32, #tpu.memory_space<hbm>> -> memref<1x128x128xf32, #tpu.memory_space<hbm>>
        %dma_start3A_24 = tpu.memref_squeeze %dma_start3A_23 : memref<1x128x128xf32, #tpu.memory_space<hbm>> -> memref<128x128xf32, #tpu.memory_space<hbm>>
        tpu.enqueue_dma source(%arg6 : memref<128x128xf32, #tpu.memory_space<vmem>>) target(%dma_start3A_24 : memref<128x128xf32, #tpu.memory_space<hbm>>) target_semaphore(%run_scoped3A : memref<!tpu.dma_semaphore, #tpu.memory_space<semaphore_mem>>)
        %dma_wait3A_25 = arith.constant 0 : i32
        %dma_wait3A_26 = tpu.memref_slice %arg4[%add3A, %mul3A_18, %dma_wait3A_25] : memref<32x5120x128xf32, #tpu.memory_space<hbm>> -> memref<1x128x128xf32, #tpu.memory_space<hbm>>
        %dma_wait3A_27 = tpu.memref_squeeze %dma_wait3A_26 : memref<1x128x128xf32, #tpu.memory_space<hbm>> -> memref<128x128xf32, #tpu.memory_space<hbm>>
        %dma_wait3A_28 = arith.constant 0 : i32
        %dma_wait3A_29 = tpu.memref_slice %arg4[%add3A, %mul3A_18, %dma_wait3A_28] : memref<32x5120x128xf32, #tpu.memory_space<hbm>> -> memref<1x128x128xf32, #tpu.memory_space<hbm>>
        %dma_wait3A_30 = tpu.memref_squeeze %dma_wait3A_29 : memref<1x128x128xf32, #tpu.memory_space<hbm>> -> memref<128x128xf32, #tpu.memory_space<hbm>>
        tpu.wait_dma2 semaphore(%run_scoped3A : memref<!tpu.dma_semaphore, #tpu.memory_space<semaphore_mem>>) src(%arg6 : memref<128x128xf32, #tpu.memory_space<vmem>>) dst(%dma_wait3A_30 : memref<128x128xf32, #tpu.memory_space<hbm>>)
        tpu.yield
      }) : () -> ()
    }
    %scan3A_5 = arith.constant 40 : i32
    return
  }
}

module attributes {stable_mosaic.version = 14 : i64} {
  func.func @_tc1_body(%arg0: i32, %arg1: memref<1024x1xf32, #tpu.memory_space<vmem>>, %arg2: memref<1024x1xf32, #tpu.memory_space<vmem>>, %arg3: memref<1024x128xf32, #tpu.memory_space<vmem>>, %arg4: memref<2x128xf32, #tpu.memory_space<vmem>>, %arg5: memref<1x128xf32, #tpu.memory_space<vmem>>, %arg6: memref<128x128xf32, #tpu.memory_space<vmem>>, %arg7: memref<1x128xf32, #tpu.memory_space<vmem>>, %arg8: memref<512x128xf32, #tpu.memory_space<vmem>>, %arg9: memref<1x128xf32, #tpu.memory_space<vmem>>, %arg10: memref<1024x128xf32, #tpu.memory_space<vmem>>, %arg11: memref<1024x128xf32, #tpu.memory_space<vmem>>, %arg12: memref<1024x128xf32, #tpu.memory_space<vmem>>) attributes {dimension_semantics = [#tpu.dimension_semantics<arbitrary>], iteration_bounds = array<i64: 10>, scalar_prefetch = 0 : i64, scratch_operands = 0 : i64, tpu.core_type = #tpu.core_type<tc>, window_params = [{transform_indices = @transform_0, window_bounds = array<i64: 1024, 1>}, {transform_indices = @transform_1, window_bounds = array<i64: 1024, 1>}, {transform_indices = @transform_2, window_bounds = array<i64: 1024, 128>}, {pipeline_mode = #tpu.pipeline_mode<synchronous>, transform_indices = @transform_3, window_bounds = array<i64: 2, 128>}, {pipeline_mode = #tpu.pipeline_mode<synchronous>, transform_indices = @transform_4, window_bounds = array<i64: 1, 128>}, {pipeline_mode = #tpu.pipeline_mode<synchronous>, transform_indices = @transform_5, window_bounds = array<i64: 128, 128>}, {pipeline_mode = #tpu.pipeline_mode<synchronous>, transform_indices = @transform_6, window_bounds = array<i64: 1, 128>}, {pipeline_mode = #tpu.pipeline_mode<synchronous>, transform_indices = @transform_7, window_bounds = array<i64: 512, 128>}, {pipeline_mode = #tpu.pipeline_mode<synchronous>, transform_indices = @transform_8, window_bounds = array<i64: 1, 128>}, {transform_indices = @transform_9, window_bounds = array<i64: 1024, 128>}, {transform_indices = @transform_10, window_bounds = array<i64: 1024, 128>}, {transform_indices = @transform_11, window_bounds = array<i64: 1024, 128>}]} {
    %get3A = arith.constant 0 : index
    %get3A_0 = arith.constant 0 : index
    %get3A_1 = vector.load %arg1[%get3A, %get3A_0] : memref<1024x1xf32, #tpu.memory_space<vmem>>, vector<1024x1xf32>
    %get3A_2 = arith.constant 0 : index
    %get3A_3 = arith.constant 0 : index
    %get3A_4 = vector.load %arg2[%get3A_2, %get3A_3] : memref<1024x1xf32, #tpu.memory_space<vmem>>, vector<1024x1xf32>
    %get3A_5 = arith.constant 0 : index
    %get3A_6 = arith.constant 0 : index
    %get3A_7 = vector.load %arg4[%get3A_5, %get3A_6] : memref<2x128xf32, #tpu.memory_space<vmem>>, vector<1x128xf32>
    %mul3A = vector.broadcast %get3A_1 : vector<1024x1xf32> to vector<1024x128xf32>
    %mul3A_8 = vector.broadcast %get3A_7 : vector<1x128xf32> to vector<1024x128xf32>
    %mul3A_9 = arith.mulf %mul3A, %mul3A_8 : vector<1024x128xf32>
    %get3A_10 = arith.constant 1 : index
    %get3A_11 = arith.constant 0 : index
    %get3A_12 = vector.load %arg4[%get3A_10, %get3A_11] : memref<2x128xf32, #tpu.memory_space<vmem>>, vector<1x128xf32>
    %mul3A_13 = vector.broadcast %get3A_4 : vector<1024x1xf32> to vector<1024x128xf32>
    %mul3A_14 = vector.broadcast %get3A_12 : vector<1x128xf32> to vector<1024x128xf32>
    %mul3A_15 = arith.mulf %mul3A_13, %mul3A_14 : vector<1024x128xf32>
    %add3A = arith.addf %mul3A_9, %mul3A_15 : vector<1024x128xf32>
    %get3A_16 = arith.constant 0 : index
    %get3A_17 = arith.constant 0 : index
    %get3A_18 = vector.load %arg5[%get3A_16, %get3A_17] : memref<1x128xf32, #tpu.memory_space<vmem>>, vector<1x128xf32>
    %add3A_19 = vector.broadcast %get3A_18 : vector<1x128xf32> to vector<1024x128xf32>
    %add3A_20 = arith.addf %add3A, %add3A_19 : vector<1024x128xf32>
    %max3A = arith.constant 0.000000e+00 : f32
    %max3A_21 = vector.broadcast %max3A : f32 to vector<1024x128xf32>
    %max3A_22 = arith.maximumf %add3A_20, %max3A_21 : vector<1024x128xf32>
    %get3A_23 = arith.constant 0 : index
    %get3A_24 = arith.constant 0 : index
    %get3A_25 = vector.load %arg6[%get3A_23, %get3A_24] : memref<128x128xf32, #tpu.memory_space<vmem>>, vector<128x128xf32>
    %dot_general3A = arith.constant dense<0.000000e+00> : vector<1024x128xf32>
    %dot_general3A_26 = tpu.matmul %max3A_22, %get3A_25, %dot_general3A {dimension_numbers = #tpu.dot_dimension_numbers<[1], [0], [0], [1], [0, 0, 1, 1], [], []>, transpose_lhs_hint = false} : vector<1024x128xf32>, vector<128x128xf32>, vector<1024x128xf32> -> vector<1024x128xf32>
    %get3A_27 = arith.constant 0 : index
    %get3A_28 = arith.constant 0 : index
    %get3A_29 = vector.load %arg7[%get3A_27, %get3A_28] : memref<1x128xf32, #tpu.memory_space<vmem>>, vector<1x128xf32>
    %add3A_30 = vector.broadcast %get3A_29 : vector<1x128xf32> to vector<1024x128xf32>
    %add3A_31 = arith.addf %dot_general3A_26, %add3A_30 : vector<1024x128xf32>
    %get3A_32 = arith.constant 0 : index
    %get3A_33 = arith.constant 0 : index
    %get3A_34 = vector.load %arg3[%get3A_32, %get3A_33] : memref<1024x128xf32, #tpu.memory_space<vmem>>, vector<1024x128xf32>
    %get3A_35 = arith.constant 0 : index
    %get3A_36 = arith.constant 0 : index
    %get3A_37 = vector.load %arg8[%get3A_35, %get3A_36] : memref<512x128xf32, #tpu.memory_space<vmem>>, vector<128x128xf32>
    %dot_general3A_38 = arith.constant dense<0.000000e+00> : vector<1024x128xf32>
    %dot_general3A_39 = tpu.matmul %add3A_31, %get3A_37, %dot_general3A_38 {dimension_numbers = #tpu.dot_dimension_numbers<[1], [0], [0], [1], [0, 0, 1, 1], [], []>, transpose_lhs_hint = false} : vector<1024x128xf32>, vector<128x128xf32>, vector<1024x128xf32> -> vector<1024x128xf32>
    %get3A_40 = arith.constant 128 : index
    %get3A_41 = arith.constant 0 : index
    %get3A_42 = vector.load %arg8[%get3A_40, %get3A_41] : memref<512x128xf32, #tpu.memory_space<vmem>>, vector<128x128xf32>
    %dot_general3A_43 = arith.constant dense<0.000000e+00> : vector<1024x128xf32>
    %dot_general3A_44 = tpu.matmul %get3A_34, %get3A_42, %dot_general3A_43 {dimension_numbers = #tpu.dot_dimension_numbers<[1], [0], [0], [1], [0, 0, 1, 1], [], []>, transpose_lhs_hint = false} : vector<1024x128xf32>, vector<128x128xf32>, vector<1024x128xf32> -> vector<1024x128xf32>
    %add3A_45 = arith.addf %dot_general3A_39, %dot_general3A_44 : vector<1024x128xf32>
    %swap3A = arith.constant 0 : index
    %swap3A_46 = arith.constant 0 : index
    %swap3A_47 = vector.load %arg10[%swap3A, %swap3A_46] : memref<1024x128xf32, #tpu.memory_space<vmem>>, vector<1024x128xf32>
    tpu.vector_store %arg10[%swap3A, %swap3A_46], %add3A_45 {strides = array<i32>} : memref<1024x128xf32, #tpu.memory_space<vmem>>, vector<1024x128xf32>,
    %get3A_48 = arith.constant 256 : index
    %get3A_49 = arith.constant 0 : index
    %get3A_50 = vector.load %arg8[%get3A_48, %get3A_49] : memref<512x128xf32, #tpu.memory_space<vmem>>, vector<128x128xf32>
    %dot_general3A_51 = arith.constant dense<0.000000e+00> : vector<1024x128xf32>
    %dot_general3A_52 = tpu.matmul %add3A_31, %get3A_50, %dot_general3A_51 {dimension_numbers = #tpu.dot_dimension_numbers<[1], [0], [0], [1], [0, 0, 1, 1], [], []>, transpose_lhs_hint = false} : vector<1024x128xf32>, vector<128x128xf32>, vector<1024x128xf32> -> vector<1024x128xf32>
    %get3A_53 = arith.constant 384 : index
    %get3A_54 = arith.constant 0 : index
    %get3A_55 = vector.load %arg8[%get3A_53, %get3A_54] : memref<512x128xf32, #tpu.memory_space<vmem>>, vector<128x128xf32>
    %dot_general3A_56 = arith.constant dense<0.000000e+00> : vector<1024x128xf32>
    %dot_general3A_57 = tpu.matmul %get3A_34, %get3A_55, %dot_general3A_56 {dimension_numbers = #tpu.dot_dimension_numbers<[1], [0], [0], [1], [0, 0, 1, 1], [], []>, transpose_lhs_hint = false} : vector<1024x128xf32>, vector<128x128xf32>, vector<1024x128xf32> -> vector<1024x128xf32>
    %add3A_58 = arith.addf %dot_general3A_52, %dot_general3A_57 : vector<1024x128xf32>
    %get3A_59 = arith.constant 0 : index
    %get3A_60 = arith.constant 0 : index
    %get3A_61 = vector.load %arg9[%get3A_59, %get3A_60] : memref<1x128xf32, #tpu.memory_space<vmem>>, vector<1x128xf32>
    %add3A_62 = vector.broadcast %get3A_61 : vector<1x128xf32> to vector<1024x128xf32>
    %add3A_63 = arith.addf %add3A_58, %add3A_62 : vector<1024x128xf32>
    %swap3A_64 = arith.constant 0 : index
    %swap3A_65 = arith.constant 0 : index
    %swap3A_66 = vector.load %arg11[%swap3A_64, %swap3A_65] : memref<1024x128xf32, #tpu.memory_space<vmem>>, vector<1024x128xf32>
    tpu.vector_store %arg11[%swap3A_64, %swap3A_65], %add3A_63 {strides = array<i32>} : memref<1024x128xf32, #tpu.memory_space<vmem>>, vector<1024x128xf32>,
    %swap3A_67 = arith.constant 0 : index
    %swap3A_68 = arith.constant 0 : index
    %swap3A_69 = vector.load %arg12[%swap3A_67, %swap3A_68] : memref<1024x128xf32, #tpu.memory_space<vmem>>, vector<1024x128xf32>
    tpu.vector_store %arg12[%swap3A_67, %swap3A_68], %add3A_31 {strides = array<i32>} : memref<1024x128xf32, #tpu.memory_space<vmem>>, vector<1024x128xf32>,
    return
  }
  func.func @transform_0(%arg0: i32) -> (i32, i32) {
    %c0_i32 = arith.constant 0 : i32
    %c0_i32_0 = arith.constant 0 : i32
    return %arg0, %c0_i32 : i32, i32
  }
  func.func @transform_1(%arg0: i32) -> (i32, i32) {
    %c0_i32 = arith.constant 0 : i32
    %c0_i32_0 = arith.constant 0 : i32
    return %arg0, %c0_i32 : i32, i32
  }
  func.func @transform_2(%arg0: i32) -> (i32, i32) {
    %c0_i32 = arith.constant 0 : i32
    %c0_i32_0 = arith.constant 0 : i32
    return %arg0, %c0_i32 : i32, i32
  }
  func.func @transform_3(%arg0: i32) -> (i32, i32) {
    %c0_i32 = arith.constant 0 : i32
    %c0_i32_0 = arith.constant 0 : i32
    %c0_i32_1 = arith.constant 0 : i32
    return %c0_i32, %c0_i32_0 : i32, i32
  }
  func.func @transform_4(%arg0: i32) -> (i32, i32) {
    %c0_i32 = arith.constant 0 : i32
    %c0_i32_0 = arith.constant 0 : i32
    %c0_i32_1 = arith.constant 0 : i32
    return %c0_i32, %c0_i32_0 : i32, i32
  }
  func.func @transform_5(%arg0: i32) -> (i32, i32) {
    %c0_i32 = arith.constant 0 : i32
    %c0_i32_0 = arith.constant 0 : i32
    %c0_i32_1 = arith.constant 0 : i32
    return %c0_i32, %c0_i32_0 : i32, i32
  }
  func.func @transform_6(%arg0: i32) -> (i32, i32) {
    %c0_i32 = arith.constant 0 : i32
    %c0_i32_0 = arith.constant 0 : i32
    %c0_i32_1 = arith.constant 0 : i32
    return %c0_i32, %c0_i32_0 : i32, i32
  }
  func.func @transform_7(%arg0: i32) -> (i32, i32) {
    %c0_i32 = arith.constant 0 : i32
    %c0_i32_0 = arith.constant 0 : i32
    %c0_i32_1 = arith.constant 0 : i32
    return %c0_i32, %c0_i32_0 : i32, i32
  }
  func.func @transform_8(%arg0: i32) -> (i32, i32) {
    %c0_i32 = arith.constant 0 : i32
    %c0_i32_0 = arith.constant 0 : i32
    %c0_i32_1 = arith.constant 0 : i32
    return %c0_i32, %c0_i32_0 : i32, i32
  }
  func.func @transform_9(%arg0: i32) -> (i32, i32) {
    %c0_i32 = arith.constant 0 : i32
    %c0_i32_0 = arith.constant 0 : i32
    return %arg0, %c0_i32 : i32, i32
  }
  func.func @transform_10(%arg0: i32) -> (i32, i32) {
    %c0_i32 = arith.constant 0 : i32
    %c0_i32_0 = arith.constant 0 : i32
    return %arg0, %c0_i32 : i32, i32
  }
  func.func @transform_11(%arg0: i32) -> (i32, i32) {
    %c0_i32 = arith.constant 0 : i32
    %c0_i32_0 = arith.constant 0 : i32
    return %arg0, %c0_i32 : i32, i32
  }
}

module attributes {stable_mosaic.version = 14 : i64} {
  func.func @_tc2_body(%arg0: i32, %arg1: memref<1024x128xf32, #tpu.memory_space<vmem>>, %arg2: memref<1024x128xf32, #tpu.memory_space<vmem>>, %arg3: memref<1024x128xf32, #tpu.memory_space<vmem>>, %arg4: memref<1024x128xf32, #tpu.memory_space<vmem>>, %arg5: memref<256x128xf32, #tpu.memory_space<vmem>>, %arg6: memref<128x128xf32, #tpu.memory_space<vmem>>, %arg7: memref<1x128xf32, #tpu.memory_space<vmem>>, %arg8: memref<128x2xf32, #tpu.memory_space<vmem>>, %arg9: memref<1x2xf32, #tpu.memory_space<vmem>>, %arg10: memref<1024x128xf32, #tpu.memory_space<vmem>>, %arg11: memref<1024x2xf32, #tpu.memory_space<vmem>>) attributes {dimension_semantics = [#tpu.dimension_semantics<arbitrary>], iteration_bounds = array<i64: 10>, scalar_prefetch = 0 : i64, scratch_operands = 0 : i64, tpu.core_type = #tpu.core_type<tc>, window_params = [{transform_indices = @transform_0, window_bounds = array<i64: 1024, 128>}, {transform_indices = @transform_1, window_bounds = array<i64: 1024, 128>}, {transform_indices = @transform_2, window_bounds = array<i64: 1024, 128>}, {transform_indices = @transform_3, window_bounds = array<i64: 1024, 128>}, {pipeline_mode = #tpu.pipeline_mode<synchronous>, transform_indices = @transform_4, window_bounds = array<i64: 256, 128>}, {pipeline_mode = #tpu.pipeline_mode<synchronous>, transform_indices = @transform_5, window_bounds = array<i64: 128, 128>}, {pipeline_mode = #tpu.pipeline_mode<synchronous>, transform_indices = @transform_6, window_bounds = array<i64: 1, 128>}, {pipeline_mode = #tpu.pipeline_mode<synchronous>, transform_indices = @transform_7, window_bounds = array<i64: 128, 2>}, {pipeline_mode = #tpu.pipeline_mode<synchronous>, transform_indices = @transform_8, window_bounds = array<i64: 1, 2>}, {transform_indices = @transform_9, window_bounds = array<i64: 1024, 128>}, {transform_indices = @transform_10, window_bounds = array<i64: 1024, 2>}]} {
    %get3A = arith.constant 0 : index
    %get3A_0 = arith.constant 0 : index
    %get3A_1 = vector.load %arg1[%get3A, %get3A_0] : memref<1024x128xf32, #tpu.memory_space<vmem>>, vector<1024x128xf32>
    %get3A_2 = arith.constant 0 : index
    %get3A_3 = arith.constant 0 : index
    %get3A_4 = vector.load %arg2[%get3A_2, %get3A_3] : memref<1024x128xf32, #tpu.memory_space<vmem>>, vector<1024x128xf32>
    %get3A_5 = arith.constant 0 : index
    %get3A_6 = arith.constant 0 : index
    %get3A_7 = vector.load %arg3[%get3A_5, %get3A_6] : memref<1024x128xf32, #tpu.memory_space<vmem>>, vector<1024x128xf32>
    %get3A_8 = arith.constant 0 : index
    %get3A_9 = arith.constant 0 : index
    %get3A_10 = vector.load %arg4[%get3A_8, %get3A_9] : memref<1024x128xf32, #tpu.memory_space<vmem>>, vector<1024x128xf32>
    %add3A = arith.addf %get3A_7, %get3A_10 : vector<1024x128xf32>
    %get3A_11 = arith.constant 0 : index
    %get3A_12 = arith.constant 0 : index
    %get3A_13 = vector.load %arg5[%get3A_11, %get3A_12] : memref<256x128xf32, #tpu.memory_space<vmem>>, vector<128x128xf32>
    %dot_general3A = arith.constant dense<0.000000e+00> : vector<1024x128xf32>
    %dot_general3A_14 = tpu.matmul %get3A_1, %get3A_13, %dot_general3A {dimension_numbers = #tpu.dot_dimension_numbers<[1], [0], [0], [1], [0, 0, 1, 1], [], []>, transpose_lhs_hint = false} : vector<1024x128xf32>, vector<128x128xf32>, vector<1024x128xf32> -> vector<1024x128xf32>
    %get3A_15 = arith.constant 128 : index
    %get3A_16 = arith.constant 0 : index
    %get3A_17 = vector.load %arg5[%get3A_15, %get3A_16] : memref<256x128xf32, #tpu.memory_space<vmem>>, vector<128x128xf32>
    %dot_general3A_18 = arith.constant dense<0.000000e+00> : vector<1024x128xf32>
    %dot_general3A_19 = tpu.matmul %get3A_4, %get3A_17, %dot_general3A_18 {dimension_numbers = #tpu.dot_dimension_numbers<[1], [0], [0], [1], [0, 0, 1, 1], [], []>, transpose_lhs_hint = false} : vector<1024x128xf32>, vector<128x128xf32>, vector<1024x128xf32> -> vector<1024x128xf32>
    %add3A_20 = arith.addf %dot_general3A_14, %dot_general3A_19 : vector<1024x128xf32>
    %get3A_21 = arith.constant 0 : index
    %get3A_22 = arith.constant 0 : index
    %get3A_23 = vector.load %arg6[%get3A_21, %get3A_22] : memref<128x128xf32, #tpu.memory_space<vmem>>, vector<128x128xf32>
    %dot_general3A_24 = arith.constant dense<0.000000e+00> : vector<1024x128xf32>
    %dot_general3A_25 = tpu.matmul %add3A, %get3A_23, %dot_general3A_24 {dimension_numbers = #tpu.dot_dimension_numbers<[1], [0], [0], [1], [0, 0, 1, 1], [], []>, transpose_lhs_hint = false} : vector<1024x128xf32>, vector<128x128xf32>, vector<1024x128xf32> -> vector<1024x128xf32>
    %add3A_26 = arith.addf %add3A_20, %dot_general3A_25 : vector<1024x128xf32>
    %get3A_27 = arith.constant 0 : index
    %get3A_28 = arith.constant 0 : index
    %get3A_29 = vector.load %arg7[%get3A_27, %get3A_28] : memref<1x128xf32, #tpu.memory_space<vmem>>, vector<1x128xf32>
    %add3A_30 = vector.broadcast %get3A_29 : vector<1x128xf32> to vector<1024x128xf32>
    %add3A_31 = arith.addf %add3A_26, %add3A_30 : vector<1024x128xf32>
    %max3A = arith.constant 0.000000e+00 : f32
    %max3A_32 = vector.broadcast %max3A : f32 to vector<1024x128xf32>
    %max3A_33 = arith.maximumf %add3A_31, %max3A_32 : vector<1024x128xf32>
    %swap3A = arith.constant 0 : index
    %swap3A_34 = arith.constant 0 : index
    %swap3A_35 = vector.load %arg10[%swap3A, %swap3A_34] : memref<1024x128xf32, #tpu.memory_space<vmem>>, vector<1024x128xf32>
    tpu.vector_store %arg10[%swap3A, %swap3A_34], %max3A_33 {strides = array<i32>} : memref<1024x128xf32, #tpu.memory_space<vmem>>, vector<1024x128xf32>,
    %get3A_36 = arith.constant 0 : index
    %get3A_37 = arith.constant 0 : index
    %get3A_38 = vector.load %arg8[%get3A_36, %get3A_37] : memref<128x2xf32, #tpu.memory_space<vmem>>, vector<128x2xf32>
    %dot_general3A_39 = arith.constant dense<0.000000e+00> : vector<1024x2xf32>
    %dot_general3A_40 = tpu.matmul %max3A_33, %get3A_38, %dot_general3A_39 {dimension_numbers = #tpu.dot_dimension_numbers<[1], [0], [0], [1], [0, 0, 1, 1], [], []>, transpose_lhs_hint = false} : vector<1024x128xf32>, vector<128x2xf32>, vector<1024x2xf32> -> vector<1024x2xf32>
    %get3A_41 = arith.constant 0 : index
    %get3A_42 = arith.constant 0 : index
    %get3A_43 = vector.load %arg9[%get3A_41, %get3A_42] : memref<1x2xf32, #tpu.memory_space<vmem>>, vector<1x2xf32>
    %add3A_44 = vector.broadcast %get3A_43 : vector<1x2xf32> to vector<1024x2xf32>
    %add3A_45 = arith.addf %dot_general3A_40, %add3A_44 : vector<1024x2xf32>
    %swap3A_46 = arith.constant 0 : index
    %swap3A_47 = arith.constant 0 : index
    %swap3A_48 = vector.load %arg11[%swap3A_46, %swap3A_47] : memref<1024x2xf32, #tpu.memory_space<vmem>>, vector<1024x2xf32>
    tpu.vector_store %arg11[%swap3A_46, %swap3A_47], %add3A_45 {strides = array<i32>} : memref<1024x2xf32, #tpu.memory_space<vmem>>, vector<1024x2xf32>,
    return
  }
  func.func @transform_0(%arg0: i32) -> (i32, i32) {
    %c0_i32 = arith.constant 0 : i32
    %c0_i32_0 = arith.constant 0 : i32
    return %arg0, %c0_i32 : i32, i32
  }
  func.func @transform_1(%arg0: i32) -> (i32, i32) {
    %c0_i32 = arith.constant 0 : i32
    %c0_i32_0 = arith.constant 0 : i32
    return %arg0, %c0_i32 : i32, i32
  }
  func.func @transform_2(%arg0: i32) -> (i32, i32) {
    %c0_i32 = arith.constant 0 : i32
    %c0_i32_0 = arith.constant 0 : i32
    return %arg0, %c0_i32 : i32, i32
  }
  func.func @transform_3(%arg0: i32) -> (i32, i32) {
    %c0_i32 = arith.constant 0 : i32
    %c0_i32_0 = arith.constant 0 : i32
    return %arg0, %c0_i32 : i32, i32
  }
  func.func @transform_4(%arg0: i32) -> (i32, i32) {
    %c0_i32 = arith.constant 0 : i32
    %c0_i32_0 = arith.constant 0 : i32
    %c0_i32_1 = arith.constant 0 : i32
    return %c0_i32, %c0_i32_0 : i32, i32
  }
  func.func @transform_5(%arg0: i32) -> (i32, i32) {
    %c0_i32 = arith.constant 0 : i32
    %c0_i32_0 = arith.constant 0 : i32
    %c0_i32_1 = arith.constant 0 : i32
    return %c0_i32, %c0_i32_0 : i32, i32
  }
  func.func @transform_6(%arg0: i32) -> (i32, i32) {
    %c0_i32 = arith.constant 0 : i32
    %c0_i32_0 = arith.constant 0 : i32
    %c0_i32_1 = arith.constant 0 : i32
    return %c0_i32, %c0_i32_0 : i32, i32
  }
  func.func @transform_7(%arg0: i32) -> (i32, i32) {
    %c0_i32 = arith.constant 0 : i32
    %c0_i32_0 = arith.constant 0 : i32
    %c0_i32_1 = arith.constant 0 : i32
    return %c0_i32, %c0_i32_0 : i32, i32
  }
  func.func @transform_8(%arg0: i32) -> (i32, i32) {
    %c0_i32 = arith.constant 0 : i32
    %c0_i32_0 = arith.constant 0 : i32
    %c0_i32_1 = arith.constant 0 : i32
    return %c0_i32, %c0_i32_0 : i32, i32
  }
  func.func @transform_9(%arg0: i32) -> (i32, i32) {
    %c0_i32 = arith.constant 0 : i32
    %c0_i32_0 = arith.constant 0 : i32
    return %arg0, %c0_i32 : i32, i32
  }
  func.func @transform_10(%arg0: i32) -> (i32, i32) {
    %c0_i32 = arith.constant 0 : i32
    %c0_i32_0 = arith.constant 0 : i32
    return %arg0, %c0_i32 : i32, i32
  }
}

module attributes {stable_mosaic.version = 14 : i64} {
  func.func @_tc1_body(%arg0: i32, %arg1: memref<1024x1xf32, #tpu.memory_space<vmem>>, %arg2: memref<1024x1xf32, #tpu.memory_space<vmem>>, %arg3: memref<1024x128xf32, #tpu.memory_space<vmem>>, %arg4: memref<2x128xf32, #tpu.memory_space<vmem>>, %arg5: memref<1x128xf32, #tpu.memory_space<vmem>>, %arg6: memref<128x128xf32, #tpu.memory_space<vmem>>, %arg7: memref<1x128xf32, #tpu.memory_space<vmem>>, %arg8: memref<512x128xf32, #tpu.memory_space<vmem>>, %arg9: memref<1x128xf32, #tpu.memory_space<vmem>>, %arg10: memref<1024x128xf32, #tpu.memory_space<vmem>>, %arg11: memref<1024x128xf32, #tpu.memory_space<vmem>>, %arg12: memref<1024x128xf32, #tpu.memory_space<vmem>>) attributes {dimension_semantics = [#tpu.dimension_semantics<arbitrary>], iteration_bounds = array<i64: 10>, scalar_prefetch = 0 : i64, scratch_operands = 0 : i64, tpu.core_type = #tpu.core_type<tc>, window_params = [{transform_indices = @transform_0, window_bounds = array<i64: 1024, 1>}, {transform_indices = @transform_1, window_bounds = array<i64: 1024, 1>}, {transform_indices = @transform_2, window_bounds = array<i64: 1024, 128>}, {pipeline_mode = #tpu.pipeline_mode<synchronous>, transform_indices = @transform_3, window_bounds = array<i64: 2, 128>}, {pipeline_mode = #tpu.pipeline_mode<synchronous>, transform_indices = @transform_4, window_bounds = array<i64: 1, 128>}, {pipeline_mode = #tpu.pipeline_mode<synchronous>, transform_indices = @transform_5, window_bounds = array<i64: 128, 128>}, {pipeline_mode = #tpu.pipeline_mode<synchronous>, transform_indices = @transform_6, window_bounds = array<i64: 1, 128>}, {pipeline_mode = #tpu.pipeline_mode<synchronous>, transform_indices = @transform_7, window_bounds = array<i64: 512, 128>}, {pipeline_mode = #tpu.pipeline_mode<synchronous>, transform_indices = @transform_8, window_bounds = array<i64: 1, 128>}, {transform_indices = @transform_9, window_bounds = array<i64: 1024, 128>}, {transform_indices = @transform_10, window_bounds = array<i64: 1024, 128>}, {transform_indices = @transform_11, window_bounds = array<i64: 1024, 128>}]} {
    %get3A = arith.constant 0 : index
    %get3A_0 = arith.constant 0 : index
    %get3A_1 = vector.load %arg1[%get3A, %get3A_0] : memref<1024x1xf32, #tpu.memory_space<vmem>>, vector<1024x1xf32>
    %get3A_2 = arith.constant 0 : index
    %get3A_3 = arith.constant 0 : index
    %get3A_4 = vector.load %arg2[%get3A_2, %get3A_3] : memref<1024x1xf32, #tpu.memory_space<vmem>>, vector<1024x1xf32>
    %get3A_5 = vector.shape_cast %get3A_4 : vector<1024x1xf32> to vector<1024x1xf32>
    %get3A_6 = arith.constant 0 : index
    %get3A_7 = arith.constant 0 : index
    %get3A_8 = vector.load %arg4[%get3A_6, %get3A_7] : memref<2x128xf32, #tpu.memory_space<vmem>>, vector<1x128xf32>
    %mul3A = vector.broadcast %get3A_1 : vector<1024x1xf32> to vector<1024x128xf32>
    %mul3A_9 = vector.broadcast %get3A_8 : vector<1x128xf32> to vector<1024x128xf32>
    %mul3A_10 = arith.mulf %mul3A, %mul3A_9 : vector<1024x128xf32>
    %get3A_11 = arith.constant 1 : index
    %get3A_12 = arith.constant 0 : index
    %get3A_13 = vector.load %arg4[%get3A_11, %get3A_12] : memref<2x128xf32, #tpu.memory_space<vmem>>, vector<1x128xf32>
    %mul3A_14 = vector.broadcast %get3A_5 : vector<1024x1xf32> to vector<1024x128xf32>
    %mul3A_15 = vector.broadcast %get3A_13 : vector<1x128xf32> to vector<1024x128xf32>
    %mul3A_16 = arith.mulf %mul3A_14, %mul3A_15 : vector<1024x128xf32>
    %add3A = arith.addf %mul3A_10, %mul3A_16 : vector<1024x128xf32>
    %get3A_17 = arith.constant 0 : index
    %get3A_18 = arith.constant 0 : index
    %get3A_19 = vector.load %arg5[%get3A_17, %get3A_18] : memref<1x128xf32, #tpu.memory_space<vmem>>, vector<1x128xf32>
    %add3A_20 = vector.broadcast %get3A_19 : vector<1x128xf32> to vector<1024x128xf32>
    %add3A_21 = arith.addf %add3A, %add3A_20 : vector<1024x128xf32>
    %max3A = arith.constant 0.000000e+00 : f32
    %max3A_22 = vector.broadcast %max3A : f32 to vector<1024x128xf32>
    %max3A_23 = arith.maximumf %add3A_21, %max3A_22 : vector<1024x128xf32>
    %get3A_24 = arith.constant 0 : index
    %get3A_25 = arith.constant 0 : index
    %get3A_26 = vector.load %arg6[%get3A_24, %get3A_25] : memref<128x128xf32, #tpu.memory_space<vmem>>, vector<128x128xf32>
    %dot_general3A = arith.constant dense<0.000000e+00> : vector<1024x128xf32>
    %dot_general3A_27 = tpu.matmul %max3A_23, %get3A_26, %dot_general3A {dimension_numbers = #tpu.dot_dimension_numbers<[1], [0], [0], [1], [0, 0, 1, 1], [], []>, transpose_lhs_hint = false} : vector<1024x128xf32>, vector<128x128xf32>, vector<1024x128xf32> -> vector<1024x128xf32>
    %get3A_28 = arith.constant 0 : index
    %get3A_29 = arith.constant 0 : index
    %get3A_30 = vector.load %arg7[%get3A_28, %get3A_29] : memref<1x128xf32, #tpu.memory_space<vmem>>, vector<1x128xf32>
    %add3A_31 = vector.broadcast %get3A_30 : vector<1x128xf32> to vector<1024x128xf32>
    %add3A_32 = arith.addf %dot_general3A_27, %add3A_31 : vector<1024x128xf32>
    %get3A_33 = arith.constant 0 : index
    %get3A_34 = arith.constant 0 : index
    %get3A_35 = vector.load %arg3[%get3A_33, %get3A_34] : memref<1024x128xf32, #tpu.memory_space<vmem>>, vector<1024x128xf32>
    %get3A_36 = arith.constant 0 : index
    %get3A_37 = arith.constant 0 : index
    %get3A_38 = vector.load %arg8[%get3A_36, %get3A_37] : memref<512x128xf32, #tpu.memory_space<vmem>>, vector<128x128xf32>
    %dot_general3A_39 = arith.constant dense<0.000000e+00> : vector<1024x128xf32>
    %dot_general3A_40 = tpu.matmul %add3A_32, %get3A_38, %dot_general3A_39 {dimension_numbers = #tpu.dot_dimension_numbers<[1], [0], [0], [1], [0, 0, 1, 1], [], []>, transpose_lhs_hint = false} : vector<1024x128xf32>, vector<128x128xf32>, vector<1024x128xf32> -> vector<1024x128xf32>
    %get3A_41 = arith.constant 128 : index
    %get3A_42 = arith.constant 0 : index
    %get3A_43 = vector.load %arg8[%get3A_41, %get3A_42] : memref<512x128xf32, #tpu.memory_space<vmem>>, vector<128x128xf32>
    %dot_general3A_44 = arith.constant dense<0.000000e+00> : vector<1024x128xf32>
    %dot_general3A_45 = tpu.matmul %get3A_35, %get3A_43, %dot_general3A_44 {dimension_numbers = #tpu.dot_dimension_numbers<[1], [0], [0], [1], [0, 0, 1, 1], [], []>, transpose_lhs_hint = false} : vector<1024x128xf32>, vector<128x128xf32>, vector<1024x128xf32> -> vector<1024x128xf32>
    %add3A_46 = arith.addf %dot_general3A_40, %dot_general3A_45 : vector<1024x128xf32>
    %swap3A = arith.constant 0 : index
    %swap3A_47 = arith.constant 0 : index
    %swap3A_48 = vector.load %arg10[%swap3A, %swap3A_47] : memref<1024x128xf32, #tpu.memory_space<vmem>>, vector<1024x128xf32>
    tpu.vector_store %arg10[%swap3A, %swap3A_47], %add3A_46 {strides = array<i32>} : memref<1024x128xf32, #tpu.memory_space<vmem>>, vector<1024x128xf32>,
    %get3A_49 = arith.constant 256 : index
    %get3A_50 = arith.constant 0 : index
    %get3A_51 = vector.load %arg8[%get3A_49, %get3A_50] : memref<512x128xf32, #tpu.memory_space<vmem>>, vector<128x128xf32>
    %dot_general3A_52 = arith.constant dense<0.000000e+00> : vector<1024x128xf32>
    %dot_general3A_53 = tpu.matmul %add3A_32, %get3A_51, %dot_general3A_52 {dimension_numbers = #tpu.dot_dimension_numbers<[1], [0], [0], [1], [0, 0, 1, 1], [], []>, transpose_lhs_hint = false} : vector<1024x128xf32>, vector<128x128xf32>, vector<1024x128xf32> -> vector<1024x128xf32>
    %get3A_54 = arith.constant 384 : index
    %get3A_55 = arith.constant 0 : index
    %get3A_56 = vector.load %arg8[%get3A_54, %get3A_55] : memref<512x128xf32, #tpu.memory_space<vmem>>, vector<128x128xf32>
    %dot_general3A_57 = arith.constant dense<0.000000e+00> : vector<1024x128xf32>
    %dot_general3A_58 = tpu.matmul %get3A_35, %get3A_56, %dot_general3A_57 {dimension_numbers = #tpu.dot_dimension_numbers<[1], [0], [0], [1], [0, 0, 1, 1], [], []>, transpose_lhs_hint = false} : vector<1024x128xf32>, vector<128x128xf32>, vector<1024x128xf32> -> vector<1024x128xf32>
    %add3A_59 = arith.addf %dot_general3A_53, %dot_general3A_58 : vector<1024x128xf32>
    %get3A_60 = arith.constant 0 : index
    %get3A_61 = arith.constant 0 : index
    %get3A_62 = vector.load %arg9[%get3A_60, %get3A_61] : memref<1x128xf32, #tpu.memory_space<vmem>>, vector<1x128xf32>
    %add3A_63 = vector.broadcast %get3A_62 : vector<1x128xf32> to vector<1024x128xf32>
    %add3A_64 = arith.addf %add3A_59, %add3A_63 : vector<1024x128xf32>
    %swap3A_65 = arith.constant 0 : index
    %swap3A_66 = arith.constant 0 : index
    %swap3A_67 = vector.load %arg11[%swap3A_65, %swap3A_66] : memref<1024x128xf32, #tpu.memory_space<vmem>>, vector<1024x128xf32>
    tpu.vector_store %arg11[%swap3A_65, %swap3A_66], %add3A_64 {strides = array<i32>} : memref<1024x128xf32, #tpu.memory_space<vmem>>, vector<1024x128xf32>,
    %swap3A_68 = arith.constant 0 : index
    %swap3A_69 = arith.constant 0 : index
    %swap3A_70 = vector.load %arg12[%swap3A_68, %swap3A_69] : memref<1024x128xf32, #tpu.memory_space<vmem>>, vector<1024x128xf32>
    tpu.vector_store %arg12[%swap3A_68, %swap3A_69], %add3A_32 {strides = array<i32>} : memref<1024x128xf32, #tpu.memory_space<vmem>>, vector<1024x128xf32>,
    return
  }
  func.func @transform_0(%arg0: i32) -> (i32, i32) {
    %c0_i32 = arith.constant 0 : i32
    %c0_i32_0 = arith.constant 0 : i32
    return %arg0, %c0_i32 : i32, i32
  }
  func.func @transform_1(%arg0: i32) -> (i32, i32) {
    %c0_i32 = arith.constant 0 : i32
    %c0_i32_0 = arith.constant 0 : i32
    return %arg0, %c0_i32 : i32, i32
  }
  func.func @transform_2(%arg0: i32) -> (i32, i32) {
    %c0_i32 = arith.constant 0 : i32
    %c0_i32_0 = arith.constant 0 : i32
    return %arg0, %c0_i32 : i32, i32
  }
  func.func @transform_3(%arg0: i32) -> (i32, i32) {
    %c0_i32 = arith.constant 0 : i32
    %c0_i32_0 = arith.constant 0 : i32
    %c0_i32_1 = arith.constant 0 : i32
    return %c0_i32, %c0_i32_0 : i32, i32
  }
  func.func @transform_4(%arg0: i32) -> (i32, i32) {
    %c0_i32 = arith.constant 0 : i32
    %c0_i32_0 = arith.constant 0 : i32
    %c0_i32_1 = arith.constant 0 : i32
    return %c0_i32, %c0_i32_0 : i32, i32
  }
  func.func @transform_5(%arg0: i32) -> (i32, i32) {
    %c0_i32 = arith.constant 0 : i32
    %c0_i32_0 = arith.constant 0 : i32
    %c0_i32_1 = arith.constant 0 : i32
    return %c0_i32, %c0_i32_0 : i32, i32
  }
  func.func @transform_6(%arg0: i32) -> (i32, i32) {
    %c0_i32 = arith.constant 0 : i32
    %c0_i32_0 = arith.constant 0 : i32
    %c0_i32_1 = arith.constant 0 : i32
    return %c0_i32, %c0_i32_0 : i32, i32
  }
  func.func @transform_7(%arg0: i32) -> (i32, i32) {
    %c0_i32 = arith.constant 0 : i32
    %c0_i32_0 = arith.constant 0 : i32
    %c0_i32_1 = arith.constant 0 : i32
    return %c0_i32, %c0_i32_0 : i32, i32
  }
  func.func @transform_8(%arg0: i32) -> (i32, i32) {
    %c0_i32 = arith.constant 0 : i32
    %c0_i32_0 = arith.constant 0 : i32
    %c0_i32_1 = arith.constant 0 : i32
    return %c0_i32, %c0_i32_0 : i32, i32
  }
  func.func @transform_9(%arg0: i32) -> (i32, i32) {
    %c0_i32 = arith.constant 0 : i32
    %c0_i32_0 = arith.constant 0 : i32
    return %arg0, %c0_i32 : i32, i32
  }
  func.func @transform_10(%arg0: i32) -> (i32, i32) {
    %c0_i32 = arith.constant 0 : i32
    %c0_i32_0 = arith.constant 0 : i32
    return %arg0, %c0_i32 : i32, i32
  }
  func.func @transform_11(%arg0: i32) -> (i32, i32) {
    %c0_i32 = arith.constant 0 : i32
    %c0_i32_0 = arith.constant 0 : i32
    return %arg0, %c0_i32 : i32, i32
  }
}

module attributes {stable_mosaic.version = 14 : i64} {
  func.func @_tc2_body(%arg0: i32, %arg1: memref<1024x128xf32, #tpu.memory_space<vmem>>, %arg2: memref<1024x128xf32, #tpu.memory_space<vmem>>, %arg3: memref<1024x128xf32, #tpu.memory_space<vmem>>, %arg4: memref<1024x128xf32, #tpu.memory_space<vmem>>, %arg5: memref<256x128xf32, #tpu.memory_space<vmem>>, %arg6: memref<128x128xf32, #tpu.memory_space<vmem>>, %arg7: memref<1x128xf32, #tpu.memory_space<vmem>>, %arg8: memref<128x2xf32, #tpu.memory_space<vmem>>, %arg9: memref<1x2xf32, #tpu.memory_space<vmem>>, %arg10: memref<1024x128xf32, #tpu.memory_space<vmem>>, %arg11: memref<1024x2xf32, #tpu.memory_space<vmem>>) attributes {dimension_semantics = [#tpu.dimension_semantics<arbitrary>], iteration_bounds = array<i64: 10>, scalar_prefetch = 0 : i64, scratch_operands = 0 : i64, tpu.core_type = #tpu.core_type<tc>, window_params = [{transform_indices = @transform_0, window_bounds = array<i64: 1024, 128>}, {transform_indices = @transform_1, window_bounds = array<i64: 1024, 128>}, {transform_indices = @transform_2, window_bounds = array<i64: 1024, 128>}, {transform_indices = @transform_3, window_bounds = array<i64: 1024, 128>}, {pipeline_mode = #tpu.pipeline_mode<synchronous>, transform_indices = @transform_4, window_bounds = array<i64: 256, 128>}, {pipeline_mode = #tpu.pipeline_mode<synchronous>, transform_indices = @transform_5, window_bounds = array<i64: 128, 128>}, {pipeline_mode = #tpu.pipeline_mode<synchronous>, transform_indices = @transform_6, window_bounds = array<i64: 1, 128>}, {pipeline_mode = #tpu.pipeline_mode<synchronous>, transform_indices = @transform_7, window_bounds = array<i64: 128, 2>}, {pipeline_mode = #tpu.pipeline_mode<synchronous>, transform_indices = @transform_8, window_bounds = array<i64: 1, 2>}, {transform_indices = @transform_9, window_bounds = array<i64: 1024, 128>}, {transform_indices = @transform_10, window_bounds = array<i64: 1024, 2>}]} {
    %get3A = arith.constant 0 : index
    %get3A_0 = arith.constant 0 : index
    %get3A_1 = vector.load %arg1[%get3A, %get3A_0] : memref<1024x128xf32, #tpu.memory_space<vmem>>, vector<1024x128xf32>
    %get3A_2 = arith.constant 0 : index
    %get3A_3 = arith.constant 0 : index
    %get3A_4 = vector.load %arg2[%get3A_2, %get3A_3] : memref<1024x128xf32, #tpu.memory_space<vmem>>, vector<1024x128xf32>
    %get3A_5 = arith.constant 0 : index
    %get3A_6 = arith.constant 0 : index
    %get3A_7 = vector.load %arg3[%get3A_5, %get3A_6] : memref<1024x128xf32, #tpu.memory_space<vmem>>, vector<1024x128xf32>
    %get3A_8 = arith.constant 0 : index
    %get3A_9 = arith.constant 0 : index
    %get3A_10 = vector.load %arg4[%get3A_8, %get3A_9] : memref<1024x128xf32, #tpu.memory_space<vmem>>, vector<1024x128xf32>
    %add3A = arith.addf %get3A_7, %get3A_10 : vector<1024x128xf32>
    %get3A_11 = arith.constant 0 : index
    %get3A_12 = arith.constant 0 : index
    %get3A_13 = vector.load %arg5[%get3A_11, %get3A_12] : memref<256x128xf32, #tpu.memory_space<vmem>>, vector<128x128xf32>
    %dot_general3A = arith.constant dense<0.000000e+00> : vector<1024x128xf32>
    %dot_general3A_14 = tpu.matmul %get3A_1, %get3A_13, %dot_general3A {dimension_numbers = #tpu.dot_dimension_numbers<[1], [0], [0], [1], [0, 0, 1, 1], [], []>, transpose_lhs_hint = false} : vector<1024x128xf32>, vector<128x128xf32>, vector<1024x128xf32> -> vector<1024x128xf32>
    %get3A_15 = arith.constant 128 : index
    %get3A_16 = arith.constant 0 : index
    %get3A_17 = vector.load %arg5[%get3A_15, %get3A_16] : memref<256x128xf32, #tpu.memory_space<vmem>>, vector<128x128xf32>
    %dot_general3A_18 = arith.constant dense<0.000000e+00> : vector<1024x128xf32>
    %dot_general3A_19 = tpu.matmul %get3A_4, %get3A_17, %dot_general3A_18 {dimension_numbers = #tpu.dot_dimension_numbers<[1], [0], [0], [1], [0, 0, 1, 1], [], []>, transpose_lhs_hint = false} : vector<1024x128xf32>, vector<128x128xf32>, vector<1024x128xf32> -> vector<1024x128xf32>
    %add3A_20 = arith.addf %dot_general3A_14, %dot_general3A_19 : vector<1024x128xf32>
    %get3A_21 = arith.constant 0 : index
    %get3A_22 = arith.constant 0 : index
    %get3A_23 = vector.load %arg6[%get3A_21, %get3A_22] : memref<128x128xf32, #tpu.memory_space<vmem>>, vector<128x128xf32>
    %dot_general3A_24 = arith.constant dense<0.000000e+00> : vector<1024x128xf32>
    %dot_general3A_25 = tpu.matmul %add3A, %get3A_23, %dot_general3A_24 {dimension_numbers = #tpu.dot_dimension_numbers<[1], [0], [0], [1], [0, 0, 1, 1], [], []>, transpose_lhs_hint = false} : vector<1024x128xf32>, vector<128x128xf32>, vector<1024x128xf32> -> vector<1024x128xf32>
    %add3A_26 = arith.addf %add3A_20, %dot_general3A_25 : vector<1024x128xf32>
    %get3A_27 = arith.constant 0 : index
    %get3A_28 = arith.constant 0 : index
    %get3A_29 = vector.load %arg7[%get3A_27, %get3A_28] : memref<1x128xf32, #tpu.memory_space<vmem>>, vector<1x128xf32>
    %add3A_30 = vector.broadcast %get3A_29 : vector<1x128xf32> to vector<1024x128xf32>
    %add3A_31 = arith.addf %add3A_26, %add3A_30 : vector<1024x128xf32>
    %max3A = arith.constant 0.000000e+00 : f32
    %max3A_32 = vector.broadcast %max3A : f32 to vector<1024x128xf32>
    %max3A_33 = arith.maximumf %add3A_31, %max3A_32 : vector<1024x128xf32>
    %swap3A = arith.constant 0 : index
    %swap3A_34 = arith.constant 0 : index
    %swap3A_35 = vector.load %arg10[%swap3A, %swap3A_34] : memref<1024x128xf32, #tpu.memory_space<vmem>>, vector<1024x128xf32>
    tpu.vector_store %arg10[%swap3A, %swap3A_34], %max3A_33 {strides = array<i32>} : memref<1024x128xf32, #tpu.memory_space<vmem>>, vector<1024x128xf32>,
    %get3A_36 = arith.constant 0 : index
    %get3A_37 = arith.constant 0 : index
    %get3A_38 = vector.load %arg8[%get3A_36, %get3A_37] : memref<128x2xf32, #tpu.memory_space<vmem>>, vector<128x2xf32>
    %dot_general3A_39 = arith.constant dense<0.000000e+00> : vector<1024x2xf32>
    %dot_general3A_40 = tpu.matmul %max3A_33, %get3A_38, %dot_general3A_39 {dimension_numbers = #tpu.dot_dimension_numbers<[1], [0], [0], [1], [0, 0, 1, 1], [], []>, transpose_lhs_hint = false} : vector<1024x128xf32>, vector<128x2xf32>, vector<1024x2xf32> -> vector<1024x2xf32>
    %get3A_41 = arith.constant 0 : index
    %get3A_42 = arith.constant 0 : index
    %get3A_43 = vector.load %arg9[%get3A_41, %get3A_42] : memref<1x2xf32, #tpu.memory_space<vmem>>, vector<1x2xf32>
    %add3A_44 = vector.broadcast %get3A_43 : vector<1x2xf32> to vector<1024x2xf32>
    %add3A_45 = arith.addf %dot_general3A_40, %add3A_44 : vector<1024x2xf32>
    %swap3A_46 = arith.constant 0 : index
    %swap3A_47 = arith.constant 0 : index
    %swap3A_48 = vector.load %arg11[%swap3A_46, %swap3A_47] : memref<1024x2xf32, #tpu.memory_space<vmem>>, vector<1024x2xf32>
    tpu.vector_store %arg11[%swap3A_46, %swap3A_47], %add3A_45 {strides = array<i32>} : memref<1024x2xf32, #tpu.memory_space<vmem>>, vector<1024x2xf32>,
    return
  }
  func.func @transform_0(%arg0: i32) -> (i32, i32) {
    %c0_i32 = arith.constant 0 : i32
    %c0_i32_0 = arith.constant 0 : i32
    return %arg0, %c0_i32 : i32, i32
  }
  func.func @transform_1(%arg0: i32) -> (i32, i32) {
    %c0_i32 = arith.constant 0 : i32
    %c0_i32_0 = arith.constant 0 : i32
    return %arg0, %c0_i32 : i32, i32
  }
  func.func @transform_2(%arg0: i32) -> (i32, i32) {
    %c0_i32 = arith.constant 0 : i32
    %c0_i32_0 = arith.constant 0 : i32
    return %arg0, %c0_i32 : i32, i32
  }
  func.func @transform_3(%arg0: i32) -> (i32, i32) {
    %c0_i32 = arith.constant 0 : i32
    %c0_i32_0 = arith.constant 0 : i32
    return %arg0, %c0_i32 : i32, i32
  }
  func.func @transform_4(%arg0: i32) -> (i32, i32) {
    %c0_i32 = arith.constant 0 : i32
    %c0_i32_0 = arith.constant 0 : i32
    %c0_i32_1 = arith.constant 0 : i32
    return %c0_i32, %c0_i32_0 : i32, i32
  }
  func.func @transform_5(%arg0: i32) -> (i32, i32) {
    %c0_i32 = arith.constant 0 : i32
    %c0_i32_0 = arith.constant 0 : i32
    %c0_i32_1 = arith.constant 0 : i32
    return %c0_i32, %c0_i32_0 : i32, i32
  }
  func.func @transform_6(%arg0: i32) -> (i32, i32) {
    %c0_i32 = arith.constant 0 : i32
    %c0_i32_0 = arith.constant 0 : i32
    %c0_i32_1 = arith.constant 0 : i32
    return %c0_i32, %c0_i32_0 : i32, i32
  }
  func.func @transform_7(%arg0: i32) -> (i32, i32) {
    %c0_i32 = arith.constant 0 : i32
    %c0_i32_0 = arith.constant 0 : i32
    %c0_i32_1 = arith.constant 0 : i32
    return %c0_i32, %c0_i32_0 : i32, i32
  }
  func.func @transform_8(%arg0: i32) -> (i32, i32) {
    %c0_i32 = arith.constant 0 : i32
    %c0_i32_0 = arith.constant 0 : i32
    %c0_i32_1 = arith.constant 0 : i32
    return %c0_i32, %c0_i32_0 : i32, i32
  }
  func.func @transform_9(%arg0: i32) -> (i32, i32) {
    %c0_i32 = arith.constant 0 : i32
    %c0_i32_0 = arith.constant 0 : i32
    return %arg0, %c0_i32 : i32, i32
  }
  func.func @transform_10(%arg0: i32) -> (i32, i32) {
    %c0_i32 = arith.constant 0 : i32
    %c0_i32_0 = arith.constant 0 : i32
    return %arg0, %c0_i32 : i32, i32
  }
}

module attributes {stable_mosaic.version = 14 : i64} {
  func.func @_loss_body(%arg0: memref<1250x128xf32, #tpu.memory_space<vmem>>, %arg1: memref<1250x128xf32, #tpu.memory_space<vmem>>, %arg2: memref<1250x128xf32, #tpu.memory_space<vmem>>, %arg3: memref<1250x128xf32, #tpu.memory_space<vmem>>, %arg4: memref<1250x128xf32, #tpu.memory_space<vmem>>, %arg5: memref<80x128xf32, #tpu.memory_space<vmem>>, %arg6: memref<80x128xf32, #tpu.memory_space<vmem>>, %arg7: memref<80x128xf32, #tpu.memory_space<vmem>>, %arg8: memref<80x128xi32, #tpu.memory_space<vmem>>, %arg9: memref<80x128xi32, #tpu.memory_space<vmem>>, %arg10: memref<1x1xf32, #tpu.memory_space<vmem>>, %arg11: memref<1x1xf32, #tpu.memory_space<vmem>>, %arg12: memref<1x1xf32, #tpu.memory_space<vmem>>, %arg13: memref<1x1xf32, #tpu.memory_space<vmem>>) attributes {dimension_semantics = [], scalar_prefetch = 0 : i64, scratch_operands = 0 : i64, tpu.core_type = #tpu.core_type<tc>} {
    %get3A = arith.constant 0 : index
    %get3A_0 = arith.constant 0 : index
    %get3A_1 = vector.load %arg0[%get3A, %get3A_0] : memref<1250x128xf32, #tpu.memory_space<vmem>>, vector<1250x128xf32>
    %get3A_2 = arith.constant 0 : index
    %get3A_3 = arith.constant 0 : index
    %get3A_4 = vector.load %arg1[%get3A_2, %get3A_3] : memref<1250x128xf32, #tpu.memory_space<vmem>>, vector<1250x128xf32>
    %get3A_5 = arith.constant 0 : index
    %get3A_6 = arith.constant 0 : index
    %get3A_7 = vector.load %arg2[%get3A_5, %get3A_6] : memref<1250x128xf32, #tpu.memory_space<vmem>>, vector<1250x128xf32>
    %neg3A = arith.constant 0.000000e+00 : f32
    %neg3A_8 = vector.broadcast %neg3A : f32 to vector<1250x128xf32>
    %neg3A_9 = arith.subf %neg3A_8, %get3A_4 : vector<1250x128xf32>
    %exp3A = math.exp %neg3A_9 : vector<1250x128xf32>
    %add3A = arith.constant 1.000000e+00 : f32
    %add3A_10 = vector.broadcast %add3A : f32 to vector<1250x128xf32>
    %add3A_11 = arith.addf %add3A_10, %exp3A : vector<1250x128xf32>
    %div3A = arith.constant 1.000000e+00 : f32
    %div3A_12 = vector.broadcast %div3A : f32 to vector<1250x128xf32>
    %div3A_13 = arith.divf %div3A_12, %add3A_11 : vector<1250x128xf32>
    %jit3A = arith.constant 1.000000e-07 : f32
    %jit3A_14 = arith.constant 0.99999988 : f32
    %max3A = vector.broadcast %jit3A : f32 to vector<1250x128xf32>
    %max3A_15 = arith.maximumf %max3A, %div3A_13 : vector<1250x128xf32>
    %min3A = vector.broadcast %jit3A_14 : f32 to vector<1250x128xf32>
    %min3A_16 = arith.minimumf %min3A, %max3A_15 : vector<1250x128xf32>
    %log3A = math.log %min3A_16 : vector<1250x128xf32>
    %mul3A = arith.mulf %get3A_7, %log3A : vector<1250x128xf32>
    %sub3A = arith.constant 1.000000e+00 : f32
    %sub3A_17 = vector.broadcast %sub3A : f32 to vector<1250x128xf32>
    %sub3A_18 = arith.subf %sub3A_17, %get3A_7 : vector<1250x128xf32>
    %sub3A_19 = arith.constant 1.000000e+00 : f32
    %sub3A_20 = vector.broadcast %sub3A_19 : f32 to vector<1250x128xf32>
    %sub3A_21 = arith.subf %sub3A_20, %min3A_16 : vector<1250x128xf32>
    %log3A_22 = math.log %sub3A_21 : vector<1250x128xf32>
    %mul3A_23 = arith.mulf %sub3A_18, %log3A_22 : vector<1250x128xf32>
    %add3A_24 = arith.addf %mul3A, %mul3A_23 : vector<1250x128xf32>
    %reduce_sum3A = vector.shape_cast %add3A_24 : vector<1250x128xf32> to vector<1x1250x128xf32>
    %reduce_sum3A_25 = arith.constant dense<0.000000e+00> : vector<1xf32>
    %reduce_sum3A_26 = vector.multi_reduction <add>, %reduce_sum3A, %reduce_sum3A_25 [1, 2] : vector<1x1250x128xf32> to vector<1xf32>
    %reduce_sum3A_27 = vector.shape_cast %reduce_sum3A_26 : vector<1xf32> to vector<1x1x1xf32>
    %reduce_sum3A_28 = vector.extract %reduce_sum3A_27[0, 0, 0] : f32 from vector<1x1x1xf32>
    %neg3A_29 = arith.constant 0.000000e+00 : f32
    %neg3A_30 = arith.subf %neg3A_29, %reduce_sum3A_28 : f32
    %div3A_31 = arith.constant 1.600000e+05 : f32
    %div3A_32 = arith.divf %neg3A_30, %div3A_31 : f32
    %reshape3A = vector.broadcast %div3A_32 : f32 to vector<1x1xf32>
    %swap3A = arith.constant 0 : index
    %swap3A_33 = arith.constant 0 : index
    %swap3A_34 = vector.load %arg10[%swap3A, %swap3A_33] : memref<1x1xf32, #tpu.memory_space<vmem>>, vector<1x1xf32>
    tpu.vector_store %arg10[%swap3A, %swap3A_33], %reshape3A {strides = array<i32>} : memref<1x1xf32, #tpu.memory_space<vmem>>, vector<1x1xf32>,
    %get3A_35 = arith.constant 0 : index
    %get3A_36 = arith.constant 0 : index
    %get3A_37 = vector.load %arg3[%get3A_35, %get3A_36] : memref<1250x128xf32, #tpu.memory_space<vmem>>, vector<1250x128xf32>
    %neg3A_38 = arith.constant 0.000000e+00 : f32
    %neg3A_39 = vector.broadcast %neg3A_38 : f32 to vector<1250x128xf32>
    %neg3A_40 = arith.subf %neg3A_39, %get3A_1 : vector<1250x128xf32>
    %exp3A_41 = math.exp %neg3A_40 : vector<1250x128xf32>
    %add3A_42 = arith.constant 1.000000e+00 : f32
    %add3A_43 = vector.broadcast %add3A_42 : f32 to vector<1250x128xf32>
    %add3A_44 = arith.addf %add3A_43, %exp3A_41 : vector<1250x128xf32>
    %div3A_45 = arith.constant 1.000000e+00 : f32
    %div3A_46 = vector.broadcast %div3A_45 : f32 to vector<1250x128xf32>
    %div3A_47 = arith.divf %div3A_46, %add3A_44 : vector<1250x128xf32>
    %jit3A_48 = arith.constant 1.000000e-07 : f32
    %jit3A_49 = arith.constant 0.99999988 : f32
    %max3A_50 = vector.broadcast %jit3A_48 : f32 to vector<1250x128xf32>
    %max3A_51 = arith.maximumf %max3A_50, %div3A_47 : vector<1250x128xf32>
    %min3A_52 = vector.broadcast %jit3A_49 : f32 to vector<1250x128xf32>
    %min3A_53 = arith.minimumf %min3A_52, %max3A_51 : vector<1250x128xf32>
    %log3A_54 = math.log %min3A_53 : vector<1250x128xf32>
    %mul3A_55 = arith.mulf %get3A_37, %log3A_54 : vector<1250x128xf32>
    %sub3A_56 = arith.constant 1.000000e+00 : f32
    %sub3A_57 = vector.broadcast %sub3A_56 : f32 to vector<1250x128xf32>
    %sub3A_58 = arith.subf %sub3A_57, %get3A_37 : vector<1250x128xf32>
    %sub3A_59 = arith.constant 1.000000e+00 : f32
    %sub3A_60 = vector.broadcast %sub3A_59 : f32 to vector<1250x128xf32>
    %sub3A_61 = arith.subf %sub3A_60, %min3A_53 : vector<1250x128xf32>
    %log3A_62 = math.log %sub3A_61 : vector<1250x128xf32>
    %mul3A_63 = arith.mulf %sub3A_58, %log3A_62 : vector<1250x128xf32>
    %add3A_64 = arith.addf %mul3A_55, %mul3A_63 : vector<1250x128xf32>
    %reduce_sum3A_65 = vector.shape_cast %add3A_64 : vector<1250x128xf32> to vector<1x1250x128xf32>
    %reduce_sum3A_66 = arith.constant dense<0.000000e+00> : vector<1xf32>
    %reduce_sum3A_67 = vector.multi_reduction <add>, %reduce_sum3A_65, %reduce_sum3A_66 [1, 2] : vector<1x1250x128xf32> to vector<1xf32>
    %reduce_sum3A_68 = vector.shape_cast %reduce_sum3A_67 : vector<1xf32> to vector<1x1x1xf32>
    %reduce_sum3A_69 = vector.extract %reduce_sum3A_68[0, 0, 0] : f32 from vector<1x1x1xf32>
    %neg3A_70 = arith.constant 0.000000e+00 : f32
    %neg3A_71 = arith.subf %neg3A_70, %reduce_sum3A_69 : f32
    %get3A_72 = arith.constant 0 : index
    %get3A_73 = arith.constant 0 : index
    %get3A_74 = vector.load %arg4[%get3A_72, %get3A_73] : memref<1250x128xf32, #tpu.memory_space<vmem>>, vector<1250x128xf32>
    %neg3A_75 = arith.constant 0.000000e+00 : f32
    %neg3A_76 = vector.broadcast %neg3A_75 : f32 to vector<1250x128xf32>
    %neg3A_77 = arith.subf %neg3A_76, %get3A_4 : vector<1250x128xf32>
    %exp3A_78 = math.exp %neg3A_77 : vector<1250x128xf32>
    %add3A_79 = arith.constant 1.000000e+00 : f32
    %add3A_80 = vector.broadcast %add3A_79 : f32 to vector<1250x128xf32>
    %add3A_81 = arith.addf %add3A_80, %exp3A_78 : vector<1250x128xf32>
    %div3A_82 = arith.constant 1.000000e+00 : f32
    %div3A_83 = vector.broadcast %div3A_82 : f32 to vector<1250x128xf32>
    %div3A_84 = arith.divf %div3A_83, %add3A_81 : vector<1250x128xf32>
    %jit3A_85 = arith.constant 1.000000e-07 : f32
    %jit3A_86 = arith.constant 0.99999988 : f32
    %max3A_87 = vector.broadcast %jit3A_85 : f32 to vector<1250x128xf32>
    %max3A_88 = arith.maximumf %max3A_87, %div3A_84 : vector<1250x128xf32>
    %min3A_89 = vector.broadcast %jit3A_86 : f32 to vector<1250x128xf32>
    %min3A_90 = arith.minimumf %min3A_89, %max3A_88 : vector<1250x128xf32>
    %log3A_91 = math.log %min3A_90 : vector<1250x128xf32>
    %mul3A_92 = arith.mulf %get3A_74, %log3A_91 : vector<1250x128xf32>
    %sub3A_93 = arith.constant 1.000000e+00 : f32
    %sub3A_94 = vector.broadcast %sub3A_93 : f32 to vector<1250x128xf32>
    %sub3A_95 = arith.subf %sub3A_94, %get3A_74 : vector<1250x128xf32>
    %sub3A_96 = arith.constant 1.000000e+00 : f32
    %sub3A_97 = vector.broadcast %sub3A_96 : f32 to vector<1250x128xf32>
    %sub3A_98 = arith.subf %sub3A_97, %min3A_90 : vector<1250x128xf32>
    %log3A_99 = math.log %sub3A_98 : vector<1250x128xf32>
    %mul3A_100 = arith.mulf %sub3A_95, %log3A_99 : vector<1250x128xf32>
    %add3A_101 = arith.addf %mul3A_92, %mul3A_100 : vector<1250x128xf32>
    %reduce_sum3A_102 = vector.shape_cast %add3A_101 : vector<1250x128xf32> to vector<1x1250x128xf32>
    %reduce_sum3A_103 = arith.constant dense<0.000000e+00> : vector<1xf32>
    %reduce_sum3A_104 = vector.multi_reduction <add>, %reduce_sum3A_102, %reduce_sum3A_103 [1, 2] : vector<1x1250x128xf32> to vector<1xf32>
    %reduce_sum3A_105 = vector.shape_cast %reduce_sum3A_104 : vector<1xf32> to vector<1x1x1xf32>
    %reduce_sum3A_106 = vector.extract %reduce_sum3A_105[0, 0, 0] : f32 from vector<1x1x1xf32>
    %neg3A_107 = arith.constant 0.000000e+00 : f32
    %neg3A_108 = arith.subf %neg3A_107, %reduce_sum3A_106 : f32
    %add3A_109 = arith.addf %neg3A_71, %neg3A_108 : f32
    %div3A_110 = arith.constant 1.600000e+05 : f32
    %div3A_111 = arith.divf %add3A_109, %div3A_110 : f32
    %reshape3A_112 = vector.broadcast %div3A_111 : f32 to vector<1x1xf32>
    %swap3A_113 = arith.constant 0 : index
    %swap3A_114 = arith.constant 0 : index
    %swap3A_115 = vector.load %arg11[%swap3A_113, %swap3A_114] : memref<1x1xf32, #tpu.memory_space<vmem>>, vector<1x1xf32>
    tpu.vector_store %arg11[%swap3A_113, %swap3A_114], %reshape3A_112 {strides = array<i32>} : memref<1x1xf32, #tpu.memory_space<vmem>>, vector<1x1xf32>,
    %get3A_116 = arith.constant 0 : index
    %get3A_117 = arith.constant 0 : index
    %get3A_118 = vector.load %arg5[%get3A_116, %get3A_117] : memref<80x128xf32, #tpu.memory_space<vmem>>, vector<80x128xf32>
    %get3A_119 = vector.shape_cast %get3A_118 : vector<80x128xf32> to vector<80x128xf32>
    %jit3A_120 = arith.constant 1.000000e-07 : f32
    %jit3A_121 = arith.constant 0.99999988 : f32
    %max3A_122 = vector.broadcast %jit3A_120 : f32 to vector<80x128xf32>
    %max3A_123 = arith.maximumf %max3A_122, %get3A_119 : vector<80x128xf32>
    %min3A_124 = vector.broadcast %jit3A_121 : f32 to vector<80x128xf32>
    %min3A_125 = arith.minimumf %min3A_124, %max3A_123 : vector<80x128xf32>
    %get3A_126 = arith.constant 0 : index
    %get3A_127 = arith.constant 0 : index
    %get3A_128 = vector.load %arg6[%get3A_126, %get3A_127] : memref<80x128xf32, #tpu.memory_space<vmem>>, vector<80x128xf32>
    %get3A_129 = arith.constant 0 : index
    %get3A_130 = arith.constant 0 : index
    %get3A_131 = vector.load %arg7[%get3A_129, %get3A_130] : memref<80x128xf32, #tpu.memory_space<vmem>>, vector<80x128xf32>
    %log3A_132 = math.log %min3A_125 : vector<80x128xf32>
    %mul3A_133 = arith.mulf %get3A_128, %log3A_132 : vector<80x128xf32>
    %sub3A_134 = arith.constant 1.000000e+00 : f32
    %sub3A_135 = vector.broadcast %sub3A_134 : f32 to vector<80x128xf32>
    %sub3A_136 = arith.subf %sub3A_135, %get3A_128 : vector<80x128xf32>
    %sub3A_137 = arith.constant 1.000000e+00 : f32
    %sub3A_138 = vector.broadcast %sub3A_137 : f32 to vector<80x128xf32>
    %sub3A_139 = arith.subf %sub3A_138, %min3A_125 : vector<80x128xf32>
    %log3A_140 = math.log %sub3A_139 : vector<80x128xf32>
    %mul3A_141 = arith.mulf %sub3A_136, %log3A_140 : vector<80x128xf32>
    %add3A_142 = arith.addf %mul3A_133, %mul3A_141 : vector<80x128xf32>
    %mul3A_143 = arith.mulf %get3A_131, %add3A_142 : vector<80x128xf32>
    %reduce_sum3A_144 = vector.shape_cast %mul3A_143 : vector<80x128xf32> to vector<1x80x128xf32>
    %reduce_sum3A_145 = arith.constant dense<0.000000e+00> : vector<1xf32>
    %reduce_sum3A_146 = vector.multi_reduction <add>, %reduce_sum3A_144, %reduce_sum3A_145 [1, 2] : vector<1x80x128xf32> to vector<1xf32>
    %reduce_sum3A_147 = vector.shape_cast %reduce_sum3A_146 : vector<1xf32> to vector<1x1x1xf32>
    %reduce_sum3A_148 = vector.extract %reduce_sum3A_147[0, 0, 0] : f32 from vector<1x1x1xf32>
    %neg3A_149 = arith.constant 0.000000e+00 : f32
    %neg3A_150 = arith.subf %neg3A_149, %reduce_sum3A_148 : f32
    %div3A_151 = arith.constant 1.000000e+04 : f32
    %div3A_152 = arith.divf %neg3A_150, %div3A_151 : f32
    %reshape3A_153 = vector.broadcast %div3A_152 : f32 to vector<1x1xf32>
    %swap3A_154 = arith.constant 0 : index
    %swap3A_155 = arith.constant 0 : index
    %swap3A_156 = vector.load %arg12[%swap3A_154, %swap3A_155] : memref<1x1xf32, #tpu.memory_space<vmem>>, vector<1x1xf32>
    tpu.vector_store %arg12[%swap3A_154, %swap3A_155], %reshape3A_153 {strides = array<i32>} : memref<1x1xf32, #tpu.memory_space<vmem>>, vector<1x1xf32>,
    %get3A_157 = arith.constant 0 : index
    %get3A_158 = arith.constant 0 : index
    %get3A_159 = vector.load %arg8[%get3A_157, %get3A_158] : memref<80x128xi32, #tpu.memory_space<vmem>>, vector<80x128xi32>
    %get3A_160 = arith.constant 0 : index
    %get3A_161 = arith.constant 0 : index
    %get3A_162 = vector.load %arg9[%get3A_160, %get3A_161] : memref<80x128xi32, #tpu.memory_space<vmem>>, vector<80x128xi32>
    %eq3A = arith.cmpi eq, %get3A_159, %get3A_162 : vector<80x128xi32>
    %convert_element_type3A = arith.extui %eq3A : vector<80x128xi1> to vector<80x128xi32>
    %convert_element_type3A_163 = arith.sitofp %convert_element_type3A : vector<80x128xi32> to vector<80x128xf32>
    %reduce_sum3A_164 = vector.shape_cast %convert_element_type3A_163 : vector<80x128xf32> to vector<1x80x128xf32>
    %reduce_sum3A_165 = arith.constant dense<0.000000e+00> : vector<1xf32>
    %reduce_sum3A_166 = vector.multi_reduction <add>, %reduce_sum3A_164, %reduce_sum3A_165 [1, 2] : vector<1x80x128xf32> to vector<1xf32>
    %reduce_sum3A_167 = vector.shape_cast %reduce_sum3A_166 : vector<1xf32> to vector<1x1x1xf32>
    %reduce_sum3A_168 = vector.extract %reduce_sum3A_167[0, 0, 0] : f32 from vector<1x1x1xf32>
    %div3A_169 = arith.constant 1.000000e+04 : f32
    %div3A_170 = arith.divf %reduce_sum3A_168, %div3A_169 : f32
    %sub3A_171 = arith.constant 1.000000e+00 : f32
    %sub3A_172 = arith.subf %sub3A_171, %div3A_170 : f32
    %reshape3A_173 = vector.broadcast %sub3A_172 : f32 to vector<1x1xf32>
    %swap3A_174 = arith.constant 0 : index
    %swap3A_175 = arith.constant 0 : index
    %swap3A_176 = vector.load %arg13[%swap3A_174, %swap3A_175] : memref<1x1xf32, #tpu.memory_space<vmem>>, vector<1x1xf32>
    tpu.vector_store %arg13[%swap3A_174, %swap3A_175], %reshape3A_173 {strides = array<i32>} : memref<1x1xf32, #tpu.memory_space<vmem>>, vector<1x1xf32>,
    return
  }
}

</mosaic_0001>

<sc_bundles>
// kernel: gather_offload_async_start
scs
__scs_entry_jumppad:
0x0: {  	(pc) =	sbr.rel $0x88, $3  }
0x1: {  	(tag) =	ssettag $0x0;
	lr =	simm.s32 $0x1  }
0x2: {  	[smem:$0x3F8F] =	sst lr;
	_ =	strace $0xD0000000  }
0x3: {  	_ = 	snop  }
0x4: {  	_ = 	snop  }
0x5: {  	_ = 	snop  }
0x6: {  	_ = 	snop  }
0x7: {  	_ = 	snop  }
__scs_overlays_trampoline_lowered:
0x8: {  	[smem:$0x3F9E] =	sst s0  }
0x9: {  	[smem:$0x3F9F] =	sst s1  }
0xa: {  	[smem:$0x3FA0] =	sst s2  }
0xb: {  	[smem:$0x3FA1] =	sst s3  }
0xc: {  	[smem:$0x3FA2] =	sst s4  }
0xd: {  	[smem:$0x3FA3] =	sst s5  }
0xe: {  	[smem:$0x3FA4] =	sst s6  }
0xf: {  	[smem:$0x3FA5] =	sst s7  }
0x10: {  	[smem:$0x3FA6] =	sst s8  }
0x11: {  	[smem:$0x3FA7] =	sst s9;
	s0 =	simm.s32 @!p0 $0x0  }
0x12: {  	s1 =	sld [smem:$0x3F8D];
	s0 =	simm.s32 @p0 $0x1  }
0x13: {  	[smem:$0x3FA8] =	sst s0;
	s0 =	simm.s32 @!p1 $0x0  }
0x14: {  	s2 =	sld [smem:$0x3F8C];
	s0 =	simm.s32 @p1 $0x1  }
0x15: {  	[smem:$0x3FA9] =	sst s0;
	s0 =	simm.s32 @!p2 $0x0  }
0x16: {  	s3 =	sld [smem:$0x3FDB];
	s0 =	simm.s32 @p2 $0x1  }
0x17: {  	s4 =	simm.s32 $0x1BF5;
	[smem:$0x3FAB] =	sst s0  }
0x18: {  	s0 =	sld [smem:$0x3F8E];
	_ =	swait.ge [sflag:s4], $0x0  }
0x19: {  	s7 =	sld [smem:$0x3F8F]  }
0x1a: {  	s8 =	sadd.s32 $0xFFFFE003, lr  }
0x1b: {  	s9 =	sadd.s32 $0xFFFFFEF7, lr;
	s5 =	simm.s32 $0xFFFFFFFF;
	p2 =	slt.u32 s8, $0xFFFFF086  }
0x1c: {  	p1 =	slt.u32 s9, $0xF7A;
	s5 =	simm.s32 @!p2 $0x0  }
0x1d: {  	s5 =	simm.s32 @p1 $0x1;
	p0 =	seq.s32 s7, s2  }
0x1e: {  	s7 =	smul.u32 @!p0 $0xF7A, s2;
	p2 =	seq.s32 @!p0 s5, $0x0  }
0x1f: {  	s9 =	smul.u32 $0xF7A, s1;
	s8 =	simm.s32 @!p0 $0x1BF5;
	p2 =	por !p2, p0  }
0x20: {  	[sflag:s8] =	ssyncset.s32 @!p0 $0xFFFFF086;
	s6 =	sadd.s32 @!p0 s3, s7;
	s7 =	simm.s32 @!p0 $0x108  }
0x21: {  	s3 =	sadd.s32 s3, s9;
	s6 =	sadd.s32 @!p0 $0x88, s6;
	s7 =	simm.s32 @p2 $0x1082  }
0x22: {  	[simem:s7], [sflag:s8] =	dma.local @!p0 [hbm:s6], $0xF7A  }
0x23: {  	s9 =	sor.u32 $0xD0000000, s2;
	s6 =	simm.s32 $0x108;
	_ =	swait.ge @!p0 [sflag:s8], $0x0  }
0x24: {  	s3 =	sadd.s32 $0x88, s3;
	s6 =	simm.s32 @!p1 $0x1082;
	[sflag:s4] =	ssyncset.s32 $0xFFFFF086  }
0x25: {  	[simem:s6], [sflag:s4] =	dma.local [hbm:s3], $0xF7A  }
0x26: {  	[smem:$0x3F8F] =	sst s1;
	(tag) =	ssettag s2;
	_ =	strace s9  }
0x27: {  	s1 =	sld [smem:$0x3F9F]  }
0x28: {  	s2 =	sld [smem:$0x3FA0]  }
0x29: {  	s4 =	sld [smem:$0x3FA2]  }
0x2a: {  	p0 =	seq.s32 s5, $0x0;
	s5 =	sld [smem:$0x3FA3]  }
0x2b: {  	s6 =	sld [smem:$0x3FA4]  }
0x2c: {  	s7 =	sld [smem:$0x3FA5]  }
0x2d: {  	s3 =	simm.s32 $0x108;
	s8 =	sld [smem:$0x3FA6]  }
0x2e: {  	s3 =	simm.s32 @!p0 $0x1082;
	s9 =	sld [smem:$0x3FA7]  }
0x2f: {  	lr =	sadd.s32 s0, s3;
	s0 =	sld [smem:$0x3F9E]  }
0x30: {  	s3 =	sld [smem:$0x3FA1]  }
0x31: {  	[smem:$0x3FAA] =	sst s10  }
0x32: {  	s10 =	sld [smem:$0x3FA8];
	_ =	sdelay $0x3  }
0x33: {  	p0 =	seq.s32 s10, $0x1;
	s10 =	sld [smem:$0x3FAA];
	_ =	sdelay $0x3  }
0x34: {  	[smem:$0x3FAA] =	sst s10  }
0x35: {  	s10 =	sld [smem:$0x3FA9];
	_ =	sdelay $0x3  }
0x36: {  	p1 =	seq.s32 s10, $0x1;
	s10 =	sld [smem:$0x3FAA];
	_ =	sdelay $0x3  }
0x37: {  	[smem:$0x3FAA] =	sst s10  }
0x38: {  	s10 =	sld [smem:$0x3FAB]  }
0x39: {  	_ = 	snop;
	(pc) =	sbr.ind lr, $3  }
0x3a: {  	_ = 	snop  }
0x3b: {  	_ = 	snop  }
0x3c: {  	p2 =	seq.s32 s10, $0x1;
	s10 =	sld [smem:$0x3FAA]  }
0x3d: {  	_ =	shalt  }
0x3e: {  	_ =	shalt  }
0x3f: {  	_ =	shalt  }
0x40: {  	_ =	shalt  }
0x41: {  	_ =	shalt  }
0x42: {  	_ =	shalt  }
0x43: {  	_ =	shalt  }
0x44: {  	_ =	shalt  }
0x45: {  	_ =	shalt  }
0x46: {  	_ =	shalt  }
0x47: {  	_ =	shalt  }
0x48: {  	_ =	shalt  }
0x49: {  	_ =	shalt  }
0x4a: {  	_ =	shalt  }
0x4b: {  	_ =	shalt  }
0x4c: {  	_ =	shalt  }
0x4d: {  	_ =	shalt  }
0x4e: {  	_ =	shalt  }
0x4f: {  	_ =	shalt  }
0x50: {  	_ =	shalt  }
0x51: {  	_ =	shalt  }
0x52: {  	_ =	shalt  }
0x53: {  	_ =	shalt  }
0x54: {  	_ =	shalt  }
0x55: {  	_ =	shalt  }
0x56: {  	_ =	shalt  }
0x57: {  	_ =	shalt  }
0x58: {  	_ =	shalt  }
0x59: {  	_ =	shalt  }
0x5a: {  	_ =	shalt  }
0x5b: {  	_ =	shalt  }
0x5c: {  	_ =	shalt  }
0x5d: {  	_ =	shalt  }
0x5e: {  	_ =	shalt  }
0x5f: {  	_ =	shalt  }
0x60: {  	_ =	shalt  }
0x61: {  	_ =	shalt  }
0x62: {  	_ =	shalt  }
0x63: {  	_ =	shalt  }
0x64: {  	_ =	shalt  }
0x65: {  	_ =	shalt  }
0x66: {  	_ =	shalt  }
0x67: {  	_ =	shalt  }
0x68: {  	_ =	shalt  }
0x69: {  	_ =	shalt  }
0x6a: {  	_ =	shalt  }
0x6b: {  	_ =	shalt  }
0x6c: {  	_ =	shalt  }
0x6d: {  	_ =	shalt  }
0x6e: {  	_ =	shalt  }
0x6f: {  	_ =	shalt  }
0x70: {  	_ =	shalt  }
0x71: {  	_ =	shalt  }
0x72: {  	_ =	shalt  }
0x73: {  	_ =	shalt  }
0x74: {  	_ =	shalt  }
0x75: {  	_ =	shalt  }
0x76: {  	_ =	shalt  }
0x77: {  	_ =	shalt  }
0x78: {  	_ =	shalt  }
0x79: {  	_ =	shalt  }
0x7a: {  	_ =	shalt  }
0x7b: {  	_ =	shalt  }
0x7c: {  	_ =	shalt  }
0x7d: {  	_ =	shalt  }
0x7e: {  	_ =	shalt  }
0x7f: {  	_ =	shalt  }
0x80: {  	_ =	shalt  }
0x81: {  	_ =	shalt  }
0x82: {  	_ =	shalt  }
0x83: {  	_ =	shalt  }
0x84: {  	_ =	shalt  }
0x85: {  	_ =	shalt  }
0x86: {  	_ =	shalt  }
0x87: {  	_ =	shalt  }
.Lfunc_end0:
.L_simem_size_0:
called_computation.2_lowered:
.L_overlay_start_0:
0x88: {  	s2 =	sld [smem:$0x3FD9]  }
0x89: {  	s3 =	sld [smem:$0x3FFE];
	_ =	sdelay $0x1  }
0x8a: {  	s1 =	srdreg.scid  }
0x8b: {  	s0 =	sand.u32 $0x1, s1  }
0x8c: {  	s16 =	sshll.u32 s0, $0xA;
	s2 =	sadd.s32 s3, s2  }
0x8d: {  	s2 =	sadd.s32 s2, s16  }
0x8e: {  	[smem:$0x3FB6] =	sst s2  }
0x8f: {  	_ = 	snop  }
0x90: {  	(tm) =	ssettm $0x1  }
0x91: {  	s17 =	sld [smem:$0x3FFB];
	_ =	sdelay $0x3  }
0x92: {  	_ =	strace s17  }
0x93: {  	s2 =	sld [smem:$0x3FFC];
	_ =	sdelay $0x3  }
0x94: {  	_ =	strace s2  }
0x95: {  	s2 =	sld [smem:$0x3FFD];
	_ =	sdelay $0x3  }
0x96: {  	_ =	strace s2  }
0x97: {  	_ =	strace $0x8FFFFFFF  }
0x98: {  	s18 =	sld [smem:$0x3FDB];
	_ =	sdelay $0x1  }
0x99: {  	s19 =	simm.s32 $_scs_section_size  }
0x9a: {  	s4 =	simm.s32 $_size__tile_overlayer_lowered;
	s5 =	simm.s32 $_tile_overlayer_lowered  }
0x9b: {  	s22 =	simm.s32 $0x1BFF;
	s21 =	sshll.u32 s5, $0x1;
	s2 =	sadd.s32 s19, s18  }
0x9c: {  	s6 =	simm.s32 $0x0;
	s20 =	sshll.u32 s4, $0x1;
	s4 =	sadd.s32 s21, s2  }
0x9d: {  	[timem:s6], [sflag:s22] =	dma.local [hbm:s4], s20  }
0x9e: {  	_ =	swait.ge [sflag:s22], s20  }
0x9f: {  	s3 =	ssub.s32 $0x0, s20;
	[sflag:s22] =	ssyncset.done $0x0  }
0xa0: {  	[sflag:s22] =	ssyncadd.s32 s3;
	_ =	sdelay $0x1  }
0xa1: {  	s23 =	simm.s32 $0x1B8B  }
0xa2: {  	_ =	swait.ge [sflag:s23], $0x1  }
0xa3: {  	[sflag:s23] =	ssyncset.done $0x0  }
0xa4: {  	s25 =	simm.s32 $0x1B8E;
	s24 =	sld [smem:$0x3FFE];
	[sflag:s23] =	ssyncadd.s32 $0xFFFFFFFF  }
0xa5: {  	s26 =	simm.s32 $execute0_lowered;
	[smem:$0x3FD2] =	sst s25  }
0xa6: {  	s4 =	sshll.u32 s26, $0x1;
	_ =	strace $0x8000005B;
	[dreg:$0x1] =	wrdreg $0xFFFFFFFF  }
0xa7: {  	s28 =	simm.s32 $_size_execute0_lowered;
	s2 =	sadd.s32 s2, s4;
	[dreg:$0x0] =	wrdreg $0x0  }
0xa8: {  	s4 =	sshll.u32 s28, $0x1;
	[dreg:$0x2] =	wrdreg s2  }
0xa9: {  	[dreg:$0x3] =	wrdreg s4  }
0xaa: {  	[dreg:$0x4] =	wrdreg $0xC0  }
0xab: {  	_ =	task [dreg:s6], $0x5FFFF  }
0xac: {  	[dreg:$0x1] =	wrdreg $0xFFFFFFFF  }
0xad: {  	[dreg:$0x0] =	wrdreg $0x60  }
0xae: {  	[dreg:$0x2] =	wrdreg s24  }
0xaf: {  	[dreg:$0x3] =	wrdreg $0x9  }
0xb0: {  	_ =	task.clear_ibuf [dreg:s6], $0x4FFFF;
	_ =	strace $0x9000005B  }
0xb1: {  	s29 =	simm.s32 $0x9;
	_ =	strace $0x8000005D  }
0xb2: {  	_ =	swait.ge [sflag:s29], $0x1  }
0xb3: {  	[sflag:s29] =	ssyncadd.s32 $0xFFFFFFFF  }
0xb4: {  	_ =	strace $0x9000005D  }
0xb5: {  	_ =	sfence  }
0xb6: {  	s30 =	sld [smem:$0x0];
	_ =	sdelay $0x2  }
0xb7: {  	s31 =	sshll.u32 s1, $0xD;
	s1 =	sshrl.u32 s1, $0x2  }
0xb8: {  	s3 =	sand.u32 $0x4000, s31;
	s1 =	sadd.s32 s1, s30  }
0xb9: {  	s0 =	sor.u32 s3, s0;
	s1 =	sshll.u32 s1, $0x11  }
0xba: {  	s0 =	sor.u32 s1, s0  }
0xbb: {  	s0 =	sadd.s32 $0x8F2B, s0  }
0xbc: {  	[sflag:s0] =	ssyncadd.remote.s32 $0x1  }
0xbd: {  	_ =	sfence.sel $0xFFFF  }
0xbe: {  	[dreg:$0x0] =	wrdreg $0xFFFFFFFF;
	(pc) =	sbr.abs _section_cstart, $3  }
0xbf: {  	[dreg:$0x1] =	wrdreg $0xFFFFFFFF  }
0xc0: {  	_ =	task.clear_ibuf [dreg:s6], $0x2FFFF;
	_ =	strace $0x9FFFFFFF  }
0xc1: {  	(tm) =	ssettm $0x7FFFFFFF  }
tec
execute0_lowered:
.L_overlay_start_1:
0x0: {  	(tag) =	ssettag $0x1  }
0x1: {  	s0 =	srdreg.scid;
	s5 =	rddreg [dreg:$0x0]  }
0x2: {  	s1 =	stileid.u32;
	s6 =	simm.s32 $0x1;
	s9 =	simm.s32 $0x1  }
0x3: {  	s10 =	simm.s32 $0x3;
	s13 =	simm.s32 $0x0;
	s2 =	sshll.u32 s0, $0x8  }
0x4: {  	s12 =	simm.s32 $0x0;
	s3 =	sshll.u32 s1, $0x9;
	s2 =	sand.u32 $0x100, s2  }
0x5: {  	s0 =	rddreg [dreg:$0x1];
	_ =	strace $0x8000005C;
	s2 =	sor.u32 s3, s2  }
0x6: {  	s4 =	sadd.s32 $0x3E00, s5;
	[sflag:s6] =	ssyncpa.u1 $0x0;
	s8 =	ssub.s32 $0x2800, s2  }
.Ltmp0:
0x7: {  	s3 =	sadd.s32 $0x18400, s5;
	s7 =	sand.u32 $0x1F00, s8;
	(pc) =	sbr.rel .LBB2_1-.Ltmp0, $4  }
0x8: {  	s5 =	sadd.s32 $0x4400, s5;
	s11 =	smov.u32 s2;
	p0 =	sne.s32 s7, $0x0  }
0x9: {  	s8 =	sshrl.u32 s8, $0xD;
	s7 =	simm.s32 $0x2;
	s9 =	simm.s32 @!p0 $0x0  }
0xa: {  	[sflag:s7] =	ssyncpa.u1 $0x0;
	p0 =	por $0x0, $0x0;
	s8 =	sadd.s32 s9, s8  }
0xb: {  	vm0 =	vmmov $0xffff;
	[sflag:s10] =	ssyncpa.u1 $0x0;
	s10 =	simm.s32 $0x0;
	s9 =	sadd.s32 $0x1, s8  }
.LBB2_4:
0xc: {  	v2 =	vnsel vm1, $0x0, v2  }
0xd: {  	vm1 =	vgt.s32 v0, $0x0;
	v2 =	vmin.u32 v2, $0x298FF  }
0xe: {  	v0 =	vnsel vm1, $0x0, v0  }
0xf: {  	v0 =	vmin.u32 v0, $0x298FF  }
0x10: {  	[tilespmem:s15], [sflag:$0x1] =	stream.indirect_vreg.gather [hbm4b:s3+s10], $0x1, v1, vm0, $0x4038;
	[tilespmem:$0x400] =	vst v63  }
0x11: {  	(ifvalue) =	ssetifvalue $0x7FFFFFFF  }
0x12: {  	[tilespmem:s16], [sflag:$0x1] =	stream.indirect_vreg.gather [hbm4b:s3+s10], $0x1, v2, vm0, $0x4038;
	[tilespmem:$0x400] =	vst v63  }
0x13: {  	s29 =	sadd.s32 $0x10, s16;
	(ifvalue) =	ssetifvalue $0x7FFFFFFF  }
0x14: {  	[tilespmem:s29], [sflag:$0x1] =	stream.indirect_vreg.gather [hbm4b:s3+s10], $0x1, v0, vm0, $0x4038;
	[tilespmem:$0x400] =	vst v63  }
0x15: {  	_ =	swait.ge [sflag:s6], $0x100  }
0x16: {  	s30 =	sshrl.u32 s13, $0x3;
	[sflag:s6] =	ssyncset.done $0x0  }
0x17: {  	s31 =	sand.u32 $0x7, s13;
	s15 =	sadd.s32 s5, s30;
	[sflag:s6] =	ssyncadd.s32 $0xFFFFFF00  }
0x18: {  	[hbm4b:s15+s31] =	stream.linear.scatter [tilespmem:s14], [sflag:$0x3], $0x100, $0x38;
	[tilespmem:$0x400] =	vst v63  }
.LBB2_5:
0x19: {  	s15 =	sadd.s32 $0x2000, s11  }
0x1a: {  	p2 =	sgt.s32 s15, $0x27FF  }
0x1b: {  	s15 =	smov.u32 @p2 s2;
	p2 =	sne.s32 s12, s9  }
.Ltmp1:
0x1c: {  	p1 =	slt.u32 s12, $0x2;
	(pc) =	sbr.rel @!p2 .LBB2_6-.Ltmp1, $4  }
0x1d: {  	s14 =	simm.s32 @!p1 $0x3  }
0x1e: {  	s16 =	sadd.s32 $0x1, s12;
	_ =	swait.ge @!p1 [sflag:s14], $0x100  }
0x1f: {  	s13 =	smov.u32 s11;
	p0 =	por !p0, !p0;
	[sflag:s14] =	ssyncset.done @!p1 $0x0  }
0x20: {  	s12 =	smov.u32 s16;
	s11 =	smov.u32 s15;
	[sflag:s14] =	ssyncadd.s32 @!p1 $0xFFFFFF00  }
.LBB2_1:
0x21: {  	p1 =	sge.u32 s12, s8  }
0x22: {  	s14 =	sxor.u32 @!p1 $0xFFFFFFFF, s12  }
0x23: {  	s31 =	sadd.s32 $0xFFFFFFFF, s12;
	s15 =	sshrl.u32 @!p1 s11, $0x3;
	s14 =	sshll.u32 @!p1 s14, $0x8  }
0x24: {  	s16 =	sand.u32 @!p1 $0x7, s11;
	s15 =	sadd.s32 @!p1 s4, s15;
	s14 =	sand.u32 @!p1 $0x100, s14  }
0x25: {  	[tilespmem:s14], [sflag:$0x2] =	stream.linear.gather @!p1 [hbm4b:s15+s16], $0x100, $0x38;
	[tilespmem:$0x400] =	vst v63  }
0x26: {  	p1 =	sge.u32 s31, s8  }
.Ltmp2:
0x27: {  	_ = 	snop;
	(pc) =	sbr.rel @p1 .LBB2_5-.Ltmp2, $1  }
0x28: {  	_ =	sdelay $0x3  }
0x29: {  	s14 =	simm.s32 $0x1  }
0x2a: {  	_ =	swait.ge [sflag:s7], $0x100;
	s14 =	simm.s32 @!p0 $0x0  }
0x2b: {  	[sflag:s7] =	ssyncset.done $0x0;
	s14 =	sshll.u32 s14, $0x8  }
0x2c: {  	[sflag:s7] =	ssyncadd.s32 $0xFFFFFF00;
	(ifvalue) =	ssetifvalue $0x7FFFFFFF;
	v0 =	vld.msk [tilespmem:s14+$0x0 ss:$0x1], $0xffff;
	_ =	sdelay $0x4  }
0x2d: {  	s15 =	sadd.s32 $0x10, s14;
	vm1 =	vgt.s32 v0, $0x0  }
0x2e: {  	v2 =	vld.msk [tilespmem:s15+$0x0 ss:$0x1], $0xffff;
	v1 =	vnsel vm1, $0x0, v0  }
0x2f: {  	v1 =	vmin.u32 v1, $0x298FF;
	_ =	sdelay $0x1  }
0x30: {  	s16 =	sshll.u32 s12, $0x8;
	s18 =	simm.s32 $0x20  }
0x31: {  	s16 =	sand.u32 $0x100, s16;
	s17 =	sadd.s32 $0x10, s15;
	s15 =	sor.u32 $0x200, s14  }
0x32: {  	s14 =	sor.u32 $0x200, s16;
	s16 =	sadd.s32 $0x10, s15;
	v0 =	vld.msk [tilespmem:s17+$0x0 ss:$0x1], $0xffff;
	vm1 =	vgt.s32 v2, $0x0;
	(ifvalue) =	ssetifvalue $0x7FFFFFFF  }
.LBB2_3:
0x33: {  	[tilespmem:s15], [sflag:$0x1] =	stream.indirect_vreg.gather [hbm4b:s3+s10], $0x1, v1, vm0, $0x4038;
	[tilespmem:$0x400] =	vst v63  }
0x34: {  	s18 =	sadd.s32 $0x10, s18  }
0x35: {  	v2 =	vnsel vm1, $0x0, v2;
	p1 =	slt.u32 s18, $0xF0  }
.Ltmp3:
0x36: {  	s15 =	smov.u32 s16;
	v1 =	vmin.u32 v2, $0x298FF;
	(pc) =	sbr.rel @p1 .LBB2_3-.Ltmp3, $3  }
0x37: {  	_ =	sdelay $0x1  }
0x38: {  	s17 =	sadd.s32 $0x10, s17  }
0x39: {  	vm1 =	vgt.s32 v0, $0x0;
	s16 =	sadd.s32 $0x10, s16;
	v2 =	vmov v0;
	(ifvalue) =	ssetifvalue $0x7FFFFFFF;
	v0 =	vld.msk [tilespmem:s17+$0x0 ss:$0x1], $0xffff  }
.Ltmp4:
0x3a: {  	_ = 	snop;
	(pc) =	sbr.rel .LBB2_4-.Ltmp4, $1  }
0x3b: {  	_ =	sdelay $0x3  }
.LBB2_6:
0x3c: {  	_ =	sfence.sel $0x180000  }
0x3d: {  	s2 =	simm.s32 $0x2;
	[bflag:$0x0] =	sbarrier.arrive $0xFFFF  }
0x3e: {  	s30 =	simm.s32 $0x3;
	[sflag:s2] =	ssyncpa.u1 $0x1  }
0x3f: {  	s31 =	simm.s32 $0x1;
	[sflag:s30] =	ssyncpa.u1 $0x1  }
0x40: {  	[sflag:s31] =	ssyncpa.u1 $0x1  }
0x41: {  	p0 =	sne.s32 s1, $0x0;
	_ =	strace $0x9000005C  }
0x42: {  	s0 =	sadd.s32 @!p0 $0x100000, s0;
	[bflag:$0x2] =	sbarrier.arrive $0xFFFF  }
0x43: {  	[sflag:s0] =	ssyncadd.tile.s32 @!p0 $0x1;
	_ =	shalt  }
.Lfunc_end2:
_tile_overlayer_lowered:
.L_overlay_start_2:
0x44: {  	(tag) =	ssettag $0x2  }
0x45: {  	s0 =	rddreg [dreg:$0x0];
	s2 =	stileid.u32  }
0x46: {  	s1 =	rddreg [dreg:$0x1];
	p0 =	sne.s32 s2, $0x0  }
0x47: {  	s3 =	rddreg [dreg:$0x2];
	[bflag:$0x3] =	sbarrier.arrive $0xFFFF;
	s2 =	simm.s32 @!p0 $0x1C01  }
0x48: {  	[timem:s3], [sflag:s2] =	dma.local @!p0 [hbm:s0], s1  }
0x49: {  	s0 =	simm.s32 @!p0 $0x1  }
0x4a: {  	_ =	swait.ge @!p0 [sflag:s0], s1  }
0x4b: {  	s1 =	ssub.s32 @!p0 $0x0, s1;
	[sflag:s0] =	ssyncset.done @!p0 $0x0  }
0x4c: {  	[sflag:s0] =	ssyncadd.s32 @!p0 s1  }
0x4d: {  	[bflag:$0x3] =	sbarrier.arrive $0xFFFF  }
0x4e: {  	_ =	shalt  }

// kernel: kernel.12.cloned.1.call-start
scs
__scs_entry_jumppad:
0x0: {  	(pc) =	sbr.rel $0x88, $3  }
0x1: {  	(tag) =	ssettag $0x0;
	lr =	simm.s32 $0x1  }
0x2: {  	[smem:$0x3F8F] =	sst lr;
	_ =	strace $0xD0000000  }
0x3: {  	_ = 	snop  }
0x4: {  	_ = 	snop  }
0x5: {  	_ = 	snop  }
0x6: {  	_ = 	snop  }
0x7: {  	_ = 	snop  }
__scs_overlays_trampoline_lowered:
0x8: {  	[smem:$0x3F9E] =	sst s0  }
0x9: {  	[smem:$0x3F9F] =	sst s1  }
0xa: {  	[smem:$0x3FA0] =	sst s2  }
0xb: {  	[smem:$0x3FA1] =	sst s3  }
0xc: {  	[smem:$0x3FA2] =	sst s4  }
0xd: {  	[smem:$0x3FA3] =	sst s5  }
0xe: {  	[smem:$0x3FA4] =	sst s6  }
0xf: {  	[smem:$0x3FA5] =	sst s7  }
0x10: {  	[smem:$0x3FA6] =	sst s8  }
0x11: {  	[smem:$0x3FA7] =	sst s9;
	s0 =	simm.s32 @!p0 $0x0  }
0x12: {  	s1 =	sld [smem:$0x3F8D];
	s0 =	simm.s32 @p0 $0x1  }
0x13: {  	[smem:$0x3FA8] =	sst s0;
	s0 =	simm.s32 @!p1 $0x0  }
0x14: {  	s2 =	sld [smem:$0x3F8C];
	s0 =	simm.s32 @p1 $0x1  }
0x15: {  	[smem:$0x3FA9] =	sst s0;
	s0 =	simm.s32 @!p2 $0x0  }
0x16: {  	s3 =	sld [smem:$0x3FDB];
	s0 =	simm.s32 @p2 $0x1  }
0x17: {  	s4 =	simm.s32 $0x1BF5;
	[smem:$0x3FAB] =	sst s0  }
0x18: {  	s0 =	sld [smem:$0x3F8E];
	_ =	swait.ge [sflag:s4], $0x0  }
0x19: {  	s7 =	sld [smem:$0x3F8F]  }
0x1a: {  	s8 =	sadd.s32 $0xFFFFE003, lr  }
0x1b: {  	s9 =	sadd.s32 $0xFFFFFEF7, lr;
	s5 =	simm.s32 $0xFFFFFFFF;
	p2 =	slt.u32 s8, $0xFFFFF086  }
0x1c: {  	p1 =	slt.u32 s9, $0xF7A;
	s5 =	simm.s32 @!p2 $0x0  }
0x1d: {  	s5 =	simm.s32 @p1 $0x1;
	p0 =	seq.s32 s7, s2  }
0x1e: {  	s7 =	smul.u32 @!p0 $0xF7A, s2;
	p2 =	seq.s32 @!p0 s5, $0x0  }
0x1f: {  	s9 =	smul.u32 $0xF7A, s1;
	s8 =	simm.s32 @!p0 $0x1BF5;
	p2 =	por !p2, p0  }
0x20: {  	[sflag:s8] =	ssyncset.s32 @!p0 $0xFFFFF086;
	s6 =	sadd.s32 @!p0 s3, s7;
	s7 =	simm.s32 @!p0 $0x108  }
0x21: {  	s3 =	sadd.s32 s3, s9;
	s6 =	sadd.s32 @!p0 $0x88, s6;
	s7 =	simm.s32 @p2 $0x1082  }
0x22: {  	[simem:s7], [sflag:s8] =	dma.local @!p0 [hbm:s6], $0xF7A  }
0x23: {  	s9 =	sor.u32 $0xD0000000, s2;
	s6 =	simm.s32 $0x108;
	_ =	swait.ge @!p0 [sflag:s8], $0x0  }
0x24: {  	s3 =	sadd.s32 $0x88, s3;
	s6 =	simm.s32 @!p1 $0x1082;
	[sflag:s4] =	ssyncset.s32 $0xFFFFF086  }
0x25: {  	[simem:s6], [sflag:s4] =	dma.local [hbm:s3], $0xF7A  }
0x26: {  	[smem:$0x3F8F] =	sst s1;
	(tag) =	ssettag s2;
	_ =	strace s9  }
0x27: {  	s1 =	sld [smem:$0x3F9F]  }
0x28: {  	s2 =	sld [smem:$0x3FA0]  }
0x29: {  	s4 =	sld [smem:$0x3FA2]  }
0x2a: {  	p0 =	seq.s32 s5, $0x0;
	s5 =	sld [smem:$0x3FA3]  }
0x2b: {  	s6 =	sld [smem:$0x3FA4]  }
0x2c: {  	s7 =	sld [smem:$0x3FA5]  }
0x2d: {  	s3 =	simm.s32 $0x108;
	s8 =	sld [smem:$0x3FA6]  }
0x2e: {  	s3 =	simm.s32 @!p0 $0x1082;
	s9 =	sld [smem:$0x3FA7]  }
0x2f: {  	lr =	sadd.s32 s0, s3;
	s0 =	sld [smem:$0x3F9E]  }
0x30: {  	s3 =	sld [smem:$0x3FA1]  }
0x31: {  	[smem:$0x3FAA] =	sst s10  }
0x32: {  	s10 =	sld [smem:$0x3FA8];
	_ =	sdelay $0x3  }
0x33: {  	p0 =	seq.s32 s10, $0x1;
	s10 =	sld [smem:$0x3FAA];
	_ =	sdelay $0x3  }
0x34: {  	[smem:$0x3FAA] =	sst s10  }
0x35: {  	s10 =	sld [smem:$0x3FA9];
	_ =	sdelay $0x3  }
0x36: {  	p1 =	seq.s32 s10, $0x1;
	s10 =	sld [smem:$0x3FAA];
	_ =	sdelay $0x3  }
0x37: {  	[smem:$0x3FAA] =	sst s10  }
0x38: {  	s10 =	sld [smem:$0x3FAB]  }
0x39: {  	_ = 	snop;
	(pc) =	sbr.ind lr, $3  }
0x3a: {  	_ = 	snop  }
0x3b: {  	_ = 	snop  }
0x3c: {  	p2 =	seq.s32 s10, $0x1;
	s10 =	sld [smem:$0x3FAA]  }
0x3d: {  	_ =	shalt  }
0x3e: {  	_ =	shalt  }
0x3f: {  	_ =	shalt  }
0x40: {  	_ =	shalt  }
0x41: {  	_ =	shalt  }
0x42: {  	_ =	shalt  }
0x43: {  	_ =	shalt  }
0x44: {  	_ =	shalt  }
0x45: {  	_ =	shalt  }
0x46: {  	_ =	shalt  }
0x47: {  	_ =	shalt  }
0x48: {  	_ =	shalt  }
0x49: {  	_ =	shalt  }
0x4a: {  	_ =	shalt  }
0x4b: {  	_ =	shalt  }
0x4c: {  	_ =	shalt  }
0x4d: {  	_ =	shalt  }
0x4e: {  	_ =	shalt  }
0x4f: {  	_ =	shalt  }
0x50: {  	_ =	shalt  }
0x51: {  	_ =	shalt  }
0x52: {  	_ =	shalt  }
0x53: {  	_ =	shalt  }
0x54: {  	_ =	shalt  }
0x55: {  	_ =	shalt  }
0x56: {  	_ =	shalt  }
0x57: {  	_ =	shalt  }
0x58: {  	_ =	shalt  }
0x59: {  	_ =	shalt  }
0x5a: {  	_ =	shalt  }
0x5b: {  	_ =	shalt  }
0x5c: {  	_ =	shalt  }
0x5d: {  	_ =	shalt  }
0x5e: {  	_ =	shalt  }
0x5f: {  	_ =	shalt  }
0x60: {  	_ =	shalt  }
0x61: {  	_ =	shalt  }
0x62: {  	_ =	shalt  }
0x63: {  	_ =	shalt  }
0x64: {  	_ =	shalt  }
0x65: {  	_ =	shalt  }
0x66: {  	_ =	shalt  }
0x67: {  	_ =	shalt  }
0x68: {  	_ =	shalt  }
0x69: {  	_ =	shalt  }
0x6a: {  	_ =	shalt  }
0x6b: {  	_ =	shalt  }
0x6c: {  	_ =	shalt  }
0x6d: {  	_ =	shalt  }
0x6e: {  	_ =	shalt  }
0x6f: {  	_ =	shalt  }
0x70: {  	_ =	shalt  }
0x71: {  	_ =	shalt  }
0x72: {  	_ =	shalt  }
0x73: {  	_ =	shalt  }
0x74: {  	_ =	shalt  }
0x75: {  	_ =	shalt  }
0x76: {  	_ =	shalt  }
0x77: {  	_ =	shalt  }
0x78: {  	_ =	shalt  }
0x79: {  	_ =	shalt  }
0x7a: {  	_ =	shalt  }
0x7b: {  	_ =	shalt  }
0x7c: {  	_ =	shalt  }
0x7d: {  	_ =	shalt  }
0x7e: {  	_ =	shalt  }
0x7f: {  	_ =	shalt  }
0x80: {  	_ =	shalt  }
0x81: {  	_ =	shalt  }
0x82: {  	_ =	shalt  }
0x83: {  	_ =	shalt  }
0x84: {  	_ =	shalt  }
0x85: {  	_ =	shalt  }
0x86: {  	_ =	shalt  }
0x87: {  	_ =	shalt  }
.Lfunc_end0:
.L_simem_size_0:
called_computation.3_lowered:
.L_overlay_start_0:
0x88: {  	s2 =	sld [smem:$0x3FD9]  }
0x89: {  	s3 =	sld [smem:$0x3FFE];
	_ =	sdelay $0x1  }
0x8a: {  	s1 =	srdreg.scid  }
0x8b: {  	s0 =	sand.u32 $0x1, s1  }
0x8c: {  	s16 =	sshll.u32 s0, $0xA;
	s2 =	sadd.s32 s3, s2  }
0x8d: {  	s2 =	sadd.s32 s2, s16  }
0x8e: {  	[smem:$0x3FB6] =	sst s2  }
0x8f: {  	_ = 	snop  }
0x90: {  	(tm) =	ssettm $0x1  }
0x91: {  	s17 =	sld [smem:$0x3FFB];
	_ =	sdelay $0x3  }
0x92: {  	_ =	strace s17  }
0x93: {  	s2 =	sld [smem:$0x3FFC];
	_ =	sdelay $0x3  }
0x94: {  	_ =	strace s2  }
0x95: {  	s2 =	sld [smem:$0x3FFD];
	_ =	sdelay $0x3  }
0x96: {  	_ =	strace s2  }
0x97: {  	_ =	strace $0x8FFFFFFF  }
0x98: {  	s18 =	sld [smem:$0x3FDB];
	_ =	sdelay $0x1  }
0x99: {  	s19 =	simm.s32 $_scs_section_size  }
0x9a: {  	s4 =	simm.s32 $_size__tile_overlayer_lowered;
	s5 =	simm.s32 $_tile_overlayer_lowered  }
0x9b: {  	s22 =	simm.s32 $0x1BFF;
	s21 =	sshll.u32 s5, $0x1;
	s2 =	sadd.s32 s19, s18  }
0x9c: {  	s6 =	simm.s32 $0x0;
	s20 =	sshll.u32 s4, $0x1;
	s4 =	sadd.s32 s21, s2  }
0x9d: {  	[timem:s6], [sflag:s22] =	dma.local [hbm:s4], s20  }
0x9e: {  	_ =	swait.ge [sflag:s22], s20  }
0x9f: {  	s3 =	ssub.s32 $0x0, s20;
	[sflag:s22] =	ssyncset.done $0x0  }
0xa0: {  	[sflag:s22] =	ssyncadd.s32 s3;
	_ =	sdelay $0x1  }
0xa1: {  	s23 =	simm.s32 $0x1B8B  }
0xa2: {  	_ =	swait.ge [sflag:s23], $0x1  }
0xa3: {  	[sflag:s23] =	ssyncset.done $0x0  }
0xa4: {  	s25 =	simm.s32 $0x1B8E;
	s24 =	sld [smem:$0x3FFE];
	[sflag:s23] =	ssyncadd.s32 $0xFFFFFFFF  }
0xa5: {  	s26 =	simm.s32 $execute0_lowered;
	[smem:$0x3FD2] =	sst s25  }
0xa6: {  	s4 =	sshll.u32 s26, $0x1;
	_ =	strace $0x80000046;
	[dreg:$0x1] =	wrdreg $0xFFFFFFFF  }
0xa7: {  	s28 =	simm.s32 $_size_execute0_lowered;
	s2 =	sadd.s32 s2, s4;
	[dreg:$0x0] =	wrdreg $0x0  }
0xa8: {  	s4 =	sshll.u32 s28, $0x1;
	[dreg:$0x2] =	wrdreg s2  }
0xa9: {  	[dreg:$0x3] =	wrdreg s4  }
0xaa: {  	[dreg:$0x4] =	wrdreg $0xC0  }
0xab: {  	_ =	task [dreg:s6], $0x5FFFF  }
0xac: {  	[dreg:$0x1] =	wrdreg $0xFFFFFFFF  }
0xad: {  	[dreg:$0x0] =	wrdreg $0x60  }
0xae: {  	[dreg:$0x2] =	wrdreg s24  }
0xaf: {  	[dreg:$0x3] =	wrdreg $0xA8000  }
0xb0: {  	[dreg:$0x4] =	wrdreg $0x9  }
0xb1: {  	_ =	task.clear_ibuf [dreg:s6], $0x5FFFF;
	_ =	strace $0x90000046  }
0xb2: {  	s29 =	simm.s32 $0x9;
	_ =	strace $0x80000048  }
0xb3: {  	_ =	swait.ge [sflag:s29], $0x1  }
0xb4: {  	[sflag:s29] =	ssyncadd.s32 $0xFFFFFFFF  }
0xb5: {  	_ =	strace $0x90000048  }
0xb6: {  	_ =	sfence  }
0xb7: {  	s30 =	sld [smem:$0x0];
	_ =	sdelay $0x2  }
0xb8: {  	s31 =	sshll.u32 s1, $0xD;
	s1 =	sshrl.u32 s1, $0x2  }
0xb9: {  	s3 =	sand.u32 $0x4000, s31;
	s1 =	sadd.s32 s1, s30  }
0xba: {  	s0 =	sor.u32 s3, s0;
	s1 =	sshll.u32 s1, $0x11  }
0xbb: {  	s0 =	sor.u32 s1, s0  }
0xbc: {  	s0 =	sadd.s32 $0x8F2B, s0  }
0xbd: {  	[sflag:s0] =	ssyncadd.remote.s32 $0x1  }
0xbe: {  	_ =	sfence.sel $0xFFFF  }
0xbf: {  	[dreg:$0x0] =	wrdreg $0xFFFFFFFF;
	(pc) =	sbr.abs _section_cstart, $3  }
0xc0: {  	[dreg:$0x1] =	wrdreg $0xFFFFFFFF  }
0xc1: {  	_ =	task.clear_ibuf [dreg:s6], $0x2FFFF;
	_ =	strace $0x9FFFFFFF  }
0xc2: {  	(tm) =	ssettm $0x7FFFFFFF  }
0xc3: {  	_ =	shalt  }
tec
execute0_lowered:
.L_overlay_start_1:
0x0: {  	(tag) =	ssettag $0x1  }
0x1: {  	s0 =	srdreg.scid;
	s7 =	rddreg [dreg:$0x0]  }
0x2: {  	s2 =	rddreg [dreg:$0x1];
	s3 =	simm.s32 $0x0;
	s15 =	simm.s32 $0x80  }
0x3: {  	s16 =	simm.s32 $0x2800;
	s17 =	simm.s32 $0x6800;
	s18 =	simm.s32 $0x1  }
0x4: {  	s19 =	simm.s32 $0x2;
	s6 =	sand.u32 $0x1, s0;
	s0 =	stileid.u32  }
0x5: {  	s20 =	simm.s32 $0x0;
	[smem:$0x7FF] =	sst s3;
	s9 =	smul.u32 $0x14000, s0  }
0x6: {  	s5 =	sadd.s32 $0x67E00, s7;
	s1 =	sshll.u32 s6, $0x4;
	s10 =	smul.u32 $0x140000, s6  }
0x7: {  	s6 =	ssub.s32 $0x2, s6;
	s12 =	smul.u32 $0x50000, s0;
	s13 =	sshll.u32 s0, $0x6  }
0x8: {  	s4 =	sor.u32 s0, s1;
	s1 =	rddreg [dreg:$0x2];
	_ =	strace $0x80000047  }
0x9: {  	s30 =	sshrl.u32 s6, $0x1;
	s13 =	sor.u32 $0x1C03, s13;
	s8 =	smul.u32 $0x280, s4  }
0xa: {  	s4 =	sadd.s32 $0x3E00, s7;
	s11 =	sshrl.u32 s9, $0x3;
	s9 =	sadd.s32 s9, s10  }
0xb: {  	s10 =	ssub.s32 s6, s30;
	s31 =	sshrl.u32 s12, $0x2;
	s12 =	simm.s32 $0x1400  }
0xc: {  	s9 =	sshrl.u32 s9, $0x3;
	s11 =	sadd.s32 s11, s7;
	s14 =	sadd.s32 s31, s2  }
0xd: {  	s10 =	smax.u32 s10, $0x1;
	s8 =	sadd.s32 s8, s7;
	s9 =	sadd.s32 s9, s7  }
0xe: {  	s14 =	sshrl.u32 s14, $0x3;
	s6 =	sadd.s32 $0x35E00, s8;
	s7 =	sadd.s32 $0x3AE00, s8  }
0xf: {  	s8 =	sadd.s32 $0x3FE00, s11;
	s9 =	sadd.s32 $0x8FE00, s9;
	s11 =	simm.s32 $0x3  }
.LBB2_1:
0x10: {  	[tilespmem:s3], [sflag:$0x3] =	stream.linear.gather [hbm4b:s6+s3], $0x1400, $0x38;
	[tilespmem:$0x1E800] =	vst v63  }
0x11: {  	_ =	swait.ge [sflag:s11], $0x1400  }
0x12: {  	[sflag:s11] =	ssyncset.done $0x0  }
0x13: {  	[sflag:s11] =	ssyncadd.s32 $0xFFFFEC00  }
0x14: {  	[tilespmem:s12], [sflag:$0x3] =	stream.linear.gather [hbm4b:s7+s3], $0x1400, $0x38;
	[tilespmem:$0x1E800] =	vst v63  }
0x15: {  	_ =	swait.ge [sflag:s11], $0x1400  }
0x16: {  	[sflag:s11] =	ssyncset.done $0x0  }
0x17: {  	[sflag:s11] =	ssyncadd.s32 $0xFFFFEC00  }
0x18: {  	[spmem:s14], [sflag:s13] =	dma.local [hbm:s8], $0x2800  }
0x19: {  	_ =	swait.ge [sflag:s11], $0x2800  }
0x1a: {  	[sflag:s11] =	ssyncset.done $0x0  }
0x1b: {  	[sflag:s11] =	ssyncadd.s32 $0xFFFFD800  }
0x1c: {  	s21 =	simm.s32 $0x0;
	[bflag:$0x0] =	sbarrier.arrive $0xFFFF  }
.LBB2_2:
0x1d: {  	s22 =	sshll.u32 s21, $0x7  }
0x1e: {  	[tilespmem:s16], [sflag:$0x1] =	stream.indirect.gather [hbm4b:s4+s15], $0x80, s22, s15, $0xb8;
	[tilespmem:$0x1E800] =	vst v63  }
0x1f: {  	s22 =	sadd.s32 $0x1400, s22  }
0x20: {  	[tilespmem:s17], [sflag:$0x2] =	stream.indirect.gather [hbm4b:s5+s15], $0x80, s22, s15, $0xb8;
	[tilespmem:$0x1E800] =	vst v63  }
0x21: {  	_ =	swait.ge [sflag:s18], $0x4000  }
0x22: {  	[sflag:s18] =	ssyncset.done $0x0  }
0x23: {  	[sflag:s18] =	ssyncadd.s32 $0xFFFFC000  }
0x24: {  	_ =	swait.ge [sflag:s19], $0x4000  }
0x25: {  	[sflag:s19] =	ssyncset.done $0x0  }
0x26: {  	s23 =	simm.s32 $0x0;
	[sflag:s19] =	ssyncadd.s32 $0xFFFFC000  }
0x27: {  	v6 =	vld [tilespmem:s23+$0x6800]  }
0x28: {  	v11 =	vld [tilespmem:s23+$0x6810]  }
0x29: {  	v5 =	vld [tilespmem:s23+$0x6820]  }
0x2a: {  	v4 =	vld [tilespmem:s23+$0x6830]  }
0x2b: {  	v3 =	vld [tilespmem:s23+$0x6840]  }
0x2c: {  	v2 =	vld [tilespmem:s23+$0x6850]  }
0x2d: {  	v1 =	vld [tilespmem:s23+$0x6860]  }
0x2e: {  	v0 =	vld [tilespmem:s23+$0x6870]  }
0x2f: {  	v12 =	vld [tilespmem:s23+$0x2800]  }
0x30: {  	v13 =	vld [tilespmem:s23+$0x2810]  }
0x31: {  	v10 =	vld [tilespmem:s23+$0x2820]  }
0x32: {  	v9 =	vld [tilespmem:s23+$0x2830]  }
0x33: {  	v8 =	vld [tilespmem:s23+$0x2840]  }
0x34: {  	v7 =	vld [tilespmem:s23+$0x2850];
	v12 =	vadd.f32 v6, v12  }
0x35: {  	s24 =	simm.s32 $0x200;
	v11 =	vadd.f32 v11, v13;
	v6 =	vld [tilespmem:s23+$0x2860]  }
.LBB2_3:
0x36: {  	s25 =	sshra.s32 s24, $0x2;
	p0 =	sne.s32 s24, $0xFE00;
	v12 =	vmax.f32 v12, $0.0e+00;
	v5 =	vadd.f32 v5, v10;
	v10 =	vld [tilespmem:s23+$0x2870]  }
0x37: {  	v13 =	vld [tilespmem:s25+$0x6800];
	[tilespmem:s23+$0x2800] =	vst v12;
	v11 =	vmax.f32 v11, $0.0e+00;
	v4 =	vadd.f32 v4, v9  }
0x38: {  	v14 =	vld [tilespmem:s25+$0x6810];
	[tilespmem:s23+$0x2810] =	vst v11;
	v9 =	vmax.f32 v5, $0.0e+00;
	v3 =	vadd.f32 v3, v8  }
0x39: {  	v5 =	vld [tilespmem:s25+$0x6820];
	[tilespmem:s23+$0x2820] =	vst v9;
	v8 =	vmax.f32 v4, $0.0e+00;
	v2 =	vadd.f32 v2, v7  }
0x3a: {  	v4 =	vld [tilespmem:s25+$0x6830];
	[tilespmem:s23+$0x2830] =	vst v8;
	v7 =	vmax.f32 v3, $0.0e+00;
	v1 =	vadd.f32 v1, v6  }
0x3b: {  	v3 =	vld [tilespmem:s25+$0x6840];
	[tilespmem:s23+$0x2840] =	vst v7;
	v6 =	vmax.f32 v2, $0.0e+00;
	v0 =	vadd.f32 v0, v10  }
0x3c: {  	v2 =	vld [tilespmem:s25+$0x6850];
	[tilespmem:s23+$0x2850] =	vst v6;
	v6 =	vmax.f32 v1, $0.0e+00  }
0x3d: {  	v1 =	vld [tilespmem:s25+$0x6860];
	[tilespmem:s23+$0x2860] =	vst v6;
	v6 =	vmax.f32 v0, $0.0e+00  }
0x3e: {  	v0 =	vld [tilespmem:s25+$0x6870];
	[tilespmem:s23+$0x2870] =	vst v6;
	s23 =	smov.u32 s25  }
0x3f: {  	v6 =	vld [tilespmem:s23+$0x2800]  }
0x40: {  	v11 =	vld [tilespmem:s23+$0x2810]  }
.Ltmp0:
0x41: {  	v10 =	vld [tilespmem:s23+$0x2820];
	(pc) =	sbr.rel @p0 .LBB2_3-.Ltmp0, $4  }
0x42: {  	v9 =	vld [tilespmem:s23+$0x2830]  }
0x43: {  	v8 =	vld [tilespmem:s23+$0x2840]  }
0x44: {  	v12 =	vadd.f32 v13, v6;
	v7 =	vld [tilespmem:s23+$0x2850]  }
0x45: {  	s24 =	sadd.s32 $0x200, s24;
	v11 =	vadd.f32 v14, v11;
	v6 =	vld [tilespmem:s23+$0x2860]  }
0x46: {  	v12 =	vmax.f32 v12, $0.0e+00;
	v5 =	vadd.f32 v5, v10;
	v63 =	vld [tilespmem:s23+$0x2870]  }
0x47: {  	[tilespmem:s23+$0x2800] =	vst v12;
	v11 =	vmax.f32 v11, $0.0e+00;
	v4 =	vadd.f32 v4, v9  }
0x48: {  	[tilespmem:s23+$0x2810] =	vst v11;
	v5 =	vmax.f32 v5, $0.0e+00;
	v3 =	vadd.f32 v3, v8  }
0x49: {  	[tilespmem:s23+$0x2820] =	vst v5;
	v4 =	vmax.f32 v4, $0.0e+00;
	v2 =	vadd.f32 v2, v7  }
0x4a: {  	[tilespmem:s23+$0x2830] =	vst v4;
	v3 =	vmax.f32 v3, $0.0e+00;
	v1 =	vadd.f32 v1, v6  }
0x4b: {  	[tilespmem:s23+$0x2840] =	vst v3;
	v2 =	vmax.f32 v2, $0.0e+00;
	v0 =	vadd.f32 v0, v63  }
0x4c: {  	s21 =	sadd.s32 $0x1, s21;
	[tilespmem:s23+$0x2850] =	vst v2;
	v1 =	vmax.f32 v1, $0.0e+00  }
0x4d: {  	p0 =	sne.s32 s21, $0x28;
	[tilespmem:s23+$0x2860] =	vst v1;
	v0 =	vmax.f32 v0, $0.0e+00  }
.Ltmp1:
0x4e: {  	[tilespmem:s23+$0x2870] =	vst v0;
	(pc) =	sbr.rel @p0 .LBB2_2-.Ltmp1, $4  }
0x4f: {  	[spmem:s2] =	stream.indirect.scatter.add.f32 [tilespmem:s16], [sflag:$0x3], $0x80, s22, s15, $0xb8;
	[tilespmem:$0x1E800] =	vst v63  }
0x50: {  	_ =	swait.ge [sflag:s11], $0x4000  }
0x51: {  	[sflag:s11] =	ssyncset.done $0x0  }
0x52: {  	[sflag:s11] =	ssyncadd.s32 $0xFFFFC000  }
0x53: {  	s20 =	sadd.s32 $0x1, s20  }
0x54: {  	p0 =	sne.s32 s20, s10  }
.Ltmp2:
0x55: {  	[bflag:$0x0] =	sbarrier.arrive $0xFFFF;
	(pc) =	sbr.rel @p0 .LBB2_1-.Ltmp2, $4  }
0x56: {  	[hbm:s9], [sflag:s13] =	dma.local [spmem:s14], $0x2800  }
0x57: {  	_ =	swait.ge [sflag:s11], $0x2800  }
0x58: {  	[sflag:s11] =	ssyncset.done $0x0  }
0x59: {  	[sflag:s11] =	ssyncadd.s32 $0xFFFFD800  }
0x5a: {  	_ =	sfence.sel $0x180000  }
0x5b: {  	[bflag:$0x0] =	sbarrier.arrive $0xFFFF  }
0x5c: {  	p0 =	sne.s32 s0, $0x0;
	_ =	strace $0x90000047  }
0x5d: {  	s0 =	sadd.s32 @!p0 $0x100000, s1;
	[bflag:$0x2] =	sbarrier.arrive $0xFFFF  }
0x5e: {  	[sflag:s0] =	ssyncadd.tile.s32 @!p0 $0x1;
	_ =	shalt  }
.Lfunc_end2:
_tile_overlayer_lowered:
.L_overlay_start_2:
0x5f: {  	(tag) =	ssettag $0x2  }
0x60: {  	s0 =	rddreg [dreg:$0x0];
	s2 =	stileid.u32  }
0x61: {  	s1 =	rddreg [dreg:$0x1];
	p0 =	sne.s32 s2, $0x0  }
0x62: {  	s3 =	rddreg [dreg:$0x2];
	[bflag:$0x3] =	sbarrier.arrive $0xFFFF;
	s2 =	simm.s32 @!p0 $0x1C03  }
0x63: {  	[timem:s3], [sflag:s2] =	dma.local @!p0 [hbm:s0], s1  }
0x64: {  	s0 =	simm.s32 @!p0 $0x3  }
0x65: {  	_ =	swait.ge @!p0 [sflag:s0], s1  }
0x66: {  	s1 =	ssub.s32 @!p0 $0x0, s1;
	[sflag:s0] =	ssyncset.done @!p0 $0x0  }
0x67: {  	[sflag:s0] =	ssyncadd.s32 @!p0 s1  }
0x68: {  	[bflag:$0x3] =	sbarrier.arrive $0xFFFF  }
0x69: {  	_ =	shalt  }

// kernel: kernel.15.cloned.1.call-start
scs
__scs_entry_jumppad:
0x0: {  	(pc) =	sbr.rel $0x88, $3  }
0x1: {  	(tag) =	ssettag $0x0;
	lr =	simm.s32 $0x1  }
0x2: {  	[smem:$0x3F8F] =	sst lr;
	_ =	strace $0xD0000000  }
0x3: {  	_ = 	snop  }
0x4: {  	_ = 	snop  }
0x5: {  	_ = 	snop  }
0x6: {  	_ = 	snop  }
0x7: {  	_ = 	snop  }
__scs_overlays_trampoline_lowered:
0x8: {  	[smem:$0x3F9E] =	sst s0  }
0x9: {  	[smem:$0x3F9F] =	sst s1  }
0xa: {  	[smem:$0x3FA0] =	sst s2  }
0xb: {  	[smem:$0x3FA1] =	sst s3  }
0xc: {  	[smem:$0x3FA2] =	sst s4  }
0xd: {  	[smem:$0x3FA3] =	sst s5  }
0xe: {  	[smem:$0x3FA4] =	sst s6  }
0xf: {  	[smem:$0x3FA5] =	sst s7  }
0x10: {  	[smem:$0x3FA6] =	sst s8  }
0x11: {  	[smem:$0x3FA7] =	sst s9;
	s0 =	simm.s32 @!p0 $0x0  }
0x12: {  	s1 =	sld [smem:$0x3F8D];
	s0 =	simm.s32 @p0 $0x1  }
0x13: {  	[smem:$0x3FA8] =	sst s0;
	s0 =	simm.s32 @!p1 $0x0  }
0x14: {  	s2 =	sld [smem:$0x3F8C];
	s0 =	simm.s32 @p1 $0x1  }
0x15: {  	[smem:$0x3FA9] =	sst s0;
	s0 =	simm.s32 @!p2 $0x0  }
0x16: {  	s3 =	sld [smem:$0x3FDB];
	s0 =	simm.s32 @p2 $0x1  }
0x17: {  	s4 =	simm.s32 $0x1BF5;
	[smem:$0x3FAB] =	sst s0  }
0x18: {  	s0 =	sld [smem:$0x3F8E];
	_ =	swait.ge [sflag:s4], $0x0  }
0x19: {  	s7 =	sld [smem:$0x3F8F]  }
0x1a: {  	s8 =	sadd.s32 $0xFFFFE003, lr  }
0x1b: {  	s9 =	sadd.s32 $0xFFFFFEF7, lr;
	s5 =	simm.s32 $0xFFFFFFFF;
	p2 =	slt.u32 s8, $0xFFFFF086  }
0x1c: {  	p1 =	slt.u32 s9, $0xF7A;
	s5 =	simm.s32 @!p2 $0x0  }
0x1d: {  	s5 =	simm.s32 @p1 $0x1;
	p0 =	seq.s32 s7, s2  }
0x1e: {  	s7 =	smul.u32 @!p0 $0xF7A, s2;
	p2 =	seq.s32 @!p0 s5, $0x0  }
0x1f: {  	s9 =	smul.u32 $0xF7A, s1;
	s8 =	simm.s32 @!p0 $0x1BF5;
	p2 =	por !p2, p0  }
0x20: {  	[sflag:s8] =	ssyncset.s32 @!p0 $0xFFFFF086;
	s6 =	sadd.s32 @!p0 s3, s7;
	s7 =	simm.s32 @!p0 $0x108  }
0x21: {  	s3 =	sadd.s32 s3, s9;
	s6 =	sadd.s32 @!p0 $0x88, s6;
	s7 =	simm.s32 @p2 $0x1082  }
0x22: {  	[simem:s7], [sflag:s8] =	dma.local @!p0 [hbm:s6], $0xF7A  }
0x23: {  	s9 =	sor.u32 $0xD0000000, s2;
	s6 =	simm.s32 $0x108;
	_ =	swait.ge @!p0 [sflag:s8], $0x0  }
0x24: {  	s3 =	sadd.s32 $0x88, s3;
	s6 =	simm.s32 @!p1 $0x1082;
	[sflag:s4] =	ssyncset.s32 $0xFFFFF086  }
0x25: {  	[simem:s6], [sflag:s4] =	dma.local [hbm:s3], $0xF7A  }
0x26: {  	[smem:$0x3F8F] =	sst s1;
	(tag) =	ssettag s2;
	_ =	strace s9  }
0x27: {  	s1 =	sld [smem:$0x3F9F]  }
0x28: {  	s2 =	sld [smem:$0x3FA0]  }
0x29: {  	s4 =	sld [smem:$0x3FA2]  }
0x2a: {  	p0 =	seq.s32 s5, $0x0;
	s5 =	sld [smem:$0x3FA3]  }
0x2b: {  	s6 =	sld [smem:$0x3FA4]  }
0x2c: {  	s7 =	sld [smem:$0x3FA5]  }
0x2d: {  	s3 =	simm.s32 $0x108;
	s8 =	sld [smem:$0x3FA6]  }
0x2e: {  	s3 =	simm.s32 @!p0 $0x1082;
	s9 =	sld [smem:$0x3FA7]  }
0x2f: {  	lr =	sadd.s32 s0, s3;
	s0 =	sld [smem:$0x3F9E]  }
0x30: {  	s3 =	sld [smem:$0x3FA1]  }
0x31: {  	[smem:$0x3FAA] =	sst s10  }
0x32: {  	s10 =	sld [smem:$0x3FA8];
	_ =	sdelay $0x3  }
0x33: {  	p0 =	seq.s32 s10, $0x1;
	s10 =	sld [smem:$0x3FAA];
	_ =	sdelay $0x3  }
0x34: {  	[smem:$0x3FAA] =	sst s10  }
0x35: {  	s10 =	sld [smem:$0x3FA9];
	_ =	sdelay $0x3  }
0x36: {  	p1 =	seq.s32 s10, $0x1;
	s10 =	sld [smem:$0x3FAA];
	_ =	sdelay $0x3  }
0x37: {  	[smem:$0x3FAA] =	sst s10  }
0x38: {  	s10 =	sld [smem:$0x3FAB]  }
0x39: {  	_ = 	snop;
	(pc) =	sbr.ind lr, $3  }
0x3a: {  	_ = 	snop  }
0x3b: {  	_ = 	snop  }
0x3c: {  	p2 =	seq.s32 s10, $0x1;
	s10 =	sld [smem:$0x3FAA]  }
0x3d: {  	_ =	shalt  }
0x3e: {  	_ =	shalt  }
0x3f: {  	_ =	shalt  }
0x40: {  	_ =	shalt  }
0x41: {  	_ =	shalt  }
0x42: {  	_ =	shalt  }
0x43: {  	_ =	shalt  }
0x44: {  	_ =	shalt  }
0x45: {  	_ =	shalt  }
0x46: {  	_ =	shalt  }
0x47: {  	_ =	shalt  }
0x48: {  	_ =	shalt  }
0x49: {  	_ =	shalt  }
0x4a: {  	_ =	shalt  }
0x4b: {  	_ =	shalt  }
0x4c: {  	_ =	shalt  }
0x4d: {  	_ =	shalt  }
0x4e: {  	_ =	shalt  }
0x4f: {  	_ =	shalt  }
0x50: {  	_ =	shalt  }
0x51: {  	_ =	shalt  }
0x52: {  	_ =	shalt  }
0x53: {  	_ =	shalt  }
0x54: {  	_ =	shalt  }
0x55: {  	_ =	shalt  }
0x56: {  	_ =	shalt  }
0x57: {  	_ =	shalt  }
0x58: {  	_ =	shalt  }
0x59: {  	_ =	shalt  }
0x5a: {  	_ =	shalt  }
0x5b: {  	_ =	shalt  }
0x5c: {  	_ =	shalt  }
0x5d: {  	_ =	shalt  }
0x5e: {  	_ =	shalt  }
0x5f: {  	_ =	shalt  }
0x60: {  	_ =	shalt  }
0x61: {  	_ =	shalt  }
0x62: {  	_ =	shalt  }
0x63: {  	_ =	shalt  }
0x64: {  	_ =	shalt  }
0x65: {  	_ =	shalt  }
0x66: {  	_ =	shalt  }
0x67: {  	_ =	shalt  }
0x68: {  	_ =	shalt  }
0x69: {  	_ =	shalt  }
0x6a: {  	_ =	shalt  }
0x6b: {  	_ =	shalt  }
0x6c: {  	_ =	shalt  }
0x6d: {  	_ =	shalt  }
0x6e: {  	_ =	shalt  }
0x6f: {  	_ =	shalt  }
0x70: {  	_ =	shalt  }
0x71: {  	_ =	shalt  }
0x72: {  	_ =	shalt  }
0x73: {  	_ =	shalt  }
0x74: {  	_ =	shalt  }
0x75: {  	_ =	shalt  }
0x76: {  	_ =	shalt  }
0x77: {  	_ =	shalt  }
0x78: {  	_ =	shalt  }
0x79: {  	_ =	shalt  }
0x7a: {  	_ =	shalt  }
0x7b: {  	_ =	shalt  }
0x7c: {  	_ =	shalt  }
0x7d: {  	_ =	shalt  }
0x7e: {  	_ =	shalt  }
0x7f: {  	_ =	shalt  }
0x80: {  	_ =	shalt  }
0x81: {  	_ =	shalt  }
0x82: {  	_ =	shalt  }
0x83: {  	_ =	shalt  }
0x84: {  	_ =	shalt  }
0x85: {  	_ =	shalt  }
0x86: {  	_ =	shalt  }
0x87: {  	_ =	shalt  }
.Lfunc_end0:
.L_simem_size_0:
called_computation.4_lowered:
.L_overlay_start_0:
0x88: {  	s2 =	sld [smem:$0x3FD9]  }
0x89: {  	s3 =	sld [smem:$0x3FFE];
	_ =	sdelay $0x1  }
0x8a: {  	s1 =	srdreg.scid  }
0x8b: {  	s0 =	sand.u32 $0x1, s1  }
0x8c: {  	s16 =	sshll.u32 s0, $0xA;
	s2 =	sadd.s32 s3, s2  }
0x8d: {  	s2 =	sadd.s32 s2, s16  }
0x8e: {  	[smem:$0x3FB6] =	sst s2  }
0x8f: {  	_ = 	snop  }
0x90: {  	(tm) =	ssettm $0x1  }
0x91: {  	s17 =	sld [smem:$0x3FFB];
	_ =	sdelay $0x3  }
0x92: {  	_ =	strace s17  }
0x93: {  	s2 =	sld [smem:$0x3FFC];
	_ =	sdelay $0x3  }
0x94: {  	_ =	strace s2  }
0x95: {  	s2 =	sld [smem:$0x3FFD];
	_ =	sdelay $0x3  }
0x96: {  	_ =	strace s2  }
0x97: {  	_ =	strace $0x8FFFFFFF  }
0x98: {  	s18 =	sld [smem:$0x3FDB];
	_ =	sdelay $0x1  }
0x99: {  	s19 =	simm.s32 $_scs_section_size  }
0x9a: {  	s4 =	simm.s32 $_size__tile_overlayer_lowered;
	s5 =	simm.s32 $_tile_overlayer_lowered  }
0x9b: {  	s22 =	simm.s32 $0x1BFF;
	s21 =	sshll.u32 s5, $0x1;
	s2 =	sadd.s32 s19, s18  }
0x9c: {  	s6 =	simm.s32 $0x0;
	s20 =	sshll.u32 s4, $0x1;
	s4 =	sadd.s32 s21, s2  }
0x9d: {  	[timem:s6], [sflag:s22] =	dma.local [hbm:s4], s20  }
0x9e: {  	_ =	swait.ge [sflag:s22], s20  }
0x9f: {  	s3 =	ssub.s32 $0x0, s20;
	[sflag:s22] =	ssyncset.done $0x0  }
0xa0: {  	[sflag:s22] =	ssyncadd.s32 s3;
	_ =	sdelay $0x1  }
0xa1: {  	s23 =	simm.s32 $0x1B8B  }
0xa2: {  	_ =	swait.ge [sflag:s23], $0x1  }
0xa3: {  	[sflag:s23] =	ssyncset.done $0x0  }
0xa4: {  	s25 =	simm.s32 $0x1B8E;
	s24 =	sld [smem:$0x3FFE];
	[sflag:s23] =	ssyncadd.s32 $0xFFFFFFFF  }
0xa5: {  	s26 =	simm.s32 $execute0_lowered;
	[smem:$0x3FD2] =	sst s25  }
0xa6: {  	s4 =	sshll.u32 s26, $0x1;
	_ =	strace $0x80000049;
	[dreg:$0x1] =	wrdreg $0xFFFFFFFF  }
0xa7: {  	s28 =	simm.s32 $_size_execute0_lowered;
	s2 =	sadd.s32 s2, s4;
	[dreg:$0x0] =	wrdreg $0x0  }
0xa8: {  	s4 =	sshll.u32 s28, $0x1;
	[dreg:$0x2] =	wrdreg s2  }
0xa9: {  	[dreg:$0x3] =	wrdreg s4  }
0xaa: {  	[dreg:$0x4] =	wrdreg $0xC0  }
0xab: {  	_ =	task [dreg:s6], $0x5FFFF  }
0xac: {  	[dreg:$0x1] =	wrdreg $0xFFFFFFFF  }
0xad: {  	[dreg:$0x0] =	wrdreg $0x60  }
0xae: {  	[dreg:$0x2] =	wrdreg s24  }
0xaf: {  	[dreg:$0x3] =	wrdreg $0xA8000  }
0xb0: {  	[dreg:$0x4] =	wrdreg $0x9  }
0xb1: {  	_ =	task.clear_ibuf [dreg:s6], $0x5FFFF;
	_ =	strace $0x90000049  }
0xb2: {  	s29 =	simm.s32 $0x9;
	_ =	strace $0x8000004B  }
0xb3: {  	_ =	swait.ge [sflag:s29], $0x1  }
0xb4: {  	[sflag:s29] =	ssyncadd.s32 $0xFFFFFFFF  }
0xb5: {  	_ =	strace $0x9000004B  }
0xb6: {  	_ =	sfence  }
0xb7: {  	s30 =	sld [smem:$0x0];
	_ =	sdelay $0x2  }
0xb8: {  	s31 =	sshll.u32 s1, $0xD;
	s1 =	sshrl.u32 s1, $0x2  }
0xb9: {  	s3 =	sand.u32 $0x4000, s31;
	s1 =	sadd.s32 s1, s30  }
0xba: {  	s0 =	sor.u32 s3, s0;
	s1 =	sshll.u32 s1, $0x11  }
0xbb: {  	s0 =	sor.u32 s1, s0  }
0xbc: {  	s0 =	sadd.s32 $0x8F2B, s0  }
0xbd: {  	[sflag:s0] =	ssyncadd.remote.s32 $0x1  }
0xbe: {  	_ =	sfence.sel $0xFFFF  }
0xbf: {  	[dreg:$0x0] =	wrdreg $0xFFFFFFFF;
	(pc) =	sbr.abs _section_cstart, $3  }
0xc0: {  	[dreg:$0x1] =	wrdreg $0xFFFFFFFF  }
0xc1: {  	_ =	task.clear_ibuf [dreg:s6], $0x2FFFF;
	_ =	strace $0x9FFFFFFF  }
0xc2: {  	(tm) =	ssettm $0x7FFFFFFF  }
0xc3: {  	_ =	shalt  }
tec
execute0_lowered:
.L_overlay_start_1:
0x0: {  	(tag) =	ssettag $0x1  }
0x1: {  	s0 =	srdreg.scid;
	s7 =	rddreg [dreg:$0x0]  }
0x2: {  	s2 =	rddreg [dreg:$0x1];
	s3 =	simm.s32 $0x0;
	s17 =	simm.s32 $0x80  }
0x3: {  	s18 =	simm.s32 $0x2800;
	s19 =	simm.s32 $0x6800;
	s20 =	simm.s32 $0x1  }
0x4: {  	s21 =	simm.s32 $0x2;
	s22 =	simm.s32 $0x3;
	s23 =	simm.s32 $0x0  }
0x5: {  	s6 =	sand.u32 $0x1, s0;
	s0 =	stileid.u32;
	[smem:$0x7FF] =	sst s3  }
0x6: {  	s4 =	sadd.s32 $0x67E00, s7;
	s5 =	sadd.s32 $0x8FE00, s7;
	s9 =	smul.u32 $0x14000, s0  }
0x7: {  	s1 =	sshll.u32 s6, $0x4;
	s11 =	smul.u32 $0x140000, s6;
	s28 =	ssub.s32 $0x2, s6  }
0x8: {  	s13 =	smul.u32 $0x50000, s0;
	s6 =	sadd.s32 $0x107E00, s7;
	s31 =	sshll.u32 s0, $0x6  }
0x9: {  	s10 =	sor.u32 s0, s1;
	s1 =	rddreg [dreg:$0x2];
	_ =	strace $0x8000004A  }
0xa: {  	s29 =	sshrl.u32 s28, $0x1;
	s8 =	smul.u32 $0x280, s10;
	s12 =	sshrl.u32 s9, $0x3  }
0xb: {  	s9 =	sadd.s32 s9, s11;
	s15 =	ssub.s32 s28, s29;
	s30 =	sshrl.u32 s13, $0x2  }
0xc: {  	s10 =	smul.u32 $0xA0000, s10;
	s13 =	simm.s32 $0x4;
	s12 =	sadd.s32 s12, s7  }
0xd: {  	s9 =	sshrl.u32 s9, $0x3;
	s16 =	sadd.s32 s30, s2;
	s8 =	sadd.s32 s8, s7  }
0xe: {  	s14 =	sadd.s32 s9, s7;
	s9 =	sadd.s32 $0x3FE00, s12;
	s12 =	smax.u32 s15, $0x1  }
0xf: {  	s15 =	sor.u32 $0x1C04, s31;
	s16 =	sshrl.u32 s16, $0x3;
	s7 =	sadd.s32 $0x35E00, s8  }
0x10: {  	v0 =	vimm.f32 $0.0e+00;
	s8 =	sadd.s32 $0x3AE00, s8;
	s11 =	sadd.s32 $0xB7E00, s14;
	s14 =	simm.s32 $0x1400  }
.LBB2_1:
0x11: {  	[tilespmem:s3], [sflag:$0x4] =	stream.linear.gather [hbm4b:s7+s3], $0x1400, $0x38;
	[tilespmem:$0x1E800] =	vst v63  }
0x12: {  	_ =	swait.ge [sflag:s13], $0x1400  }
0x13: {  	[sflag:s13] =	ssyncset.done $0x0  }
0x14: {  	[sflag:s13] =	ssyncadd.s32 $0xFFFFEC00  }
0x15: {  	[tilespmem:s14], [sflag:$0x4] =	stream.linear.gather [hbm4b:s8+s3], $0x1400, $0x38;
	[tilespmem:$0x1E800] =	vst v63  }
0x16: {  	_ =	swait.ge [sflag:s13], $0x1400  }
0x17: {  	[sflag:s13] =	ssyncset.done $0x0  }
0x18: {  	[sflag:s13] =	ssyncadd.s32 $0xFFFFEC00  }
0x19: {  	[spmem:s16], [sflag:s15] =	dma.local [hbm:s9], $0x2800  }
0x1a: {  	_ =	swait.ge [sflag:s13], $0x2800  }
0x1b: {  	[sflag:s13] =	ssyncset.done $0x0  }
0x1c: {  	[sflag:s13] =	ssyncadd.s32 $0xFFFFD800  }
0x1d: {  	s24 =	simm.s32 $0x0;
	[bflag:$0x0] =	sbarrier.arrive $0xFFFF  }
.LBB2_2:
0x1e: {  	s26 =	sshll.u32 s24, $0x7  }
0x1f: {  	[tilespmem:s18], [sflag:$0x1] =	stream.indirect.gather [hbm4b:s4+s17], $0x80, s26, s17, $0xb8;
	[tilespmem:$0x1E800] =	vst v63  }
0x20: {  	s25 =	sadd.s32 $0x1400, s26  }
0x21: {  	[tilespmem:s19], [sflag:$0x2] =	stream.indirect.gather [hbm4b:s5+s17], $0x80, s25, s17, $0xb8;
	[tilespmem:$0x1E800] =	vst v63  }
0x22: {  	_ =	swait.ge [sflag:s20], $0x4000  }
0x23: {  	[sflag:s20] =	ssyncset.done $0x0  }
0x24: {  	[sflag:s20] =	ssyncadd.s32 $0xFFFFC000  }
0x25: {  	_ =	swait.ge [sflag:s21], $0x4000  }
0x26: {  	[sflag:s21] =	ssyncset.done $0x0  }
0x27: {  	s28 =	simm.s32 $0x0;
	[sflag:s21] =	ssyncadd.s32 $0xFFFFC000  }
0x28: {  	v1 =	vld [tilespmem:s28+$0x6870]  }
0x29: {  	v2 =	vld [tilespmem:s28+$0x2870]  }
0x2a: {  	v4 =	vld [tilespmem:s28+$0x6860]  }
0x2b: {  	v5 =	vld [tilespmem:s28+$0x2860]  }
0x2c: {  	v8 =	vld [tilespmem:s28+$0x6850]  }
0x2d: {  	v9 =	vld [tilespmem:s28+$0x2850]  }
0x2e: {  	v10 =	vld [tilespmem:s28+$0x6840]  }
0x2f: {  	v3 =	vld [tilespmem:s28+$0x6810]  }
0x30: {  	v12 =	vld [tilespmem:s28+$0x2840]  }
0x31: {  	v6 =	vld [tilespmem:s28+$0x2810];
	v11 =	vadd.f32 v1, v2;
	v2 =	vadd.f32 v4, v5  }
0x32: {  	v7 =	vld [tilespmem:s28+$0x6820];
	v9 =	vadd.f32 v8, v9  }
0x33: {  	v1 =	vld [tilespmem:s28+$0x2820];
	[tilespmem:s28+$0x2870] =	vst v11;
	vm0 =	vge.f32 v2, $-4.054650960e-01  }
0x34: {  	v4 =	vld [tilespmem:s28+$0x6800];
	vm15 =	vge.f32 v9, $-4.054650960e-01;
	[tilespmem:s28+$0x2850] =	vst v9;
	v5 =	vsel vm0, $0x3F800000, v0  }
0x35: {  	v8 =	vld [tilespmem:s28+$0x2800];
	vm1 =	vge.f32 v11, $-4.054650960e-01;
	v11 =	vsel vm15, $0x3F800000, v0;
	[tilespmem:s28+$0x6860] =	vst v5  }
0x36: {  	s29 =	simm.s32 $0x200;
	v10 =	vadd.f32 v10, v12;
	v9 =	vsel vm1, $0x3F800000, v0;
	v5 =	vld [tilespmem:s28+$0x2830];
	[tilespmem:s28+$0x6850] =	vst v11  }
.LBB2_3:
0x37: {  	s30 =	sshra.s32 s29, $0x2;
	p0 =	sne.s32 s29, $0xFE00;
	s29 =	sadd.s32 $0x200, s29;
	v11 =	vld [tilespmem:s28+$0x6830];
	[tilespmem:s28+$0x6870] =	vst v9  }
0x38: {  	v9 =	vld [tilespmem:s30+$0x6870];
	v3 =	vadd.f32 v3, v6;
	[tilespmem:s28+$0x2840] =	vst v10;
	vm0 =	vge.f32 v10, $-4.054650960e-01  }
0x39: {  	v6 =	vld [tilespmem:s30+$0x2870];
	v1 =	vadd.f32 v7, v1;
	[tilespmem:s28+$0x2860] =	vst v2  }
0x3a: {  	v2 =	vld [tilespmem:s30+$0x6860];
	v4 =	vadd.f32 v4, v8;
	[tilespmem:s28+$0x2810] =	vst v3;
	vm1 =	vge.f32 v3, $-4.054650960e-01;
	v3 =	vsel vm0, $0x3F800000, v0  }
0x3b: {  	v7 =	vld [tilespmem:s30+$0x2860];
	v8 =	vsel vm1, $0x3F800000, v0;
	[tilespmem:s28+$0x2820] =	vst v1;
	vm0 =	vge.f32 v1, $-4.054650960e-01  }
0x3c: {  	v10 =	vld [tilespmem:s30+$0x6850];
	vm1 =	vge.f32 v4, $-4.054650960e-01;
	v5 =	vadd.f32 v11, v5;
	[tilespmem:s28+$0x6840] =	vst v3  }
0x3d: {  	v11 =	vld [tilespmem:s30+$0x2850];
	v1 =	vsel vm1, $0x3F800000, v0;
	[tilespmem:s28+$0x6810] =	vst v8  }
0x3e: {  	v12 =	vld [tilespmem:s30+$0x6840];
	v6 =	vadd.f32 v9, v6;
	[tilespmem:s28+$0x6800] =	vst v1;
	v1 =	vsel vm0, $0x3F800000, v0;
	vm0 =	vge.f32 v5, $-4.054650960e-01  }
0x3f: {  	v3 =	vld [tilespmem:s30+$0x6810];
	[tilespmem:s28+$0x6820] =	vst v1;
	v8 =	vsel vm0, $0x3F800000, v0  }
0x40: {  	v1 =	vld [tilespmem:s30+$0x2820];
	v2 =	vadd.f32 v2, v7;
	[tilespmem:s30+$0x2870] =	vst v6;
	vm0 =	vge.f32 v6, $-4.054650960e-01  }
0x41: {  	v13 =	vld [tilespmem:s30+$0x2840];
	[tilespmem:s28+$0x2800] =	vst v4  }
.Ltmp0:
0x42: {  	v9 =	vsel vm0, $0x3F800000, v0;
	v4 =	vld [tilespmem:s30+$0x6800];
	v10 =	vadd.f32 v10, v11;
	vm1 =	vge.f32 v2, $-4.054650960e-01;
	[tilespmem:s28+$0x6830] =	vst v8;
	(pc) =	sbr.rel @p0 .LBB2_3-.Ltmp0, $4  }
0x43: {  	v6 =	vld [tilespmem:s30+$0x2810];
	v8 =	vsel vm1, $0x3F800000, v0;
	[tilespmem:s28+$0x2830] =	vst v5;
	s28 =	smov.u32 s30  }
0x44: {  	v7 =	vld [tilespmem:s28+$0x6820];
	vm0 =	vge.f32 v10, $-4.054650960e-01;
	[tilespmem:s28+$0x6860] =	vst v8  }
0x45: {  	v8 =	vld [tilespmem:s28+$0x2800];
	[tilespmem:s28+$0x2850] =	vst v10;
	v11 =	vsel vm0, $0x3F800000, v0  }
0x46: {  	v5 =	vld [tilespmem:s28+$0x2830];
	v10 =	vadd.f32 v12, v13;
	[tilespmem:s28+$0x6850] =	vst v11  }
0x47: {  	[tilespmem:s28+$0x6870] =	vst v9  }
0x48: {  	[tilespmem:s28+$0x2860] =	vst v2;
	v3 =	vadd.f32 v3, v6  }
0x49: {  	v11 =	vld [tilespmem:s28+$0x6830];
	[tilespmem:s28+$0x2840] =	vst v10;
	v1 =	vadd.f32 v7, v1  }
0x4a: {  	vm0 =	vge.f32 v10, $-4.054650960e-01;
	[tilespmem:s28+$0x2810] =	vst v3  }
0x4b: {  	v2 =	vadd.f32 v4, v8;
	vm1 =	vge.f32 v3, $-4.054650960e-01;
	v3 =	vsel vm0, $0x3F800000, v0;
	[tilespmem:s28+$0x2820] =	vst v1  }
0x4c: {  	v63 =	vsel vm1, $0x3F800000, v0;
	[tilespmem:s28+$0x6840] =	vst v3  }
0x4d: {  	vm13 =	vge.f32 v2, $-4.054650960e-01;
	[tilespmem:s28+$0x6810] =	vst v63  }
0x4e: {  	vm14 =	vge.f32 v1, $-4.054650960e-01;
	v1 =	vadd.f32 v11, v5;
	[tilespmem:s28+$0x2800] =	vst v2;
	v3 =	vsel vm13, $0x3F800000, v0  }
0x4f: {  	s29 =	sshll.u32 s24, $0xE;
	[tilespmem:s28+$0x6800] =	vst v3  }
0x50: {  	s29 =	sadd.s32 s10, s29;
	v3 =	vsel vm14, $0x3F800000, v0;
	vm15 =	vge.f32 v1, $-4.054650960e-01;
	[tilespmem:s28+$0x2830] =	vst v1  }
0x51: {  	s29 =	sshrl.u32 s29, $0x3;
	[tilespmem:s28+$0x6820] =	vst v3;
	v3 =	vsel vm15, $0x3F800000, v0  }
0x52: {  	s31 =	sadd.s32 s6, s29;
	[tilespmem:s28+$0x6830] =	vst v3  }
0x53: {  	[hbm4b:s31+s3] =	stream.linear.scatter [tilespmem:s18], [sflag:$0x3], $0x4000, $0x38;
	[tilespmem:$0x1E800] =	vst v63  }
0x54: {  	_ = 	snop  }
0x55: {  	[spmem:s2] =	stream.indirect.scatter.add.f32 [tilespmem:s19], [sflag:$0x4], $0x80, s26, s17, $0xb8;
	[tilespmem:$0x1E800] =	vst v63  }
0x56: {  	_ =	swait.ge [sflag:s13], $0x4000  }
0x57: {  	[sflag:s13] =	ssyncset.done $0x0  }
0x58: {  	s24 =	sadd.s32 $0x1, s24;
	[sflag:s13] =	ssyncadd.s32 $0xFFFFC000  }
0x59: {  	[spmem:s2] =	stream.indirect.scatter.add.f32 [tilespmem:s19], [sflag:$0x4], $0x80, s25, s17, $0xb8;
	[tilespmem:$0x1E800] =	vst v63  }
0x5a: {  	p0 =	sne.s32 s24, $0x28;
	_ =	swait.ge [sflag:s13], $0x4000  }
.Ltmp1:
0x5b: {  	[sflag:s13] =	ssyncset.done $0x0;
	(pc) =	sbr.rel @p0 .LBB2_2-.Ltmp1, $4  }
0x5c: {  	[sflag:s13] =	ssyncadd.s32 $0xFFFFC000  }
0x5d: {  	_ =	swait.ge [sflag:s22], $0x4000  }
0x5e: {  	[sflag:s22] =	ssyncset.done $0x0  }
0x5f: {  	[sflag:s22] =	ssyncadd.s32 $0xFFFFC000  }
0x60: {  	s23 =	sadd.s32 $0x1, s23  }
0x61: {  	p0 =	sne.s32 s23, s12  }
.Ltmp2:
0x62: {  	[bflag:$0x0] =	sbarrier.arrive $0xFFFF;
	(pc) =	sbr.rel @p0 .LBB2_1-.Ltmp2, $4  }
0x63: {  	[hbm:s11], [sflag:s15] =	dma.local [spmem:s16], $0x2800  }
0x64: {  	_ =	swait.ge [sflag:s13], $0x2800  }
0x65: {  	[sflag:s13] =	ssyncset.done $0x0  }
0x66: {  	[sflag:s13] =	ssyncadd.s32 $0xFFFFD800  }
0x67: {  	_ =	sfence.sel $0x180000  }
0x68: {  	[bflag:$0x0] =	sbarrier.arrive $0xFFFF  }
0x69: {  	p0 =	sne.s32 s0, $0x0;
	_ =	strace $0x9000004A  }
0x6a: {  	s0 =	sadd.s32 @!p0 $0x100000, s1;
	[bflag:$0x2] =	sbarrier.arrive $0xFFFF  }
0x6b: {  	[sflag:s0] =	ssyncadd.tile.s32 @!p0 $0x1;
	_ =	shalt  }
.Lfunc_end2:
_tile_overlayer_lowered:
.L_overlay_start_2:
0x6c: {  	(tag) =	ssettag $0x2  }
0x6d: {  	s0 =	rddreg [dreg:$0x0];
	s2 =	stileid.u32  }
0x6e: {  	s1 =	rddreg [dreg:$0x1];
	p0 =	sne.s32 s2, $0x0  }
0x6f: {  	s3 =	rddreg [dreg:$0x2];
	[bflag:$0x3] =	sbarrier.arrive $0xFFFF;
	s2 =	simm.s32 @!p0 $0x1C04  }
0x70: {  	[timem:s3], [sflag:s2] =	dma.local @!p0 [hbm:s0], s1  }
0x71: {  	s0 =	simm.s32 @!p0 $0x4  }
0x72: {  	_ =	swait.ge @!p0 [sflag:s0], s1  }
0x73: {  	s1 =	ssub.s32 @!p0 $0x0, s1;
	[sflag:s0] =	ssyncset.done @!p0 $0x0  }
0x74: {  	[sflag:s0] =	ssyncadd.s32 @!p0 s1  }
0x75: {  	[bflag:$0x3] =	sbarrier.arrive $0xFFFF  }
0x76: {  	_ =	shalt  }

// kernel: kernel.18.cloned.1.call-start
scs
__scs_entry_jumppad:
0x0: {  	(pc) =	sbr.rel $0x88, $3  }
0x1: {  	(tag) =	ssettag $0x0;
	lr =	simm.s32 $0x1  }
0x2: {  	[smem:$0x3F8F] =	sst lr;
	_ =	strace $0xD0000000  }
0x3: {  	_ = 	snop  }
0x4: {  	_ = 	snop  }
0x5: {  	_ = 	snop  }
0x6: {  	_ = 	snop  }
0x7: {  	_ = 	snop  }
__scs_overlays_trampoline_lowered:
0x8: {  	[smem:$0x3F9E] =	sst s0  }
0x9: {  	[smem:$0x3F9F] =	sst s1  }
0xa: {  	[smem:$0x3FA0] =	sst s2  }
0xb: {  	[smem:$0x3FA1] =	sst s3  }
0xc: {  	[smem:$0x3FA2] =	sst s4  }
0xd: {  	[smem:$0x3FA3] =	sst s5  }
0xe: {  	[smem:$0x3FA4] =	sst s6  }
0xf: {  	[smem:$0x3FA5] =	sst s7  }
0x10: {  	[smem:$0x3FA6] =	sst s8  }
0x11: {  	[smem:$0x3FA7] =	sst s9;
	s0 =	simm.s32 @!p0 $0x0  }
0x12: {  	s1 =	sld [smem:$0x3F8D];
	s0 =	simm.s32 @p0 $0x1  }
0x13: {  	[smem:$0x3FA8] =	sst s0;
	s0 =	simm.s32 @!p1 $0x0  }
0x14: {  	s2 =	sld [smem:$0x3F8C];
	s0 =	simm.s32 @p1 $0x1  }
0x15: {  	[smem:$0x3FA9] =	sst s0;
	s0 =	simm.s32 @!p2 $0x0  }
0x16: {  	s3 =	sld [smem:$0x3FDB];
	s0 =	simm.s32 @p2 $0x1  }
0x17: {  	s4 =	simm.s32 $0x1BF5;
	[smem:$0x3FAB] =	sst s0  }
0x18: {  	s0 =	sld [smem:$0x3F8E];
	_ =	swait.ge [sflag:s4], $0x0  }
0x19: {  	s7 =	sld [smem:$0x3F8F]  }
0x1a: {  	s8 =	sadd.s32 $0xFFFFE003, lr  }
0x1b: {  	s9 =	sadd.s32 $0xFFFFFEF7, lr;
	s5 =	simm.s32 $0xFFFFFFFF;
	p2 =	slt.u32 s8, $0xFFFFF086  }
0x1c: {  	p1 =	slt.u32 s9, $0xF7A;
	s5 =	simm.s32 @!p2 $0x0  }
0x1d: {  	s5 =	simm.s32 @p1 $0x1;
	p0 =	seq.s32 s7, s2  }
0x1e: {  	s7 =	smul.u32 @!p0 $0xF7A, s2;
	p2 =	seq.s32 @!p0 s5, $0x0  }
0x1f: {  	s9 =	smul.u32 $0xF7A, s1;
	s8 =	simm.s32 @!p0 $0x1BF5;
	p2 =	por !p2, p0  }
0x20: {  	[sflag:s8] =	ssyncset.s32 @!p0 $0xFFFFF086;
	s6 =	sadd.s32 @!p0 s3, s7;
	s7 =	simm.s32 @!p0 $0x108  }
0x21: {  	s3 =	sadd.s32 s3, s9;
	s6 =	sadd.s32 @!p0 $0x88, s6;
	s7 =	simm.s32 @p2 $0x1082  }
0x22: {  	[simem:s7], [sflag:s8] =	dma.local @!p0 [hbm:s6], $0xF7A  }
0x23: {  	s9 =	sor.u32 $0xD0000000, s2;
	s6 =	simm.s32 $0x108;
	_ =	swait.ge @!p0 [sflag:s8], $0x0  }
0x24: {  	s3 =	sadd.s32 $0x88, s3;
	s6 =	simm.s32 @!p1 $0x1082;
	[sflag:s4] =	ssyncset.s32 $0xFFFFF086  }
0x25: {  	[simem:s6], [sflag:s4] =	dma.local [hbm:s3], $0xF7A  }
0x26: {  	[smem:$0x3F8F] =	sst s1;
	(tag) =	ssettag s2;
	_ =	strace s9  }
0x27: {  	s1 =	sld [smem:$0x3F9F]  }
0x28: {  	s2 =	sld [smem:$0x3FA0]  }
0x29: {  	s4 =	sld [smem:$0x3FA2]  }
0x2a: {  	p0 =	seq.s32 s5, $0x0;
	s5 =	sld [smem:$0x3FA3]  }
0x2b: {  	s6 =	sld [smem:$0x3FA4]  }
0x2c: {  	s7 =	sld [smem:$0x3FA5]  }
0x2d: {  	s3 =	simm.s32 $0x108;
	s8 =	sld [smem:$0x3FA6]  }
0x2e: {  	s3 =	simm.s32 @!p0 $0x1082;
	s9 =	sld [smem:$0x3FA7]  }
0x2f: {  	lr =	sadd.s32 s0, s3;
	s0 =	sld [smem:$0x3F9E]  }
0x30: {  	s3 =	sld [smem:$0x3FA1]  }
0x31: {  	[smem:$0x3FAA] =	sst s10  }
0x32: {  	s10 =	sld [smem:$0x3FA8];
	_ =	sdelay $0x3  }
0x33: {  	p0 =	seq.s32 s10, $0x1;
	s10 =	sld [smem:$0x3FAA];
	_ =	sdelay $0x3  }
0x34: {  	[smem:$0x3FAA] =	sst s10  }
0x35: {  	s10 =	sld [smem:$0x3FA9];
	_ =	sdelay $0x3  }
0x36: {  	p1 =	seq.s32 s10, $0x1;
	s10 =	sld [smem:$0x3FAA];
	_ =	sdelay $0x3  }
0x37: {  	[smem:$0x3FAA] =	sst s10  }
0x38: {  	s10 =	sld [smem:$0x3FAB]  }
0x39: {  	_ = 	snop;
	(pc) =	sbr.ind lr, $3  }
0x3a: {  	_ = 	snop  }
0x3b: {  	_ = 	snop  }
0x3c: {  	p2 =	seq.s32 s10, $0x1;
	s10 =	sld [smem:$0x3FAA]  }
0x3d: {  	_ =	shalt  }
0x3e: {  	_ =	shalt  }
0x3f: {  	_ =	shalt  }
0x40: {  	_ =	shalt  }
0x41: {  	_ =	shalt  }
0x42: {  	_ =	shalt  }
0x43: {  	_ =	shalt  }
0x44: {  	_ =	shalt  }
0x45: {  	_ =	shalt  }
0x46: {  	_ =	shalt  }
0x47: {  	_ =	shalt  }
0x48: {  	_ =	shalt  }
0x49: {  	_ =	shalt  }
0x4a: {  	_ =	shalt  }
0x4b: {  	_ =	shalt  }
0x4c: {  	_ =	shalt  }
0x4d: {  	_ =	shalt  }
0x4e: {  	_ =	shalt  }
0x4f: {  	_ =	shalt  }
0x50: {  	_ =	shalt  }
0x51: {  	_ =	shalt  }
0x52: {  	_ =	shalt  }
0x53: {  	_ =	shalt  }
0x54: {  	_ =	shalt  }
0x55: {  	_ =	shalt  }
0x56: {  	_ =	shalt  }
0x57: {  	_ =	shalt  }
0x58: {  	_ =	shalt  }
0x59: {  	_ =	shalt  }
0x5a: {  	_ =	shalt  }
0x5b: {  	_ =	shalt  }
0x5c: {  	_ =	shalt  }
0x5d: {  	_ =	shalt  }
0x5e: {  	_ =	shalt  }
0x5f: {  	_ =	shalt  }
0x60: {  	_ =	shalt  }
0x61: {  	_ =	shalt  }
0x62: {  	_ =	shalt  }
0x63: {  	_ =	shalt  }
0x64: {  	_ =	shalt  }
0x65: {  	_ =	shalt  }
0x66: {  	_ =	shalt  }
0x67: {  	_ =	shalt  }
0x68: {  	_ =	shalt  }
0x69: {  	_ =	shalt  }
0x6a: {  	_ =	shalt  }
0x6b: {  	_ =	shalt  }
0x6c: {  	_ =	shalt  }
0x6d: {  	_ =	shalt  }
0x6e: {  	_ =	shalt  }
0x6f: {  	_ =	shalt  }
0x70: {  	_ =	shalt  }
0x71: {  	_ =	shalt  }
0x72: {  	_ =	shalt  }
0x73: {  	_ =	shalt  }
0x74: {  	_ =	shalt  }
0x75: {  	_ =	shalt  }
0x76: {  	_ =	shalt  }
0x77: {  	_ =	shalt  }
0x78: {  	_ =	shalt  }
0x79: {  	_ =	shalt  }
0x7a: {  	_ =	shalt  }
0x7b: {  	_ =	shalt  }
0x7c: {  	_ =	shalt  }
0x7d: {  	_ =	shalt  }
0x7e: {  	_ =	shalt  }
0x7f: {  	_ =	shalt  }
0x80: {  	_ =	shalt  }
0x81: {  	_ =	shalt  }
0x82: {  	_ =	shalt  }
0x83: {  	_ =	shalt  }
0x84: {  	_ =	shalt  }
0x85: {  	_ =	shalt  }
0x86: {  	_ =	shalt  }
0x87: {  	_ =	shalt  }
.Lfunc_end0:
.L_simem_size_0:
called_computation.5_lowered:
.L_overlay_start_0:
0x88: {  	s2 =	sld [smem:$0x3FD9]  }
0x89: {  	s3 =	sld [smem:$0x3FFE];
	_ =	sdelay $0x1  }
0x8a: {  	s1 =	srdreg.scid  }
0x8b: {  	s0 =	sand.u32 $0x1, s1  }
0x8c: {  	s16 =	sshll.u32 s0, $0xA;
	s2 =	sadd.s32 s3, s2  }
0x8d: {  	s2 =	sadd.s32 s2, s16  }
0x8e: {  	[smem:$0x3FB6] =	sst s2  }
0x8f: {  	_ = 	snop  }
0x90: {  	(tm) =	ssettm $0x1  }
0x91: {  	s17 =	sld [smem:$0x3FFB];
	_ =	sdelay $0x3  }
0x92: {  	_ =	strace s17  }
0x93: {  	s2 =	sld [smem:$0x3FFC];
	_ =	sdelay $0x3  }
0x94: {  	_ =	strace s2  }
0x95: {  	s2 =	sld [smem:$0x3FFD];
	_ =	sdelay $0x3  }
0x96: {  	_ =	strace s2  }
0x97: {  	_ =	strace $0x8FFFFFFF  }
0x98: {  	s18 =	sld [smem:$0x3FDB];
	_ =	sdelay $0x1  }
0x99: {  	s19 =	simm.s32 $_scs_section_size  }
0x9a: {  	s4 =	simm.s32 $_size__tile_overlayer_lowered;
	s5 =	simm.s32 $_tile_overlayer_lowered  }
0x9b: {  	s22 =	simm.s32 $0x1BFF;
	s21 =	sshll.u32 s5, $0x1;
	s2 =	sadd.s32 s19, s18  }
0x9c: {  	s6 =	simm.s32 $0x0;
	s20 =	sshll.u32 s4, $0x1;
	s4 =	sadd.s32 s21, s2  }
0x9d: {  	[timem:s6], [sflag:s22] =	dma.local [hbm:s4], s20  }
0x9e: {  	_ =	swait.ge [sflag:s22], s20  }
0x9f: {  	s3 =	ssub.s32 $0x0, s20;
	[sflag:s22] =	ssyncset.done $0x0  }
0xa0: {  	[sflag:s22] =	ssyncadd.s32 s3;
	_ =	sdelay $0x1  }
0xa1: {  	s23 =	simm.s32 $0x1B8B  }
0xa2: {  	_ =	swait.ge [sflag:s23], $0x1  }
0xa3: {  	[sflag:s23] =	ssyncset.done $0x0  }
0xa4: {  	s25 =	simm.s32 $0x1B8E;
	s24 =	sld [smem:$0x3FFE];
	[sflag:s23] =	ssyncadd.s32 $0xFFFFFFFF  }
0xa5: {  	s26 =	simm.s32 $execute0_lowered;
	[smem:$0x3FD2] =	sst s25  }
0xa6: {  	s4 =	sshll.u32 s26, $0x1;
	_ =	strace $0x8000004C;
	[dreg:$0x1] =	wrdreg $0xFFFFFFFF  }
0xa7: {  	s28 =	simm.s32 $_size_execute0_lowered;
	s2 =	sadd.s32 s2, s4;
	[dreg:$0x0] =	wrdreg $0x0  }
0xa8: {  	s4 =	sshll.u32 s28, $0x1;
	[dreg:$0x2] =	wrdreg s2  }
0xa9: {  	[dreg:$0x3] =	wrdreg s4  }
0xaa: {  	[dreg:$0x4] =	wrdreg $0xC0  }
0xab: {  	_ =	task [dreg:s6], $0x5FFFF  }
0xac: {  	[dreg:$0x1] =	wrdreg $0xFFFFFFFF  }
0xad: {  	[dreg:$0x0] =	wrdreg $0x60  }
0xae: {  	[dreg:$0x2] =	wrdreg s24  }
0xaf: {  	[dreg:$0x3] =	wrdreg $0xA8000  }
0xb0: {  	[dreg:$0x4] =	wrdreg $0x9  }
0xb1: {  	_ =	task.clear_ibuf [dreg:s6], $0x5FFFF;
	_ =	strace $0x9000004C  }
0xb2: {  	s29 =	simm.s32 $0x9;
	_ =	strace $0x8000004E  }
0xb3: {  	_ =	swait.ge [sflag:s29], $0x1  }
0xb4: {  	[sflag:s29] =	ssyncadd.s32 $0xFFFFFFFF  }
0xb5: {  	_ =	strace $0x9000004E  }
0xb6: {  	_ =	sfence  }
0xb7: {  	s30 =	sld [smem:$0x0];
	_ =	sdelay $0x2  }
0xb8: {  	s31 =	sshll.u32 s1, $0xD;
	s1 =	sshrl.u32 s1, $0x2  }
0xb9: {  	s3 =	sand.u32 $0x4000, s31;
	s1 =	sadd.s32 s1, s30  }
0xba: {  	s0 =	sor.u32 s3, s0;
	s1 =	sshll.u32 s1, $0x11  }
0xbb: {  	s0 =	sor.u32 s1, s0  }
0xbc: {  	s0 =	sadd.s32 $0x8F2B, s0  }
0xbd: {  	[sflag:s0] =	ssyncadd.remote.s32 $0x1  }
0xbe: {  	_ =	sfence.sel $0xFFFF  }
0xbf: {  	[dreg:$0x0] =	wrdreg $0xFFFFFFFF;
	(pc) =	sbr.abs _section_cstart, $3  }
0xc0: {  	[dreg:$0x1] =	wrdreg $0xFFFFFFFF  }
0xc1: {  	_ =	task.clear_ibuf [dreg:s6], $0x2FFFF;
	_ =	strace $0x9FFFFFFF  }
0xc2: {  	(tm) =	ssettm $0x7FFFFFFF  }
0xc3: {  	_ =	shalt  }
tec
execute0_lowered:
.L_overlay_start_1:
0x0: {  	(tag) =	ssettag $0x1  }
0x1: {  	s0 =	srdreg.scid;
	s7 =	rddreg [dreg:$0x0]  }
0x2: {  	s2 =	rddreg [dreg:$0x1];
	s3 =	simm.s32 $0x0;
	s15 =	simm.s32 $0x80  }
0x3: {  	s16 =	simm.s32 $0x2800;
	s17 =	simm.s32 $0x6800;
	s18 =	simm.s32 $0x1  }
0x4: {  	s19 =	simm.s32 $0x2;
	s6 =	sand.u32 $0x1, s0;
	s0 =	stileid.u32  }
0x5: {  	s20 =	simm.s32 $0x0;
	[smem:$0x7FF] =	sst s3;
	s9 =	smul.u32 $0x14000, s0  }
0x6: {  	s5 =	sadd.s32 $0x8FE00, s7;
	s1 =	sshll.u32 s6, $0x4;
	s10 =	smul.u32 $0x140000, s6  }
0x7: {  	s6 =	ssub.s32 $0x2, s6;
	s12 =	smul.u32 $0x50000, s0;
	s13 =	sshll.u32 s0, $0x6  }
0x8: {  	s4 =	sor.u32 s0, s1;
	s1 =	rddreg [dreg:$0x2];
	_ =	strace $0x8000004D  }
0x9: {  	s30 =	sshrl.u32 s6, $0x1;
	s13 =	sor.u32 $0x1C03, s13;
	s8 =	smul.u32 $0x280, s4  }
0xa: {  	s4 =	sadd.s32 $0x67E00, s7;
	s11 =	sshrl.u32 s9, $0x3;
	s9 =	sadd.s32 s9, s10  }
0xb: {  	s10 =	ssub.s32 s6, s30;
	s31 =	sshrl.u32 s12, $0x2;
	s12 =	simm.s32 $0x1400  }
0xc: {  	s9 =	sshrl.u32 s9, $0x3;
	s11 =	sadd.s32 s11, s7;
	s14 =	sadd.s32 s31, s2  }
0xd: {  	s10 =	smax.u32 s10, $0x1;
	s8 =	sadd.s32 s8, s7;
	s9 =	sadd.s32 s9, s7  }
0xe: {  	s14 =	sshrl.u32 s14, $0x3;
	s6 =	sadd.s32 $0x35E00, s8;
	s7 =	sadd.s32 $0x3AE00, s8  }
0xf: {  	s8 =	sadd.s32 $0x3FE00, s11;
	s9 =	sadd.s32 $0xB7E00, s9;
	s11 =	simm.s32 $0x3  }
.LBB2_1:
0x10: {  	[tilespmem:s3], [sflag:$0x3] =	stream.linear.gather [hbm4b:s6+s3], $0x1400, $0x38;
	[tilespmem:$0x1E800] =	vst v63  }
0x11: {  	_ =	swait.ge [sflag:s11], $0x1400  }
0x12: {  	[sflag:s11] =	ssyncset.done $0x0  }
0x13: {  	[sflag:s11] =	ssyncadd.s32 $0xFFFFEC00  }
0x14: {  	[tilespmem:s12], [sflag:$0x3] =	stream.linear.gather [hbm4b:s7+s3], $0x1400, $0x38;
	[tilespmem:$0x1E800] =	vst v63  }
0x15: {  	_ =	swait.ge [sflag:s11], $0x1400  }
0x16: {  	[sflag:s11] =	ssyncset.done $0x0  }
0x17: {  	[sflag:s11] =	ssyncadd.s32 $0xFFFFEC00  }
0x18: {  	[spmem:s14], [sflag:s13] =	dma.local [hbm:s8], $0x2800  }
0x19: {  	_ =	swait.ge [sflag:s11], $0x2800  }
0x1a: {  	[sflag:s11] =	ssyncset.done $0x0  }
0x1b: {  	[sflag:s11] =	ssyncadd.s32 $0xFFFFD800  }
0x1c: {  	s21 =	simm.s32 $0x0;
	[bflag:$0x0] =	sbarrier.arrive $0xFFFF  }
.LBB2_2:
0x1d: {  	s22 =	sshll.u32 s21, $0x7  }
0x1e: {  	[tilespmem:s16], [sflag:$0x1] =	stream.indirect.gather [hbm4b:s4+s15], $0x80, s22, s15, $0xb8;
	[tilespmem:$0x1E800] =	vst v63  }
0x1f: {  	s22 =	sadd.s32 $0x1400, s22  }
0x20: {  	[tilespmem:s17], [sflag:$0x2] =	stream.indirect.gather [hbm4b:s5+s15], $0x80, s22, s15, $0xb8;
	[tilespmem:$0x1E800] =	vst v63  }
0x21: {  	_ =	swait.ge [sflag:s18], $0x4000  }
0x22: {  	[sflag:s18] =	ssyncset.done $0x0  }
0x23: {  	[sflag:s18] =	ssyncadd.s32 $0xFFFFC000  }
0x24: {  	_ =	swait.ge [sflag:s19], $0x4000  }
0x25: {  	[sflag:s19] =	ssyncset.done $0x0  }
0x26: {  	s23 =	simm.s32 $0x0;
	[sflag:s19] =	ssyncadd.s32 $0xFFFFC000  }
0x27: {  	v6 =	vld [tilespmem:s23+$0x6800]  }
0x28: {  	v11 =	vld [tilespmem:s23+$0x6810]  }
0x29: {  	v5 =	vld [tilespmem:s23+$0x6820]  }
0x2a: {  	v4 =	vld [tilespmem:s23+$0x6830]  }
0x2b: {  	v3 =	vld [tilespmem:s23+$0x6840]  }
0x2c: {  	v2 =	vld [tilespmem:s23+$0x6850]  }
0x2d: {  	v1 =	vld [tilespmem:s23+$0x6860]  }
0x2e: {  	v0 =	vld [tilespmem:s23+$0x6870]  }
0x2f: {  	v12 =	vld [tilespmem:s23+$0x2800]  }
0x30: {  	v13 =	vld [tilespmem:s23+$0x2810]  }
0x31: {  	v10 =	vld [tilespmem:s23+$0x2820]  }
0x32: {  	v9 =	vld [tilespmem:s23+$0x2830]  }
0x33: {  	v8 =	vld [tilespmem:s23+$0x2840]  }
0x34: {  	v7 =	vld [tilespmem:s23+$0x2850];
	v12 =	vadd.f32 v6, v12  }
0x35: {  	s24 =	simm.s32 $0x200;
	v11 =	vadd.f32 v11, v13;
	v6 =	vld [tilespmem:s23+$0x2860]  }
.LBB2_3:
0x36: {  	s25 =	sshra.s32 s24, $0x2;
	p0 =	sne.s32 s24, $0xFE00;
	v12 =	vmax.f32 v12, $0.0e+00;
	v5 =	vadd.f32 v5, v10;
	v10 =	vld [tilespmem:s23+$0x2870]  }
0x37: {  	v13 =	vld [tilespmem:s25+$0x6800];
	[tilespmem:s23+$0x2800] =	vst v12;
	v11 =	vmax.f32 v11, $0.0e+00;
	v4 =	vadd.f32 v4, v9  }
0x38: {  	v14 =	vld [tilespmem:s25+$0x6810];
	[tilespmem:s23+$0x2810] =	vst v11;
	v9 =	vmax.f32 v5, $0.0e+00;
	v3 =	vadd.f32 v3, v8  }
0x39: {  	v5 =	vld [tilespmem:s25+$0x6820];
	[tilespmem:s23+$0x2820] =	vst v9;
	v8 =	vmax.f32 v4, $0.0e+00;
	v2 =	vadd.f32 v2, v7  }
0x3a: {  	v4 =	vld [tilespmem:s25+$0x6830];
	[tilespmem:s23+$0x2830] =	vst v8;
	v7 =	vmax.f32 v3, $0.0e+00;
	v1 =	vadd.f32 v1, v6  }
0x3b: {  	v3 =	vld [tilespmem:s25+$0x6840];
	[tilespmem:s23+$0x2840] =	vst v7;
	v6 =	vmax.f32 v2, $0.0e+00;
	v0 =	vadd.f32 v0, v10  }
0x3c: {  	v2 =	vld [tilespmem:s25+$0x6850];
	[tilespmem:s23+$0x2850] =	vst v6;
	v6 =	vmax.f32 v1, $0.0e+00  }
0x3d: {  	v1 =	vld [tilespmem:s25+$0x6860];
	[tilespmem:s23+$0x2860] =	vst v6;
	v6 =	vmax.f32 v0, $0.0e+00  }
0x3e: {  	v0 =	vld [tilespmem:s25+$0x6870];
	[tilespmem:s23+$0x2870] =	vst v6;
	s23 =	smov.u32 s25  }
0x3f: {  	v6 =	vld [tilespmem:s23+$0x2800]  }
0x40: {  	v11 =	vld [tilespmem:s23+$0x2810]  }
.Ltmp0:
0x41: {  	v10 =	vld [tilespmem:s23+$0x2820];
	(pc) =	sbr.rel @p0 .LBB2_3-.Ltmp0, $4  }
0x42: {  	v9 =	vld [tilespmem:s23+$0x2830]  }
0x43: {  	v8 =	vld [tilespmem:s23+$0x2840]  }
0x44: {  	v12 =	vadd.f32 v13, v6;
	v7 =	vld [tilespmem:s23+$0x2850]  }
0x45: {  	s24 =	sadd.s32 $0x200, s24;
	v11 =	vadd.f32 v14, v11;
	v6 =	vld [tilespmem:s23+$0x2860]  }
0x46: {  	v12 =	vmax.f32 v12, $0.0e+00;
	v5 =	vadd.f32 v5, v10;
	v63 =	vld [tilespmem:s23+$0x2870]  }
0x47: {  	[tilespmem:s23+$0x2800] =	vst v12;
	v11 =	vmax.f32 v11, $0.0e+00;
	v4 =	vadd.f32 v4, v9  }
0x48: {  	[tilespmem:s23+$0x2810] =	vst v11;
	v5 =	vmax.f32 v5, $0.0e+00;
	v3 =	vadd.f32 v3, v8  }
0x49: {  	[tilespmem:s23+$0x2820] =	vst v5;
	v4 =	vmax.f32 v4, $0.0e+00;
	v2 =	vadd.f32 v2, v7  }
0x4a: {  	[tilespmem:s23+$0x2830] =	vst v4;
	v3 =	vmax.f32 v3, $0.0e+00;
	v1 =	vadd.f32 v1, v6  }
0x4b: {  	[tilespmem:s23+$0x2840] =	vst v3;
	v2 =	vmax.f32 v2, $0.0e+00;
	v0 =	vadd.f32 v0, v63  }
0x4c: {  	s21 =	sadd.s32 $0x1, s21;
	[tilespmem:s23+$0x2850] =	vst v2;
	v1 =	vmax.f32 v1, $0.0e+00  }
0x4d: {  	p0 =	sne.s32 s21, $0x28;
	[tilespmem:s23+$0x2860] =	vst v1;
	v0 =	vmax.f32 v0, $0.0e+00  }
.Ltmp1:
0x4e: {  	[tilespmem:s23+$0x2870] =	vst v0;
	(pc) =	sbr.rel @p0 .LBB2_2-.Ltmp1, $4  }
0x4f: {  	[spmem:s2] =	stream.indirect.scatter.add.f32 [tilespmem:s16], [sflag:$0x3], $0x80, s22, s15, $0xb8;
	[tilespmem:$0x1E800] =	vst v63  }
0x50: {  	_ =	swait.ge [sflag:s11], $0x4000  }
0x51: {  	[sflag:s11] =	ssyncset.done $0x0  }
0x52: {  	[sflag:s11] =	ssyncadd.s32 $0xFFFFC000  }
0x53: {  	s20 =	sadd.s32 $0x1, s20  }
0x54: {  	p0 =	sne.s32 s20, s10  }
.Ltmp2:
0x55: {  	[bflag:$0x0] =	sbarrier.arrive $0xFFFF;
	(pc) =	sbr.rel @p0 .LBB2_1-.Ltmp2, $4  }
0x56: {  	[hbm:s9], [sflag:s13] =	dma.local [spmem:s14], $0x2800  }
0x57: {  	_ =	swait.ge [sflag:s11], $0x2800  }
0x58: {  	[sflag:s11] =	ssyncset.done $0x0  }
0x59: {  	[sflag:s11] =	ssyncadd.s32 $0xFFFFD800  }
0x5a: {  	_ =	sfence.sel $0x180000  }
0x5b: {  	[bflag:$0x0] =	sbarrier.arrive $0xFFFF  }
0x5c: {  	p0 =	sne.s32 s0, $0x0;
	_ =	strace $0x9000004D  }
0x5d: {  	s0 =	sadd.s32 @!p0 $0x100000, s1;
	[bflag:$0x2] =	sbarrier.arrive $0xFFFF  }
0x5e: {  	[sflag:s0] =	ssyncadd.tile.s32 @!p0 $0x1;
	_ =	shalt  }
.Lfunc_end2:
_tile_overlayer_lowered:
.L_overlay_start_2:
0x5f: {  	(tag) =	ssettag $0x2  }
0x60: {  	s0 =	rddreg [dreg:$0x0];
	s2 =	stileid.u32  }
0x61: {  	s1 =	rddreg [dreg:$0x1];
	p0 =	sne.s32 s2, $0x0  }
0x62: {  	s3 =	rddreg [dreg:$0x2];
	[bflag:$0x3] =	sbarrier.arrive $0xFFFF;
	s2 =	simm.s32 @!p0 $0x1C03  }
0x63: {  	[timem:s3], [sflag:s2] =	dma.local @!p0 [hbm:s0], s1  }
0x64: {  	s0 =	simm.s32 @!p0 $0x3  }
0x65: {  	_ =	swait.ge @!p0 [sflag:s0], s1  }
0x66: {  	s1 =	ssub.s32 @!p0 $0x0, s1;
	[sflag:s0] =	ssyncset.done @!p0 $0x0  }
0x67: {  	[sflag:s0] =	ssyncadd.s32 @!p0 s1  }
0x68: {  	[bflag:$0x3] =	sbarrier.arrive $0xFFFF  }
0x69: {  	_ =	shalt  }

// kernel: kernel.21.cloned.1.call-start
scs
__scs_entry_jumppad:
0x0: {  	(pc) =	sbr.rel $0x88, $3  }
0x1: {  	(tag) =	ssettag $0x0;
	lr =	simm.s32 $0x1  }
0x2: {  	[smem:$0x3F8F] =	sst lr;
	_ =	strace $0xD0000000  }
0x3: {  	_ = 	snop  }
0x4: {  	_ = 	snop  }
0x5: {  	_ = 	snop  }
0x6: {  	_ = 	snop  }
0x7: {  	_ = 	snop  }
__scs_overlays_trampoline_lowered:
0x8: {  	[smem:$0x3F9E] =	sst s0  }
0x9: {  	[smem:$0x3F9F] =	sst s1  }
0xa: {  	[smem:$0x3FA0] =	sst s2  }
0xb: {  	[smem:$0x3FA1] =	sst s3  }
0xc: {  	[smem:$0x3FA2] =	sst s4  }
0xd: {  	[smem:$0x3FA3] =	sst s5  }
0xe: {  	[smem:$0x3FA4] =	sst s6  }
0xf: {  	[smem:$0x3FA5] =	sst s7  }
0x10: {  	[smem:$0x3FA6] =	sst s8  }
0x11: {  	[smem:$0x3FA7] =	sst s9;
	s0 =	simm.s32 @!p0 $0x0  }
0x12: {  	s1 =	sld [smem:$0x3F8D];
	s0 =	simm.s32 @p0 $0x1  }
0x13: {  	[smem:$0x3FA8] =	sst s0;
	s0 =	simm.s32 @!p1 $0x0  }
0x14: {  	s2 =	sld [smem:$0x3F8C];
	s0 =	simm.s32 @p1 $0x1  }
0x15: {  	[smem:$0x3FA9] =	sst s0;
	s0 =	simm.s32 @!p2 $0x0  }
0x16: {  	s3 =	sld [smem:$0x3FDB];
	s0 =	simm.s32 @p2 $0x1  }
0x17: {  	s4 =	simm.s32 $0x1BF5;
	[smem:$0x3FAB] =	sst s0  }
0x18: {  	s0 =	sld [smem:$0x3F8E];
	_ =	swait.ge [sflag:s4], $0x0  }
0x19: {  	s7 =	sld [smem:$0x3F8F]  }
0x1a: {  	s8 =	sadd.s32 $0xFFFFE003, lr  }
0x1b: {  	s9 =	sadd.s32 $0xFFFFFEF7, lr;
	s5 =	simm.s32 $0xFFFFFFFF;
	p2 =	slt.u32 s8, $0xFFFFF086  }
0x1c: {  	p1 =	slt.u32 s9, $0xF7A;
	s5 =	simm.s32 @!p2 $0x0  }
0x1d: {  	s5 =	simm.s32 @p1 $0x1;
	p0 =	seq.s32 s7, s2  }
0x1e: {  	s7 =	smul.u32 @!p0 $0xF7A, s2;
	p2 =	seq.s32 @!p0 s5, $0x0  }
0x1f: {  	s9 =	smul.u32 $0xF7A, s1;
	s8 =	simm.s32 @!p0 $0x1BF5;
	p2 =	por !p2, p0  }
0x20: {  	[sflag:s8] =	ssyncset.s32 @!p0 $0xFFFFF086;
	s6 =	sadd.s32 @!p0 s3, s7;
	s7 =	simm.s32 @!p0 $0x108  }
0x21: {  	s3 =	sadd.s32 s3, s9;
	s6 =	sadd.s32 @!p0 $0x88, s6;
	s7 =	simm.s32 @p2 $0x1082  }
0x22: {  	[simem:s7], [sflag:s8] =	dma.local @!p0 [hbm:s6], $0xF7A  }
0x23: {  	s9 =	sor.u32 $0xD0000000, s2;
	s6 =	simm.s32 $0x108;
	_ =	swait.ge @!p0 [sflag:s8], $0x0  }
0x24: {  	s3 =	sadd.s32 $0x88, s3;
	s6 =	simm.s32 @!p1 $0x1082;
	[sflag:s4] =	ssyncset.s32 $0xFFFFF086  }
0x25: {  	[simem:s6], [sflag:s4] =	dma.local [hbm:s3], $0xF7A  }
0x26: {  	[smem:$0x3F8F] =	sst s1;
	(tag) =	ssettag s2;
	_ =	strace s9  }
0x27: {  	s1 =	sld [smem:$0x3F9F]  }
0x28: {  	s2 =	sld [smem:$0x3FA0]  }
0x29: {  	s4 =	sld [smem:$0x3FA2]  }
0x2a: {  	p0 =	seq.s32 s5, $0x0;
	s5 =	sld [smem:$0x3FA3]  }
0x2b: {  	s6 =	sld [smem:$0x3FA4]  }
0x2c: {  	s7 =	sld [smem:$0x3FA5]  }
0x2d: {  	s3 =	simm.s32 $0x108;
	s8 =	sld [smem:$0x3FA6]  }
0x2e: {  	s3 =	simm.s32 @!p0 $0x1082;
	s9 =	sld [smem:$0x3FA7]  }
0x2f: {  	lr =	sadd.s32 s0, s3;
	s0 =	sld [smem:$0x3F9E]  }
0x30: {  	s3 =	sld [smem:$0x3FA1]  }
0x31: {  	[smem:$0x3FAA] =	sst s10  }
0x32: {  	s10 =	sld [smem:$0x3FA8];
	_ =	sdelay $0x3  }
0x33: {  	p0 =	seq.s32 s10, $0x1;
	s10 =	sld [smem:$0x3FAA];
	_ =	sdelay $0x3  }
0x34: {  	[smem:$0x3FAA] =	sst s10  }
0x35: {  	s10 =	sld [smem:$0x3FA9];
	_ =	sdelay $0x3  }
0x36: {  	p1 =	seq.s32 s10, $0x1;
	s10 =	sld [smem:$0x3FAA];
	_ =	sdelay $0x3  }
0x37: {  	[smem:$0x3FAA] =	sst s10  }
0x38: {  	s10 =	sld [smem:$0x3FAB]  }
0x39: {  	_ = 	snop;
	(pc) =	sbr.ind lr, $3  }
0x3a: {  	_ = 	snop  }
0x3b: {  	_ = 	snop  }
0x3c: {  	p2 =	seq.s32 s10, $0x1;
	s10 =	sld [smem:$0x3FAA]  }
0x3d: {  	_ =	shalt  }
0x3e: {  	_ =	shalt  }
0x3f: {  	_ =	shalt  }
0x40: {  	_ =	shalt  }
0x41: {  	_ =	shalt  }
0x42: {  	_ =	shalt  }
0x43: {  	_ =	shalt  }
0x44: {  	_ =	shalt  }
0x45: {  	_ =	shalt  }
0x46: {  	_ =	shalt  }
0x47: {  	_ =	shalt  }
0x48: {  	_ =	shalt  }
0x49: {  	_ =	shalt  }
0x4a: {  	_ =	shalt  }
0x4b: {  	_ =	shalt  }
0x4c: {  	_ =	shalt  }
0x4d: {  	_ =	shalt  }
0x4e: {  	_ =	shalt  }
0x4f: {  	_ =	shalt  }
0x50: {  	_ =	shalt  }
0x51: {  	_ =	shalt  }
0x52: {  	_ =	shalt  }
0x53: {  	_ =	shalt  }
0x54: {  	_ =	shalt  }
0x55: {  	_ =	shalt  }
0x56: {  	_ =	shalt  }
0x57: {  	_ =	shalt  }
0x58: {  	_ =	shalt  }
0x59: {  	_ =	shalt  }
0x5a: {  	_ =	shalt  }
0x5b: {  	_ =	shalt  }
0x5c: {  	_ =	shalt  }
0x5d: {  	_ =	shalt  }
0x5e: {  	_ =	shalt  }
0x5f: {  	_ =	shalt  }
0x60: {  	_ =	shalt  }
0x61: {  	_ =	shalt  }
0x62: {  	_ =	shalt  }
0x63: {  	_ =	shalt  }
0x64: {  	_ =	shalt  }
0x65: {  	_ =	shalt  }
0x66: {  	_ =	shalt  }
0x67: {  	_ =	shalt  }
0x68: {  	_ =	shalt  }
0x69: {  	_ =	shalt  }
0x6a: {  	_ =	shalt  }
0x6b: {  	_ =	shalt  }
0x6c: {  	_ =	shalt  }
0x6d: {  	_ =	shalt  }
0x6e: {  	_ =	shalt  }
0x6f: {  	_ =	shalt  }
0x70: {  	_ =	shalt  }
0x71: {  	_ =	shalt  }
0x72: {  	_ =	shalt  }
0x73: {  	_ =	shalt  }
0x74: {  	_ =	shalt  }
0x75: {  	_ =	shalt  }
0x76: {  	_ =	shalt  }
0x77: {  	_ =	shalt  }
0x78: {  	_ =	shalt  }
0x79: {  	_ =	shalt  }
0x7a: {  	_ =	shalt  }
0x7b: {  	_ =	shalt  }
0x7c: {  	_ =	shalt  }
0x7d: {  	_ =	shalt  }
0x7e: {  	_ =	shalt  }
0x7f: {  	_ =	shalt  }
0x80: {  	_ =	shalt  }
0x81: {  	_ =	shalt  }
0x82: {  	_ =	shalt  }
0x83: {  	_ =	shalt  }
0x84: {  	_ =	shalt  }
0x85: {  	_ =	shalt  }
0x86: {  	_ =	shalt  }
0x87: {  	_ =	shalt  }
.Lfunc_end0:
.L_simem_size_0:
called_computation.6_lowered:
.L_overlay_start_0:
0x88: {  	s2 =	sld [smem:$0x3FD9]  }
0x89: {  	s3 =	sld [smem:$0x3FFE];
	_ =	sdelay $0x1  }
0x8a: {  	s1 =	srdreg.scid  }
0x8b: {  	s0 =	sand.u32 $0x1, s1  }
0x8c: {  	s16 =	sshll.u32 s0, $0xA;
	s2 =	sadd.s32 s3, s2  }
0x8d: {  	s2 =	sadd.s32 s2, s16  }
0x8e: {  	[smem:$0x3FB6] =	sst s2  }
0x8f: {  	_ = 	snop  }
0x90: {  	(tm) =	ssettm $0x1  }
0x91: {  	s17 =	sld [smem:$0x3FFB];
	_ =	sdelay $0x3  }
0x92: {  	_ =	strace s17  }
0x93: {  	s2 =	sld [smem:$0x3FFC];
	_ =	sdelay $0x3  }
0x94: {  	_ =	strace s2  }
0x95: {  	s2 =	sld [smem:$0x3FFD];
	_ =	sdelay $0x3  }
0x96: {  	_ =	strace s2  }
0x97: {  	_ =	strace $0x8FFFFFFF  }
0x98: {  	s18 =	sld [smem:$0x3FDB];
	_ =	sdelay $0x1  }
0x99: {  	s19 =	simm.s32 $_scs_section_size  }
0x9a: {  	s4 =	simm.s32 $_size__tile_overlayer_lowered;
	s5 =	simm.s32 $_tile_overlayer_lowered  }
0x9b: {  	s22 =	simm.s32 $0x1BFF;
	s21 =	sshll.u32 s5, $0x1;
	s2 =	sadd.s32 s19, s18  }
0x9c: {  	s6 =	simm.s32 $0x0;
	s20 =	sshll.u32 s4, $0x1;
	s4 =	sadd.s32 s21, s2  }
0x9d: {  	[timem:s6], [sflag:s22] =	dma.local [hbm:s4], s20  }
0x9e: {  	_ =	swait.ge [sflag:s22], s20  }
0x9f: {  	s3 =	ssub.s32 $0x0, s20;
	[sflag:s22] =	ssyncset.done $0x0  }
0xa0: {  	[sflag:s22] =	ssyncadd.s32 s3;
	_ =	sdelay $0x1  }
0xa1: {  	s23 =	simm.s32 $0x1B8B  }
0xa2: {  	_ =	swait.ge [sflag:s23], $0x1  }
0xa3: {  	[sflag:s23] =	ssyncset.done $0x0  }
0xa4: {  	s25 =	simm.s32 $0x1B8E;
	s24 =	sld [smem:$0x3FFE];
	[sflag:s23] =	ssyncadd.s32 $0xFFFFFFFF  }
0xa5: {  	s26 =	simm.s32 $execute0_lowered;
	[smem:$0x3FD2] =	sst s25  }
0xa6: {  	s4 =	sshll.u32 s26, $0x1;
	_ =	strace $0x8000004F;
	[dreg:$0x1] =	wrdreg $0xFFFFFFFF  }
0xa7: {  	s28 =	simm.s32 $_size_execute0_lowered;
	s2 =	sadd.s32 s2, s4;
	[dreg:$0x0] =	wrdreg $0x0  }
0xa8: {  	s4 =	sshll.u32 s28, $0x1;
	[dreg:$0x2] =	wrdreg s2  }
0xa9: {  	[dreg:$0x3] =	wrdreg s4  }
0xaa: {  	[dreg:$0x4] =	wrdreg $0xC0  }
0xab: {  	_ =	task [dreg:s6], $0x5FFFF  }
0xac: {  	[dreg:$0x1] =	wrdreg $0xFFFFFFFF  }
0xad: {  	[dreg:$0x0] =	wrdreg $0x60  }
0xae: {  	[dreg:$0x2] =	wrdreg s24  }
0xaf: {  	[dreg:$0x3] =	wrdreg $0xA8000  }
0xb0: {  	[dreg:$0x4] =	wrdreg $0x9  }
0xb1: {  	_ =	task.clear_ibuf [dreg:s6], $0x5FFFF;
	_ =	strace $0x9000004F  }
0xb2: {  	s29 =	simm.s32 $0x9;
	_ =	strace $0x80000051  }
0xb3: {  	_ =	swait.ge [sflag:s29], $0x1  }
0xb4: {  	[sflag:s29] =	ssyncadd.s32 $0xFFFFFFFF  }
0xb5: {  	_ =	strace $0x90000051  }
0xb6: {  	_ =	sfence  }
0xb7: {  	s30 =	sld [smem:$0x0];
	_ =	sdelay $0x2  }
0xb8: {  	s31 =	sshll.u32 s1, $0xD;
	s1 =	sshrl.u32 s1, $0x2  }
0xb9: {  	s3 =	sand.u32 $0x4000, s31;
	s1 =	sadd.s32 s1, s30  }
0xba: {  	s0 =	sor.u32 s3, s0;
	s1 =	sshll.u32 s1, $0x11  }
0xbb: {  	s0 =	sor.u32 s1, s0  }
0xbc: {  	s0 =	sadd.s32 $0x8F2B, s0  }
0xbd: {  	[sflag:s0] =	ssyncadd.remote.s32 $0x1  }
0xbe: {  	_ =	sfence.sel $0xFFFF  }
0xbf: {  	[dreg:$0x0] =	wrdreg $0xFFFFFFFF;
	(pc) =	sbr.abs _section_cstart, $3  }
0xc0: {  	[dreg:$0x1] =	wrdreg $0xFFFFFFFF  }
0xc1: {  	_ =	task.clear_ibuf [dreg:s6], $0x2FFFF;
	_ =	strace $0x9FFFFFFF  }
0xc2: {  	(tm) =	ssettm $0x7FFFFFFF  }
0xc3: {  	_ =	shalt  }
tec
execute0_lowered:
.L_overlay_start_1:
0x0: {  	(tag) =	ssettag $0x1  }
0x1: {  	s0 =	srdreg.scid;
	s7 =	rddreg [dreg:$0x0]  }
0x2: {  	s2 =	rddreg [dreg:$0x1];
	s3 =	simm.s32 $0x0;
	s17 =	simm.s32 $0x80  }
0x3: {  	s18 =	simm.s32 $0x2800;
	s19 =	simm.s32 $0x6800;
	s20 =	simm.s32 $0x1  }
0x4: {  	s21 =	simm.s32 $0x2;
	s22 =	simm.s32 $0x3;
	s23 =	simm.s32 $0x0  }
0x5: {  	s6 =	sand.u32 $0x1, s0;
	s0 =	stileid.u32;
	[smem:$0x7FF] =	sst s3  }
0x6: {  	s4 =	sadd.s32 $0x3E00, s7;
	s5 =	sadd.s32 $0x67E00, s7;
	s9 =	smul.u32 $0x14000, s0  }
0x7: {  	s1 =	sshll.u32 s6, $0x4;
	s11 =	smul.u32 $0x140000, s6;
	s28 =	ssub.s32 $0x2, s6  }
0x8: {  	s13 =	smul.u32 $0x50000, s0;
	s6 =	sadd.s32 $0x387E00, s7;
	s31 =	sshll.u32 s0, $0x6  }
0x9: {  	s10 =	sor.u32 s0, s1;
	s1 =	rddreg [dreg:$0x2];
	_ =	strace $0x80000050  }
0xa: {  	s29 =	sshrl.u32 s28, $0x1;
	s8 =	smul.u32 $0x280, s10;
	s12 =	sshrl.u32 s9, $0x3  }
0xb: {  	s9 =	sadd.s32 s9, s11;
	s15 =	ssub.s32 s28, s29;
	s30 =	sshrl.u32 s13, $0x2  }
0xc: {  	s10 =	smul.u32 $0xA0000, s10;
	s13 =	simm.s32 $0x4;
	s12 =	sadd.s32 s12, s7  }
0xd: {  	s9 =	sshrl.u32 s9, $0x3;
	s16 =	sadd.s32 s30, s2;
	s8 =	sadd.s32 s8, s7  }
0xe: {  	s14 =	sadd.s32 s9, s7;
	s9 =	sadd.s32 $0x3FE00, s12;
	s12 =	smax.u32 s15, $0x1  }
0xf: {  	s15 =	sor.u32 $0x1C04, s31;
	s16 =	sshrl.u32 s16, $0x3;
	s7 =	sadd.s32 $0x35E00, s8  }
0x10: {  	v0 =	vimm.f32 $0.0e+00;
	s8 =	sadd.s32 $0x3AE00, s8;
	s11 =	sadd.s32 $0x8FE00, s14;
	s14 =	simm.s32 $0x1400  }
.LBB2_1:
0x11: {  	[tilespmem:s3], [sflag:$0x4] =	stream.linear.gather [hbm4b:s7+s3], $0x1400, $0x38;
	[tilespmem:$0x1E800] =	vst v63  }
0x12: {  	_ =	swait.ge [sflag:s13], $0x1400  }
0x13: {  	[sflag:s13] =	ssyncset.done $0x0  }
0x14: {  	[sflag:s13] =	ssyncadd.s32 $0xFFFFEC00  }
0x15: {  	[tilespmem:s14], [sflag:$0x4] =	stream.linear.gather [hbm4b:s8+s3], $0x1400, $0x38;
	[tilespmem:$0x1E800] =	vst v63  }
0x16: {  	_ =	swait.ge [sflag:s13], $0x1400  }
0x17: {  	[sflag:s13] =	ssyncset.done $0x0  }
0x18: {  	[sflag:s13] =	ssyncadd.s32 $0xFFFFEC00  }
0x19: {  	[spmem:s16], [sflag:s15] =	dma.local [hbm:s9], $0x2800  }
0x1a: {  	_ =	swait.ge [sflag:s13], $0x2800  }
0x1b: {  	[sflag:s13] =	ssyncset.done $0x0  }
0x1c: {  	[sflag:s13] =	ssyncadd.s32 $0xFFFFD800  }
0x1d: {  	s24 =	simm.s32 $0x0;
	[bflag:$0x0] =	sbarrier.arrive $0xFFFF  }
.LBB2_2:
0x1e: {  	s26 =	sshll.u32 s24, $0x7  }
0x1f: {  	[tilespmem:s18], [sflag:$0x1] =	stream.indirect.gather [hbm4b:s4+s17], $0x80, s26, s17, $0xb8;
	[tilespmem:$0x1E800] =	vst v63  }
0x20: {  	s25 =	sadd.s32 $0x1400, s26  }
0x21: {  	[tilespmem:s19], [sflag:$0x2] =	stream.indirect.gather [hbm4b:s5+s17], $0x80, s25, s17, $0xb8;
	[tilespmem:$0x1E800] =	vst v63  }
0x22: {  	_ =	swait.ge [sflag:s20], $0x4000  }
0x23: {  	[sflag:s20] =	ssyncset.done $0x0  }
0x24: {  	[sflag:s20] =	ssyncadd.s32 $0xFFFFC000  }
0x25: {  	_ =	swait.ge [sflag:s21], $0x4000  }
0x26: {  	[sflag:s21] =	ssyncset.done $0x0  }
0x27: {  	s28 =	simm.s32 $0x0;
	[sflag:s21] =	ssyncadd.s32 $0xFFFFC000  }
0x28: {  	v1 =	vld [tilespmem:s28+$0x6870]  }
0x29: {  	v2 =	vld [tilespmem:s28+$0x2870]  }
0x2a: {  	v4 =	vld [tilespmem:s28+$0x6860]  }
0x2b: {  	v5 =	vld [tilespmem:s28+$0x2860]  }
0x2c: {  	v8 =	vld [tilespmem:s28+$0x6850]  }
0x2d: {  	v9 =	vld [tilespmem:s28+$0x2850]  }
0x2e: {  	v10 =	vld [tilespmem:s28+$0x6840]  }
0x2f: {  	v3 =	vld [tilespmem:s28+$0x6810]  }
0x30: {  	v12 =	vld [tilespmem:s28+$0x2840]  }
0x31: {  	v6 =	vld [tilespmem:s28+$0x2810];
	v11 =	vadd.f32 v1, v2;
	v2 =	vadd.f32 v4, v5  }
0x32: {  	v7 =	vld [tilespmem:s28+$0x6820];
	v9 =	vadd.f32 v8, v9  }
0x33: {  	v1 =	vld [tilespmem:s28+$0x2820];
	[tilespmem:s28+$0x2870] =	vst v11;
	vm0 =	vge.f32 v2, $-4.054650960e-01  }
0x34: {  	v4 =	vld [tilespmem:s28+$0x6800];
	vm15 =	vge.f32 v9, $-4.054650960e-01;
	[tilespmem:s28+$0x2850] =	vst v9;
	v5 =	vsel vm0, $0x3F800000, v0  }
0x35: {  	v8 =	vld [tilespmem:s28+$0x2800];
	vm1 =	vge.f32 v11, $-4.054650960e-01;
	v11 =	vsel vm15, $0x3F800000, v0;
	[tilespmem:s28+$0x6860] =	vst v5  }
0x36: {  	s29 =	simm.s32 $0x200;
	v10 =	vadd.f32 v10, v12;
	v9 =	vsel vm1, $0x3F800000, v0;
	v5 =	vld [tilespmem:s28+$0x2830];
	[tilespmem:s28+$0x6850] =	vst v11  }
.LBB2_3:
0x37: {  	s30 =	sshra.s32 s29, $0x2;
	p0 =	sne.s32 s29, $0xFE00;
	s29 =	sadd.s32 $0x200, s29;
	v11 =	vld [tilespmem:s28+$0x6830];
	[tilespmem:s28+$0x6870] =	vst v9  }
0x38: {  	v9 =	vld [tilespmem:s30+$0x6870];
	v3 =	vadd.f32 v3, v6;
	[tilespmem:s28+$0x2840] =	vst v10;
	vm0 =	vge.f32 v10, $-4.054650960e-01  }
0x39: {  	v6 =	vld [tilespmem:s30+$0x2870];
	v1 =	vadd.f32 v7, v1;
	[tilespmem:s28+$0x2860] =	vst v2  }
0x3a: {  	v2 =	vld [tilespmem:s30+$0x6860];
	v4 =	vadd.f32 v4, v8;
	[tilespmem:s28+$0x2810] =	vst v3;
	vm1 =	vge.f32 v3, $-4.054650960e-01;
	v3 =	vsel vm0, $0x3F800000, v0  }
0x3b: {  	v7 =	vld [tilespmem:s30+$0x2860];
	v8 =	vsel vm1, $0x3F800000, v0;
	[tilespmem:s28+$0x2820] =	vst v1;
	vm0 =	vge.f32 v1, $-4.054650960e-01  }
0x3c: {  	v10 =	vld [tilespmem:s30+$0x6850];
	vm1 =	vge.f32 v4, $-4.054650960e-01;
	v5 =	vadd.f32 v11, v5;
	[tilespmem:s28+$0x6840] =	vst v3  }
0x3d: {  	v11 =	vld [tilespmem:s30+$0x2850];
	v1 =	vsel vm1, $0x3F800000, v0;
	[tilespmem:s28+$0x6810] =	vst v8  }
0x3e: {  	v12 =	vld [tilespmem:s30+$0x6840];
	v6 =	vadd.f32 v9, v6;
	[tilespmem:s28+$0x6800] =	vst v1;
	v1 =	vsel vm0, $0x3F800000, v0;
	vm0 =	vge.f32 v5, $-4.054650960e-01  }
0x3f: {  	v3 =	vld [tilespmem:s30+$0x6810];
	[tilespmem:s28+$0x6820] =	vst v1;
	v8 =	vsel vm0, $0x3F800000, v0  }
0x40: {  	v1 =	vld [tilespmem:s30+$0x2820];
	v2 =	vadd.f32 v2, v7;
	[tilespmem:s30+$0x2870] =	vst v6;
	vm0 =	vge.f32 v6, $-4.054650960e-01  }
0x41: {  	v13 =	vld [tilespmem:s30+$0x2840];
	[tilespmem:s28+$0x2800] =	vst v4  }
.Ltmp0:
0x42: {  	v9 =	vsel vm0, $0x3F800000, v0;
	v4 =	vld [tilespmem:s30+$0x6800];
	v10 =	vadd.f32 v10, v11;
	vm1 =	vge.f32 v2, $-4.054650960e-01;
	[tilespmem:s28+$0x6830] =	vst v8;
	(pc) =	sbr.rel @p0 .LBB2_3-.Ltmp0, $4  }
0x43: {  	v6 =	vld [tilespmem:s30+$0x2810];
	v8 =	vsel vm1, $0x3F800000, v0;
	[tilespmem:s28+$0x2830] =	vst v5;
	s28 =	smov.u32 s30  }
0x44: {  	v7 =	vld [tilespmem:s28+$0x6820];
	vm0 =	vge.f32 v10, $-4.054650960e-01;
	[tilespmem:s28+$0x6860] =	vst v8  }
0x45: {  	v8 =	vld [tilespmem:s28+$0x2800];
	[tilespmem:s28+$0x2850] =	vst v10;
	v11 =	vsel vm0, $0x3F800000, v0  }
0x46: {  	v5 =	vld [tilespmem:s28+$0x2830];
	v10 =	vadd.f32 v12, v13;
	[tilespmem:s28+$0x6850] =	vst v11  }
0x47: {  	[tilespmem:s28+$0x6870] =	vst v9  }
0x48: {  	[tilespmem:s28+$0x2860] =	vst v2;
	v3 =	vadd.f32 v3, v6  }
0x49: {  	v11 =	vld [tilespmem:s28+$0x6830];
	[tilespmem:s28+$0x2840] =	vst v10;
	v1 =	vadd.f32 v7, v1  }
0x4a: {  	vm0 =	vge.f32 v10, $-4.054650960e-01;
	[tilespmem:s28+$0x2810] =	vst v3  }
0x4b: {  	v2 =	vadd.f32 v4, v8;
	vm1 =	vge.f32 v3, $-4.054650960e-01;
	v3 =	vsel vm0, $0x3F800000, v0;
	[tilespmem:s28+$0x2820] =	vst v1  }
0x4c: {  	v63 =	vsel vm1, $0x3F800000, v0;
	[tilespmem:s28+$0x6840] =	vst v3  }
0x4d: {  	vm13 =	vge.f32 v2, $-4.054650960e-01;
	[tilespmem:s28+$0x6810] =	vst v63  }
0x4e: {  	vm14 =	vge.f32 v1, $-4.054650960e-01;
	v1 =	vadd.f32 v11, v5;
	[tilespmem:s28+$0x2800] =	vst v2;
	v3 =	vsel vm13, $0x3F800000, v0  }
0x4f: {  	s29 =	sshll.u32 s24, $0xE;
	[tilespmem:s28+$0x6800] =	vst v3  }
0x50: {  	s29 =	sadd.s32 s10, s29;
	v3 =	vsel vm14, $0x3F800000, v0;
	vm15 =	vge.f32 v1, $-4.054650960e-01;
	[tilespmem:s28+$0x2830] =	vst v1  }
0x51: {  	s29 =	sshrl.u32 s29, $0x3;
	[tilespmem:s28+$0x6820] =	vst v3;
	v3 =	vsel vm15, $0x3F800000, v0  }
0x52: {  	s31 =	sadd.s32 s6, s29;
	[tilespmem:s28+$0x6830] =	vst v3  }
0x53: {  	[hbm4b:s31+s3] =	stream.linear.scatter [tilespmem:s18], [sflag:$0x3], $0x4000, $0x38;
	[tilespmem:$0x1E800] =	vst v63  }
0x54: {  	_ = 	snop  }
0x55: {  	[spmem:s2] =	stream.indirect.scatter.add.f32 [tilespmem:s19], [sflag:$0x4], $0x80, s26, s17, $0xb8;
	[tilespmem:$0x1E800] =	vst v63  }
0x56: {  	_ =	swait.ge [sflag:s13], $0x4000  }
0x57: {  	[sflag:s13] =	ssyncset.done $0x0  }
0x58: {  	s24 =	sadd.s32 $0x1, s24;
	[sflag:s13] =	ssyncadd.s32 $0xFFFFC000  }
0x59: {  	[spmem:s2] =	stream.indirect.scatter.add.f32 [tilespmem:s19], [sflag:$0x4], $0x80, s25, s17, $0xb8;
	[tilespmem:$0x1E800] =	vst v63  }
0x5a: {  	p0 =	sne.s32 s24, $0x28;
	_ =	swait.ge [sflag:s13], $0x4000  }
.Ltmp1:
0x5b: {  	[sflag:s13] =	ssyncset.done $0x0;
	(pc) =	sbr.rel @p0 .LBB2_2-.Ltmp1, $4  }
0x5c: {  	[sflag:s13] =	ssyncadd.s32 $0xFFFFC000  }
0x5d: {  	_ =	swait.ge [sflag:s22], $0x4000  }
0x5e: {  	[sflag:s22] =	ssyncset.done $0x0  }
0x5f: {  	[sflag:s22] =	ssyncadd.s32 $0xFFFFC000  }
0x60: {  	s23 =	sadd.s32 $0x1, s23  }
0x61: {  	p0 =	sne.s32 s23, s12  }
.Ltmp2:
0x62: {  	[bflag:$0x0] =	sbarrier.arrive $0xFFFF;
	(pc) =	sbr.rel @p0 .LBB2_1-.Ltmp2, $4  }
0x63: {  	[hbm:s11], [sflag:s15] =	dma.local [spmem:s16], $0x2800  }
0x64: {  	_ =	swait.ge [sflag:s13], $0x2800  }
0x65: {  	[sflag:s13] =	ssyncset.done $0x0  }
0x66: {  	[sflag:s13] =	ssyncadd.s32 $0xFFFFD800  }
0x67: {  	_ =	sfence.sel $0x180000  }
0x68: {  	[bflag:$0x0] =	sbarrier.arrive $0xFFFF  }
0x69: {  	p0 =	sne.s32 s0, $0x0;
	_ =	strace $0x90000050  }
0x6a: {  	s0 =	sadd.s32 @!p0 $0x100000, s1;
	[bflag:$0x2] =	sbarrier.arrive $0xFFFF  }
0x6b: {  	[sflag:s0] =	ssyncadd.tile.s32 @!p0 $0x1;
	_ =	shalt  }
.Lfunc_end2:
_tile_overlayer_lowered:
.L_overlay_start_2:
0x6c: {  	(tag) =	ssettag $0x2  }
0x6d: {  	s0 =	rddreg [dreg:$0x0];
	s2 =	stileid.u32  }
0x6e: {  	s1 =	rddreg [dreg:$0x1];
	p0 =	sne.s32 s2, $0x0  }
0x6f: {  	s3 =	rddreg [dreg:$0x2];
	[bflag:$0x3] =	sbarrier.arrive $0xFFFF;
	s2 =	simm.s32 @!p0 $0x1C04  }
0x70: {  	[timem:s3], [sflag:s2] =	dma.local @!p0 [hbm:s0], s1  }
0x71: {  	s0 =	simm.s32 @!p0 $0x4  }
0x72: {  	_ =	swait.ge @!p0 [sflag:s0], s1  }
0x73: {  	s1 =	ssub.s32 @!p0 $0x0, s1;
	[sflag:s0] =	ssyncset.done @!p0 $0x0  }
0x74: {  	[sflag:s0] =	ssyncadd.s32 @!p0 s1  }
0x75: {  	[bflag:$0x3] =	sbarrier.arrive $0xFFFF  }
0x76: {  	_ =	shalt  }

// kernel: kernel.24.cloned.1.call-start
scs
__scs_entry_jumppad:
0x0: {  	(pc) =	sbr.rel $0x88, $3  }
0x1: {  	(tag) =	ssettag $0x0;
	lr =	simm.s32 $0x1  }
0x2: {  	[smem:$0x3F8F] =	sst lr;
	_ =	strace $0xD0000000  }
0x3: {  	_ = 	snop  }
0x4: {  	_ = 	snop  }
0x5: {  	_ = 	snop  }
0x6: {  	_ = 	snop  }
0x7: {  	_ = 	snop  }
__scs_overlays_trampoline_lowered:
0x8: {  	[smem:$0x3F9E] =	sst s0  }
0x9: {  	[smem:$0x3F9F] =	sst s1  }
0xa: {  	[smem:$0x3FA0] =	sst s2  }
0xb: {  	[smem:$0x3FA1] =	sst s3  }
0xc: {  	[smem:$0x3FA2] =	sst s4  }
0xd: {  	[smem:$0x3FA3] =	sst s5  }
0xe: {  	[smem:$0x3FA4] =	sst s6  }
0xf: {  	[smem:$0x3FA5] =	sst s7  }
0x10: {  	[smem:$0x3FA6] =	sst s8  }
0x11: {  	[smem:$0x3FA7] =	sst s9;
	s0 =	simm.s32 @!p0 $0x0  }
0x12: {  	s1 =	sld [smem:$0x3F8D];
	s0 =	simm.s32 @p0 $0x1  }
0x13: {  	[smem:$0x3FA8] =	sst s0;
	s0 =	simm.s32 @!p1 $0x0  }
0x14: {  	s2 =	sld [smem:$0x3F8C];
	s0 =	simm.s32 @p1 $0x1  }
0x15: {  	[smem:$0x3FA9] =	sst s0;
	s0 =	simm.s32 @!p2 $0x0  }
0x16: {  	s3 =	sld [smem:$0x3FDB];
	s0 =	simm.s32 @p2 $0x1  }
0x17: {  	s4 =	simm.s32 $0x1BF5;
	[smem:$0x3FAB] =	sst s0  }
0x18: {  	s0 =	sld [smem:$0x3F8E];
	_ =	swait.ge [sflag:s4], $0x0  }
0x19: {  	s7 =	sld [smem:$0x3F8F]  }
0x1a: {  	s8 =	sadd.s32 $0xFFFFE003, lr  }
0x1b: {  	s9 =	sadd.s32 $0xFFFFFEF7, lr;
	s5 =	simm.s32 $0xFFFFFFFF;
	p2 =	slt.u32 s8, $0xFFFFF086  }
0x1c: {  	p1 =	slt.u32 s9, $0xF7A;
	s5 =	simm.s32 @!p2 $0x0  }
0x1d: {  	s5 =	simm.s32 @p1 $0x1;
	p0 =	seq.s32 s7, s2  }
0x1e: {  	s7 =	smul.u32 @!p0 $0xF7A, s2;
	p2 =	seq.s32 @!p0 s5, $0x0  }
0x1f: {  	s9 =	smul.u32 $0xF7A, s1;
	s8 =	simm.s32 @!p0 $0x1BF5;
	p2 =	por !p2, p0  }
0x20: {  	[sflag:s8] =	ssyncset.s32 @!p0 $0xFFFFF086;
	s6 =	sadd.s32 @!p0 s3, s7;
	s7 =	simm.s32 @!p0 $0x108  }
0x21: {  	s3 =	sadd.s32 s3, s9;
	s6 =	sadd.s32 @!p0 $0x88, s6;
	s7 =	simm.s32 @p2 $0x1082  }
0x22: {  	[simem:s7], [sflag:s8] =	dma.local @!p0 [hbm:s6], $0xF7A  }
0x23: {  	s9 =	sor.u32 $0xD0000000, s2;
	s6 =	simm.s32 $0x108;
	_ =	swait.ge @!p0 [sflag:s8], $0x0  }
0x24: {  	s3 =	sadd.s32 $0x88, s3;
	s6 =	simm.s32 @!p1 $0x1082;
	[sflag:s4] =	ssyncset.s32 $0xFFFFF086  }
0x25: {  	[simem:s6], [sflag:s4] =	dma.local [hbm:s3], $0xF7A  }
0x26: {  	[smem:$0x3F8F] =	sst s1;
	(tag) =	ssettag s2;
	_ =	strace s9  }
0x27: {  	s1 =	sld [smem:$0x3F9F]  }
0x28: {  	s2 =	sld [smem:$0x3FA0]  }
0x29: {  	s4 =	sld [smem:$0x3FA2]  }
0x2a: {  	p0 =	seq.s32 s5, $0x0;
	s5 =	sld [smem:$0x3FA3]  }
0x2b: {  	s6 =	sld [smem:$0x3FA4]  }
0x2c: {  	s7 =	sld [smem:$0x3FA5]  }
0x2d: {  	s3 =	simm.s32 $0x108;
	s8 =	sld [smem:$0x3FA6]  }
0x2e: {  	s3 =	simm.s32 @!p0 $0x1082;
	s9 =	sld [smem:$0x3FA7]  }
0x2f: {  	lr =	sadd.s32 s0, s3;
	s0 =	sld [smem:$0x3F9E]  }
0x30: {  	s3 =	sld [smem:$0x3FA1]  }
0x31: {  	[smem:$0x3FAA] =	sst s10  }
0x32: {  	s10 =	sld [smem:$0x3FA8];
	_ =	sdelay $0x3  }
0x33: {  	p0 =	seq.s32 s10, $0x1;
	s10 =	sld [smem:$0x3FAA];
	_ =	sdelay $0x3  }
0x34: {  	[smem:$0x3FAA] =	sst s10  }
0x35: {  	s10 =	sld [smem:$0x3FA9];
	_ =	sdelay $0x3  }
0x36: {  	p1 =	seq.s32 s10, $0x1;
	s10 =	sld [smem:$0x3FAA];
	_ =	sdelay $0x3  }
0x37: {  	[smem:$0x3FAA] =	sst s10  }
0x38: {  	s10 =	sld [smem:$0x3FAB]  }
0x39: {  	_ = 	snop;
	(pc) =	sbr.ind lr, $3  }
0x3a: {  	_ = 	snop  }
0x3b: {  	_ = 	snop  }
0x3c: {  	p2 =	seq.s32 s10, $0x1;
	s10 =	sld [smem:$0x3FAA]  }
0x3d: {  	_ =	shalt  }
0x3e: {  	_ =	shalt  }
0x3f: {  	_ =	shalt  }
0x40: {  	_ =	shalt  }
0x41: {  	_ =	shalt  }
0x42: {  	_ =	shalt  }
0x43: {  	_ =	shalt  }
0x44: {  	_ =	shalt  }
0x45: {  	_ =	shalt  }
0x46: {  	_ =	shalt  }
0x47: {  	_ =	shalt  }
0x48: {  	_ =	shalt  }
0x49: {  	_ =	shalt  }
0x4a: {  	_ =	shalt  }
0x4b: {  	_ =	shalt  }
0x4c: {  	_ =	shalt  }
0x4d: {  	_ =	shalt  }
0x4e: {  	_ =	shalt  }
0x4f: {  	_ =	shalt  }
0x50: {  	_ =	shalt  }
0x51: {  	_ =	shalt  }
0x52: {  	_ =	shalt  }
0x53: {  	_ =	shalt  }
0x54: {  	_ =	shalt  }
0x55: {  	_ =	shalt  }
0x56: {  	_ =	shalt  }
0x57: {  	_ =	shalt  }
0x58: {  	_ =	shalt  }
0x59: {  	_ =	shalt  }
0x5a: {  	_ =	shalt  }
0x5b: {  	_ =	shalt  }
0x5c: {  	_ =	shalt  }
0x5d: {  	_ =	shalt  }
0x5e: {  	_ =	shalt  }
0x5f: {  	_ =	shalt  }
0x60: {  	_ =	shalt  }
0x61: {  	_ =	shalt  }
0x62: {  	_ =	shalt  }
0x63: {  	_ =	shalt  }
0x64: {  	_ =	shalt  }
0x65: {  	_ =	shalt  }
0x66: {  	_ =	shalt  }
0x67: {  	_ =	shalt  }
0x68: {  	_ =	shalt  }
0x69: {  	_ =	shalt  }
0x6a: {  	_ =	shalt  }
0x6b: {  	_ =	shalt  }
0x6c: {  	_ =	shalt  }
0x6d: {  	_ =	shalt  }
0x6e: {  	_ =	shalt  }
0x6f: {  	_ =	shalt  }
0x70: {  	_ =	shalt  }
0x71: {  	_ =	shalt  }
0x72: {  	_ =	shalt  }
0x73: {  	_ =	shalt  }
0x74: {  	_ =	shalt  }
0x75: {  	_ =	shalt  }
0x76: {  	_ =	shalt  }
0x77: {  	_ =	shalt  }
0x78: {  	_ =	shalt  }
0x79: {  	_ =	shalt  }
0x7a: {  	_ =	shalt  }
0x7b: {  	_ =	shalt  }
0x7c: {  	_ =	shalt  }
0x7d: {  	_ =	shalt  }
0x7e: {  	_ =	shalt  }
0x7f: {  	_ =	shalt  }
0x80: {  	_ =	shalt  }
0x81: {  	_ =	shalt  }
0x82: {  	_ =	shalt  }
0x83: {  	_ =	shalt  }
0x84: {  	_ =	shalt  }
0x85: {  	_ =	shalt  }
0x86: {  	_ =	shalt  }
0x87: {  	_ =	shalt  }
.Lfunc_end0:
.L_simem_size_0:
called_computation.7_lowered:
.L_overlay_start_0:
0x88: {  	s2 =	sld [smem:$0x3FD9]  }
0x89: {  	s3 =	sld [smem:$0x3FFE];
	_ =	sdelay $0x1  }
0x8a: {  	s1 =	srdreg.scid  }
0x8b: {  	s0 =	sand.u32 $0x1, s1  }
0x8c: {  	s16 =	sshll.u32 s0, $0xA;
	s2 =	sadd.s32 s3, s2  }
0x8d: {  	s2 =	sadd.s32 s2, s16  }
0x8e: {  	[smem:$0x3FB6] =	sst s2  }
0x8f: {  	_ = 	snop  }
0x90: {  	(tm) =	ssettm $0x1  }
0x91: {  	s17 =	sld [smem:$0x3FFB];
	_ =	sdelay $0x3  }
0x92: {  	_ =	strace s17  }
0x93: {  	s2 =	sld [smem:$0x3FFC];
	_ =	sdelay $0x3  }
0x94: {  	_ =	strace s2  }
0x95: {  	s2 =	sld [smem:$0x3FFD];
	_ =	sdelay $0x3  }
0x96: {  	_ =	strace s2  }
0x97: {  	_ =	strace $0x8FFFFFFF  }
0x98: {  	s18 =	sld [smem:$0x3FDB];
	_ =	sdelay $0x1  }
0x99: {  	s19 =	simm.s32 $_scs_section_size  }
0x9a: {  	s4 =	simm.s32 $_size__tile_overlayer_lowered;
	s5 =	simm.s32 $_tile_overlayer_lowered  }
0x9b: {  	s22 =	simm.s32 $0x1BFF;
	s21 =	sshll.u32 s5, $0x1;
	s2 =	sadd.s32 s19, s18  }
0x9c: {  	s6 =	simm.s32 $0x0;
	s20 =	sshll.u32 s4, $0x1;
	s4 =	sadd.s32 s21, s2  }
0x9d: {  	[timem:s6], [sflag:s22] =	dma.local [hbm:s4], s20  }
0x9e: {  	_ =	swait.ge [sflag:s22], s20  }
0x9f: {  	s3 =	ssub.s32 $0x0, s20;
	[sflag:s22] =	ssyncset.done $0x0  }
0xa0: {  	[sflag:s22] =	ssyncadd.s32 s3;
	_ =	sdelay $0x1  }
0xa1: {  	s23 =	simm.s32 $0x1B8B  }
0xa2: {  	_ =	swait.ge [sflag:s23], $0x1  }
0xa3: {  	[sflag:s23] =	ssyncset.done $0x0  }
0xa4: {  	s25 =	simm.s32 $0x1B8E;
	s24 =	sld [smem:$0x3FFE];
	[sflag:s23] =	ssyncadd.s32 $0xFFFFFFFF  }
0xa5: {  	s26 =	simm.s32 $execute0_lowered;
	[smem:$0x3FD2] =	sst s25  }
0xa6: {  	s4 =	sshll.u32 s26, $0x1;
	_ =	strace $0x80000055;
	[dreg:$0x1] =	wrdreg $0xFFFFFFFF  }
0xa7: {  	s28 =	simm.s32 $_size_execute0_lowered;
	s2 =	sadd.s32 s2, s4;
	[dreg:$0x0] =	wrdreg $0x0  }
0xa8: {  	s4 =	sshll.u32 s28, $0x1;
	[dreg:$0x2] =	wrdreg s2  }
0xa9: {  	[dreg:$0x3] =	wrdreg s4  }
0xaa: {  	[dreg:$0x4] =	wrdreg $0xC0  }
0xab: {  	_ =	task [dreg:s6], $0x5FFFF  }
0xac: {  	[dreg:$0x1] =	wrdreg $0xFFFFFFFF  }
0xad: {  	[dreg:$0x0] =	wrdreg $0x60  }
0xae: {  	[dreg:$0x2] =	wrdreg s24  }
0xaf: {  	[dreg:$0x3] =	wrdreg $0x9  }
0xb0: {  	_ =	task.clear_ibuf [dreg:s6], $0x4FFFF;
	_ =	strace $0x90000055  }
0xb1: {  	s29 =	simm.s32 $0x9;
	_ =	strace $0x80000057  }
0xb2: {  	_ =	swait.ge [sflag:s29], $0x1  }
0xb3: {  	[sflag:s29] =	ssyncadd.s32 $0xFFFFFFFF  }
0xb4: {  	_ =	strace $0x90000057  }
0xb5: {  	_ =	sfence  }
0xb6: {  	s30 =	sld [smem:$0x0];
	_ =	sdelay $0x2  }
0xb7: {  	s31 =	sshll.u32 s1, $0xD;
	s1 =	sshrl.u32 s1, $0x2  }
0xb8: {  	s3 =	sand.u32 $0x4000, s31;
	s1 =	sadd.s32 s1, s30  }
0xb9: {  	s0 =	sor.u32 s3, s0;
	s1 =	sshll.u32 s1, $0x11  }
0xba: {  	s0 =	sor.u32 s1, s0  }
0xbb: {  	s0 =	sadd.s32 $0x8F2B, s0  }
0xbc: {  	[sflag:s0] =	ssyncadd.remote.s32 $0x1  }
0xbd: {  	_ =	sfence.sel $0xFFFF  }
0xbe: {  	[dreg:$0x0] =	wrdreg $0xFFFFFFFF;
	(pc) =	sbr.abs _section_cstart, $3  }
0xbf: {  	[dreg:$0x1] =	wrdreg $0xFFFFFFFF  }
0xc0: {  	_ =	task.clear_ibuf [dreg:s6], $0x2FFFF;
	_ =	strace $0x9FFFFFFF  }
0xc1: {  	(tm) =	ssettm $0x7FFFFFFF  }
tec
execute0_lowered:
.L_overlay_start_1:
0x0: {  	(tag) =	ssettag $0x1  }
0x1: {  	s4 =	rddreg [dreg:$0x0];
	s1 =	srdreg.scid  }
0x2: {  	s0 =	rddreg [dreg:$0x1];
	s2 =	simm.s32 $0x0;
	s9 =	simm.s32 $0x1400  }
0x3: {  	s10 =	simm.s32 $0x1;
	s11 =	simm.s32 $0x0;
	s3 =	sand.u32 $0x1, s1  }
0x4: {  	s1 =	stileid.u32;
	s5 =	sshll.u32 s3, $0x4;
	s6 =	smul.u32 $0xA00000, s3  }
0x5: {  	[smem:$0x7FF] =	sst s2;
	s7 =	smul.u32 $0xA0000, s1;
	s5 =	sor.u32 s1, s5  }
0x6: {  	_ =	strace $0x80000056;
	s8 =	ssub.s32 $0x2, s3;
	s5 =	smul.u32 $0x280, s5  }
0x7: {  	s3 =	sadd.s32 $0xDFE00, s4;
	s31 =	sshrl.u32 s8, $0x1;
	s6 =	sadd.s32 s7, s6  }
0x8: {  	s7 =	ssub.s32 s8, s31;
	s6 =	sshrl.u32 s6, $0x3;
	s5 =	sadd.s32 s5, s4  }
0x9: {  	s8 =	simm.s32 $0x80;
	s6 =	sadd.s32 s6, s4;
	s4 =	sadd.s32 $0x3AE00, s5  }
0xa: {  	s5 =	smax.u32 s7, $0x1;
	s6 =	sadd.s32 $0x387E00, s6;
	s7 =	simm.s32 $0x2  }
.LBB2_1:
0xb: {  	[tilespmem:s2], [sflag:$0x2] =	stream.linear.gather [hbm4b:s4+s2], $0x1400, $0x38;
	[tilespmem:$0x5400] =	vst v63  }
0xc: {  	_ =	swait.ge [sflag:s7], $0x1400  }
0xd: {  	[sflag:s7] =	ssyncset.done $0x0  }
0xe: {  	s12 =	simm.s32 $0x0;
	[sflag:s7] =	ssyncadd.s32 $0xFFFFEC00  }
0xf: {  	[tilespmem:s9], [sflag:$0x1] =	stream.indirect.gather [hbm4b:s3+s8], $0x80, s12, s8, $0xb8;
	[tilespmem:$0x5400] =	vst v63  }
0x10: {  	_ =	swait.ge [sflag:s10], $0x4000  }
0x11: {  	[sflag:s10] =	ssyncset.done $0x0  }
0x12: {  	[sflag:s10] =	ssyncadd.s32 $0xFFFFC000  }
0x13: {  	[hbm4b:s6+s2] =	stream.linear.scatter [tilespmem:s9], [sflag:$0x2], $0x4000, $0x38;
	[tilespmem:$0x5400] =	vst v63  }
0x14: {  	s13 =	simm.s32 $0x200;
	_ =	swait.ge [sflag:s7], $0x4000  }
0x15: {  	s14 =	simm.s32 $0x400;
	s12 =	sadd.s32 $0x800, s6;
	[sflag:s7] =	ssyncset.done $0x0  }
.LBB2_2:
0x16: {  	s15 =	sshra.s32 s13, $0x2  }
0x17: {  	[sflag:s7] =	ssyncadd.s32 $0xFFFFC000;
	s13 =	smov.u32 s14;
	s16 =	sadd.s32 $0x200, s14  }
0x18: {  	[tilespmem:s9], [sflag:$0x1] =	stream.indirect.gather [hbm4b:s3+s8], $0x80, s15, s8, $0xb8;
	[tilespmem:$0x5400] =	vst v63  }
0x19: {  	p0 =	sne.s32 s14, $0x4E00;
	_ =	swait.ge [sflag:s10], $0x4000  }
.Ltmp0:
0x1a: {  	[sflag:s10] =	ssyncset.done $0x0;
	(pc) =	sbr.rel @p0 .LBB2_2-.Ltmp0, $4  }
0x1b: {  	[sflag:s10] =	ssyncadd.s32 $0xFFFFC000  }
0x1c: {  	[hbm4b:s12+s2] =	stream.linear.scatter [tilespmem:s9], [sflag:$0x2], $0x4000, $0x38;
	[tilespmem:$0x5400] =	vst v63  }
0x1d: {  	_ =	swait.ge [sflag:s7], $0x4000  }
0x1e: {  	s14 =	smov.u32 s16;
	s12 =	sadd.s32 $0x800, s12;
	[sflag:s7] =	ssyncset.done $0x0  }
0x1f: {  	s13 =	sshra.s32 s13, $0x2;
	[sflag:s7] =	ssyncadd.s32 $0xFFFFC000  }
0x20: {  	[tilespmem:s9], [sflag:$0x1] =	stream.indirect.gather [hbm4b:s3+s8], $0x80, s13, s8, $0xb8;
	[tilespmem:$0x5400] =	vst v63  }
0x21: {  	s11 =	sadd.s32 $0x1, s11;
	_ =	swait.ge [sflag:s10], $0x4000  }
0x22: {  	p0 =	sne.s32 s11, s5;
	[sflag:s10] =	ssyncset.done $0x0  }
.Ltmp1:
0x23: {  	[sflag:s10] =	ssyncadd.s32 $0xFFFFC000;
	(pc) =	sbr.rel @p0 .LBB2_1-.Ltmp1, $4  }
0x24: {  	[hbm4b:s12+s2] =	stream.linear.scatter [tilespmem:s9], [sflag:$0x2], $0x4000, $0x38;
	[tilespmem:$0x5400] =	vst v63  }
0x25: {  	_ =	swait.ge [sflag:s7], $0x4000  }
0x26: {  	[sflag:s7] =	ssyncset.done $0x0  }
0x27: {  	[sflag:s7] =	ssyncadd.s32 $0xFFFFC000  }
0x28: {  	_ =	sfence.sel $0x180000  }
0x29: {  	[bflag:$0x0] =	sbarrier.arrive $0xFFFF  }
0x2a: {  	p0 =	sne.s32 s1, $0x0;
	_ =	strace $0x90000056  }
0x2b: {  	s0 =	sadd.s32 @!p0 $0x100000, s0;
	[bflag:$0x2] =	sbarrier.arrive $0xFFFF  }
0x2c: {  	[sflag:s0] =	ssyncadd.tile.s32 @!p0 $0x1;
	_ =	shalt  }
.Lfunc_end2:
_tile_overlayer_lowered:
.L_overlay_start_2:
0x2d: {  	(tag) =	ssettag $0x2  }
0x2e: {  	s0 =	rddreg [dreg:$0x0];
	s2 =	stileid.u32  }
0x2f: {  	s1 =	rddreg [dreg:$0x1];
	p0 =	sne.s32 s2, $0x0  }
0x30: {  	s3 =	rddreg [dreg:$0x2];
	[bflag:$0x3] =	sbarrier.arrive $0xFFFF;
	s2 =	simm.s32 @!p0 $0x1C02  }
0x31: {  	[timem:s3], [sflag:s2] =	dma.local @!p0 [hbm:s0], s1  }
0x32: {  	s0 =	simm.s32 @!p0 $0x2  }
0x33: {  	_ =	swait.ge @!p0 [sflag:s0], s1  }
0x34: {  	s1 =	ssub.s32 @!p0 $0x0, s1;
	[sflag:s0] =	ssyncset.done @!p0 $0x0  }
0x35: {  	[sflag:s0] =	ssyncadd.s32 @!p0 s1  }
0x36: {  	[bflag:$0x3] =	sbarrier.arrive $0xFFFF  }
0x37: {  	_ =	shalt  }

// kernel: scatter_offload_async_start.1
scs
__scs_entry_jumppad:
0x0: {  	(pc) =	sbr.rel $0x88, $3  }
0x1: {  	(tag) =	ssettag $0x0;
	lr =	simm.s32 $0x1  }
0x2: {  	[smem:$0x3F8F] =	sst lr;
	_ =	strace $0xD0000000  }
0x3: {  	_ = 	snop  }
0x4: {  	_ = 	snop  }
0x5: {  	_ = 	snop  }
0x6: {  	_ = 	snop  }
0x7: {  	_ = 	snop  }
__scs_overlays_trampoline_lowered:
0x8: {  	[smem:$0x3F9E] =	sst s0  }
0x9: {  	[smem:$0x3F9F] =	sst s1  }
0xa: {  	[smem:$0x3FA0] =	sst s2  }
0xb: {  	[smem:$0x3FA1] =	sst s3  }
0xc: {  	[smem:$0x3FA2] =	sst s4  }
0xd: {  	[smem:$0x3FA3] =	sst s5  }
0xe: {  	[smem:$0x3FA4] =	sst s6  }
0xf: {  	[smem:$0x3FA5] =	sst s7  }
0x10: {  	[smem:$0x3FA6] =	sst s8  }
0x11: {  	[smem:$0x3FA7] =	sst s9;
	s0 =	simm.s32 @!p0 $0x0  }
0x12: {  	s1 =	sld [smem:$0x3F8D];
	s0 =	simm.s32 @p0 $0x1  }
0x13: {  	[smem:$0x3FA8] =	sst s0;
	s0 =	simm.s32 @!p1 $0x0  }
0x14: {  	s2 =	sld [smem:$0x3F8C];
	s0 =	simm.s32 @p1 $0x1  }
0x15: {  	[smem:$0x3FA9] =	sst s0;
	s0 =	simm.s32 @!p2 $0x0  }
0x16: {  	s3 =	sld [smem:$0x3FDB];
	s0 =	simm.s32 @p2 $0x1  }
0x17: {  	s4 =	simm.s32 $0x1BF5;
	[smem:$0x3FAB] =	sst s0  }
0x18: {  	s0 =	sld [smem:$0x3F8E];
	_ =	swait.ge [sflag:s4], $0x0  }
0x19: {  	s7 =	sld [smem:$0x3F8F]  }
0x1a: {  	s8 =	sadd.s32 $0xFFFFE003, lr  }
0x1b: {  	s9 =	sadd.s32 $0xFFFFFEF7, lr;
	s5 =	simm.s32 $0xFFFFFFFF;
	p2 =	slt.u32 s8, $0xFFFFF086  }
0x1c: {  	p1 =	slt.u32 s9, $0xF7A;
	s5 =	simm.s32 @!p2 $0x0  }
0x1d: {  	s5 =	simm.s32 @p1 $0x1;
	p0 =	seq.s32 s7, s2  }
0x1e: {  	s7 =	smul.u32 @!p0 $0xF7A, s2;
	p2 =	seq.s32 @!p0 s5, $0x0  }
0x1f: {  	s9 =	smul.u32 $0xF7A, s1;
	s8 =	simm.s32 @!p0 $0x1BF5;
	p2 =	por !p2, p0  }
0x20: {  	[sflag:s8] =	ssyncset.s32 @!p0 $0xFFFFF086;
	s6 =	sadd.s32 @!p0 s3, s7;
	s7 =	simm.s32 @!p0 $0x108  }
0x21: {  	s3 =	sadd.s32 s3, s9;
	s6 =	sadd.s32 @!p0 $0x88, s6;
	s7 =	simm.s32 @p2 $0x1082  }
0x22: {  	[simem:s7], [sflag:s8] =	dma.local @!p0 [hbm:s6], $0xF7A  }
0x23: {  	s9 =	sor.u32 $0xD0000000, s2;
	s6 =	simm.s32 $0x108;
	_ =	swait.ge @!p0 [sflag:s8], $0x0  }
0x24: {  	s3 =	sadd.s32 $0x88, s3;
	s6 =	simm.s32 @!p1 $0x1082;
	[sflag:s4] =	ssyncset.s32 $0xFFFFF086  }
0x25: {  	[simem:s6], [sflag:s4] =	dma.local [hbm:s3], $0xF7A  }
0x26: {  	[smem:$0x3F8F] =	sst s1;
	(tag) =	ssettag s2;
	_ =	strace s9  }
0x27: {  	s1 =	sld [smem:$0x3F9F]  }
0x28: {  	s2 =	sld [smem:$0x3FA0]  }
0x29: {  	s4 =	sld [smem:$0x3FA2]  }
0x2a: {  	p0 =	seq.s32 s5, $0x0;
	s5 =	sld [smem:$0x3FA3]  }
0x2b: {  	s6 =	sld [smem:$0x3FA4]  }
0x2c: {  	s7 =	sld [smem:$0x3FA5]  }
0x2d: {  	s3 =	simm.s32 $0x108;
	s8 =	sld [smem:$0x3FA6]  }
0x2e: {  	s3 =	simm.s32 @!p0 $0x1082;
	s9 =	sld [smem:$0x3FA7]  }
0x2f: {  	lr =	sadd.s32 s0, s3;
	s0 =	sld [smem:$0x3F9E]  }
0x30: {  	s3 =	sld [smem:$0x3FA1]  }
0x31: {  	[smem:$0x3FAA] =	sst s10  }
0x32: {  	s10 =	sld [smem:$0x3FA8];
	_ =	sdelay $0x3  }
0x33: {  	p0 =	seq.s32 s10, $0x1;
	s10 =	sld [smem:$0x3FAA];
	_ =	sdelay $0x3  }
0x34: {  	[smem:$0x3FAA] =	sst s10  }
0x35: {  	s10 =	sld [smem:$0x3FA9];
	_ =	sdelay $0x3  }
0x36: {  	p1 =	seq.s32 s10, $0x1;
	s10 =	sld [smem:$0x3FAA];
	_ =	sdelay $0x3  }
0x37: {  	[smem:$0x3FAA] =	sst s10  }
0x38: {  	s10 =	sld [smem:$0x3FAB]  }
0x39: {  	_ = 	snop;
	(pc) =	sbr.ind lr, $3  }
0x3a: {  	_ = 	snop  }
0x3b: {  	_ = 	snop  }
0x3c: {  	p2 =	seq.s32 s10, $0x1;
	s10 =	sld [smem:$0x3FAA]  }
0x3d: {  	_ =	shalt  }
0x3e: {  	_ =	shalt  }
0x3f: {  	_ =	shalt  }
0x40: {  	_ =	shalt  }
0x41: {  	_ =	shalt  }
0x42: {  	_ =	shalt  }
0x43: {  	_ =	shalt  }
0x44: {  	_ =	shalt  }
0x45: {  	_ =	shalt  }
0x46: {  	_ =	shalt  }
0x47: {  	_ =	shalt  }
0x48: {  	_ =	shalt  }
0x49: {  	_ =	shalt  }
0x4a: {  	_ =	shalt  }
0x4b: {  	_ =	shalt  }
0x4c: {  	_ =	shalt  }
0x4d: {  	_ =	shalt  }
0x4e: {  	_ =	shalt  }
0x4f: {  	_ =	shalt  }
0x50: {  	_ =	shalt  }
0x51: {  	_ =	shalt  }
0x52: {  	_ =	shalt  }
0x53: {  	_ =	shalt  }
0x54: {  	_ =	shalt  }
0x55: {  	_ =	shalt  }
0x56: {  	_ =	shalt  }
0x57: {  	_ =	shalt  }
0x58: {  	_ =	shalt  }
0x59: {  	_ =	shalt  }
0x5a: {  	_ =	shalt  }
0x5b: {  	_ =	shalt  }
0x5c: {  	_ =	shalt  }
0x5d: {  	_ =	shalt  }
0x5e: {  	_ =	shalt  }
0x5f: {  	_ =	shalt  }
0x60: {  	_ =	shalt  }
0x61: {  	_ =	shalt  }
0x62: {  	_ =	shalt  }
0x63: {  	_ =	shalt  }
0x64: {  	_ =	shalt  }
0x65: {  	_ =	shalt  }
0x66: {  	_ =	shalt  }
0x67: {  	_ =	shalt  }
0x68: {  	_ =	shalt  }
0x69: {  	_ =	shalt  }
0x6a: {  	_ =	shalt  }
0x6b: {  	_ =	shalt  }
0x6c: {  	_ =	shalt  }
0x6d: {  	_ =	shalt  }
0x6e: {  	_ =	shalt  }
0x6f: {  	_ =	shalt  }
0x70: {  	_ =	shalt  }
0x71: {  	_ =	shalt  }
0x72: {  	_ =	shalt  }
0x73: {  	_ =	shalt  }
0x74: {  	_ =	shalt  }
0x75: {  	_ =	shalt  }
0x76: {  	_ =	shalt  }
0x77: {  	_ =	shalt  }
0x78: {  	_ =	shalt  }
0x79: {  	_ =	shalt  }
0x7a: {  	_ =	shalt  }
0x7b: {  	_ =	shalt  }
0x7c: {  	_ =	shalt  }
0x7d: {  	_ =	shalt  }
0x7e: {  	_ =	shalt  }
0x7f: {  	_ =	shalt  }
0x80: {  	_ =	shalt  }
0x81: {  	_ =	shalt  }
0x82: {  	_ =	shalt  }
0x83: {  	_ =	shalt  }
0x84: {  	_ =	shalt  }
0x85: {  	_ =	shalt  }
0x86: {  	_ =	shalt  }
0x87: {  	_ =	shalt  }
.Lfunc_end0:
.L_simem_size_0:
called_computation.1_lowered:
.L_overlay_start_0:
0x88: {  	s0 =	sld [smem:$0x3FD9]  }
0x89: {  	s1 =	sld [smem:$0x3FFE];
	_ =	sdelay $0x3  }
0x8a: {  	s0 =	sadd.s32 s1, s0  }
0x8b: {  	[smem:$0x3FB6] =	sst s0  }
0x8c: {  	_ = 	snop  }
0x8d: {  	(tm) =	ssettm $0x1  }
0x8e: {  	s15 =	sld [smem:$0x3FFB];
	_ =	sdelay $0x3  }
0x8f: {  	_ =	strace s15  }
0x90: {  	s0 =	sld [smem:$0x3FFC];
	_ =	sdelay $0x3  }
0x91: {  	_ =	strace s0  }
0x92: {  	s0 =	sld [smem:$0x3FFD];
	_ =	sdelay $0x3  }
0x93: {  	_ =	strace s0  }
0x94: {  	_ =	strace $0x8FFFFFFF  }
0x95: {  	s16 =	sld [smem:$0x3FDB];
	_ =	sdelay $0x1  }
0x96: {  	s17 =	simm.s32 $_scs_section_size  }
0x97: {  	s2 =	simm.s32 $_size__tile_overlayer_lowered;
	s3 =	simm.s32 $_tile_overlayer_lowered  }
0x98: {  	s20 =	simm.s32 $0x1BFF;
	s19 =	sshll.u32 s3, $0x1;
	s0 =	sadd.s32 s17, s16  }
0x99: {  	s4 =	simm.s32 $0x0;
	s18 =	sshll.u32 s2, $0x1;
	s2 =	sadd.s32 s19, s0  }
0x9a: {  	[timem:s4], [sflag:s20] =	dma.local [hbm:s2], s18  }
0x9b: {  	_ =	swait.ge [sflag:s20], s18  }
0x9c: {  	s1 =	ssub.s32 $0x0, s18;
	[sflag:s20] =	ssyncset.done $0x0  }
0x9d: {  	[sflag:s20] =	ssyncadd.s32 s1;
	_ =	sdelay $0x1  }
0x9e: {  	s21 =	simm.s32 $0x1B8B  }
0x9f: {  	_ =	swait.ge [sflag:s21], $0x1  }
0xa0: {  	[sflag:s21] =	ssyncset.done $0x0  }
0xa1: {  	s23 =	simm.s32 $0x1B8E;
	s22 =	sld [smem:$0x3FFE];
	[sflag:s21] =	ssyncadd.s32 $0xFFFFFFFF  }
0xa2: {  	s24 =	simm.s32 $execute0_lowered;
	[smem:$0x3FD2] =	sst s23  }
0xa3: {  	s2 =	sshll.u32 s24, $0x1;
	_ =	strace $0x80000058;
	[dreg:$0x1] =	wrdreg $0xFFFFFFFF  }
0xa4: {  	s25 =	simm.s32 $_size_execute0_lowered;
	s0 =	sadd.s32 s0, s2;
	[dreg:$0x0] =	wrdreg $0x0  }
0xa5: {  	s2 =	sshll.u32 s25, $0x1;
	[dreg:$0x2] =	wrdreg s0  }
0xa6: {  	[dreg:$0x3] =	wrdreg s2  }
0xa7: {  	[dreg:$0x4] =	wrdreg $0xC0  }
0xa8: {  	_ =	task [dreg:s4], $0x5FFFF  }
0xa9: {  	[dreg:$0x1] =	wrdreg $0xFFFFFFFF  }
0xaa: {  	[dreg:$0x0] =	wrdreg $0x60  }
0xab: {  	[dreg:$0x2] =	wrdreg s22  }
0xac: {  	[dreg:$0x3] =	wrdreg $0x9  }
0xad: {  	_ =	task.clear_ibuf [dreg:s4], $0x4FFFF;
	_ =	strace $0x90000058  }
0xae: {  	s26 =	simm.s32 $0x9;
	_ =	strace $0x8000005A  }
0xaf: {  	_ =	swait.ge [sflag:s26], $0x1  }
0xb0: {  	[sflag:s26] =	ssyncadd.s32 $0xFFFFFFFF  }
0xb1: {  	_ =	strace $0x9000005A  }
0xb2: {  	_ =	sfence  }
0xb3: {  	s28 =	sld [smem:$0x0];
	_ =	sdelay $0x1  }
0xb4: {  	s29 =	srdreg.scid  }
0xb5: {  	s30 =	sshll.u32 s29, $0xD;
	s31 =	sshrl.u32 s29, $0x2  }
0xb6: {  	s1 =	sand.u32 $0x1, s29;
	s2 =	sand.u32 $0x4000, s30;
	s0 =	sadd.s32 s31, s28  }
0xb7: {  	s1 =	sor.u32 s2, s1;
	s0 =	sshll.u32 s0, $0x11  }
0xb8: {  	s0 =	sor.u32 s0, s1  }
0xb9: {  	s0 =	sadd.s32 $0x8F2B, s0  }
0xba: {  	[sflag:s0] =	ssyncadd.remote.s32 $0x1  }
0xbb: {  	_ =	sfence.sel $0xFFFF  }
0xbc: {  	[dreg:$0x0] =	wrdreg $0xFFFFFFFF;
	(pc) =	sbr.abs _section_cstart, $3  }
0xbd: {  	[dreg:$0x1] =	wrdreg $0xFFFFFFFF  }
0xbe: {  	_ =	task.clear_ibuf [dreg:s4], $0x2FFFF;
	_ =	strace $0x9FFFFFFF  }
0xbf: {  	(tm) =	ssettm $0x7FFFFFFF  }
tec
execute0_lowered:
.L_overlay_start_1:
0x0: {  	(tag) =	ssettag $0x1  }
0x1: {  	s0 =	rddreg [dreg:$0x0];
	_ =	strace $0x80000059;
	s2 =	simm.s32 $0x1  }
0x2: {  	v1 =	vimm.s32 $0xFFFFFFFF;
	[sflag:s2] =	ssyncpa.u1 $0x0  }
0x3: {  	s14 =	stileid.u32;
	[tilespmem:$0x10] =	vst v1  }
0x4: {  	v0 =	vimm.s32 $0x7FFFFFFF;
	s1 =	smin.u32 s14, $0x4;
	[tilespmem:$0x20] =	vst v1  }
0x5: {  	s1 =	sadd.s32 s14, s1;
	[tilespmem:$0x30] =	vst v0  }
0x6: {  	p0 =	slt.u32 s14, $0x4;
	[tilespmem:$0x40] =	vst v0;
	s3 =	smul.u32 $0x1F40, s1;
	s1 =	simm.s32 $0x3E80  }
0x7: {  	[tilespmem:$0x50] =	vst v0;
	s1 =	simm.s32 @!p0 $0x1F40  }
0x8: {  	[tilespmem:$0x60] =	vst v1;
	s1 =	sadd.s32 s1, s3  }
0x9: {  	s7 =	simm.s32 $0x2;
	s8 =	simm.s32 $0x8;
	[tilespmem:$0x70] =	vst v1;
	s4 =	smin.u32 s1, $0x27100  }
0xa: {  	s31 =	simm.s32 $0x9;
	s16 =	simm.s32 $0x0;
	[tilespmem:$0x80] =	vst v1;
	s6 =	ssub.s32 s4, s3  }
0xb: {  	s17 =	simm.s32 $0xF0;
	s18 =	simm.s32 $0xFFFFFFFF;
	v1 =	vimm.s32 $0x0;
	[tilespmem:$0xB0] =	vst v0;
	p0 =	sgt.s32 s6, $0x0  }
0xc: {  	s19 =	simm.s32 $0xFFFFC280;
	s20 =	simm.s32 $0xFFFFFFFE;
	[tilespmem:$0x90] =	vst v1;
	s6 =	simm.s32 @!p0 $0x0  }
0xd: {  	[tilespmem:$0xA0] =	vst v1;
	[sflag:s7] =	ssyncpa.u1 $0x0;
	s7 =	simm.s32 $0x7;
	s5 =	smulhi.u32 $0x10624DD3, s6  }
0xe: {  	s21 =	simm.s32 $0xF;
	s25 =	simm.s32 $0x0;
	[sflag:s7] =	ssyncpa.u1 $0x0  }
0xf: {  	s24 =	simm.s32 $0x0;
	[sflag:s8] =	ssyncpa.u1 $0x0;
	s9 =	sshrl.u32 s5, $0x9  }
0x10: {  	s23 =	smov.u32 s3;
	s1 =	sadd.s32 $0x22E00, s0;
	s10 =	smul.u32 $0x1F40, s9  }
.Ltmp0:
0x11: {  	s5 =	sadd.s32 $0x3E00, s0;
	s0 =	sadd.s32 $0x1DE00, s0;
	(pc) =	sbr.rel .LBB2_1-.Ltmp0, $4  }
0x12: {  	[sflag:s31] =	ssyncpa.u1 $0x0;
	[dreg:$0x2] =	wrdreg s0;
	p0 =	sne.s32 s6, s10  }
0x13: {  	s10 =	sshll.u32 s14, $0x1;
	s14 =	sshllo.u32 s14, $0x1;
	s2 =	simm.s32 @!p0 $0x0  }
0x14: {  	vm0 =	vmmov $0xffff;
	v2 =	vlaneseq.u32;
	s13 =	sor.u32 $0x81, s10;
	s15 =	sor.u32 $0x80, s10;
	s9 =	sadd.s32 s2, s9  }
0x15: {  	vm1 =	vmxor vm1, vm1;
	vm2 =	vmmov $0x1;
	vm3 =	vcmask $0x3F3C;
	p0 =	por $0x0, $0x0;
	s11 =	sadd.s32 $0x1, s9;
	s12 =	sadd.s32 $0x2, s9  }
.LBB2_9:
0x16: {  	p1 =	slt.u32 s24, $0x3  }
0x17: {  	s0 =	simm.s32 @!p1 $0x2  }
0x18: {  	_ =	swait.ge @!p1 [sflag:s0], $0x1F40  }
0x19: {  	[sflag:s0] =	ssyncset.done @!p1 $0x0  }
0x1a: {  	[sflag:s0] =	ssyncadd.s32 @!p1 $0xFFFFE0C0;
	s0 =	simm.s32 @!p1 $0x9  }
0x1b: {  	_ =	swait.ge @!p1 [sflag:s0], $0x10  }
0x1c: {  	[sflag:s0] =	ssyncset.done @!p1 $0x0  }
0x1d: {  	[sflag:s0] =	ssyncadd.s32 @!p1 $0xFFFFFFF0;
	p1 =	sne.s32 s24, s12  }
.Ltmp1:
0x1e: {  	s2 =	sadd.s32 $0x1F40, s23;
	(pc) =	sbr.rel @!p1 .LBB2_10-.Ltmp1, $4  }
0x1f: {  	s6 =	smov.u32 s3;
	s31 =	sadd.s32 $0x1, s24;
	s17 =	sadd.s32 $0x1F40, s17  }
0x20: {  	s18 =	sadd.s32 $0x1, s18;
	s25 =	smov.u32 s23;
	p2 =	slt.s32 s2, s4  }
0x21: {  	p0 =	por !p0, !p0;
	s19 =	sadd.s32 $0x1F40, s19;
	s6 =	smov.u32 @p2 s2  }
0x22: {  	s20 =	sadd.s32 $0x1, s20;
	s23 =	smov.u32 s6;
	s24 =	smov.u32 s31  }
.LBB2_1:
0x23: {  	p1 =	sge.u32 s24, s9  }
0x24: {  	s0 =	smulhi.u32 @!p1 $0xAAAAAAAB, s24;
	_ =	sdelay $0x1  }
0x25: {  	s0 =	sshrl.u32 @!p1 s0, $0x1  }
0x26: {  	s0 =	smul.u32 @!p1 $0x3, s0;
	_ =	sdelay $0x1  }
0x27: {  	s0 =	ssub.s32 @!p1 s24, s0  }
0x28: {  	s0 =	smul.u32 @!p1 $0x7D00, s0;
	_ =	sdelay $0x1  }
0x29: {  	s2 =	sshrl.u32 @!p1 s23, $0x3;
	s0 =	sshrl.u32 @!p1 s0, $0x2  }
0x2a: {  	s6 =	sand.u32 @!p1 $0x7, s23;
	s2 =	sadd.s32 @!p1 s5, s2;
	s0 =	sadd.s32 @!p1 $0x100, s0  }
0x2b: {  	[tilespmem:s0], [sflag:$0x7] =	stream.linear.gather @!p1 [hbm4b:s2+s6], $0x1F40, $0x38;
	[tilespmem:$0x11A60] =	vst v63  }
0x2c: {  	s0 =	sadd.s32 $0xFFFFFFFF, s24  }
0x2d: {  	p1 =	sge.u32 s0, s9  }
.Ltmp2:
0x2e: {  	_ = 	snop;
	(pc) =	sbr.rel @p1 .LBB2_5-.Ltmp2, $1  }
0x2f: {  	_ =	sdelay $0x3  }
0x30: {  	s2 =	smulhi.u32 $0xAAAAAAAB, s0;
	_ =	sdelay $0x1  }
0x31: {  	s2 =	sshrl.u32 s2, $0x1  }
0x32: {  	s2 =	smul.u32 $0x3, s2;
	_ =	sdelay $0x1  }
0x33: {  	s2 =	ssub.s32 s0, s2  }
0x34: {  	s2 =	smul.u32 $0x7D00, s2  }
0x35: {  	_ =	swait.ge [sflag:s7], $0x1F40  }
0x36: {  	[sflag:s7] =	ssyncset.done $0x0;
	s2 =	sshrl.u32 s2, $0x2  }
0x37: {  	[sflag:s7] =	ssyncadd.s32 $0xFFFFE0C0;
	(ifvalue) =	ssetifvalue $0xFFFFFFFF;
	v3 =	vld.msk [tilespmem:s2+$0x100 ss:$0x1], $0xffff;
	_ =	sdelay $0x2  }
0x38: {  	s30 =	smulhi.u32 $0xAAAAAAAB, s18;
	p1 =	sne.s32 s24, $0x1  }
0x39: {  	v4 =	vimm.s32 @!p1 $0x0  }
0x3a: {  	s2 =	sshrl.u32 s30, $0x1;
	v4 =	vperm.xlane @!p1 v3, v4  }
0x3b: {  	s6 =	sshll.u32 s24, $0x4;
	s2 =	smul.u32 $0xFFFE8900, s2;
	vm4 =	vlt.u32 v3, $0x2800  }
0x3c: {  	s6 =	sand.u32 $0x10, s6;
	v3 =	vnsel vm4, $0xFFFFFFFE, v3;
	vm4 =	vlt.u32 @!p1 v4, $0x2800  }
0x3d: {  	s2 =	sshra.s32 s2, $0x2;
	[tilespmem:s6+$0x60] =	vst v3;
	v3 =	vnsel @!p1 vm4, $0xFFFFFFFE, v4  }
0x3e: {  	s26 =	sadd.s32 s2, s17;
	[tilespmem:$0x80] =	vst @!p1 v3  }
0x3f: {  	v3 =	vld.msk [tilespmem:s26+$0x0 ss:$0x1], $0xffff;
	_ =	sdelay $0x4  }
0x40: {  	(xrf1) =	vunique.msk.u32 $0xffff, v3;
	_ =	sdelay $0xd  }
0x41: {  	v4 =	vimm.s32 $0xFFFFFFFF;
	v5, _, _ =	vpop (xrf1)  }
0x42: {  	vm5 =	vne.s32 v3, v4;
	vm4 =	veq.s32 v5, v2  }
0x43: {  	vm6 =	vlt.u32 v3, $0x2800;
	vm4 =	vmand vm5, vm4  }
0x44: {  	vm4 =	vmand vm6, vm4  }
0x45: {  	v4 =	vnsel vm4, $0xFFFFFFFF, v3  }
0x46: {  	s31 =	sand.u32 $0x1, s0  }
0x47: {  	s0 =	simm.s32 $0x1F40;
	p1 =	seq.s32 s31, $0x1  }
0x48: {  	s0 =	simm.s32 @!p1 $0x0  }
0x49: {  	s2 =	sadd.s32 $0x7DF0, s0;
	(ifvalue) =	ssetifvalue $0xFFFFFFFF  }
0x4a: {  	v3 =	vperm.xlane v3, v1;
	[tilespmem:s2], [sflag:$0x8] =	stream.indirect_vreg.gather [hbm4b:s1+s16], $0x1, v4, vm0, $0x4038;
	v4 =	vnsel vm6, $0xFFFFFFFE, v4;
	[tilespmem:$0x11A60] =	vst v63  }
0x4b: {  	s22 =	sadd.s32 $0xFFFFFFF0, s26;
	s6 =	simm.s32 $0x0;
	[tilespmem:s26+$0x0] =	vst v4  }
.LBB2_3:
0x4c: {  	v4 =	vld.msk [tilespmem:s22+$0x0 ss:$0x1], $0xffff;
	s6 =	sadd.s32 $0x10, s6;
	v5 =	vmov v3;
	s26 =	smov.u32 s22  }
0x4d: {  	p1 =	slt.u32 s6, $0x1F30;
	_ =	sdelay $0x4  }
0x4e: {  	v3 =	vperm.xlane v4, v1;
	(xrf1) =	vunique.msk.u32 $0xffff, v4;
	_ =	sdelay $0xd  }
0x4f: {  	v6, _, _ =	vpop (xrf1)  }
0x50: {  	vm5 =	vne.s32 v4, v5;
	vm4 =	veq.s32 v6, v2  }
0x51: {  	vm6 =	vlt.u32 v4, $0x2800;
	vm4 =	vmand vm5, vm4  }
0x52: {  	vm4 =	vmand vm6, vm4  }
0x53: {  	v4 =	vnsel vm4, $0xFFFFFFFF, v4  }
.Ltmp3:
0x54: {  	v5 =	vnsel vm6, $0xFFFFFFFE, v4;
	(pc) =	sbr.rel @p1 .LBB2_3-.Ltmp3, $3  }
0x55: {  	_ =	sdelay $0x1  }
0x56: {  	s22 =	sadd.s32 $0xFFFFFFF0, s22;
	s2 =	sadd.s32 $0xFFFFFFF0, s2;
	(ifvalue) =	ssetifvalue $0xFFFFFFFF  }
0x57: {  	[tilespmem:s2], [sflag:$0x8] =	stream.indirect_vreg.gather [hbm4b:s1+s16], $0x1, v4, vm0, $0x4038;
	[tilespmem:s26+$0x0] =	vst v5  }
0x58: {  	s2 =	sshrl.u32 s25, $0x3;
	s6 =	rddreg [dreg:$0x2]  }
0x59: {  	s0 =	sadd.s32 $0x9D40, s0;
	s2 =	sadd.s32 s6, s2  }
0x5a: {  	[tilespmem:s0], [sflag:$0x8] =	stream.linear.gather [hbm:s2], $0x1F40, $0x38;
	[tilespmem:$0x11A60] =	vst v63  }
.LBB2_5:
0x5b: {  	p1 =	slt.u32 s24, $0x2  }
0x5c: {  	p2 =	sge.u32 @!p1 s24, s12  }
0x5d: {  	p1 =	por p1, p2  }
.Ltmp4:
0x5e: {  	_ = 	snop;
	(pc) =	sbr.rel @p1 .LBB2_9-.Ltmp4, $1  }
0x5f: {  	_ =	sdelay $0x3  }
0x60: {  	s0 =	sadd.s32 $0xFFFFFFFE, s24  }
0x61: {  	s2 =	smulhi.u32 $0xAAAAAAAB, s0;
	_ =	sdelay $0x1  }
0x62: {  	s2 =	sshrl.u32 s2, $0x1  }
0x63: {  	s2 =	smul.u32 $0x3, s2;
	_ =	sdelay $0x1  }
0x64: {  	s0 =	ssub.s32 s0, s2  }
0x65: {  	_ =	swait.ge [sflag:s8], $0x3E80;
	s0 =	smul.u32 $0x1F40, s0  }
0x66: {  	p1 =	sne.s32 s24, s11;
	[sflag:s8] =	ssyncset.done $0x0  }
0x67: {  	[sflag:s8] =	ssyncadd.s32 $0xFFFFC180;
	s2 =	sadd.s32 @!p1 $0x203F, s0  }
0x68: {  	[spmem:s13] =	stream.linear.scatter @!p1 [tilespmem:s2], [sflag:$0x1], $0x1, $0x38;
	[tilespmem:$0x11A60] =	vst v63  }
0x69: {  	s2 =	simm.s32 @!p1 $0x1  }
0x6a: {  	_ =	swait.ge @!p1 [sflag:s2], $0x1  }
0x6b: {  	s6 =	sshll.u32 s24, $0x4;
	[sflag:s2] =	ssyncset.done @!p1 $0x0  }
0x6c: {  	s25 =	sand.u32 $0x10, s6;
	[sflag:s2] =	ssyncadd.s32 @!p1 $0xFFFFFFFF  }
0x6d: {  	s2 =	sxor.u32 $0x10, s25;
	v4 =	vld [tilespmem:s25+$0x10]  }
0x6e: {  	v5 =	vld [tilespmem:s2+$0x60]  }
0x6f: {  	v3 =	vld [tilespmem:$0x80];
	_ =	sdelay $0x2  }
0x70: {  	(v2sf) =	vpush v4, $0x0  }
0x71: {  	(v2sf) =	vpush v5, $0x0  }
0x72: {  	(v2sf) =	vpush v3, $0x0;
	_ =	sdelay $0xc  }
0x73: {  	s26 =	spop (v2sf)  }
0x74: {  	s22 =	spop (v2sf)  }
0x75: {  	s28 =	spop (v2sf)  }
0x76: {  	p3 =	seq.s32 s26, s22;
	p2 =	seq.s32 s28, s26  }
0x77: {  	p2 =	por p3, p2  }
0x78: {  	s26 =	sand.u32 $0x1, s24;
	v4 =	vpsel p2, $0xFFFFFFFF, v4  }
0x79: {  	s29 =	smul.u32 $0x1F40, s26;
	[tilespmem:s25+$0x10] =	vst.msk $0x1, v4  }
0x7a: {  	v4 =	vld [tilespmem:$0x30]  }
0x7b: {  	v5 =	vld [tilespmem:s29+$0x9D40]  }
0x7c: {  	v6 =	vld [tilespmem:s25+$0x40];
	_ =	sdelay $0x3  }
0x7d: {  	vm4 =	vmmov vm1;
	vm6 =	vmmov vm2;
	vm5 =	vlt.s32 v4, v5  }
0x7e: {  	vm4 =	vmmov @p3 vm2;
	s6 =	sshll.u32 s26, $0x4;
	v5 =	vsel vm5, v4, v5;
	vm5 =	vlt.s32 v4, v6  }
0x7f: {  	vm6 =	vmmov @p2 vm1;
	s26 =	sor.u32 $0x11A40, s6;
	v4 =	vsel vm5, v4, v6;
	[tilespmem:s29+$0x9D40] =	vst.msk vm4, v5  }
0x80: {  	[tilespmem:s26+$0x0] =	vst.msk vm6, v4  }
0x81: {  	v4 =	vld [tilespmem:s29+$0x7DF0];
	_ =	sdelay $0x4  }
0x82: {  	v4 =	vshift.insert v4, v1, s21  }
0x83: {  	s22 =	sor.u32 $0x40, s2  }
0x84: {  	v5 =	vimm.s32 $0x7FFFFFFF;
	[tilespmem:s22+$0x0] =	vst.msk $0x1, v4  }
0x85: {  	[tilespmem:s29+$0x7DFF] =	vst.msk $0x1, v5  }
0x86: {  	v4 =	vld [tilespmem:s0+$0x2030];
	_ =	sdelay $0x1  }
0x87: {  	s0 =	simm.s32 $0x1  }
0x88: {  	s22 =	smulhi.u32 $0xAAAAAAAB, s20;
	s0 =	simm.s32 @!p0 $0x0  }
0x89: {  	s0 =	smul.u32 $0x7D00, s0  }
0x8a: {  	s6 =	sshrl.u32 s22, $0x1;
	v4 =	vshift.insert v4, v1, s21  }
0x8b: {  	s6 =	smul.u32 $0xFFFE8900, s6;
	s0 =	sshrl.u32 s0, $0x2  }
0x8c: {  	s22 =	sadd.s32 $0x9D40, s0;
	[tilespmem:s2+$0x10] =	vst.msk $0x1, v4  }
0x8d: {  	s6 =	sshra.s32 s6, $0x2;
	v6 =	vld [tilespmem:s22+$0x0]  }
0x8e: {  	s2 =	sadd.s32 s6, s19  }
0x8f: {  	v7 =	vld [tilespmem:s2+$0x0];
	_ =	sdelay $0x2  }
0x90: {  	vm4 =	vlt.s32 v6, v5  }
0x91: {  	v5 =	vsel vm4, v6, v5  }
0x92: {  	vm4 =	vne.s32 v7, $0xFFFFFFFF;
	v5 =	vxor.u32 $0x80000000, v5  }
0x93: {  	(xrf0) =	vmin.seg.scan.u32 vm4, v5  }
0x94: {  	s6 =	sadd.s32 $0x5EC0, s0  }
0x95: {  	v8 =	vld [tilespmem:s6+$0x0]  }
0x96: {  	v6 =	vld [tilespmem:$0xA0];
	_ =	sdelay $0x2  }
0x97: {  	v5 =	vperm.xlane v4, v1;
	v9, _, _ =	vpop (xrf0)  }
0x98: {  	vm6 =	veq.s32 v7, v3;
	v9 =	vxor.u32 $0x80000000, v9  }
0x99: {  	vm8 =	veq.s32 v7, v5;
	vm5 =	veq.s32 v6, $0x1;
	vm7 =	vlt.s32 v9, v8  }
0x9a: {  	vm8 =	vmor vm8, vm6;
	v6 =	vsel vm7, v9, v8;
	vm7 =	vgt.u32 v7, $0xFFFFFFFD  }
0x9b: {  	v10 =	vld [tilespmem:$0x90];
	vm9 =	vmand vm4, vm3;
	vm4 =	vmor vm5, vm6;
	vm5 =	vmor vm8, vm7  }
0x9c: {  	v8 =	vsel vm5, $0xFFFFFFFF, v7;
	_ =	sdelay $0x1  }
0x9d: {  	s31 =	simm.s32 $0x0  }
0x9e: {  	s30 =	sadd.s32 $0xDBC0, s0;
	s0 =	sadd.s32 $0x10, s22;
	s2 =	sadd.s32 $0x10, s2;
	v11 =	vsel vm9, $0x7FFFFFFF, v9;
	v6 =	vsel vm6, v9, v6  }
0x9f: {  	s22 =	sadd.s32 $0x10, s30;
	s6 =	sadd.s32 $0x10, s6;
	[tilespmem:s30+$0x0] =	vst v6;
	v6 =	vsel vm6, v9, v10;
	v7 =	vshift.insert v11, v0, s21;
	(ifvalue) =	ssetifvalue $0xFFFFFFFF  }
.LBB2_7:
0xa0: {  	[hbm4b:s1+s16] =	stream.indirect_vreg.scatter [tilespmem:s30], [sflag:$0x2], $0x1, v8, vm0, $0x4038;
	[tilespmem:$0x11A60] =	vst v63  }
0xa1: {  	s31 =	sadd.s32 $0x10, s31;
	s30 =	smov.u32 s22;
	v8 =	vld [tilespmem:s0+$0x0]  }
0xa2: {  	p2 =	slt.u32 s31, $0x1F30  }
0xa3: {  	v9 =	vld [tilespmem:s2+$0x0];
	_ =	sdelay $0x2  }
0xa4: {  	vm5 =	vlt.s32 v8, v7  }
0xa5: {  	v7 =	vsel vm5, v8, v7  }
0xa6: {  	vm5 =	vne.s32 v9, $0xFFFFFFFF;
	v7 =	vxor.u32 $0x80000000, v7  }
0xa7: {  	(xrf0) =	vmin.seg.scan.u32 vm5, v7;
	_ =	sdelay $0x2  }
0xa8: {  	v7 =	vld [tilespmem:s6+$0x0];
	_ =	sdelay $0x1  }
0xa9: {  	vm6 =	veq.s32 v9, v3;
	vm7 =	veq.s32 v9, v5  }
0xaa: {  	vm8 =	vgt.u32 v9, $0xFFFFFFFD;
	vm4 =	vmor vm4, vm6;
	vm7 =	vmor vm7, vm6;
	v8, _, _ =	vpop (xrf0)  }
0xab: {  	vm5 =	vmand vm5, vm3;
	vm7 =	vmor vm7, vm8;
	v10 =	vxor.u32 $0x80000000, v8  }
.Ltmp5:
0xac: {  	v8 =	vsel vm7, $0xFFFFFFFF, v9;
	vm7 =	vlt.s32 v10, v7;
	v9 =	vsel vm5, $0x7FFFFFFF, v10;
	(pc) =	sbr.rel @p2 .LBB2_7-.Ltmp5, $4  }
0xad: {  	v6 =	vsel vm6, v10, v6;
	v11 =	vsel vm7, v10, v7;
	v7 =	vshift.insert v9, v0, s21  }
0xae: {  	v9 =	vsel vm6, v10, v11  }
0xaf: {  	s0 =	sadd.s32 $0x10, s0;
	s2 =	sadd.s32 $0x10, s2;
	[tilespmem:s22+$0x0] =	vst v9  }
0xb0: {  	s6 =	sadd.s32 $0x10, s6;
	s22 =	sadd.s32 $0x10, s22;
	(ifvalue) =	ssetifvalue $0xFFFFFFFF  }
0xb1: {  	_ =	sdelay $0x3  }
0xb2: {  	[hbm4b:s1+s16] =	stream.indirect_vreg.scatter [tilespmem:s30], [sflag:$0x2], $0x1, v8, vm0, $0x4038;
	[tilespmem:$0x11A60] =	vst v63  }
0xb3: {  	v3 =	vld [tilespmem:s29+$0xFAF0];
	_ =	sdelay $0x4  }
0xb4: {  	v3 =	vshift.insert v3, v1, s21  }
0xb5: {  	s0 =	simm.s32 $0x30  }
0xb6: {  	[tilespmem:s0+$0x0] =	vst.msk $0x1, v3  }
0xb7: {  	v3 =	vsel vm4, $0x1, v1;
	[tilespmem:$0x90] =	vst v6  }
0xb8: {  	s0 =	sadd.s32 @!p1 $0xFAFF, s29;
	[tilespmem:$0xA0] =	vst v3  }
0xb9: {  	[spmem:s14] =	stream.linear.scatter @!p1 [tilespmem:s0], [sflag:$0x1], $0x1, $0x38;
	[tilespmem:$0x11A60] =	vst v63  }
0xba: {  	s0 =	simm.s32 @!p1 $0x1  }
0xbb: {  	v3 =	vmctz.xlane @!p1 vm4;
	_ =	swait.ge @!p1 [sflag:s0], $0x1  }
0xbc: {  	(v2sf) =	vpush @!p1 v4, $0x0  }
0xbd: {  	(v2sf) =	vpush @!p1 v3, $0x0;
	_ =	sdelay $0xd  }
0xbe: {  	s2 =	spop @!p1 (v2sf)  }
0xbf: {  	s6 =	spop @!p1 (v2sf)  }
0xc0: {  	p2 =	sne.s32 @!p1 s28, s2;
	p3 =	slt.s32 @!p1 s6, $0xF  }
0xc1: {  	[sflag:s0] =	ssyncset.done @!p1 $0x0;
	p2 =	por p2, p1;
	p3 =	por !p3, p1  }
0xc2: {  	[sflag:s0] =	ssyncadd.s32 @!p1 $0xFFFFFFFF;
	v3 =	vimm.s32 @!p2 $0xFFFFFFFF;
	s6 =	simm.s32 @p3 $0xF  }
0xc3: {  	[tilespmem:$0x80] =	vst @!p2 v3;
	s2 =	sadd.s32 @!p1 $0x90, s6  }
0xc4: {  	[spmem:s10] =	stream.linear.scatter @!p1 [tilespmem:s2], [sflag:$0x1], $0x1, $0x38;
	[tilespmem:$0x11A60] =	vst v63  }
0xc5: {  	_ =	swait.ge @!p1 [sflag:s0], $0x1  }
0xc6: {  	[sflag:s0] =	ssyncset.done @!p1 $0x0  }
0xc7: {  	s2 =	simm.s32 @!p1 $0x80;
	[sflag:s0] =	ssyncadd.s32 @!p1 $0xFFFFFFFF  }
0xc8: {  	[spmem:s15] =	stream.linear.scatter @!p1 [tilespmem:s2], [sflag:$0x1], $0x1, $0x38;
	[tilespmem:$0x11A60] =	vst v63  }
0xc9: {  	_ =	swait.ge @!p1 [sflag:s0], $0x1  }
0xca: {  	[sflag:s0] =	ssyncset.done @!p1 $0x0  }
0xcb: {  	[sflag:s0] =	ssyncadd.s32 @!p1 $0xFFFFFFFF;
	(ifvalue) =	ssetifvalue $0xFFFFFFFF;
	v3 =	vld [tilespmem:s25+$0x10];
	_ =	sdelay $0x3  }
.Ltmp6:
0xcc: {  	_ = 	snop;
	(pc) =	sbr.rel .LBB2_9-.Ltmp6, $3  }
0xcd: {  	_ =	sdelay $0x1  }
0xce: {  	(ifvalue) =	ssetifvalue $0xFFFFFFFF  }
0xcf: {  	[hbm4b:s1+s16] =	stream.indirect_vreg.scatter [tilespmem:s26], [sflag:$0x9], $0x1, v3, vm0, $0x4038;
	[tilespmem:$0x11A60] =	vst v63  }
.LBB2_10:
0xd0: {  	_ =	sfence.sel $0x180000  }
0xd1: {  	s0 =	simm.s32 $0x7;
	[bflag:$0x0] =	sbarrier.arrive $0xFFFF  }
0xd2: {  	s26 =	simm.s32 $0x8;
	[sflag:s0] =	ssyncpa.u1 $0x1  }
0xd3: {  	s28 =	simm.s32 $0x9;
	[sflag:s26] =	ssyncpa.u1 $0x1  }
0xd4: {  	[sflag:s28] =	ssyncpa.u1 $0x1  }
0xd5: {  	_ =	sfence.stream.spmem  }
0xd6: {  	s29 =	simm.s32 $0x3;
	[bflag:$0x0] =	sbarrier.arrive $0xFFFF  }
0xd7: {  	s30 =	simm.s32 $0x4;
	[sflag:s29] =	ssyncpa.u1 $0x1  }
0xd8: {  	s31 =	simm.s32 $0x3C;
	s2 =	stileid.u32;
	[sflag:s30] =	ssyncpa.u1 $0x1  }
0xd9: {  	p0 =	sne.s32 s2, $0x0;
	[sflag:s31] =	ssyncpa.u1 $0x1  }
0xda: {  	s0 =	simm.s32 @p0 $0x1;
	_ =	sfence @p0  }
0xdb: {  	[sflag:s0] =	ssyncpa.u1 @p0 $0x1;
	s0 =	simm.s32 @p0 $0x2  }
0xdc: {  	[sflag:s0] =	ssyncpa.u1 @p0 $0x1  }
0xdd: {  	_ =	strace @p0 $0x90000059  }
0xde: {  	[bflag:$0x2] =	sbarrier.arrive @p0 $0xFFFF  }
0xdf: {  	_ =	shalt @p0  }
.LBB2_11:
0xe0: {  	_ =	sfence.stream.spmem;
	s0 =	simm.s32 $0x5  }
0xe1: {  	s2 =	simm.s32 $0x80;
	s3 =	simm.s32 $0xC0;
	[sflag:s0] =	ssyncpa.u1 $0x0  }
0xe2: {  	[tilespmem:s3], [sflag:$0x5] =	stream.linear.gather [spmem:s2], $0x20, $0x38;
	[tilespmem:$0x11A60] =	vst v63  }
0xe3: {  	s30 =	simm.s32 $0xE0;
	s2 =	simm.s32 $0x0  }
0xe4: {  	[tilespmem:s30], [sflag:$0x5] =	stream.linear.gather [spmem:s2], $0x20, $0x38;
	[tilespmem:$0x11A60] =	vst v63  }
.Ltmp7:
0xe5: {  	_ = 	snop;
	(pc) =	sbr.rel .LBB2_12-.Ltmp7, $4  }
0xe6: {  	_ =	swait.ge [sflag:s0], $0x40  }
0xe7: {  	[sflag:s0] =	ssyncset.done $0x0  }
0xe8: {  	s31 =	simm.s32 $0x6;
	[sflag:s0] =	ssyncadd.s32 $0xFFFFFFC0  }
0xe9: {  	s3 =	simm.s32 $0x0;
	[sflag:s31] =	ssyncpa.u1 $0x0  }
.LBB2_17:
0xea: {  	p0 =	sgt.u32 s4, $0x27FF  }
0xeb: {  	s0 =	sshrl.u32 @!p0 s4, $0x3  }
0xec: {  	s4 =	sand.u32 @!p0 $0x7, s4;
	s5 =	simm.s32 @!p0 $0xB0;
	s0 =	sadd.s32 @!p0 s1, s0  }
0xed: {  	[tilespmem:s5], [sflag:$0x6] =	stream.linear.gather @!p0 [hbm4b:s0+s4], $0x1, $0x38;
	[tilespmem:$0x11A60] =	vst v63  }
0xee: {  	s0 =	simm.s32 @!p0 $0x6  }
0xef: {  	_ =	swait.ge @!p0 [sflag:s0], $0x1  }
0xf0: {  	[sflag:s0] =	ssyncset.done @!p0 $0x0  }
0xf1: {  	[sflag:s0] =	ssyncadd.s32 @!p0 $0xFFFFFFFF  }
0xf2: {  	v1 =	vld.msk @!p0 [tilespmem:$0xB0], $0x1  }
0xf3: {  	v2 =	vld.msk @!p0 [tilespmem:s3+$0xE0], $0x1;
	_ =	sdelay $0x4  }
0xf4: {  	vm0 =	vlt.s32 @!p0 v2, v1  }
0xf5: {  	v1 =	vsel @!p0 vm0, v2, v1  }
0xf6: {  	[tilespmem:s3+$0xE0] =	vst.msk @!p0 $0x1, v1  }
0xf7: {  	[tilespmem:s2+$0xC0] =	vst.msk $0x1, v0  }
0xf8: {  	v0 =	vld.msk [tilespmem:s3+$0xE0], $0x1;
	_ =	sdelay $0x4  }
0xf9: {  	[tilespmem:s2+$0xE0] =	vst.msk $0x1, v0;
	s2 =	sadd.s32 $0x1, s2  }
.LBB2_19:
0xfa: {  	s3 =	sadd.s32 $0x1, s3  }
0xfb: {  	p0 =	sne.s32 s3, $0x20  }
.Ltmp8:
0xfc: {  	_ = 	snop;
	(pc) =	sbr.rel @!p0 .LBB2_20-.Ltmp8, $1  }
0xfd: {  	_ =	sdelay $0x3  }
.LBB2_12:
0xfe: {  	v0 =	vld.msk [tilespmem:s3+$0xC0], $0x1;
	_ =	sdelay $0x4  }
0xff: {  	(v2sf) =	vpush v0, $0x0;
	_ =	sdelay $0xe  }
0x100: {  	s4 =	spop (v2sf)  }
0x101: {  	p0 =	seq.s32 s4, $0xFFFFFFFF  }
.Ltmp9:
0x102: {  	_ = 	snop;
	(pc) =	sbr.rel @p0 .LBB2_19-.Ltmp9, $1  }
0x103: {  	_ =	sdelay $0x3  }
0x104: {  	p0 =	slt.s32 s2, $0x1  }
.Ltmp10:
0x105: {  	_ = 	snop;
	(pc) =	sbr.rel @p0 .LBB2_17-.Ltmp10, $1  }
0x106: {  	_ =	sdelay $0x3  }
0x107: {  	s0 =	simm.s32 $0xC0;
	p0 =	por $0x0, $0x0  }
0x108: {  	v1 =	vld.msk @!p0 [tilespmem:s0+$0x0], $0x1;
	_ =	sdelay $0x4  }
0x109: {  	(v2sf) =	vpush @!p0 v1, $0x0;
	_ =	sdelay $0xd  }
0x10a: {  	p2 =	sne.s32 s2, $0x1  }
.Ltmp11:
0x10b: {  	s5 =	spop @!p0 (v2sf);
	(pc) =	sbr.rel @!p2 .LBB2_16-.Ltmp11, $4  }
0x10c: {  	p1 =	seq.s32 @!p0 s4, s5  }
0x10d: {  	s5 =	simm.s32 $0x0;
	p1 =	por !p1, p0  }
0x10e: {  	s7 =	simm.s32 $0xFFFFFFFF;
	s5 =	simm.s32 @p1 $0xFFFFFFFF  }
0x10f: {  	s6 =	simm.s32 $0x1;
	s5 =	smov.u32 @p0 s7  }
.LBB2_15:
0x110: {  	s7 =	smov.u32 s5;
	p0 =	sne.s32 s5, $0xFFFFFFFF  }
0x111: {  	s0 =	sadd.s32 $0x1, s0;
	s5 =	smov.u32 s6;
	s6 =	sadd.s32 $0x1, s6  }
0x112: {  	p1 =	sne.s32 s2, s6;
	v1 =	vld.msk @!p0 [tilespmem:s0+$0x0], $0x1;
	_ =	sdelay $0x4  }
0x113: {  	(v2sf) =	vpush @!p0 v1, $0x0;
	_ =	sdelay $0xe  }
.Ltmp12:
0x114: {  	s8 =	spop @!p0 (v2sf);
	(pc) =	sbr.rel @p1 .LBB2_15-.Ltmp12, $4  }
0x115: {  	p2 =	seq.s32 @!p0 s4, s8  }
0x116: {  	p2 =	por !p2, p0  }
0x117: {  	s5 =	simm.s32 @p2 $0xFFFFFFFF  }
0x118: {  	s5 =	smov.u32 @p0 s7  }
.LBB2_16:
0x119: {  	p0 =	sne.s32 s5, $0xFFFFFFFF  }
.Ltmp13:
0x11a: {  	_ = 	snop;
	(pc) =	sbr.rel @!p0 .LBB2_17-.Ltmp13, $1  }
0x11b: {  	_ =	sdelay $0x3  }
0x11c: {  	v0 =	vld.msk [tilespmem:s3+$0xE0], $0x1  }
0x11d: {  	v1 =	vld.msk [tilespmem:s5+$0xE0], $0x1;
	_ =	sdelay $0x2  }
.Ltmp14:
0x11e: {  	_ = 	snop;
	(pc) =	sbr.rel .LBB2_19-.Ltmp14, $4  }
0x11f: {  	_ = 	snop  }
0x120: {  	vm0 =	vlt.s32 v1, v0  }
0x121: {  	v0 =	vsel vm0, v1, v0  }
0x122: {  	[tilespmem:s5+$0xE0] =	vst.msk $0x1, v0  }
.LBB2_20:
0x123: {  	p0 =	slt.s32 s2, $0x1  }
.Ltmp15:
0x124: {  	_ = 	snop;
	(pc) =	sbr.rel @p0 .LBB2_24-.Ltmp15, $3  }
0x125: {  	_ =	sdelay $0x1  }
0x126: {  	s0 =	simm.s32 $0x6  }
0x127: {  	s3 =	simm.s32 $0x0;
	[sflag:s0] =	ssyncpa.u1 $0x1  }
0x128: {  	s0 =	simm.s32 $0xC0  }
0x129: {  	v0 =	vld.msk [tilespmem:s0+$0x0], $0x1;
	_ =	sdelay $0x4  }
0x12a: {  	(v2sf) =	vpush v0, $0x0;
	_ =	sdelay $0xe  }
0x12b: {  	s2 =	sadd.s32 $0xFFFFFFFF, s2;
	s4 =	spop (v2sf)  }
0x12c: {  	p1 =	sne.s32 s2, $0x0;
	p0 =	sgt.u32 s4, $0x27FF  }
.Ltmp16:
0x12d: {  	s5 =	sshrl.u32 @!p0 s4, $0x3;
	(pc) =	sbr.rel @!p1 .LBB2_23-.Ltmp16, $4  }
0x12e: {  	s0 =	simm.s32 $0xE0;
	s4 =	sand.u32 @!p0 $0x7, s4;
	s5 =	sadd.s32 @!p0 s1, s5  }
0x12f: {  	[hbm4b:s5+s4] =	stream.linear.scatter @!p0 [tilespmem:s0], [sflag:$0x5], $0x1, $0x38;
	[tilespmem:$0x11A60] =	vst v63  }
0x130: {  	s5 =	simm.s32 $0x0  }
0x131: {  	s4 =	simm.s32 $0xC1;
	s5 =	simm.s32 @!p0 $0x4  }
.LBB2_22:
0x132: {  	v0 =	vld.msk [tilespmem:s4+$0x0], $0x1;
	s2 =	sadd.s32 $0xFFFFFFFF, s2;
	s3 =	sadd.s32 s3, s5  }
0x133: {  	p0 =	sne.s32 s2, $0x0;
	_ =	sdelay $0x3  }
0x134: {  	(v2sf) =	vpush v0, $0x0;
	_ =	sdelay $0xe  }
.Ltmp17:
0x135: {  	s6 =	spop (v2sf);
	(pc) =	sbr.rel @p0 .LBB2_22-.Ltmp17, $4  }
0x136: {  	s5 =	simm.s32 $0x0;
	p1 =	sgt.u32 s6, $0x27FF  }
0x137: {  	s0 =	sadd.s32 $0x1, s0;
	s5 =	simm.s32 @!p1 $0x4;
	s7 =	sshrl.u32 @!p1 s6, $0x3  }
0x138: {  	s4 =	sadd.s32 $0x1, s4;
	s6 =	sand.u32 @!p1 $0x7, s6;
	s7 =	sadd.s32 @!p1 s1, s7  }
0x139: {  	[hbm4b:s7+s6] =	stream.linear.scatter @!p1 [tilespmem:s0], [sflag:$0x5], $0x1, $0x38;
	[tilespmem:$0x11A60] =	vst v63  }
.LBB2_23:
0x13a: {  	s0 =	sadd.s32 s3, s5  }
0x13b: {  	s3 =	sshrl.u32 s0, $0x2  }
.LBB2_24:
0x13c: {  	s0 =	simm.s32 $0x5  }
0x13d: {  	_ =	swait.ge [sflag:s0], s3  }
0x13e: {  	s1 =	ssub.s32 $0x0, s3;
	[sflag:s0] =	ssyncset.done $0x0  }
0x13f: {  	[sflag:s0] =	ssyncadd.s32 s1  }
0x140: {  	[sflag:s0] =	ssyncpa.u1 $0x1  }
0x141: {  	s29 =	simm.s32 $0x1;
	_ =	sfence  }
0x142: {  	s30 =	simm.s32 $0x2;
	[sflag:s29] =	ssyncpa.u1 $0x1  }
0x143: {  	[sflag:s30] =	ssyncpa.u1 $0x1  }
0x144: {  	_ =	strace $0x90000059  }
0x145: {  	[bflag:$0x2] =	sbarrier.arrive $0xFFFF  }
0x146: {  	s31 =	rddreg [dreg:$0x1]  }
0x147: {  	s0 =	sadd.s32 $0x100000, s31  }
0x148: {  	[sflag:s0] =	ssyncadd.tile.s32 $0x1;
	_ =	shalt  }
.Lfunc_end2:
_tile_overlayer_lowered:
.L_overlay_start_2:
0x149: {  	(tag) =	ssettag $0x2  }
0x14a: {  	s0 =	rddreg [dreg:$0x0];
	s2 =	stileid.u32  }
0x14b: {  	s1 =	rddreg [dreg:$0x1];
	p0 =	sne.s32 s2, $0x0  }
0x14c: {  	s3 =	rddreg [dreg:$0x2];
	[bflag:$0x3] =	sbarrier.arrive $0xFFFF;
	s2 =	simm.s32 @!p0 $0x1C01  }
0x14d: {  	[timem:s3], [sflag:s2] =	dma.local @!p0 [hbm:s0], s1  }
0x14e: {  	s0 =	simm.s32 @!p0 $0x1  }
0x14f: {  	_ =	swait.ge @!p0 [sflag:s0], s1  }
0x150: {  	s1 =	ssub.s32 @!p0 $0x0, s1;
	[sflag:s0] =	ssyncset.done @!p0 $0x0  }
0x151: {  	[sflag:s0] =	ssyncadd.s32 @!p0 s1  }
0x152: {  	[bflag:$0x3] =	sbarrier.arrive $0xFFFF  }
0x153: {  	_ =	shalt  }

// kernel: scatter_offload_async_start
scs
__scs_entry_jumppad:
0x0: {  	(pc) =	sbr.rel $0x88, $3  }
0x1: {  	(tag) =	ssettag $0x0;
	lr =	simm.s32 $0x1  }
0x2: {  	[smem:$0x3F8F] =	sst lr;
	_ =	strace $0xD0000000  }
0x3: {  	_ = 	snop  }
0x4: {  	_ = 	snop  }
0x5: {  	_ = 	snop  }
0x6: {  	_ = 	snop  }
0x7: {  	_ = 	snop  }
__scs_overlays_trampoline_lowered:
0x8: {  	[smem:$0x3F9E] =	sst s0  }
0x9: {  	[smem:$0x3F9F] =	sst s1  }
0xa: {  	[smem:$0x3FA0] =	sst s2  }
0xb: {  	[smem:$0x3FA1] =	sst s3  }
0xc: {  	[smem:$0x3FA2] =	sst s4  }
0xd: {  	[smem:$0x3FA3] =	sst s5  }
0xe: {  	[smem:$0x3FA4] =	sst s6  }
0xf: {  	[smem:$0x3FA5] =	sst s7  }
0x10: {  	[smem:$0x3FA6] =	sst s8  }
0x11: {  	[smem:$0x3FA7] =	sst s9;
	s0 =	simm.s32 @!p0 $0x0  }
0x12: {  	s1 =	sld [smem:$0x3F8D];
	s0 =	simm.s32 @p0 $0x1  }
0x13: {  	[smem:$0x3FA8] =	sst s0;
	s0 =	simm.s32 @!p1 $0x0  }
0x14: {  	s2 =	sld [smem:$0x3F8C];
	s0 =	simm.s32 @p1 $0x1  }
0x15: {  	[smem:$0x3FA9] =	sst s0;
	s0 =	simm.s32 @!p2 $0x0  }
0x16: {  	s3 =	sld [smem:$0x3FDB];
	s0 =	simm.s32 @p2 $0x1  }
0x17: {  	s4 =	simm.s32 $0x1BF5;
	[smem:$0x3FAB] =	sst s0  }
0x18: {  	s0 =	sld [smem:$0x3F8E];
	_ =	swait.ge [sflag:s4], $0x0  }
0x19: {  	s7 =	sld [smem:$0x3F8F]  }
0x1a: {  	s8 =	sadd.s32 $0xFFFFE003, lr  }
0x1b: {  	s9 =	sadd.s32 $0xFFFFFEF7, lr;
	s5 =	simm.s32 $0xFFFFFFFF;
	p2 =	slt.u32 s8, $0xFFFFF086  }
0x1c: {  	p1 =	slt.u32 s9, $0xF7A;
	s5 =	simm.s32 @!p2 $0x0  }
0x1d: {  	s5 =	simm.s32 @p1 $0x1;
	p0 =	seq.s32 s7, s2  }
0x1e: {  	s7 =	smul.u32 @!p0 $0xF7A, s2;
	p2 =	seq.s32 @!p0 s5, $0x0  }
0x1f: {  	s9 =	smul.u32 $0xF7A, s1;
	s8 =	simm.s32 @!p0 $0x1BF5;
	p2 =	por !p2, p0  }
0x20: {  	[sflag:s8] =	ssyncset.s32 @!p0 $0xFFFFF086;
	s6 =	sadd.s32 @!p0 s3, s7;
	s7 =	simm.s32 @!p0 $0x108  }
0x21: {  	s3 =	sadd.s32 s3, s9;
	s6 =	sadd.s32 @!p0 $0x88, s6;
	s7 =	simm.s32 @p2 $0x1082  }
0x22: {  	[simem:s7], [sflag:s8] =	dma.local @!p0 [hbm:s6], $0xF7A  }
0x23: {  	s9 =	sor.u32 $0xD0000000, s2;
	s6 =	simm.s32 $0x108;
	_ =	swait.ge @!p0 [sflag:s8], $0x0  }
0x24: {  	s3 =	sadd.s32 $0x88, s3;
	s6 =	simm.s32 @!p1 $0x1082;
	[sflag:s4] =	ssyncset.s32 $0xFFFFF086  }
0x25: {  	[simem:s6], [sflag:s4] =	dma.local [hbm:s3], $0xF7A  }
0x26: {  	[smem:$0x3F8F] =	sst s1;
	(tag) =	ssettag s2;
	_ =	strace s9  }
0x27: {  	s1 =	sld [smem:$0x3F9F]  }
0x28: {  	s2 =	sld [smem:$0x3FA0]  }
0x29: {  	s4 =	sld [smem:$0x3FA2]  }
0x2a: {  	p0 =	seq.s32 s5, $0x0;
	s5 =	sld [smem:$0x3FA3]  }
0x2b: {  	s6 =	sld [smem:$0x3FA4]  }
0x2c: {  	s7 =	sld [smem:$0x3FA5]  }
0x2d: {  	s3 =	simm.s32 $0x108;
	s8 =	sld [smem:$0x3FA6]  }
0x2e: {  	s3 =	simm.s32 @!p0 $0x1082;
	s9 =	sld [smem:$0x3FA7]  }
0x2f: {  	lr =	sadd.s32 s0, s3;
	s0 =	sld [smem:$0x3F9E]  }
0x30: {  	s3 =	sld [smem:$0x3FA1]  }
0x31: {  	[smem:$0x3FAA] =	sst s10  }
0x32: {  	s10 =	sld [smem:$0x3FA8];
	_ =	sdelay $0x3  }
0x33: {  	p0 =	seq.s32 s10, $0x1;
	s10 =	sld [smem:$0x3FAA];
	_ =	sdelay $0x3  }
0x34: {  	[smem:$0x3FAA] =	sst s10  }
0x35: {  	s10 =	sld [smem:$0x3FA9];
	_ =	sdelay $0x3  }
0x36: {  	p1 =	seq.s32 s10, $0x1;
	s10 =	sld [smem:$0x3FAA];
	_ =	sdelay $0x3  }
0x37: {  	[smem:$0x3FAA] =	sst s10  }
0x38: {  	s10 =	sld [smem:$0x3FAB]  }
0x39: {  	_ = 	snop;
	(pc) =	sbr.ind lr, $3  }
0x3a: {  	_ = 	snop  }
0x3b: {  	_ = 	snop  }
0x3c: {  	p2 =	seq.s32 s10, $0x1;
	s10 =	sld [smem:$0x3FAA]  }
0x3d: {  	_ =	shalt  }
0x3e: {  	_ =	shalt  }
0x3f: {  	_ =	shalt  }
0x40: {  	_ =	shalt  }
0x41: {  	_ =	shalt  }
0x42: {  	_ =	shalt  }
0x43: {  	_ =	shalt  }
0x44: {  	_ =	shalt  }
0x45: {  	_ =	shalt  }
0x46: {  	_ =	shalt  }
0x47: {  	_ =	shalt  }
0x48: {  	_ =	shalt  }
0x49: {  	_ =	shalt  }
0x4a: {  	_ =	shalt  }
0x4b: {  	_ =	shalt  }
0x4c: {  	_ =	shalt  }
0x4d: {  	_ =	shalt  }
0x4e: {  	_ =	shalt  }
0x4f: {  	_ =	shalt  }
0x50: {  	_ =	shalt  }
0x51: {  	_ =	shalt  }
0x52: {  	_ =	shalt  }
0x53: {  	_ =	shalt  }
0x54: {  	_ =	shalt  }
0x55: {  	_ =	shalt  }
0x56: {  	_ =	shalt  }
0x57: {  	_ =	shalt  }
0x58: {  	_ =	shalt  }
0x59: {  	_ =	shalt  }
0x5a: {  	_ =	shalt  }
0x5b: {  	_ =	shalt  }
0x5c: {  	_ =	shalt  }
0x5d: {  	_ =	shalt  }
0x5e: {  	_ =	shalt  }
0x5f: {  	_ =	shalt  }
0x60: {  	_ =	shalt  }
0x61: {  	_ =	shalt  }
0x62: {  	_ =	shalt  }
0x63: {  	_ =	shalt  }
0x64: {  	_ =	shalt  }
0x65: {  	_ =	shalt  }
0x66: {  	_ =	shalt  }
0x67: {  	_ =	shalt  }
0x68: {  	_ =	shalt  }
0x69: {  	_ =	shalt  }
0x6a: {  	_ =	shalt  }
0x6b: {  	_ =	shalt  }
0x6c: {  	_ =	shalt  }
0x6d: {  	_ =	shalt  }
0x6e: {  	_ =	shalt  }
0x6f: {  	_ =	shalt  }
0x70: {  	_ =	shalt  }
0x71: {  	_ =	shalt  }
0x72: {  	_ =	shalt  }
0x73: {  	_ =	shalt  }
0x74: {  	_ =	shalt  }
0x75: {  	_ =	shalt  }
0x76: {  	_ =	shalt  }
0x77: {  	_ =	shalt  }
0x78: {  	_ =	shalt  }
0x79: {  	_ =	shalt  }
0x7a: {  	_ =	shalt  }
0x7b: {  	_ =	shalt  }
0x7c: {  	_ =	shalt  }
0x7d: {  	_ =	shalt  }
0x7e: {  	_ =	shalt  }
0x7f: {  	_ =	shalt  }
0x80: {  	_ =	shalt  }
0x81: {  	_ =	shalt  }
0x82: {  	_ =	shalt  }
0x83: {  	_ =	shalt  }
0x84: {  	_ =	shalt  }
0x85: {  	_ =	shalt  }
0x86: {  	_ =	shalt  }
0x87: {  	_ =	shalt  }
.Lfunc_end0:
.L_simem_size_0:
called_computation_lowered:
.L_overlay_start_0:
0x88: {  	s0 =	sld [smem:$0x3FD9]  }
0x89: {  	s1 =	sld [smem:$0x3FFE];
	_ =	sdelay $0x3  }
0x8a: {  	s0 =	sadd.s32 s1, s0  }
0x8b: {  	[smem:$0x3FB6] =	sst s0  }
0x8c: {  	_ = 	snop  }
0x8d: {  	(tm) =	ssettm $0x1  }
0x8e: {  	s15 =	sld [smem:$0x3FFB];
	_ =	sdelay $0x3  }
0x8f: {  	_ =	strace s15  }
0x90: {  	s0 =	sld [smem:$0x3FFC];
	_ =	sdelay $0x3  }
0x91: {  	_ =	strace s0  }
0x92: {  	s0 =	sld [smem:$0x3FFD];
	_ =	sdelay $0x3  }
0x93: {  	_ =	strace s0  }
0x94: {  	_ =	strace $0x8FFFFFFF  }
0x95: {  	s16 =	sld [smem:$0x3FDB];
	_ =	sdelay $0x1  }
0x96: {  	s17 =	simm.s32 $_scs_section_size  }
0x97: {  	s2 =	simm.s32 $_size__tile_overlayer_lowered;
	s3 =	simm.s32 $_tile_overlayer_lowered  }
0x98: {  	s20 =	simm.s32 $0x1BFF;
	s19 =	sshll.u32 s3, $0x1;
	s0 =	sadd.s32 s17, s16  }
0x99: {  	s4 =	simm.s32 $0x0;
	s18 =	sshll.u32 s2, $0x1;
	s2 =	sadd.s32 s19, s0  }
0x9a: {  	[timem:s4], [sflag:s20] =	dma.local [hbm:s2], s18  }
0x9b: {  	_ =	swait.ge [sflag:s20], s18  }
0x9c: {  	s1 =	ssub.s32 $0x0, s18;
	[sflag:s20] =	ssyncset.done $0x0  }
0x9d: {  	[sflag:s20] =	ssyncadd.s32 s1;
	_ =	sdelay $0x1  }
0x9e: {  	s21 =	simm.s32 $0x1B8B  }
0x9f: {  	_ =	swait.ge [sflag:s21], $0x1  }
0xa0: {  	[sflag:s21] =	ssyncset.done $0x0  }
0xa1: {  	s23 =	simm.s32 $0x1B8E;
	s22 =	sld [smem:$0x3FFE];
	[sflag:s21] =	ssyncadd.s32 $0xFFFFFFFF  }
0xa2: {  	s24 =	simm.s32 $execute0_lowered;
	[smem:$0x3FD2] =	sst s23  }
0xa3: {  	s2 =	sshll.u32 s24, $0x1;
	_ =	strace $0x80000052;
	[dreg:$0x1] =	wrdreg $0xFFFFFFFF  }
0xa4: {  	s25 =	simm.s32 $_size_execute0_lowered;
	s0 =	sadd.s32 s0, s2;
	[dreg:$0x0] =	wrdreg $0x0  }
0xa5: {  	s2 =	sshll.u32 s25, $0x1;
	[dreg:$0x2] =	wrdreg s0  }
0xa6: {  	[dreg:$0x3] =	wrdreg s2  }
0xa7: {  	[dreg:$0x4] =	wrdreg $0xC0  }
0xa8: {  	_ =	task [dreg:s4], $0x5FFFF  }
0xa9: {  	[dreg:$0x1] =	wrdreg $0xFFFFFFFF  }
0xaa: {  	[dreg:$0x0] =	wrdreg $0x60  }
0xab: {  	[dreg:$0x2] =	wrdreg s22  }
0xac: {  	[dreg:$0x3] =	wrdreg $0x9  }
0xad: {  	_ =	task.clear_ibuf [dreg:s4], $0x4FFFF;
	_ =	strace $0x90000052  }
0xae: {  	s26 =	simm.s32 $0x9;
	_ =	strace $0x80000054  }
0xaf: {  	_ =	swait.ge [sflag:s26], $0x1  }
0xb0: {  	[sflag:s26] =	ssyncadd.s32 $0xFFFFFFFF  }
0xb1: {  	_ =	strace $0x90000054  }
0xb2: {  	_ =	sfence  }
0xb3: {  	s28 =	sld [smem:$0x0];
	_ =	sdelay $0x1  }
0xb4: {  	s29 =	srdreg.scid  }
0xb5: {  	s30 =	sshll.u32 s29, $0xD;
	s31 =	sshrl.u32 s29, $0x2  }
0xb6: {  	s1 =	sand.u32 $0x1, s29;
	s2 =	sand.u32 $0x4000, s30;
	s0 =	sadd.s32 s31, s28  }
0xb7: {  	s1 =	sor.u32 s2, s1;
	s0 =	sshll.u32 s0, $0x11  }
0xb8: {  	s0 =	sor.u32 s0, s1  }
0xb9: {  	s0 =	sadd.s32 $0x8F2B, s0  }
0xba: {  	[sflag:s0] =	ssyncadd.remote.s32 $0x1  }
0xbb: {  	_ =	sfence.sel $0xFFFF  }
0xbc: {  	[dreg:$0x0] =	wrdreg $0xFFFFFFFF;
	(pc) =	sbr.abs _section_cstart, $3  }
0xbd: {  	[dreg:$0x1] =	wrdreg $0xFFFFFFFF  }
0xbe: {  	_ =	task.clear_ibuf [dreg:s4], $0x2FFFF;
	_ =	strace $0x9FFFFFFF  }
0xbf: {  	(tm) =	ssettm $0x7FFFFFFF  }
tec
execute0_lowered:
.L_overlay_start_1:
0x0: {  	(tag) =	ssettag $0x1  }
0x1: {  	s0 =	rddreg [dreg:$0x0]  }
0x2: {  	s11 =	stileid.u32;
	_ =	strace $0x80000053;
	s2 =	simm.s32 $0x1  }
0x3: {  	v1 =	vimm.s32 $0xFFFFFFFF;
	s1 =	smin.u32 s11, $0x4;
	[sflag:s2] =	ssyncpa.u1 $0x0  }
0x4: {  	s1 =	sadd.s32 s11, s1;
	[tilespmem:$0x10] =	vst v1  }
0x5: {  	v0 =	vimm.f32 $-Inf;
	p0 =	slt.u32 s11, $0x4;
	[tilespmem:$0x20] =	vst v1;
	s3 =	smul.u32 $0x1F40, s1;
	s1 =	simm.s32 $0x3E80  }
0x6: {  	[tilespmem:$0x30] =	vst v0;
	s1 =	simm.s32 @!p0 $0x1F40  }
0x7: {  	[tilespmem:$0x40] =	vst v0;
	s1 =	sadd.s32 s1, s3  }
0x8: {  	[tilespmem:$0x50] =	vst v0;
	s4 =	smin.u32 s1, $0x27100  }
0x9: {  	s7 =	simm.s32 $0x2;
	s8 =	simm.s32 $0x8;
	[tilespmem:$0x60] =	vst v1;
	s6 =	ssub.s32 s4, s3  }
0xa: {  	s30 =	simm.s32 $0x9;
	s16 =	simm.s32 $0x0;
	[tilespmem:$0x70] =	vst v1;
	p0 =	sgt.s32 s6, $0x0  }
0xb: {  	s17 =	simm.s32 $0xF0;
	s18 =	simm.s32 $0xFFFFFFFF;
	[tilespmem:$0x80] =	vst v1;
	s6 =	simm.s32 @!p0 $0x0  }
0xc: {  	s19 =	simm.s32 $0xFFFFC280;
	s20 =	simm.s32 $0xFFFFFFFE;
	v1 =	vimm.s32 $0x0;
	[tilespmem:$0xB0] =	vst v0;
	s5 =	smulhi.u32 $0x10624DD3, s6  }
0xd: {  	s21 =	simm.s32 $0xF;
	s25 =	simm.s32 $0x0;
	s24 =	simm.s32 $0x0;
	[tilespmem:$0x90] =	vst v1  }
0xe: {  	[tilespmem:$0xA0] =	vst v1;
	[sflag:s7] =	ssyncpa.u1 $0x0;
	s7 =	simm.s32 $0x7;
	s9 =	sshrl.u32 s5, $0x9  }
0xf: {  	s14 =	sshllo.u32 s11, $0x1;
	[sflag:s7] =	ssyncpa.u1 $0x0;
	s10 =	smul.u32 $0x1F40, s9  }
0x10: {  	[sflag:s8] =	ssyncpa.u1 $0x0;
	s23 =	smov.u32 s3;
	s1 =	sadd.s32 $0x12E00, s0  }
.Ltmp0:
0x11: {  	[sflag:s30] =	ssyncpa.u1 $0x0;
	p0 =	sne.s32 s6, s10;
	(pc) =	sbr.rel .LBB2_1-.Ltmp0, $4  }
0x12: {  	s5 =	sadd.s32 $0x8E00, s0;
	s0 =	sadd.s32 $0xDE00, s0;
	s2 =	simm.s32 @!p0 $0x0  }
0x13: {  	[dreg:$0x2] =	wrdreg s0;
	s10 =	sshll.u32 s11, $0x1;
	s9 =	sadd.s32 s2, s9  }
0x14: {  	vm0 =	vmmov $0xffff;
	v2 =	vlaneseq.u32;
	vm1 =	vmxor vm1, vm1;
	s13 =	sor.u32 $0x81, s10;
	s15 =	sor.u32 $0x80, s10;
	s31 =	sadd.s32 $0x1, s9  }
0x15: {  	vm2 =	vmmov $0x1;
	v3 =	vimm.f32 $0.0e+00;
	vm3 =	vcmask $0x3F3C;
	p0 =	por $0x0, $0x0;
	s12 =	sadd.s32 $0x2, s9;
	[dreg:$0x3] =	wrdreg s31  }
.LBB2_9:
0x16: {  	p1 =	slt.u32 s24, $0x3  }
0x17: {  	s0 =	simm.s32 @!p1 $0x2  }
0x18: {  	_ =	swait.ge @!p1 [sflag:s0], $0x1F40  }
0x19: {  	[sflag:s0] =	ssyncset.done @!p1 $0x0  }
0x1a: {  	[sflag:s0] =	ssyncadd.s32 @!p1 $0xFFFFE0C0;
	s0 =	simm.s32 @!p1 $0x9  }
0x1b: {  	_ =	swait.ge @!p1 [sflag:s0], $0x10  }
0x1c: {  	[sflag:s0] =	ssyncset.done @!p1 $0x0  }
0x1d: {  	[sflag:s0] =	ssyncadd.s32 @!p1 $0xFFFFFFF0;
	p1 =	sne.s32 s24, s12  }
.Ltmp1:
0x1e: {  	s2 =	sadd.s32 $0x1F40, s23;
	(pc) =	sbr.rel @!p1 .LBB2_10-.Ltmp1, $4  }
0x1f: {  	s6 =	smov.u32 s3;
	s31 =	sadd.s32 $0x1, s24;
	s17 =	sadd.s32 $0x1F40, s17  }
0x20: {  	s18 =	sadd.s32 $0x1, s18;
	s25 =	smov.u32 s23;
	p2 =	slt.s32 s2, s4  }
0x21: {  	p0 =	por !p0, !p0;
	s19 =	sadd.s32 $0x1F40, s19;
	s6 =	smov.u32 @p2 s2  }
0x22: {  	s20 =	sadd.s32 $0x1, s20;
	s23 =	smov.u32 s6;
	s24 =	smov.u32 s31  }
.LBB2_1:
0x23: {  	p1 =	sge.u32 s24, s9  }
0x24: {  	s0 =	smulhi.u32 @!p1 $0xAAAAAAAB, s24;
	_ =	sdelay $0x1  }
0x25: {  	s0 =	sshrl.u32 @!p1 s0, $0x1  }
0x26: {  	s0 =	smul.u32 @!p1 $0x3, s0;
	_ =	sdelay $0x1  }
0x27: {  	s0 =	ssub.s32 @!p1 s24, s0  }
0x28: {  	s0 =	smul.u32 @!p1 $0x7D00, s0;
	_ =	sdelay $0x1  }
0x29: {  	s2 =	sshrl.u32 @!p1 s23, $0x3;
	s0 =	sshrl.u32 @!p1 s0, $0x2  }
0x2a: {  	s6 =	sand.u32 @!p1 $0x7, s23;
	s2 =	sadd.s32 @!p1 s5, s2;
	s0 =	sadd.s32 @!p1 $0x100, s0  }
0x2b: {  	[tilespmem:s0], [sflag:$0x7] =	stream.linear.gather @!p1 [hbm4b:s2+s6], $0x1F40, $0x38;
	[tilespmem:$0x11A60] =	vst v63  }
0x2c: {  	s0 =	sadd.s32 $0xFFFFFFFF, s24  }
0x2d: {  	p1 =	sge.u32 s0, s9  }
.Ltmp2:
0x2e: {  	_ = 	snop;
	(pc) =	sbr.rel @p1 .LBB2_5-.Ltmp2, $1  }
0x2f: {  	_ =	sdelay $0x3  }
0x30: {  	s2 =	smulhi.u32 $0xAAAAAAAB, s0;
	_ =	sdelay $0x1  }
0x31: {  	s2 =	sshrl.u32 s2, $0x1  }
0x32: {  	s2 =	smul.u32 $0x3, s2;
	_ =	sdelay $0x1  }
0x33: {  	s2 =	ssub.s32 s0, s2  }
0x34: {  	s2 =	smul.u32 $0x7D00, s2  }
0x35: {  	_ =	swait.ge [sflag:s7], $0x1F40  }
0x36: {  	[sflag:s7] =	ssyncset.done $0x0;
	s2 =	sshrl.u32 s2, $0x2  }
0x37: {  	[sflag:s7] =	ssyncadd.s32 $0xFFFFE0C0;
	(ifvalue) =	ssetifvalue $0xFFFFFFFF;
	v4 =	vld.msk [tilespmem:s2+$0x100 ss:$0x1], $0xffff;
	_ =	sdelay $0x2  }
0x38: {  	s29 =	smulhi.u32 $0xAAAAAAAB, s18;
	p1 =	sne.s32 s24, $0x1  }
0x39: {  	v5 =	vimm.s32 @!p1 $0x0  }
0x3a: {  	s2 =	sshrl.u32 s29, $0x1;
	v5 =	vperm.xlane @!p1 v4, v5  }
0x3b: {  	s6 =	sshll.u32 s24, $0x4;
	s2 =	smul.u32 $0xFFFE8900, s2;
	vm4 =	vlt.u32 v4, $0x2800  }
0x3c: {  	s6 =	sand.u32 $0x10, s6;
	v4 =	vnsel vm4, $0xFFFFFFFE, v4;
	vm4 =	vlt.u32 @!p1 v5, $0x2800  }
0x3d: {  	s2 =	sshra.s32 s2, $0x2;
	[tilespmem:s6+$0x60] =	vst v4;
	v4 =	vnsel @!p1 vm4, $0xFFFFFFFE, v5  }
0x3e: {  	s30 =	sadd.s32 s2, s17;
	[tilespmem:$0x80] =	vst @!p1 v4  }
0x3f: {  	v4 =	vld.msk [tilespmem:s30+$0x0 ss:$0x1], $0xffff;
	_ =	sdelay $0x4  }
0x40: {  	(xrf1) =	vunique.msk.u32 $0xffff, v4;
	_ =	sdelay $0xd  }
0x41: {  	v5 =	vimm.s32 $0xFFFFFFFF;
	v6, _, _ =	vpop (xrf1)  }
0x42: {  	vm5 =	vne.s32 v4, v5;
	vm4 =	veq.s32 v6, v2  }
0x43: {  	vm6 =	vlt.u32 v4, $0x2800;
	vm4 =	vmand vm5, vm4  }
0x44: {  	vm4 =	vmand vm6, vm4  }
0x45: {  	v5 =	vnsel vm4, $0xFFFFFFFF, v4  }
0x46: {  	s31 =	sand.u32 $0x1, s0  }
0x47: {  	s26 =	simm.s32 $0x1F40;
	p1 =	seq.s32 s31, $0x1  }
0x48: {  	s26 =	simm.s32 @!p1 $0x0  }
0x49: {  	s28 =	sadd.s32 $0x7DF0, s26;
	(ifvalue) =	ssetifvalue $0xFFFFFFFF  }
0x4a: {  	v4 =	vperm.xlane v4, v1;
	[tilespmem:s28], [sflag:$0x8] =	stream.indirect_vreg.gather [hbm4b:s1+s16], $0x1, v5, vm0, $0x4038;
	v5 =	vnsel vm6, $0xFFFFFFFE, v5;
	[tilespmem:$0x11A60] =	vst v63  }
0x4b: {  	s0 =	simm.s32 $0x0;
	s2 =	sadd.s32 $0xFFFFFFF0, s30;
	[tilespmem:s30+$0x0] =	vst v5  }
.LBB2_3:
0x4c: {  	v5 =	vld.msk [tilespmem:s2+$0x0 ss:$0x1], $0xffff;
	s0 =	sadd.s32 $0x10, s0;
	v6 =	vmov v4;
	s6 =	smov.u32 s2  }
0x4d: {  	p1 =	slt.u32 s0, $0x1F30;
	_ =	sdelay $0x4  }
0x4e: {  	v4 =	vperm.xlane v5, v1;
	(xrf1) =	vunique.msk.u32 $0xffff, v5;
	_ =	sdelay $0xd  }
0x4f: {  	v7, _, _ =	vpop (xrf1)  }
0x50: {  	vm5 =	vne.s32 v5, v6;
	vm4 =	veq.s32 v7, v2  }
0x51: {  	vm6 =	vlt.u32 v5, $0x2800;
	vm4 =	vmand vm5, vm4  }
0x52: {  	vm4 =	vmand vm6, vm4  }
0x53: {  	v5 =	vnsel vm4, $0xFFFFFFFF, v5  }
.Ltmp3:
0x54: {  	v6 =	vnsel vm6, $0xFFFFFFFE, v5;
	(pc) =	sbr.rel @p1 .LBB2_3-.Ltmp3, $3  }
0x55: {  	_ =	sdelay $0x1  }
0x56: {  	s2 =	sadd.s32 $0xFFFFFFF0, s2;
	s28 =	sadd.s32 $0xFFFFFFF0, s28;
	(ifvalue) =	ssetifvalue $0xFFFFFFFF  }
0x57: {  	[tilespmem:s28], [sflag:$0x8] =	stream.indirect_vreg.gather [hbm4b:s1+s16], $0x1, v5, vm0, $0x4038;
	[tilespmem:s6+$0x0] =	vst v6  }
0x58: {  	s0 =	sshrl.u32 s25, $0x3;
	s2 =	rddreg [dreg:$0x2]  }
0x59: {  	s31 =	sadd.s32 $0x9D40, s26;
	s0 =	sadd.s32 s2, s0  }
0x5a: {  	[tilespmem:s31], [sflag:$0x8] =	stream.linear.gather [hbm:s0], $0x1F40, $0x38;
	[tilespmem:$0x11A60] =	vst v63  }
.LBB2_5:
0x5b: {  	p1 =	slt.u32 s24, $0x2  }
0x5c: {  	p2 =	sge.u32 @!p1 s24, s12  }
0x5d: {  	p1 =	por p1, p2  }
.Ltmp4:
0x5e: {  	_ = 	snop;
	(pc) =	sbr.rel @p1 .LBB2_9-.Ltmp4, $1  }
0x5f: {  	_ =	sdelay $0x3  }
0x60: {  	s0 =	sadd.s32 $0xFFFFFFFE, s24  }
0x61: {  	s2 =	smulhi.u32 $0xAAAAAAAB, s0;
	_ =	sdelay $0x1  }
0x62: {  	s2 =	sshrl.u32 s2, $0x1  }
0x63: {  	s2 =	smul.u32 $0x3, s2;
	_ =	sdelay $0x1  }
0x64: {  	_ =	swait.ge [sflag:s8], $0x3E80;
	s0 =	ssub.s32 s0, s2  }
0x65: {  	s6 =	rddreg [dreg:$0x3];
	s0 =	smul.u32 $0x1F40, s0  }
0x66: {  	[sflag:s8] =	ssyncset.done $0x0;
	p1 =	sne.s32 s24, s6  }
0x67: {  	[sflag:s8] =	ssyncadd.s32 $0xFFFFC180;
	s2 =	sadd.s32 @!p1 $0x203F, s0  }
0x68: {  	[spmem:s13] =	stream.linear.scatter @!p1 [tilespmem:s2], [sflag:$0x1], $0x1, $0x38;
	[tilespmem:$0x11A60] =	vst v63  }
0x69: {  	s2 =	simm.s32 @!p1 $0x1  }
0x6a: {  	_ =	swait.ge @!p1 [sflag:s2], $0x1  }
0x6b: {  	s6 =	sshll.u32 s24, $0x4;
	[sflag:s2] =	ssyncset.done @!p1 $0x0  }
0x6c: {  	s25 =	sand.u32 $0x10, s6;
	[sflag:s2] =	ssyncadd.s32 @!p1 $0xFFFFFFFF  }
0x6d: {  	s2 =	sxor.u32 $0x10, s25;
	v5 =	vld [tilespmem:s25+$0x10]  }
0x6e: {  	v6 =	vld [tilespmem:s2+$0x60]  }
0x6f: {  	v4 =	vld [tilespmem:$0x80];
	_ =	sdelay $0x2  }
0x70: {  	(v2sf) =	vpush v5, $0x0  }
0x71: {  	(v2sf) =	vpush v6, $0x0  }
0x72: {  	(v2sf) =	vpush v4, $0x0;
	_ =	sdelay $0xc  }
0x73: {  	s11 =	spop (v2sf)  }
0x74: {  	s22 =	spop (v2sf)  }
0x75: {  	s28 =	spop (v2sf)  }
0x76: {  	p2 =	seq.s32 s11, s22;
	p3 =	seq.s32 s28, s11  }
0x77: {  	p3 =	por p2, p3  }
0x78: {  	s26 =	sand.u32 $0x1, s24;
	v5 =	vpsel p3, $0xFFFFFFFF, v5  }
0x79: {  	s29 =	smul.u32 $0x1F40, s26;
	[tilespmem:s25+$0x10] =	vst.msk $0x1, v5  }
0x7a: {  	v5 =	vld [tilespmem:$0x30]  }
0x7b: {  	v6 =	vld [tilespmem:s29+$0x9D40]  }
0x7c: {  	v7 =	vld [tilespmem:s25+$0x40];
	_ =	sdelay $0x2  }
0x7d: {  	vm4 =	vmmov vm1  }
0x7e: {  	vm5 =	vmmov vm2;
	s6 =	sshll.u32 s26, $0x4;
	vm4 =	vmmov @p2 vm2;
	v6 =	vmax.f32 v5, v6  }
0x7f: {  	s26 =	sor.u32 $0x11A40, s6;
	vm5 =	vmmov @p3 vm1;
	v5 =	vmax.f32 v5, v7;
	[tilespmem:s29+$0x9D40] =	vst.msk vm4, v6  }
0x80: {  	[tilespmem:s26+$0x0] =	vst.msk vm5, v5  }
0x81: {  	v5 =	vld [tilespmem:s29+$0x7DF0];
	_ =	sdelay $0x4  }
0x82: {  	v5 =	vshift.insert v5, v3, s21  }
0x83: {  	s11 =	sor.u32 $0x40, s2  }
0x84: {  	v6 =	vimm.f32 $-Inf;
	[tilespmem:s11+$0x0] =	vst.msk $0x1, v5  }
0x85: {  	[tilespmem:s29+$0x7DFF] =	vst.msk $0x1, v6  }
0x86: {  	v5 =	vld [tilespmem:s0+$0x2030]  }
0x87: {  	s22 =	smulhi.u32 $0xAAAAAAAB, s20;
	_ =	sdelay $0x1  }
0x88: {  	s6 =	simm.s32 $0x1;
	s0 =	sshrl.u32 s22, $0x1  }
0x89: {  	s6 =	simm.s32 @!p0 $0x0;
	s0 =	smul.u32 $0xFFFE8900, s0  }
0x8a: {  	s6 =	smul.u32 $0x7D00, s6;
	v5 =	vshift.insert v5, v1, s21  }
0x8b: {  	s0 =	sshra.s32 s0, $0x2  }
0x8c: {  	s6 =	sshrl.u32 s6, $0x2;
	s22 =	sadd.s32 s0, s19;
	[tilespmem:s2+$0x10] =	vst.msk $0x1, v5  }
0x8d: {  	s2 =	sadd.s32 $0x9D40, s6;
	v7 =	vld [tilespmem:s22+$0x0]  }
0x8e: {  	v8 =	vld [tilespmem:s2+$0x0];
	_ =	sdelay $0x4  }
0x8f: {  	vm4 =	vne.s32 v7, $0xFFFFFFFF;
	v6 =	vmax.f32 v8, v6  }
0x90: {  	(xrf0) =	vmax.seg.scan.f32 vm4, v6  }
0x91: {  	s11 =	sadd.s32 $0x5EC0, s6;
	v8 =	vld [tilespmem:$0xA0]  }
0x92: {  	v9 =	vld [tilespmem:s11+$0x0];
	_ =	sdelay $0x1  }
0x93: {  	v6 =	vperm.xlane v5, v1;
	_ =	sdelay $0x1  }
0x94: {  	vm6 =	veq.s32 v7, v4;
	vm7 =	veq.s32 v7, v6;
	vm5 =	veq.s32 v8, $0x1;
	v8, _, _ =	vpop (xrf0)  }
0x95: {  	vm8 =	vgt.u32 v7, $0xFFFFFFFD;
	vm7 =	vmor vm7, vm6;
	v9 =	vmax.f32 v8, v9  }
0x96: {  	s30 =	sadd.s32 $0xDBC0, s6;
	v10 =	vld [tilespmem:$0x90];
	vm7 =	vmor vm7, vm8;
	v9 =	vsel vm6, v8, v9  }
0x97: {  	[tilespmem:s30+$0x0] =	vst v9;
	v9 =	vsel vm7, $0xFFFFFFFF, v7;
	_ =	sdelay $0x1  }
0x98: {  	vm9 =	vmand vm4, vm3  }
0x99: {  	s31 =	simm.s32 $0x0;
	s6 =	sadd.s32 $0x10, s11;
	s0 =	sadd.s32 $0x10, s2;
	v11 =	vsel vm9, $0xFF800000, v8  }
0x9a: {  	s2 =	sadd.s32 $0x10, s22;
	s22 =	sadd.s32 $0x10, s30;
	vm4 =	vmor vm5, vm6;
	v7 =	vsel vm6, v8, v10;
	v8 =	vshift.insert v11, v0, s21;
	(ifvalue) =	ssetifvalue $0xFFFFFFFF  }
.LBB2_7:
0x9b: {  	[hbm4b:s1+s16] =	stream.indirect_vreg.scatter [tilespmem:s30], [sflag:$0x2], $0x1, v9, vm0, $0x4038;
	[tilespmem:$0x11A60] =	vst v63  }
0x9c: {  	s31 =	sadd.s32 $0x10, s31;
	s30 =	smov.u32 s22;
	v9 =	vld [tilespmem:s2+$0x0]  }
0x9d: {  	p2 =	slt.u32 s31, $0x1F30;
	v10 =	vld [tilespmem:s0+$0x0];
	_ =	sdelay $0x4  }
0x9e: {  	vm5 =	vne.s32 v9, $0xFFFFFFFF;
	v8 =	vmax.f32 v10, v8  }
0x9f: {  	(xrf0) =	vmax.seg.scan.f32 vm5, v8;
	_ =	sdelay $0x1  }
0xa0: {  	v8 =	vld [tilespmem:s6+$0x0]  }
0xa1: {  	vm6 =	veq.s32 v9, v4;
	vm7 =	veq.s32 v9, v6  }
0xa2: {  	vm8 =	vgt.u32 v9, $0xFFFFFFFD;
	vm4 =	vmor vm4, vm6;
	vm7 =	vmor vm7, vm6  }
0xa3: {  	vm7 =	vmor vm7, vm8  }
.Ltmp5:
0xa4: {  	vm5 =	vmand vm5, vm3;
	v9 =	vsel vm7, $0xFFFFFFFF, v9;
	v10, _, _ =	vpop (xrf0);
	(pc) =	sbr.rel @p2 .LBB2_7-.Ltmp5, $4  }
0xa5: {  	v7 =	vsel vm6, v10, v7;
	v8 =	vmax.f32 v10, v8;
	v11 =	vsel vm5, $0xFF800000, v10  }
0xa6: {  	v10 =	vsel vm6, v10, v8;
	v8 =	vshift.insert v11, v0, s21  }
0xa7: {  	s2 =	sadd.s32 $0x10, s2;
	s0 =	sadd.s32 $0x10, s0;
	[tilespmem:s22+$0x0] =	vst v10  }
0xa8: {  	s6 =	sadd.s32 $0x10, s6;
	s22 =	sadd.s32 $0x10, s22;
	(ifvalue) =	ssetifvalue $0xFFFFFFFF  }
0xa9: {  	_ =	sdelay $0x3  }
0xaa: {  	[hbm4b:s1+s16] =	stream.indirect_vreg.scatter [tilespmem:s30], [sflag:$0x2], $0x1, v9, vm0, $0x4038;
	[tilespmem:$0x11A60] =	vst v63  }
0xab: {  	v4 =	vld [tilespmem:s29+$0xFAF0];
	_ =	sdelay $0x4  }
0xac: {  	v4 =	vshift.insert v4, v3, s21  }
0xad: {  	s0 =	simm.s32 $0x30  }
0xae: {  	[tilespmem:s0+$0x0] =	vst.msk $0x1, v4  }
0xaf: {  	v4 =	vsel vm4, $0x1, v1;
	[tilespmem:$0x90] =	vst v7  }
0xb0: {  	s0 =	sadd.s32 @!p1 $0xFAFF, s29;
	[tilespmem:$0xA0] =	vst v4  }
0xb1: {  	[spmem:s14] =	stream.linear.scatter @!p1 [tilespmem:s0], [sflag:$0x1], $0x1, $0x38;
	[tilespmem:$0x11A60] =	vst v63  }
0xb2: {  	s0 =	simm.s32 @!p1 $0x1  }
0xb3: {  	v4 =	vmctz.xlane @!p1 vm4;
	_ =	swait.ge @!p1 [sflag:s0], $0x1  }
0xb4: {  	(v2sf) =	vpush @!p1 v5, $0x0  }
0xb5: {  	(v2sf) =	vpush @!p1 v4, $0x0;
	_ =	sdelay $0xd  }
0xb6: {  	s2 =	spop @!p1 (v2sf)  }
0xb7: {  	s6 =	spop @!p1 (v2sf)  }
0xb8: {  	p2 =	sne.s32 @!p1 s28, s2;
	p3 =	slt.s32 @!p1 s6, $0xF  }
0xb9: {  	[sflag:s0] =	ssyncset.done @!p1 $0x0;
	p2 =	por p2, p1;
	p3 =	por !p3, p1  }
0xba: {  	[sflag:s0] =	ssyncadd.s32 @!p1 $0xFFFFFFFF;
	v4 =	vimm.s32 @!p2 $0xFFFFFFFF;
	s6 =	simm.s32 @p3 $0xF  }
0xbb: {  	[tilespmem:$0x80] =	vst @!p2 v4;
	s2 =	sadd.s32 @!p1 $0x90, s6  }
0xbc: {  	[spmem:s10] =	stream.linear.scatter @!p1 [tilespmem:s2], [sflag:$0x1], $0x1, $0x38;
	[tilespmem:$0x11A60] =	vst v63  }
0xbd: {  	_ =	swait.ge @!p1 [sflag:s0], $0x1  }
0xbe: {  	[sflag:s0] =	ssyncset.done @!p1 $0x0  }
0xbf: {  	s2 =	simm.s32 @!p1 $0x80;
	[sflag:s0] =	ssyncadd.s32 @!p1 $0xFFFFFFFF  }
0xc0: {  	[spmem:s15] =	stream.linear.scatter @!p1 [tilespmem:s2], [sflag:$0x1], $0x1, $0x38;
	[tilespmem:$0x11A60] =	vst v63  }
0xc1: {  	_ =	swait.ge @!p1 [sflag:s0], $0x1  }
0xc2: {  	[sflag:s0] =	ssyncset.done @!p1 $0x0  }
0xc3: {  	[sflag:s0] =	ssyncadd.s32 @!p1 $0xFFFFFFFF;
	(ifvalue) =	ssetifvalue $0xFFFFFFFF;
	v4 =	vld [tilespmem:s25+$0x10];
	_ =	sdelay $0x3  }
.Ltmp6:
0xc4: {  	_ = 	snop;
	(pc) =	sbr.rel .LBB2_9-.Ltmp6, $3  }
0xc5: {  	_ =	sdelay $0x1  }
0xc6: {  	(ifvalue) =	ssetifvalue $0xFFFFFFFF  }
0xc7: {  	[hbm4b:s1+s16] =	stream.indirect_vreg.scatter [tilespmem:s26], [sflag:$0x9], $0x1, v4, vm0, $0x4038;
	[tilespmem:$0x11A60] =	vst v63  }
.LBB2_10:
0xc8: {  	_ =	sfence.sel $0x180000  }
0xc9: {  	s0 =	simm.s32 $0x7;
	[bflag:$0x0] =	sbarrier.arrive $0xFFFF  }
0xca: {  	s26 =	simm.s32 $0x8;
	[sflag:s0] =	ssyncpa.u1 $0x1  }
0xcb: {  	s28 =	simm.s32 $0x9;
	[sflag:s26] =	ssyncpa.u1 $0x1  }
0xcc: {  	[sflag:s28] =	ssyncpa.u1 $0x1  }
0xcd: {  	_ =	sfence.stream.spmem  }
0xce: {  	s29 =	simm.s32 $0x3;
	[bflag:$0x0] =	sbarrier.arrive $0xFFFF  }
0xcf: {  	s30 =	simm.s32 $0x4;
	[sflag:s29] =	ssyncpa.u1 $0x1  }
0xd0: {  	s31 =	simm.s32 $0x3C;
	s2 =	stileid.u32;
	[sflag:s30] =	ssyncpa.u1 $0x1  }
0xd1: {  	p0 =	sne.s32 s2, $0x0;
	[sflag:s31] =	ssyncpa.u1 $0x1  }
0xd2: {  	s0 =	simm.s32 @p0 $0x1;
	_ =	sfence @p0  }
0xd3: {  	[sflag:s0] =	ssyncpa.u1 @p0 $0x1;
	s0 =	simm.s32 @p0 $0x2  }
0xd4: {  	[sflag:s0] =	ssyncpa.u1 @p0 $0x1  }
0xd5: {  	_ =	strace @p0 $0x90000053  }
0xd6: {  	[bflag:$0x2] =	sbarrier.arrive @p0 $0xFFFF  }
0xd7: {  	_ =	shalt @p0  }
.LBB2_11:
0xd8: {  	_ =	sfence.stream.spmem;
	s0 =	simm.s32 $0x5  }
0xd9: {  	s2 =	simm.s32 $0x80;
	s3 =	simm.s32 $0xC0;
	[sflag:s0] =	ssyncpa.u1 $0x0  }
0xda: {  	[tilespmem:s3], [sflag:$0x5] =	stream.linear.gather [spmem:s2], $0x20, $0x38;
	[tilespmem:$0x11A60] =	vst v63  }
0xdb: {  	s30 =	simm.s32 $0xE0;
	s2 =	simm.s32 $0x0  }
0xdc: {  	[tilespmem:s30], [sflag:$0x5] =	stream.linear.gather [spmem:s2], $0x20, $0x38;
	[tilespmem:$0x11A60] =	vst v63  }
.Ltmp7:
0xdd: {  	_ = 	snop;
	(pc) =	sbr.rel .LBB2_12-.Ltmp7, $4  }
0xde: {  	_ =	swait.ge [sflag:s0], $0x40  }
0xdf: {  	[sflag:s0] =	ssyncset.done $0x0  }
0xe0: {  	s31 =	simm.s32 $0x6;
	[sflag:s0] =	ssyncadd.s32 $0xFFFFFFC0  }
0xe1: {  	s3 =	simm.s32 $0x0;
	[sflag:s31] =	ssyncpa.u1 $0x0  }
.LBB2_17:
0xe2: {  	p0 =	sgt.u32 s4, $0x27FF  }
0xe3: {  	s0 =	sshrl.u32 @!p0 s4, $0x3  }
0xe4: {  	s4 =	sand.u32 @!p0 $0x7, s4;
	s5 =	simm.s32 @!p0 $0xB0;
	s0 =	sadd.s32 @!p0 s1, s0  }
0xe5: {  	[tilespmem:s5], [sflag:$0x6] =	stream.linear.gather @!p0 [hbm4b:s0+s4], $0x1, $0x38;
	[tilespmem:$0x11A60] =	vst v63  }
0xe6: {  	s0 =	simm.s32 @!p0 $0x6  }
0xe7: {  	_ =	swait.ge @!p0 [sflag:s0], $0x1  }
0xe8: {  	[sflag:s0] =	ssyncset.done @!p0 $0x0  }
0xe9: {  	[sflag:s0] =	ssyncadd.s32 @!p0 $0xFFFFFFFF  }
0xea: {  	v1 =	vld.msk @!p0 [tilespmem:$0xB0], $0x1  }
0xeb: {  	v2 =	vld.msk @!p0 [tilespmem:s3+$0xE0], $0x1;
	_ =	sdelay $0x4  }
0xec: {  	v1 =	vmax.f32 @!p0 v2, v1  }
0xed: {  	[tilespmem:s3+$0xE0] =	vst.msk @!p0 $0x1, v1  }
0xee: {  	[tilespmem:s2+$0xC0] =	vst.msk $0x1, v0  }
0xef: {  	v0 =	vld.msk [tilespmem:s3+$0xE0], $0x1;
	_ =	sdelay $0x4  }
0xf0: {  	[tilespmem:s2+$0xE0] =	vst.msk $0x1, v0;
	s2 =	sadd.s32 $0x1, s2  }
.LBB2_19:
0xf1: {  	s3 =	sadd.s32 $0x1, s3  }
0xf2: {  	p0 =	sne.s32 s3, $0x20  }
.Ltmp8:
0xf3: {  	_ = 	snop;
	(pc) =	sbr.rel @!p0 .LBB2_20-.Ltmp8, $1  }
0xf4: {  	_ =	sdelay $0x3  }
.LBB2_12:
0xf5: {  	v0 =	vld.msk [tilespmem:s3+$0xC0], $0x1;
	_ =	sdelay $0x4  }
0xf6: {  	(v2sf) =	vpush v0, $0x0;
	_ =	sdelay $0xe  }
0xf7: {  	s4 =	spop (v2sf)  }
0xf8: {  	p0 =	seq.s32 s4, $0xFFFFFFFF  }
.Ltmp9:
0xf9: {  	_ = 	snop;
	(pc) =	sbr.rel @p0 .LBB2_19-.Ltmp9, $1  }
0xfa: {  	_ =	sdelay $0x3  }
0xfb: {  	p0 =	slt.s32 s2, $0x1  }
.Ltmp10:
0xfc: {  	_ = 	snop;
	(pc) =	sbr.rel @p0 .LBB2_17-.Ltmp10, $1  }
0xfd: {  	_ =	sdelay $0x3  }
0xfe: {  	s0 =	simm.s32 $0xC0;
	p0 =	por $0x0, $0x0  }
0xff: {  	v1 =	vld.msk @!p0 [tilespmem:s0+$0x0], $0x1;
	_ =	sdelay $0x4  }
0x100: {  	(v2sf) =	vpush @!p0 v1, $0x0;
	_ =	sdelay $0xd  }
0x101: {  	p2 =	sne.s32 s2, $0x1  }
.Ltmp11:
0x102: {  	s5 =	spop @!p0 (v2sf);
	(pc) =	sbr.rel @!p2 .LBB2_16-.Ltmp11, $4  }
0x103: {  	p1 =	seq.s32 @!p0 s4, s5  }
0x104: {  	s5 =	simm.s32 $0x0;
	p1 =	por !p1, p0  }
0x105: {  	s7 =	simm.s32 $0xFFFFFFFF;
	s5 =	simm.s32 @p1 $0xFFFFFFFF  }
0x106: {  	s6 =	simm.s32 $0x1;
	s5 =	smov.u32 @p0 s7  }
.LBB2_15:
0x107: {  	s7 =	smov.u32 s5;
	p0 =	sne.s32 s5, $0xFFFFFFFF  }
0x108: {  	s0 =	sadd.s32 $0x1, s0;
	s5 =	smov.u32 s6;
	s6 =	sadd.s32 $0x1, s6  }
0x109: {  	p1 =	sne.s32 s2, s6;
	v1 =	vld.msk @!p0 [tilespmem:s0+$0x0], $0x1;
	_ =	sdelay $0x4  }
0x10a: {  	(v2sf) =	vpush @!p0 v1, $0x0;
	_ =	sdelay $0xe  }
.Ltmp12:
0x10b: {  	s8 =	spop @!p0 (v2sf);
	(pc) =	sbr.rel @p1 .LBB2_15-.Ltmp12, $4  }
0x10c: {  	p2 =	seq.s32 @!p0 s4, s8  }
0x10d: {  	p2 =	por !p2, p0  }
0x10e: {  	s5 =	simm.s32 @p2 $0xFFFFFFFF  }
0x10f: {  	s5 =	smov.u32 @p0 s7  }
.LBB2_16:
0x110: {  	p0 =	sne.s32 s5, $0xFFFFFFFF  }
.Ltmp13:
0x111: {  	_ = 	snop;
	(pc) =	sbr.rel @!p0 .LBB2_17-.Ltmp13, $1  }
0x112: {  	_ =	sdelay $0x3  }
0x113: {  	v0 =	vld.msk [tilespmem:s3+$0xE0], $0x1  }
0x114: {  	v1 =	vld.msk [tilespmem:s5+$0xE0], $0x1;
	_ =	sdelay $0x1  }
.Ltmp14:
0x115: {  	_ = 	snop;
	(pc) =	sbr.rel .LBB2_19-.Ltmp14, $3  }
0x116: {  	_ =	sdelay $0x1  }
0x117: {  	v0 =	vmax.f32 v1, v0  }
0x118: {  	[tilespmem:s5+$0xE0] =	vst.msk $0x1, v0  }
.LBB2_20:
0x119: {  	p0 =	slt.s32 s2, $0x1  }
.Ltmp15:
0x11a: {  	_ = 	snop;
	(pc) =	sbr.rel @p0 .LBB2_24-.Ltmp15, $3  }
0x11b: {  	_ =	sdelay $0x1  }
0x11c: {  	s0 =	simm.s32 $0x6  }
0x11d: {  	s3 =	simm.s32 $0x0;
	[sflag:s0] =	ssyncpa.u1 $0x1  }
0x11e: {  	s0 =	simm.s32 $0xC0  }
0x11f: {  	v0 =	vld.msk [tilespmem:s0+$0x0], $0x1;
	_ =	sdelay $0x4  }
0x120: {  	(v2sf) =	vpush v0, $0x0;
	_ =	sdelay $0xe  }
0x121: {  	s2 =	sadd.s32 $0xFFFFFFFF, s2;
	s4 =	spop (v2sf)  }
0x122: {  	p1 =	sne.s32 s2, $0x0;
	p0 =	sgt.u32 s4, $0x27FF  }
.Ltmp16:
0x123: {  	s5 =	sshrl.u32 @!p0 s4, $0x3;
	(pc) =	sbr.rel @!p1 .LBB2_23-.Ltmp16, $4  }
0x124: {  	s0 =	simm.s32 $0xE0;
	s4 =	sand.u32 @!p0 $0x7, s4;
	s5 =	sadd.s32 @!p0 s1, s5  }
0x125: {  	[hbm4b:s5+s4] =	stream.linear.scatter @!p0 [tilespmem:s0], [sflag:$0x5], $0x1, $0x38;
	[tilespmem:$0x11A60] =	vst v63  }
0x126: {  	s5 =	simm.s32 $0x0  }
0x127: {  	s4 =	simm.s32 $0xC1;
	s5 =	simm.s32 @!p0 $0x4  }
.LBB2_22:
0x128: {  	v0 =	vld.msk [tilespmem:s4+$0x0], $0x1;
	s2 =	sadd.s32 $0xFFFFFFFF, s2;
	s3 =	sadd.s32 s3, s5  }
0x129: {  	p0 =	sne.s32 s2, $0x0;
	_ =	sdelay $0x3  }
0x12a: {  	(v2sf) =	vpush v0, $0x0;
	_ =	sdelay $0xe  }
.Ltmp17:
0x12b: {  	s6 =	spop (v2sf);
	(pc) =	sbr.rel @p0 .LBB2_22-.Ltmp17, $4  }
0x12c: {  	s5 =	simm.s32 $0x0;
	p1 =	sgt.u32 s6, $0x27FF  }
0x12d: {  	s0 =	sadd.s32 $0x1, s0;
	s5 =	simm.s32 @!p1 $0x4;
	s7 =	sshrl.u32 @!p1 s6, $0x3  }
0x12e: {  	s4 =	sadd.s32 $0x1, s4;
	s6 =	sand.u32 @!p1 $0x7, s6;
	s7 =	sadd.s32 @!p1 s1, s7  }
0x12f: {  	[hbm4b:s7+s6] =	stream.linear.scatter @!p1 [tilespmem:s0], [sflag:$0x5], $0x1, $0x38;
	[tilespmem:$0x11A60] =	vst v63  }
.LBB2_23:
0x130: {  	s0 =	sadd.s32 s3, s5  }
0x131: {  	s3 =	sshrl.u32 s0, $0x2  }
.LBB2_24:
0x132: {  	s0 =	simm.s32 $0x5  }
0x133: {  	_ =	swait.ge [sflag:s0], s3  }
0x134: {  	s1 =	ssub.s32 $0x0, s3;
	[sflag:s0] =	ssyncset.done $0x0  }
0x135: {  	[sflag:s0] =	ssyncadd.s32 s1  }
0x136: {  	[sflag:s0] =	ssyncpa.u1 $0x1  }
0x137: {  	s29 =	simm.s32 $0x1;
	_ =	sfence  }
0x138: {  	s30 =	simm.s32 $0x2;
	[sflag:s29] =	ssyncpa.u1 $0x1  }
0x139: {  	[sflag:s30] =	ssyncpa.u1 $0x1  }
0x13a: {  	_ =	strace $0x90000053  }
0x13b: {  	[bflag:$0x2] =	sbarrier.arrive $0xFFFF  }
0x13c: {  	s31 =	rddreg [dreg:$0x1]  }
0x13d: {  	s0 =	sadd.s32 $0x100000, s31  }
0x13e: {  	[sflag:s0] =	ssyncadd.tile.s32 $0x1;
	_ =	shalt  }
.Lfunc_end2:
_tile_overlayer_lowered:
.L_overlay_start_2:
0x13f: {  	(tag) =	ssettag $0x2  }
0x140: {  	s0 =	rddreg [dreg:$0x0];
	s2 =	stileid.u32  }
0x141: {  	s1 =	rddreg [dreg:$0x1];
	p0 =	sne.s32 s2, $0x0  }
0x142: {  	s3 =	rddreg [dreg:$0x2];
	[bflag:$0x3] =	sbarrier.arrive $0xFFFF;
	s2 =	simm.s32 @!p0 $0x1C01  }
0x143: {  	[timem:s3], [sflag:s2] =	dma.local @!p0 [hbm:s0], s1  }
0x144: {  	s0 =	simm.s32 @!p0 $0x1  }
0x145: {  	_ =	swait.ge @!p0 [sflag:s0], s1  }
0x146: {  	s1 =	ssub.s32 @!p0 $0x0, s1;
	[sflag:s0] =	ssyncset.done @!p0 $0x0  }
0x147: {  	[sflag:s0] =	ssyncadd.s32 @!p0 s1  }
0x148: {  	[bflag:$0x3] =	sbarrier.arrive $0xFFFF  }
0x149: {  	_ =	shalt  }

</sc_bundles>
